<compile_context>
chip_gen: v7x
topology: tpu7x:2x2x1
jax: 0.10.2.dev20260603
libtpu: 0.0.44.dev20260713+nightly
codegen_flags: <defaults>
</compile_context>

<pallas_src>
import functools

import jax
import jax.numpy as jnp
from jax import lax
from jax.experimental import pallas as pl
from jax.experimental.pallas import tpu as pltpu
from jax.experimental.pallas import tpu_sc as plsc

_N = 10000
_NP = 10240
_E = 320000
_HF = 128
_NC, _NS = 2, 16
_CH = 80
_NCHUNK = _E // _CH
_CPS = _NCHUNK // _NS
_GRP = 50
_NGRP = _CPS // _GRP
_DPW = _NCHUNK // (_NC * _NS)
_RPS = _NP // _NS
_ZR = 64
_NZ = _RPS // _ZR


def _sc_mesh():
    return plsc.VectorSubcoreMesh(
        core_axis_name="c", subcore_axis_name="s",
        num_cores=_NC, num_subcores=_NS)


def _sc_degree(dsts_d, z128, ones128):
    @functools.partial(
        pl.kernel,
        out_type=jax.ShapeDtypeStruct((2 * _NP, _HF), jnp.float32),
        mesh=_sc_mesh(),
        scratch_types=[
            pltpu.VMEM((_DPW, _CH), jnp.int32),
            pltpu.VMEM((_CH, _HF), jnp.float32),
            pltpu.VMEM((_ZR, _HF), jnp.float32),
            pltpu.VMEM_SHARED((_NP, _HF), jnp.float32),
        ],
    )
    def k(dsts_hbm, z_hbm, ones_hbm, out_hbm, didx, ones_v, zbuf, acc):
        c = lax.axis_index("c")
        s = lax.axis_index("s")
        wid = c * _NS + s
        pltpu.sync_copy(dsts_hbm.at[wid], didx)
        pltpu.sync_copy(ones_hbm, ones_v)
        pltpu.sync_copy(z_hbm, zbuf)
        for t in range(_NZ):
            pltpu.sync_copy(zbuf, acc.at[pl.ds(s * _RPS + t * _ZR, _ZR)])
        plsc.subcore_barrier()

        def body(j, carry):
            pltpu.sync_copy(ones_v, acc.at[didx.at[j]], add=True)
            return carry

        lax.fori_loop(0, _DPW, body, 0)
        plsc.subcore_barrier()
        for t in range(_NZ):
            pltpu.sync_copy(acc.at[pl.ds(s * _RPS + t * _ZR, _ZR)], zbuf)
            pltpu.sync_copy(
                zbuf, out_hbm.at[pl.ds(c * _NP + s * _RPS + t * _ZR, _ZR)])

    return k(dsts_d, z128, ones128)


def _sc_scatter(g2, srcs2, dsts_s, z128):
    @functools.partial(
        pl.kernel,
        out_type=jax.ShapeDtypeStruct((2 * _NP, _HF), jnp.float32),
        mesh=_sc_mesh(),
        scratch_types=[
            pltpu.VMEM((_GRP, _CH), jnp.int32),
            pltpu.VMEM((_GRP, _CH), jnp.int32),
            pltpu.VMEM((_CH, _HF), jnp.float32),
            pltpu.VMEM((_CH, _HF), jnp.float32),
            pltpu.VMEM((_ZR, _HF), jnp.float32),
            pltpu.VMEM_SHARED((_NP, _HF), jnp.float32),
            pltpu.SemaphoreType.DMA,
            pltpu.SemaphoreType.DMA,
        ],
    )
    def k(g_hbm, srcs_hbm, dsts_hbm, z_hbm, out_hbm,
          sidx, didx, rows_a, rows_b, zbuf, acc, sem_a, sem_b):
        c = lax.axis_index("c")
        s = lax.axis_index("s")
        pltpu.sync_copy(z_hbm, zbuf)
        for t in range(_NZ):
            pltpu.sync_copy(zbuf, acc.at[pl.ds(s * _RPS + t * _ZR, _ZR)])
        plsc.subcore_barrier()

        def group(gi, carry):
            pltpu.sync_copy(srcs_hbm.at[c, s, gi], sidx)
            pltpu.sync_copy(dsts_hbm.at[s, gi], didx)
            pltpu.async_copy(g_hbm.at[sidx.at[0]], rows_a, sem_a)

            def body(j, carry2):
                pltpu.async_copy(g_hbm.at[sidx.at[2 * j + 1]], rows_b, sem_b)
                pltpu.make_async_copy(
                    g_hbm.at[sidx.at[0]], rows_a, sem_a).wait()
                pltpu.sync_copy(rows_a, acc.at[didx.at[2 * j]], add=True)

                @pl.when(j + 1 < _GRP // 2)
                def _():
                    pltpu.async_copy(
                        g_hbm.at[sidx.at[2 * j + 2]], rows_a, sem_a)

                pltpu.make_async_copy(
                    g_hbm.at[sidx.at[0]], rows_b, sem_b).wait()
                pltpu.sync_copy(rows_b, acc.at[didx.at[2 * j + 1]], add=True)
                return carry2

            lax.fori_loop(0, _GRP // 2, body, 0)
            return carry

        lax.fori_loop(0, _NGRP, group, 0)
        plsc.subcore_barrier()
        for t in range(_NZ):
            pltpu.sync_copy(acc.at[pl.ds(s * _RPS + t * _ZR, _ZR)], zbuf)
            pltpu.sync_copy(
                zbuf, out_hbm.at[pl.ds(c * _NP + s * _RPS + t * _ZR, _ZR)])

    return k(g2, srcs2, dsts_s, z128)


def _ln(x, s, b):
    mu = jnp.mean(x, axis=-1, keepdims=True)
    var = jnp.mean((x - mu) ** 2, axis=-1, keepdims=True)
    return (x - mu) * lax.rsqrt(var + 1e-5) * s + b


def _split_halves(g, out_ref):
    out_ref[0] = g[:, :_HF]
    out_ref[1] = g[:, _HF:]


def _tc1_body(x_ref, w_in_ref, b_in_ref, w1_ref, deg2_ref,
              h0_ref, dinv_ref, g1s_ref):
    deg = deg2_ref[0, :, 0:1] + deg2_ref[1, :, 0:1] + 1.0
    dinv = lax.rsqrt(deg)
    h0 = jnp.dot(x_ref[...], w_in_ref[...],
                 preferred_element_type=jnp.float32) + b_in_ref[...]
    h0_ref[...] = h0
    dinv_ref[...] = dinv
    g1 = jnp.dot(h0, w1_ref[...], preferred_element_type=jnp.float32) * dinv
    _split_halves(g1, g1s_ref)


def _tc_mid_body(h_prev_ref, dinv_ref, s_ref, gs_ref, b_ref, ln_s_ref,
                 ln_b_ref, w_next_ref, h_ref, gn_ref):
    dinv = dinv_ref[...]
    s_full = jnp.concatenate([s_ref[0], s_ref[1]], axis=-1)
    g_full = jnp.concatenate([gs_ref[0], gs_ref[1]], axis=-1)
    out = dinv * (s_full + g_full) + b_ref[...]
    h = jax.nn.relu(_ln(out, ln_s_ref[...], ln_b_ref[...])) + h_prev_ref[...]
    h_ref[...] = h
    gn = jnp.dot(h, w_next_ref[...], preferred_element_type=jnp.float32) * dinv
    _split_halves(gn, gn_ref)


def _tc3a_body(h_prev_ref, dinv_ref, s_ref, gs_ref, b_ref, ln_s_ref, ln_b_ref,
               watt1_ref, batt1_ref, watt2_ref, batt2_ref, h_ref, scores_ref):
    dinv = dinv_ref[...]
    s_full = jnp.concatenate([s_ref[0], s_ref[1]], axis=-1)
    g_full = jnp.concatenate([gs_ref[0], gs_ref[1]], axis=-1)
    out = dinv * (s_full + g_full) + b_ref[...]
    h = jax.nn.relu(_ln(out, ln_s_ref[...], ln_b_ref[...])) + h_prev_ref[...]
    h_ref[...] = h

    batt1 = batt1_ref[...]
    batt2 = batt2_ref[...]
    cols = []
    for hd in range(4):
        inner = jnp.tanh(
            jnp.dot(h, watt1_ref[hd], preferred_element_type=jnp.float32)
            + batt1[hd:hd + 1, :])
        sc = jnp.dot(inner, watt2_ref[hd],
                     preferred_element_type=jnp.float32) + batt2[hd:hd + 1, :]
        cols.append(sc)
    scores_ref[...] = jnp.concatenate(cols, axis=-1)


def _tc3b_body(h_ref, scores_ref, wc1_ref, bc1_ref, wc2_ref, bc2_ref,
               probs_ref, attw_ref):
    h = h_ref[...]
    scores = scores_ref[...]
    m = jnp.max(scores, axis=0, keepdims=True)
    e = jnp.exp(scores - m)
    a = e / jnp.sum(e, axis=0, keepdims=True)
    attw_ref[...] = a

    z_agg = jnp.zeros((1, 256), jnp.float32)
    for hd in range(4):
        z_agg = z_agg + jnp.sum(a[:, hd:hd + 1] * h, axis=0, keepdims=True)
    z_agg = z_agg * 0.25
    hid = jax.nn.relu(
        jnp.dot(z_agg, wc1_ref[...], preferred_element_type=jnp.float32)
        + bc1_ref[...])
    logits = jnp.dot(hid, wc2_ref[...],
                     preferred_element_type=jnp.float32) + bc2_ref[...]
    lm = jnp.max(logits, axis=-1, keepdims=True)
    le = jnp.exp(logits - lm)
    probs_ref[...] = le / jnp.sum(le, axis=-1, keepdims=True)


_BLK = 2000


def _row_spec(shape):
    if shape is None:
        return pl.BlockSpec(None, lambda i: None)
    if len(shape) == 2 and shape[0] in (_N, _NP):
        return pl.BlockSpec((_BLK, shape[1]), lambda i: (i, 0))
    if len(shape) == 3 and shape[1] in (_N, _NP):
        return pl.BlockSpec((shape[0], _BLK, shape[2]), lambda i: (0, i, 0))
    return pl.BlockSpec(shape, lambda i: tuple(0 for _ in shape))


def _tc_row_call(body, out_shapes, *args):
    return pl.pallas_call(
        body,
        grid=(_N // _BLK,),
        in_specs=[_row_spec(a.shape) for a in args],
        out_specs=[_row_spec(s) for s in out_shapes],
        out_shape=[jax.ShapeDtypeStruct(s, jnp.float32) for s in out_shapes],
    )(*args)


def _tc_call(body, out_shapes, *args):
    return pl.pallas_call(
        body,
        out_shape=[jax.ShapeDtypeStruct(s, jnp.float32) for s in out_shapes],
    )(*args)


def kernel(x, edge_index, W_in, b_in, W1, b1, ln1_s, ln1_b, W2, b2,
           ln2_s, ln2_b, Watt1, batt1, Watt2, batt2, Wc1, bc1, Wc2, bc2):
    src = edge_index[0]
    dst = edge_index[1]
    srcs2 = jnp.stack([src, src + _N]).reshape(_NC, _NS, _NGRP, _GRP, _CH)
    dsts_s = dst.reshape(_NS, _NGRP, _GRP, _CH)
    dsts_d = dst.reshape(_NC * _NS, _DPW, _CH)
    z128 = jnp.zeros((_ZR, _HF), jnp.float32)
    ones128 = jnp.ones((_CH, _HF), jnp.float32)

    deg2 = _sc_degree(dsts_d, z128, ones128).reshape(_NC, _NP, _HF)

    b_in2 = b_in.reshape(1, -1)
    b1_2, b2_2 = b1.reshape(1, -1), b2.reshape(1, -1)
    ln1_s2, ln1_b2 = ln1_s.reshape(1, -1), ln1_b.reshape(1, -1)
    ln2_s2, ln2_b2 = ln2_s.reshape(1, -1), ln2_b.reshape(1, -1)
    bc1_2, bc2_2 = bc1.reshape(1, -1), bc2.reshape(1, -1)
    batt2_2 = batt2.reshape(4, 1)

    h0, dinv, g1s = _tc_row_call(
        _tc1_body, [(_N, 256), (_N, 1), (_NC, _N, _HF)],
        x, W_in, b_in2, W1, deg2)

    s1 = _sc_scatter(g1s.reshape(2 * _N, _HF), srcs2, dsts_s,
                     z128).reshape(_NC, _NP, _HF)

    h1, g2s = _tc_row_call(
        _tc_mid_body, [(_N, 256), (_NC, _N, _HF)],
        h0, dinv, s1, g1s, b1_2, ln1_s2, ln1_b2, W2)

    s2 = _sc_scatter(g2s.reshape(2 * _N, _HF), srcs2, dsts_s,
                     z128).reshape(_NC, _NP, _HF)

    h2, scores = _tc_row_call(
        _tc3a_body, [(_N, 256), (_N, 4)],
        h1, dinv, s2, g2s, b2_2, ln2_s2, ln2_b2,
        Watt1, batt1, Watt2, batt2_2)

    probs, att_w = _tc_call(
        _tc3b_body, [(1, 7), (_N, 4)],
        h2, scores, Wc1, bc1_2, Wc2, bc2_2)

    return probs.reshape(7), att_w

# --- scband reference (transcript-rebuilt; emitter-appended) ---
"""Pipeline reference for scband-graph-mil-83442624627200 (READ-ONLY COPY).

The authoritative reference and input builder live on the scoring server;
editing this copy changes nothing except your own understanding.
"""

import jax, jax.numpy as jnp
import numpy as np

N = 10000
E = 320000
D_IN = 128
H = 256
ATT_DIM = 128
ATT_HEADS = 4
CLS_DIM = 128
NUM_CLASSES = 7


def _p(k, shape, fan_in):
    return jax.random.normal(k, shape, dtype=jnp.float32) * (1.0 / np.sqrt(fan_in))


def setup_inputs(seed: int = 0):
    key = jax.random.key(seed)
    ks = jax.random.split(key, 16)
    inp = {}
    inp["x"] = jax.random.normal(ks[0], (N, D_IN), dtype=jnp.float32)
    inp["edge_index"] = jax.random.randint(ks[1], (2, E), 0, N, dtype=jnp.int32)
    inp["W_in"] = _p(ks[2], (D_IN, H), D_IN)
    inp["b_in"] = jnp.zeros((H,), jnp.float32)
    inp["W1"] = _p(ks[3], (H, H), H)
    inp["b1"] = jnp.zeros((H,), jnp.float32)
    inp["ln1_s"] = jnp.ones((H,), jnp.float32)
    inp["ln1_b"] = jnp.zeros((H,), jnp.float32)
    inp["W2"] = _p(ks[4], (H, H), H)
    inp["b2"] = jnp.zeros((H,), jnp.float32)
    inp["ln2_s"] = jnp.ones((H,), jnp.float32)
    inp["ln2_b"] = jnp.zeros((H,), jnp.float32)
    inp["Watt1"] = _p(ks[5], (ATT_HEADS, H, ATT_DIM), H)
    inp["batt1"] = jnp.zeros((ATT_HEADS, ATT_DIM), jnp.float32)
    inp["Watt2"] = _p(ks[6], (ATT_HEADS, ATT_DIM, 1), ATT_DIM)
    inp["batt2"] = jnp.zeros((ATT_HEADS, 1), jnp.float32)
    inp["Wc1"] = _p(ks[7], (H, CLS_DIM), H)
    inp["bc1"] = jnp.zeros((CLS_DIM,), jnp.float32)
    inp["Wc2"] = _p(ks[8], (CLS_DIM, NUM_CLASSES), CLS_DIM)
    inp["bc2"] = jnp.zeros((NUM_CLASSES,), jnp.float32)
    return inp


def _layer_norm(x, s, b):
    mu = jnp.mean(x, axis=-1, keepdims=True)
    var = jnp.var(x, axis=-1, keepdims=True)
    return (x - mu) / jnp.sqrt(var + 1e-5) * s + b


def _gcn_conv(x, edge_index, W, b):
    # PyG GCNConv: add self-loops, symmetric normalization, linear, scatter-add, bias
    n = x.shape[0]
    loop = jnp.arange(n, dtype=edge_index.dtype)
    src = jnp.concatenate([edge_index[0], loop])
    dst = jnp.concatenate([edge_index[1], loop])
    deg = jnp.zeros((n,), jnp.float32).at[dst].add(1.0)
    dinv = jnp.where(deg > 0, deg ** -0.5, 0.0)
    norm = dinv[src] * dinv[dst]
    h = x @ W
    msg = jnp.take(h, src, axis=0) * norm[:, None]
    out = jnp.zeros((n, W.shape[1]), jnp.float32).at[dst].add(msg)
    return out + b


def _forward(x, edge_index, W_in, b_in, W1, b1, ln1_s, ln1_b, W2, b2, ln2_s, ln2_b, Watt1, batt1, Watt2, batt2, Wc1, bc1, Wc2, bc2):
    h = x @ W_in + b_in
    for (W, b, s, bb) in ((W1, b1, ln1_s, ln1_b), (W2, b2, ln2_s, ln2_b)):
        h_prev = h
        h = _gcn_conv(h, edge_index, W, b)
        h = _layer_norm(h, s, bb)
        h = jax.nn.relu(h)
        h = h + h_prev  # residual (shapes match: H==H)
    # multi-head gated attention pooling
    inner = jnp.tanh(jnp.einsum('nd,hde->hne', h, Watt1) + batt1[:, None, :])
    scores = jnp.einsum('hne,heo->hno', inner, Watt2) + batt2[:, None, :]  # [heads, N, 1]
    a = jax.nn.softmax(scores, axis=1)
    z = jnp.sum(a * h[None, :, :], axis=1)  # [heads, H]
    z_agg = jnp.mean(z, axis=0)             # [H]
    att_w = jnp.transpose(a[:, :, 0])        # [N, heads]
    logits = jax.nn.relu(z_agg @ Wc1 + bc1) @ Wc2 + bc2
    probs = jax.nn.softmax(logits, axis=0)
    return probs, att_w


def reference(x, edge_index, W_in, b_in, W1, b1, ln1_s, ln1_b, W2, b2, ln2_s, ln2_b, Watt1, batt1, Watt2, batt2, Wc1, bc1, Wc2, bc2):
    return _forward(x, edge_index, W_in, b_in, W1, b1, ln1_s, ln1_b, W2, b2, ln2_s, ln2_b, Watt1, batt1, Watt2, batt2, Wc1, bc1, Wc2, bc2)

if __name__ == "__main__":
    import jax
    _d = setup_inputs()
    print(jax.jit(kernel)(*tuple(_d.values())))

</pallas_src>

<mosaic_0001>
#map = affine_map<(d0, d1) -> (0, 0, 0)>
#map1 = affine_map<(d0, d1) -> (0, 0)>
module attributes {stable_mosaic.version = 14 : i64} {
  func.func @k(%arg0: i32, %arg1: i32, %arg2: memref<32x125x80xi32, #tpu.memory_space<hbm>>, %arg3: memref<64x128xf32, #tpu.memory_space<hbm>>, %arg4: memref<80x128xf32, #tpu.memory_space<hbm>>, %arg5: memref<20480x128xf32, #tpu.memory_space<hbm>>, %arg6: memref<125x80xi32, #tpu.memory_space<vmem>>, %arg7: memref<80x128xf32, #tpu.memory_space<vmem>>, %arg8: memref<64x128xf32, #tpu.memory_space<vmem>>, %arg9: memref<10240x128xf32, #tpu.memory_space<vmem_shared>>) attributes {dimension_semantics = [#tpu.dimension_semantics<core_parallel>, #tpu.dimension_semantics<subcore_parallel>], iteration_bounds = array<i64: 2, 16>, scalar_prefetch = 0 : i64, scratch_operands = 4 : i64, tpu.core_type = #tpu.core_type<sc_vector_subcore>, window_params = [{transform_indices = #map}, {transform_indices = #map1}, {transform_indices = #map1}, {transform_indices = #map1}]} {
    %mul3A = arith.constant 16 : i32
    %mul3A_0 = arith.muli %arg0, %mul3A : i32
    %add3A = arith.addi %mul3A_0, %arg1 : i32
    "tpu.region"() ({
      %run_scoped3A = tpu.sem_alloc : memref<!tpu.dma_semaphore, #tpu.memory_space<semaphore_mem>>
      %dma_start3A = arith.constant 0 : i32
      %dma_start3A_157 = arith.constant 0 : i32
      %dma_start3A_158 = tpu.memref_slice %arg2[%add3A, %dma_start3A, %dma_start3A_157] : memref<32x125x80xi32, #tpu.memory_space<hbm>> -> memref<1x125x80xi32, #tpu.memory_space<hbm>>
      %dma_start3A_159 = tpu.memref_squeeze %dma_start3A_158 : memref<1x125x80xi32, #tpu.memory_space<hbm>> -> memref<125x80xi32, #tpu.memory_space<hbm>>
      %dma_start3A_160 = arith.constant 0 : i32
      %dma_start3A_161 = arith.constant 0 : i32
      %dma_start3A_162 = tpu.memref_slice %arg2[%add3A, %dma_start3A_160, %dma_start3A_161] : memref<32x125x80xi32, #tpu.memory_space<hbm>> -> memref<1x125x80xi32, #tpu.memory_space<hbm>>
      %dma_start3A_163 = tpu.memref_squeeze %dma_start3A_162 : memref<1x125x80xi32, #tpu.memory_space<hbm>> -> memref<125x80xi32, #tpu.memory_space<hbm>>
      tpu.enqueue_dma source(%dma_start3A_163 : memref<125x80xi32, #tpu.memory_space<hbm>>) target(%arg6 : memref<125x80xi32, #tpu.memory_space<vmem>>) target_semaphore(%run_scoped3A : memref<!tpu.dma_semaphore, #tpu.memory_space<semaphore_mem>>)
      %dma_wait3A = arith.constant 0 : i32
      %dma_wait3A_164 = arith.constant 0 : i32
      %dma_wait3A_165 = tpu.memref_slice %arg2[%add3A, %dma_wait3A, %dma_wait3A_164] : memref<32x125x80xi32, #tpu.memory_space<hbm>> -> memref<1x125x80xi32, #tpu.memory_space<hbm>>
      %dma_wait3A_166 = tpu.memref_squeeze %dma_wait3A_165 : memref<1x125x80xi32, #tpu.memory_space<hbm>> -> memref<125x80xi32, #tpu.memory_space<hbm>>
      %dma_wait3A_167 = arith.constant 0 : i32
      %dma_wait3A_168 = arith.constant 0 : i32
      %dma_wait3A_169 = tpu.memref_slice %arg2[%add3A, %dma_wait3A_167, %dma_wait3A_168] : memref<32x125x80xi32, #tpu.memory_space<hbm>> -> memref<1x125x80xi32, #tpu.memory_space<hbm>>
      %dma_wait3A_170 = tpu.memref_squeeze %dma_wait3A_169 : memref<1x125x80xi32, #tpu.memory_space<hbm>> -> memref<125x80xi32, #tpu.memory_space<hbm>>
      tpu.wait_dma2 semaphore(%run_scoped3A : memref<!tpu.dma_semaphore, #tpu.memory_space<semaphore_mem>>) src(%dma_wait3A_170 : memref<125x80xi32, #tpu.memory_space<hbm>>) dst(%arg6 : memref<125x80xi32, #tpu.memory_space<vmem>>)
      tpu.yield
    }) : () -> ()
    "tpu.region"() ({
      %run_scoped3A = tpu.sem_alloc : memref<!tpu.dma_semaphore, #tpu.memory_space<semaphore_mem>>
      tpu.enqueue_dma source(%arg4 : memref<80x128xf32, #tpu.memory_space<hbm>>) target(%arg7 : memref<80x128xf32, #tpu.memory_space<vmem>>) target_semaphore(%run_scoped3A : memref<!tpu.dma_semaphore, #tpu.memory_space<semaphore_mem>>)
      tpu.wait_dma2 semaphore(%run_scoped3A : memref<!tpu.dma_semaphore, #tpu.memory_space<semaphore_mem>>) src(%arg4 : memref<80x128xf32, #tpu.memory_space<hbm>>) dst(%arg7 : memref<80x128xf32, #tpu.memory_space<vmem>>)
      tpu.yield
    }) : () -> ()
    "tpu.region"() ({
      %run_scoped3A = tpu.sem_alloc : memref<!tpu.dma_semaphore, #tpu.memory_space<semaphore_mem>>
      tpu.enqueue_dma source(%arg3 : memref<64x128xf32, #tpu.memory_space<hbm>>) target(%arg8 : memref<64x128xf32, #tpu.memory_space<vmem>>) target_semaphore(%run_scoped3A : memref<!tpu.dma_semaphore, #tpu.memory_space<semaphore_mem>>)
      tpu.wait_dma2 semaphore(%run_scoped3A : memref<!tpu.dma_semaphore, #tpu.memory_space<semaphore_mem>>) src(%arg3 : memref<64x128xf32, #tpu.memory_space<hbm>>) dst(%arg8 : memref<64x128xf32, #tpu.memory_space<vmem>>)
      tpu.yield
    }) : () -> ()
    %mul3A_1 = arith.constant 640 : i32
    %mul3A_2 = arith.muli %arg1, %mul3A_1 : i32
    %add3A_3 = arith.constant 0 : i32
    %add3A_4 = arith.addi %mul3A_2, %add3A_3 : i32
    "tpu.region"() ({
      %run_scoped3A = tpu.sem_alloc : memref<!tpu.dma_semaphore, #tpu.memory_space<semaphore_mem>>
      %dma_start3A = arith.constant 0 : i32
      %dma_start3A_157 = tpu.memref_slice %arg9[%add3A_4, %dma_start3A] : memref<10240x128xf32, #tpu.memory_space<vmem_shared>> -> memref<64x128xf32, #tpu.memory_space<vmem_shared>>
      %dma_start3A_158 = arith.constant 0 : i32
      %dma_start3A_159 = tpu.memref_slice %arg9[%add3A_4, %dma_start3A_158] : memref<10240x128xf32, #tpu.memory_space<vmem_shared>> -> memref<64x128xf32, #tpu.memory_space<vmem_shared>>
      tpu.enqueue_dma source(%arg8 : memref<64x128xf32, #tpu.memory_space<vmem>>) target(%dma_start3A_159 : memref<64x128xf32, #tpu.memory_space<vmem_shared>>) target_semaphore(%run_scoped3A : memref<!tpu.dma_semaphore, #tpu.memory_space<semaphore_mem>>)
      %dma_wait3A = arith.constant 0 : i32
      %dma_wait3A_160 = tpu.memref_slice %arg9[%add3A_4, %dma_wait3A] : memref<10240x128xf32, #tpu.memory_space<vmem_shared>> -> memref<64x128xf32, #tpu.memory_space<vmem_shared>>
      %dma_wait3A_161 = arith.constant 0 : i32
      %dma_wait3A_162 = tpu.memref_slice %arg9[%add3A_4, %dma_wait3A_161] : memref<10240x128xf32, #tpu.memory_space<vmem_shared>> -> memref<64x128xf32, #tpu.memory_space<vmem_shared>>
      tpu.wait_dma2 semaphore(%run_scoped3A : memref<!tpu.dma_semaphore, #tpu.memory_space<semaphore_mem>>) src(%arg8 : memref<64x128xf32, #tpu.memory_space<vmem>>) dst(%dma_wait3A_162 : memref<64x128xf32, #tpu.memory_space<vmem_shared>>)
      tpu.yield
    }) : () -> ()
    %mul3A_5 = arith.constant 640 : i32
    %mul3A_6 = arith.muli %arg1, %mul3A_5 : i32
    %add3A_7 = arith.constant 64 : i32
    %add3A_8 = arith.addi %mul3A_6, %add3A_7 : i32
    "tpu.region"() ({
      %run_scoped3A = tpu.sem_alloc : memref<!tpu.dma_semaphore, #tpu.memory_space<semaphore_mem>>
      %dma_start3A = arith.constant 0 : i32
      %dma_start3A_157 = tpu.memref_slice %arg9[%add3A_8, %dma_start3A] : memref<10240x128xf32, #tpu.memory_space<vmem_shared>> -> memref<64x128xf32, #tpu.memory_space<vmem_shared>>
      %dma_start3A_158 = arith.constant 0 : i32
      %dma_start3A_159 = tpu.memref_slice %arg9[%add3A_8, %dma_start3A_158] : memref<10240x128xf32, #tpu.memory_space<vmem_shared>> -> memref<64x128xf32, #tpu.memory_space<vmem_shared>>
      tpu.enqueue_dma source(%arg8 : memref<64x128xf32, #tpu.memory_space<vmem>>) target(%dma_start3A_159 : memref<64x128xf32, #tpu.memory_space<vmem_shared>>) target_semaphore(%run_scoped3A : memref<!tpu.dma_semaphore, #tpu.memory_space<semaphore_mem>>)
      %dma_wait3A = arith.constant 0 : i32
      %dma_wait3A_160 = tpu.memref_slice %arg9[%add3A_8, %dma_wait3A] : memref<10240x128xf32, #tpu.memory_space<vmem_shared>> -> memref<64x128xf32, #tpu.memory_space<vmem_shared>>
      %dma_wait3A_161 = arith.constant 0 : i32
      %dma_wait3A_162 = tpu.memref_slice %arg9[%add3A_8, %dma_wait3A_161] : memref<10240x128xf32, #tpu.memory_space<vmem_shared>> -> memref<64x128xf32, #tpu.memory_space<vmem_shared>>
      tpu.wait_dma2 semaphore(%run_scoped3A : memref<!tpu.dma_semaphore, #tpu.memory_space<semaphore_mem>>) src(%arg8 : memref<64x128xf32, #tpu.memory_space<vmem>>) dst(%dma_wait3A_162 : memref<64x128xf32, #tpu.memory_space<vmem_shared>>)
      tpu.yield
    }) : () -> ()
    %mul3A_9 = arith.constant 640 : i32
    %mul3A_10 = arith.muli %arg1, %mul3A_9 : i32
    %add3A_11 = arith.constant 128 : i32
    %add3A_12 = arith.addi %mul3A_10, %add3A_11 : i32
    "tpu.region"() ({
      %run_scoped3A = tpu.sem_alloc : memref<!tpu.dma_semaphore, #tpu.memory_space<semaphore_mem>>
      %dma_start3A = arith.constant 0 : i32
      %dma_start3A_157 = tpu.memref_slice %arg9[%add3A_12, %dma_start3A] : memref<10240x128xf32, #tpu.memory_space<vmem_shared>> -> memref<64x128xf32, #tpu.memory_space<vmem_shared>>
      %dma_start3A_158 = arith.constant 0 : i32
      %dma_start3A_159 = tpu.memref_slice %arg9[%add3A_12, %dma_start3A_158] : memref<10240x128xf32, #tpu.memory_space<vmem_shared>> -> memref<64x128xf32, #tpu.memory_space<vmem_shared>>
      tpu.enqueue_dma source(%arg8 : memref<64x128xf32, #tpu.memory_space<vmem>>) target(%dma_start3A_159 : memref<64x128xf32, #tpu.memory_space<vmem_shared>>) target_semaphore(%run_scoped3A : memref<!tpu.dma_semaphore, #tpu.memory_space<semaphore_mem>>)
      %dma_wait3A = arith.constant 0 : i32
      %dma_wait3A_160 = tpu.memref_slice %arg9[%add3A_12, %dma_wait3A] : memref<10240x128xf32, #tpu.memory_space<vmem_shared>> -> memref<64x128xf32, #tpu.memory_space<vmem_shared>>
      %dma_wait3A_161 = arith.constant 0 : i32
      %dma_wait3A_162 = tpu.memref_slice %arg9[%add3A_12, %dma_wait3A_161] : memref<10240x128xf32, #tpu.memory_space<vmem_shared>> -> memref<64x128xf32, #tpu.memory_space<vmem_shared>>
      tpu.wait_dma2 semaphore(%run_scoped3A : memref<!tpu.dma_semaphore, #tpu.memory_space<semaphore_mem>>) src(%arg8 : memref<64x128xf32, #tpu.memory_space<vmem>>) dst(%dma_wait3A_162 : memref<64x128xf32, #tpu.memory_space<vmem_shared>>)
      tpu.yield
    }) : () -> ()
    %mul3A_13 = arith.constant 640 : i32
    %mul3A_14 = arith.muli %arg1, %mul3A_13 : i32
    %add3A_15 = arith.constant 192 : i32
    %add3A_16 = arith.addi %mul3A_14, %add3A_15 : i32
    "tpu.region"() ({
      %run_scoped3A = tpu.sem_alloc : memref<!tpu.dma_semaphore, #tpu.memory_space<semaphore_mem>>
      %dma_start3A = arith.constant 0 : i32
      %dma_start3A_157 = tpu.memref_slice %arg9[%add3A_16, %dma_start3A] : memref<10240x128xf32, #tpu.memory_space<vmem_shared>> -> memref<64x128xf32, #tpu.memory_space<vmem_shared>>
      %dma_start3A_158 = arith.constant 0 : i32
      %dma_start3A_159 = tpu.memref_slice %arg9[%add3A_16, %dma_start3A_158] : memref<10240x128xf32, #tpu.memory_space<vmem_shared>> -> memref<64x128xf32, #tpu.memory_space<vmem_shared>>
      tpu.enqueue_dma source(%arg8 : memref<64x128xf32, #tpu.memory_space<vmem>>) target(%dma_start3A_159 : memref<64x128xf32, #tpu.memory_space<vmem_shared>>) target_semaphore(%run_scoped3A : memref<!tpu.dma_semaphore, #tpu.memory_space<semaphore_mem>>)
      %dma_wait3A = arith.constant 0 : i32
      %dma_wait3A_160 = tpu.memref_slice %arg9[%add3A_16, %dma_wait3A] : memref<10240x128xf32, #tpu.memory_space<vmem_shared>> -> memref<64x128xf32, #tpu.memory_space<vmem_shared>>
      %dma_wait3A_161 = arith.constant 0 : i32
      %dma_wait3A_162 = tpu.memref_slice %arg9[%add3A_16, %dma_wait3A_161] : memref<10240x128xf32, #tpu.memory_space<vmem_shared>> -> memref<64x128xf32, #tpu.memory_space<vmem_shared>>
      tpu.wait_dma2 semaphore(%run_scoped3A : memref<!tpu.dma_semaphore, #tpu.memory_space<semaphore_mem>>) src(%arg8 : memref<64x128xf32, #tpu.memory_space<vmem>>) dst(%dma_wait3A_162 : memref<64x128xf32, #tpu.memory_space<vmem_shared>>)
      tpu.yield
    }) : () -> ()
    %mul3A_17 = arith.constant 640 : i32
    %mul3A_18 = arith.muli %arg1, %mul3A_17 : i32
    %add3A_19 = arith.constant 256 : i32
    %add3A_20 = arith.addi %mul3A_18, %add3A_19 : i32
    "tpu.region"() ({
      %run_scoped3A = tpu.sem_alloc : memref<!tpu.dma_semaphore, #tpu.memory_space<semaphore_mem>>
      %dma_start3A = arith.constant 0 : i32
      %dma_start3A_157 = tpu.memref_slice %arg9[%add3A_20, %dma_start3A] : memref<10240x128xf32, #tpu.memory_space<vmem_shared>> -> memref<64x128xf32, #tpu.memory_space<vmem_shared>>
      %dma_start3A_158 = arith.constant 0 : i32
      %dma_start3A_159 = tpu.memref_slice %arg9[%add3A_20, %dma_start3A_158] : memref<10240x128xf32, #tpu.memory_space<vmem_shared>> -> memref<64x128xf32, #tpu.memory_space<vmem_shared>>
      tpu.enqueue_dma source(%arg8 : memref<64x128xf32, #tpu.memory_space<vmem>>) target(%dma_start3A_159 : memref<64x128xf32, #tpu.memory_space<vmem_shared>>) target_semaphore(%run_scoped3A : memref<!tpu.dma_semaphore, #tpu.memory_space<semaphore_mem>>)
      %dma_wait3A = arith.constant 0 : i32
      %dma_wait3A_160 = tpu.memref_slice %arg9[%add3A_20, %dma_wait3A] : memref<10240x128xf32, #tpu.memory_space<vmem_shared>> -> memref<64x128xf32, #tpu.memory_space<vmem_shared>>
      %dma_wait3A_161 = arith.constant 0 : i32
      %dma_wait3A_162 = tpu.memref_slice %arg9[%add3A_20, %dma_wait3A_161] : memref<10240x128xf32, #tpu.memory_space<vmem_shared>> -> memref<64x128xf32, #tpu.memory_space<vmem_shared>>
      tpu.wait_dma2 semaphore(%run_scoped3A : memref<!tpu.dma_semaphore, #tpu.memory_space<semaphore_mem>>) src(%arg8 : memref<64x128xf32, #tpu.memory_space<vmem>>) dst(%dma_wait3A_162 : memref<64x128xf32, #tpu.memory_space<vmem_shared>>)
      tpu.yield
    }) : () -> ()
    %mul3A_21 = arith.constant 640 : i32
    %mul3A_22 = arith.muli %arg1, %mul3A_21 : i32
    %add3A_23 = arith.constant 320 : i32
    %add3A_24 = arith.addi %mul3A_22, %add3A_23 : i32
    "tpu.region"() ({
      %run_scoped3A = tpu.sem_alloc : memref<!tpu.dma_semaphore, #tpu.memory_space<semaphore_mem>>
      %dma_start3A = arith.constant 0 : i32
      %dma_start3A_157 = tpu.memref_slice %arg9[%add3A_24, %dma_start3A] : memref<10240x128xf32, #tpu.memory_space<vmem_shared>> -> memref<64x128xf32, #tpu.memory_space<vmem_shared>>
      %dma_start3A_158 = arith.constant 0 : i32
      %dma_start3A_159 = tpu.memref_slice %arg9[%add3A_24, %dma_start3A_158] : memref<10240x128xf32, #tpu.memory_space<vmem_shared>> -> memref<64x128xf32, #tpu.memory_space<vmem_shared>>
      tpu.enqueue_dma source(%arg8 : memref<64x128xf32, #tpu.memory_space<vmem>>) target(%dma_start3A_159 : memref<64x128xf32, #tpu.memory_space<vmem_shared>>) target_semaphore(%run_scoped3A : memref<!tpu.dma_semaphore, #tpu.memory_space<semaphore_mem>>)
      %dma_wait3A = arith.constant 0 : i32
      %dma_wait3A_160 = tpu.memref_slice %arg9[%add3A_24, %dma_wait3A] : memref<10240x128xf32, #tpu.memory_space<vmem_shared>> -> memref<64x128xf32, #tpu.memory_space<vmem_shared>>
      %dma_wait3A_161 = arith.constant 0 : i32
      %dma_wait3A_162 = tpu.memref_slice %arg9[%add3A_24, %dma_wait3A_161] : memref<10240x128xf32, #tpu.memory_space<vmem_shared>> -> memref<64x128xf32, #tpu.memory_space<vmem_shared>>
      tpu.wait_dma2 semaphore(%run_scoped3A : memref<!tpu.dma_semaphore, #tpu.memory_space<semaphore_mem>>) src(%arg8 : memref<64x128xf32, #tpu.memory_space<vmem>>) dst(%dma_wait3A_162 : memref<64x128xf32, #tpu.memory_space<vmem_shared>>)
      tpu.yield
    }) : () -> ()
    %mul3A_25 = arith.constant 640 : i32
    %mul3A_26 = arith.muli %arg1, %mul3A_25 : i32
    %add3A_27 = arith.constant 384 : i32
    %add3A_28 = arith.addi %mul3A_26, %add3A_27 : i32
    "tpu.region"() ({
      %run_scoped3A = tpu.sem_alloc : memref<!tpu.dma_semaphore, #tpu.memory_space<semaphore_mem>>
      %dma_start3A = arith.constant 0 : i32
      %dma_start3A_157 = tpu.memref_slice %arg9[%add3A_28, %dma_start3A] : memref<10240x128xf32, #tpu.memory_space<vmem_shared>> -> memref<64x128xf32, #tpu.memory_space<vmem_shared>>
      %dma_start3A_158 = arith.constant 0 : i32
      %dma_start3A_159 = tpu.memref_slice %arg9[%add3A_28, %dma_start3A_158] : memref<10240x128xf32, #tpu.memory_space<vmem_shared>> -> memref<64x128xf32, #tpu.memory_space<vmem_shared>>
      tpu.enqueue_dma source(%arg8 : memref<64x128xf32, #tpu.memory_space<vmem>>) target(%dma_start3A_159 : memref<64x128xf32, #tpu.memory_space<vmem_shared>>) target_semaphore(%run_scoped3A : memref<!tpu.dma_semaphore, #tpu.memory_space<semaphore_mem>>)
      %dma_wait3A = arith.constant 0 : i32
      %dma_wait3A_160 = tpu.memref_slice %arg9[%add3A_28, %dma_wait3A] : memref<10240x128xf32, #tpu.memory_space<vmem_shared>> -> memref<64x128xf32, #tpu.memory_space<vmem_shared>>
      %dma_wait3A_161 = arith.constant 0 : i32
      %dma_wait3A_162 = tpu.memref_slice %arg9[%add3A_28, %dma_wait3A_161] : memref<10240x128xf32, #tpu.memory_space<vmem_shared>> -> memref<64x128xf32, #tpu.memory_space<vmem_shared>>
      tpu.wait_dma2 semaphore(%run_scoped3A : memref<!tpu.dma_semaphore, #tpu.memory_space<semaphore_mem>>) src(%arg8 : memref<64x128xf32, #tpu.memory_space<vmem>>) dst(%dma_wait3A_162 : memref<64x128xf32, #tpu.memory_space<vmem_shared>>)
      tpu.yield
    }) : () -> ()
    %mul3A_29 = arith.constant 640 : i32
    %mul3A_30 = arith.muli %arg1, %mul3A_29 : i32
    %add3A_31 = arith.constant 448 : i32
    %add3A_32 = arith.addi %mul3A_30, %add3A_31 : i32
    "tpu.region"() ({
      %run_scoped3A = tpu.sem_alloc : memref<!tpu.dma_semaphore, #tpu.memory_space<semaphore_mem>>
      %dma_start3A = arith.constant 0 : i32
      %dma_start3A_157 = tpu.memref_slice %arg9[%add3A_32, %dma_start3A] : memref<10240x128xf32, #tpu.memory_space<vmem_shared>> -> memref<64x128xf32, #tpu.memory_space<vmem_shared>>
      %dma_start3A_158 = arith.constant 0 : i32
      %dma_start3A_159 = tpu.memref_slice %arg9[%add3A_32, %dma_start3A_158] : memref<10240x128xf32, #tpu.memory_space<vmem_shared>> -> memref<64x128xf32, #tpu.memory_space<vmem_shared>>
      tpu.enqueue_dma source(%arg8 : memref<64x128xf32, #tpu.memory_space<vmem>>) target(%dma_start3A_159 : memref<64x128xf32, #tpu.memory_space<vmem_shared>>) target_semaphore(%run_scoped3A : memref<!tpu.dma_semaphore, #tpu.memory_space<semaphore_mem>>)
      %dma_wait3A = arith.constant 0 : i32
      %dma_wait3A_160 = tpu.memref_slice %arg9[%add3A_32, %dma_wait3A] : memref<10240x128xf32, #tpu.memory_space<vmem_shared>> -> memref<64x128xf32, #tpu.memory_space<vmem_shared>>
      %dma_wait3A_161 = arith.constant 0 : i32
      %dma_wait3A_162 = tpu.memref_slice %arg9[%add3A_32, %dma_wait3A_161] : memref<10240x128xf32, #tpu.memory_space<vmem_shared>> -> memref<64x128xf32, #tpu.memory_space<vmem_shared>>
      tpu.wait_dma2 semaphore(%run_scoped3A : memref<!tpu.dma_semaphore, #tpu.memory_space<semaphore_mem>>) src(%arg8 : memref<64x128xf32, #tpu.memory_space<vmem>>) dst(%dma_wait3A_162 : memref<64x128xf32, #tpu.memory_space<vmem_shared>>)
      tpu.yield
    }) : () -> ()
    %mul3A_33 = arith.constant 640 : i32
    %mul3A_34 = arith.muli %arg1, %mul3A_33 : i32
    %add3A_35 = arith.constant 512 : i32
    %add3A_36 = arith.addi %mul3A_34, %add3A_35 : i32
    "tpu.region"() ({
      %run_scoped3A = tpu.sem_alloc : memref<!tpu.dma_semaphore, #tpu.memory_space<semaphore_mem>>
      %dma_start3A = arith.constant 0 : i32
      %dma_start3A_157 = tpu.memref_slice %arg9[%add3A_36, %dma_start3A] : memref<10240x128xf32, #tpu.memory_space<vmem_shared>> -> memref<64x128xf32, #tpu.memory_space<vmem_shared>>
      %dma_start3A_158 = arith.constant 0 : i32
      %dma_start3A_159 = tpu.memref_slice %arg9[%add3A_36, %dma_start3A_158] : memref<10240x128xf32, #tpu.memory_space<vmem_shared>> -> memref<64x128xf32, #tpu.memory_space<vmem_shared>>
      tpu.enqueue_dma source(%arg8 : memref<64x128xf32, #tpu.memory_space<vmem>>) target(%dma_start3A_159 : memref<64x128xf32, #tpu.memory_space<vmem_shared>>) target_semaphore(%run_scoped3A : memref<!tpu.dma_semaphore, #tpu.memory_space<semaphore_mem>>)
      %dma_wait3A = arith.constant 0 : i32
      %dma_wait3A_160 = tpu.memref_slice %arg9[%add3A_36, %dma_wait3A] : memref<10240x128xf32, #tpu.memory_space<vmem_shared>> -> memref<64x128xf32, #tpu.memory_space<vmem_shared>>
      %dma_wait3A_161 = arith.constant 0 : i32
      %dma_wait3A_162 = tpu.memref_slice %arg9[%add3A_36, %dma_wait3A_161] : memref<10240x128xf32, #tpu.memory_space<vmem_shared>> -> memref<64x128xf32, #tpu.memory_space<vmem_shared>>
      tpu.wait_dma2 semaphore(%run_scoped3A : memref<!tpu.dma_semaphore, #tpu.memory_space<semaphore_mem>>) src(%arg8 : memref<64x128xf32, #tpu.memory_space<vmem>>) dst(%dma_wait3A_162 : memref<64x128xf32, #tpu.memory_space<vmem_shared>>)
      tpu.yield
    }) : () -> ()
    %mul3A_37 = arith.constant 640 : i32
    %mul3A_38 = arith.muli %arg1, %mul3A_37 : i32
    %add3A_39 = arith.constant 576 : i32
    %add3A_40 = arith.addi %mul3A_38, %add3A_39 : i32
    "tpu.region"() ({
      %run_scoped3A = tpu.sem_alloc : memref<!tpu.dma_semaphore, #tpu.memory_space<semaphore_mem>>
      %dma_start3A = arith.constant 0 : i32
      %dma_start3A_157 = tpu.memref_slice %arg9[%add3A_40, %dma_start3A] : memref<10240x128xf32, #tpu.memory_space<vmem_shared>> -> memref<64x128xf32, #tpu.memory_space<vmem_shared>>
      %dma_start3A_158 = arith.constant 0 : i32
      %dma_start3A_159 = tpu.memref_slice %arg9[%add3A_40, %dma_start3A_158] : memref<10240x128xf32, #tpu.memory_space<vmem_shared>> -> memref<64x128xf32, #tpu.memory_space<vmem_shared>>
      tpu.enqueue_dma source(%arg8 : memref<64x128xf32, #tpu.memory_space<vmem>>) target(%dma_start3A_159 : memref<64x128xf32, #tpu.memory_space<vmem_shared>>) target_semaphore(%run_scoped3A : memref<!tpu.dma_semaphore, #tpu.memory_space<semaphore_mem>>)
      %dma_wait3A = arith.constant 0 : i32
      %dma_wait3A_160 = tpu.memref_slice %arg9[%add3A_40, %dma_wait3A] : memref<10240x128xf32, #tpu.memory_space<vmem_shared>> -> memref<64x128xf32, #tpu.memory_space<vmem_shared>>
      %dma_wait3A_161 = arith.constant 0 : i32
      %dma_wait3A_162 = tpu.memref_slice %arg9[%add3A_40, %dma_wait3A_161] : memref<10240x128xf32, #tpu.memory_space<vmem_shared>> -> memref<64x128xf32, #tpu.memory_space<vmem_shared>>
      tpu.wait_dma2 semaphore(%run_scoped3A : memref<!tpu.dma_semaphore, #tpu.memory_space<semaphore_mem>>) src(%arg8 : memref<64x128xf32, #tpu.memory_space<vmem>>) dst(%dma_wait3A_162 : memref<64x128xf32, #tpu.memory_space<vmem_shared>>)
      tpu.yield
    }) : () -> ()
    %barrier3A = arith.constant 0 : index
    tpu.barrier barrier_id(%barrier3A)
    %scan3A = arith.constant 0 : i32
    %scan3A_41 = arith.constant 0 : i32
    %scan3A_42 = arith.constant 125 : i32
    %scan3A_43 = arith.addi %scan3A_41, %scan3A_42 : i32
    %scan3A_44 = arith.constant 1 : i32
    scf.for %scan3A_157 = %scan3A_41 to %scan3A_43 step %scan3A_44  : i32 {
      "tpu.region"() ({
        %run_scoped3A = tpu.sem_alloc : memref<!tpu.dma_semaphore, #tpu.memory_space<semaphore_mem>>
        %dma_start3A = arith.constant 0 : i32
        %dma_start3A_158 = tpu.memref_slice %arg6[%scan3A_157, %dma_start3A] : memref<125x80xi32, #tpu.memory_space<vmem>> -> memref<1x80xi32, #tpu.memory_space<vmem>>
        %dma_start3A_159 = tpu.memref_squeeze %dma_start3A_158 : memref<1x80xi32, #tpu.memory_space<vmem>> -> memref<80xi32, #tpu.memory_space<vmem>>
        %dma_start3A_160 = arith.constant 0 : i32
        %dma_start3A_161 = arith.constant 0 : i32
        %dma_start3A_162 = tpu.memref_slice %arg9[%dma_start3A_160, %dma_start3A_161] : memref<10240x128xf32, #tpu.memory_space<vmem_shared>> -> memref<10240x128xf32, #tpu.memory_space<vmem_shared>>
        tpu.enqueue_indirect_dma source(%arg7 : memref<80x128xf32, #tpu.memory_space<vmem>>) target(%dma_start3A_162 : memref<10240x128xf32, #tpu.memory_space<vmem_shared>>) offsets(%dma_start3A_159 : memref<80xi32, #tpu.memory_space<vmem>>) semaphore(%run_scoped3A : memref<!tpu.dma_semaphore, #tpu.memory_space<semaphore_mem>>) {add = true}
        %dma_wait3A = arith.constant 0 : i32
        %dma_wait3A_163 = tpu.memref_slice %arg6[%scan3A_157, %dma_wait3A] : memref<125x80xi32, #tpu.memory_space<vmem>> -> memref<1x80xi32, #tpu.memory_space<vmem>>
        %dma_wait3A_164 = tpu.memref_squeeze %dma_wait3A_163 : memref<1x80xi32, #tpu.memory_space<vmem>> -> memref<80xi32, #tpu.memory_space<vmem>>
        %dma_wait3A_165 = arith.constant 0 : i32
        %dma_wait3A_166 = arith.constant 0 : i32
        %dma_wait3A_167 = tpu.memref_slice %arg9[%dma_wait3A_165, %dma_wait3A_166] : memref<10240x128xf32, #tpu.memory_space<vmem_shared>> -> memref<10240x128xf32, #tpu.memory_space<vmem_shared>>
        tpu.wait_indirect_dma semaphore(%run_scoped3A : memref<!tpu.dma_semaphore, #tpu.memory_space<semaphore_mem>>) src(%arg7 : memref<80x128xf32, #tpu.memory_space<vmem>>) dst(%dma_wait3A_167 : memref<10240x128xf32, #tpu.memory_space<vmem_shared>>)
        tpu.yield
      }) : () -> ()
    }
    %scan3A_45 = arith.constant 125 : i32
    %barrier3A_46 = arith.constant 0 : index
    tpu.barrier barrier_id(%barrier3A_46)
    %mul3A_47 = arith.constant 640 : i32
    %mul3A_48 = arith.muli %arg1, %mul3A_47 : i32
    %add3A_49 = arith.constant 0 : i32
    %add3A_50 = arith.addi %mul3A_48, %add3A_49 : i32
    "tpu.region"() ({
      %run_scoped3A = tpu.sem_alloc : memref<!tpu.dma_semaphore, #tpu.memory_space<semaphore_mem>>
      %dma_start3A = arith.constant 0 : i32
      %dma_start3A_157 = tpu.memref_slice %arg9[%add3A_50, %dma_start3A] : memref<10240x128xf32, #tpu.memory_space<vmem_shared>> -> memref<64x128xf32, #tpu.memory_space<vmem_shared>>
      %dma_start3A_158 = arith.constant 0 : i32
      %dma_start3A_159 = tpu.memref_slice %arg9[%add3A_50, %dma_start3A_158] : memref<10240x128xf32, #tpu.memory_space<vmem_shared>> -> memref<64x128xf32, #tpu.memory_space<vmem_shared>>
      tpu.enqueue_dma source(%dma_start3A_159 : memref<64x128xf32, #tpu.memory_space<vmem_shared>>) target(%arg8 : memref<64x128xf32, #tpu.memory_space<vmem>>) target_semaphore(%run_scoped3A : memref<!tpu.dma_semaphore, #tpu.memory_space<semaphore_mem>>)
      %dma_wait3A = arith.constant 0 : i32
      %dma_wait3A_160 = tpu.memref_slice %arg9[%add3A_50, %dma_wait3A] : memref<10240x128xf32, #tpu.memory_space<vmem_shared>> -> memref<64x128xf32, #tpu.memory_space<vmem_shared>>
      %dma_wait3A_161 = arith.constant 0 : i32
      %dma_wait3A_162 = tpu.memref_slice %arg9[%add3A_50, %dma_wait3A_161] : memref<10240x128xf32, #tpu.memory_space<vmem_shared>> -> memref<64x128xf32, #tpu.memory_space<vmem_shared>>
      tpu.wait_dma2 semaphore(%run_scoped3A : memref<!tpu.dma_semaphore, #tpu.memory_space<semaphore_mem>>) src(%dma_wait3A_162 : memref<64x128xf32, #tpu.memory_space<vmem_shared>>) dst(%arg8 : memref<64x128xf32, #tpu.memory_space<vmem>>)
      tpu.yield
    }) : () -> ()
    %mul3A_51 = arith.constant 10240 : i32
    %mul3A_52 = arith.muli %arg0, %mul3A_51 : i32
    %mul3A_53 = arith.constant 640 : i32
    %mul3A_54 = arith.muli %arg1, %mul3A_53 : i32
    %add3A_55 = arith.addi %mul3A_52, %mul3A_54 : i32
    %add3A_56 = arith.constant 0 : i32
    %add3A_57 = arith.addi %add3A_55, %add3A_56 : i32
    "tpu.region"() ({
      %run_scoped3A = tpu.sem_alloc : memref<!tpu.dma_semaphore, #tpu.memory_space<semaphore_mem>>
      %dma_start3A = arith.constant 0 : i32
      %dma_start3A_157 = tpu.memref_slice %arg5[%add3A_57, %dma_start3A] : memref<20480x128xf32, #tpu.memory_space<hbm>> -> memref<64x128xf32, #tpu.memory_space<hbm>>
      %dma_start3A_158 = arith.constant 0 : i32
      %dma_start3A_159 = tpu.memref_slice %arg5[%add3A_57, %dma_start3A_158] : memref<20480x128xf32, #tpu.memory_space<hbm>> -> memref<64x128xf32, #tpu.memory_space<hbm>>
      tpu.enqueue_dma source(%arg8 : memref<64x128xf32, #tpu.memory_space<vmem>>) target(%dma_start3A_159 : memref<64x128xf32, #tpu.memory_space<hbm>>) target_semaphore(%run_scoped3A : memref<!tpu.dma_semaphore, #tpu.memory_space<semaphore_mem>>)
      %dma_wait3A = arith.constant 0 : i32
      %dma_wait3A_160 = tpu.memref_slice %arg5[%add3A_57, %dma_wait3A] : memref<20480x128xf32, #tpu.memory_space<hbm>> -> memref<64x128xf32, #tpu.memory_space<hbm>>
      %dma_wait3A_161 = arith.constant 0 : i32
      %dma_wait3A_162 = tpu.memref_slice %arg5[%add3A_57, %dma_wait3A_161] : memref<20480x128xf32, #tpu.memory_space<hbm>> -> memref<64x128xf32, #tpu.memory_space<hbm>>
      tpu.wait_dma2 semaphore(%run_scoped3A : memref<!tpu.dma_semaphore, #tpu.memory_space<semaphore_mem>>) src(%arg8 : memref<64x128xf32, #tpu.memory_space<vmem>>) dst(%dma_wait3A_162 : memref<64x128xf32, #tpu.memory_space<hbm>>)
      tpu.yield
    }) : () -> ()
    %mul3A_58 = arith.constant 640 : i32
    %mul3A_59 = arith.muli %arg1, %mul3A_58 : i32
    %add3A_60 = arith.constant 64 : i32
    %add3A_61 = arith.addi %mul3A_59, %add3A_60 : i32
    "tpu.region"() ({
      %run_scoped3A = tpu.sem_alloc : memref<!tpu.dma_semaphore, #tpu.memory_space<semaphore_mem>>
      %dma_start3A = arith.constant 0 : i32
      %dma_start3A_157 = tpu.memref_slice %arg9[%add3A_61, %dma_start3A] : memref<10240x128xf32, #tpu.memory_space<vmem_shared>> -> memref<64x128xf32, #tpu.memory_space<vmem_shared>>
      %dma_start3A_158 = arith.constant 0 : i32
      %dma_start3A_159 = tpu.memref_slice %arg9[%add3A_61, %dma_start3A_158] : memref<10240x128xf32, #tpu.memory_space<vmem_shared>> -> memref<64x128xf32, #tpu.memory_space<vmem_shared>>
      tpu.enqueue_dma source(%dma_start3A_159 : memref<64x128xf32, #tpu.memory_space<vmem_shared>>) target(%arg8 : memref<64x128xf32, #tpu.memory_space<vmem>>) target_semaphore(%run_scoped3A : memref<!tpu.dma_semaphore, #tpu.memory_space<semaphore_mem>>)
      %dma_wait3A = arith.constant 0 : i32
      %dma_wait3A_160 = tpu.memref_slice %arg9[%add3A_61, %dma_wait3A] : memref<10240x128xf32, #tpu.memory_space<vmem_shared>> -> memref<64x128xf32, #tpu.memory_space<vmem_shared>>
      %dma_wait3A_161 = arith.constant 0 : i32
      %dma_wait3A_162 = tpu.memref_slice %arg9[%add3A_61, %dma_wait3A_161] : memref<10240x128xf32, #tpu.memory_space<vmem_shared>> -> memref<64x128xf32, #tpu.memory_space<vmem_shared>>
      tpu.wait_dma2 semaphore(%run_scoped3A : memref<!tpu.dma_semaphore, #tpu.memory_space<semaphore_mem>>) src(%dma_wait3A_162 : memref<64x128xf32, #tpu.memory_space<vmem_shared>>) dst(%arg8 : memref<64x128xf32, #tpu.memory_space<vmem>>)
      tpu.yield
    }) : () -> ()
    %mul3A_62 = arith.constant 10240 : i32
    %mul3A_63 = arith.muli %arg0, %mul3A_62 : i32
    %mul3A_64 = arith.constant 640 : i32
    %mul3A_65 = arith.muli %arg1, %mul3A_64 : i32
    %add3A_66 = arith.addi %mul3A_63, %mul3A_65 : i32
    %add3A_67 = arith.constant 64 : i32
    %add3A_68 = arith.addi %add3A_66, %add3A_67 : i32
    "tpu.region"() ({
      %run_scoped3A = tpu.sem_alloc : memref<!tpu.dma_semaphore, #tpu.memory_space<semaphore_mem>>
      %dma_start3A = arith.constant 0 : i32
      %dma_start3A_157 = tpu.memref_slice %arg5[%add3A_68, %dma_start3A] : memref<20480x128xf32, #tpu.memory_space<hbm>> -> memref<64x128xf32, #tpu.memory_space<hbm>>
      %dma_start3A_158 = arith.constant 0 : i32
      %dma_start3A_159 = tpu.memref_slice %arg5[%add3A_68, %dma_start3A_158] : memref<20480x128xf32, #tpu.memory_space<hbm>> -> memref<64x128xf32, #tpu.memory_space<hbm>>
      tpu.enqueue_dma source(%arg8 : memref<64x128xf32, #tpu.memory_space<vmem>>) target(%dma_start3A_159 : memref<64x128xf32, #tpu.memory_space<hbm>>) target_semaphore(%run_scoped3A : memref<!tpu.dma_semaphore, #tpu.memory_space<semaphore_mem>>)
      %dma_wait3A = arith.constant 0 : i32
      %dma_wait3A_160 = tpu.memref_slice %arg5[%add3A_68, %dma_wait3A] : memref<20480x128xf32, #tpu.memory_space<hbm>> -> memref<64x128xf32, #tpu.memory_space<hbm>>
      %dma_wait3A_161 = arith.constant 0 : i32
      %dma_wait3A_162 = tpu.memref_slice %arg5[%add3A_68, %dma_wait3A_161] : memref<20480x128xf32, #tpu.memory_space<hbm>> -> memref<64x128xf32, #tpu.memory_space<hbm>>
      tpu.wait_dma2 semaphore(%run_scoped3A : memref<!tpu.dma_semaphore, #tpu.memory_space<semaphore_mem>>) src(%arg8 : memref<64x128xf32, #tpu.memory_space<vmem>>) dst(%dma_wait3A_162 : memref<64x128xf32, #tpu.memory_space<hbm>>)
      tpu.yield
    }) : () -> ()
    %mul3A_69 = arith.constant 640 : i32
    %mul3A_70 = arith.muli %arg1, %mul3A_69 : i32
    %add3A_71 = arith.constant 128 : i32
    %add3A_72 = arith.addi %mul3A_70, %add3A_71 : i32
    "tpu.region"() ({
      %run_scoped3A = tpu.sem_alloc : memref<!tpu.dma_semaphore, #tpu.memory_space<semaphore_mem>>
      %dma_start3A = arith.constant 0 : i32
      %dma_start3A_157 = tpu.memref_slice %arg9[%add3A_72, %dma_start3A] : memref<10240x128xf32, #tpu.memory_space<vmem_shared>> -> memref<64x128xf32, #tpu.memory_space<vmem_shared>>
      %dma_start3A_158 = arith.constant 0 : i32
      %dma_start3A_159 = tpu.memref_slice %arg9[%add3A_72, %dma_start3A_158] : memref<10240x128xf32, #tpu.memory_space<vmem_shared>> -> memref<64x128xf32, #tpu.memory_space<vmem_shared>>
      tpu.enqueue_dma source(%dma_start3A_159 : memref<64x128xf32, #tpu.memory_space<vmem_shared>>) target(%arg8 : memref<64x128xf32, #tpu.memory_space<vmem>>) target_semaphore(%run_scoped3A : memref<!tpu.dma_semaphore, #tpu.memory_space<semaphore_mem>>)
      %dma_wait3A = arith.constant 0 : i32
      %dma_wait3A_160 = tpu.memref_slice %arg9[%add3A_72, %dma_wait3A] : memref<10240x128xf32, #tpu.memory_space<vmem_shared>> -> memref<64x128xf32, #tpu.memory_space<vmem_shared>>
      %dma_wait3A_161 = arith.constant 0 : i32
      %dma_wait3A_162 = tpu.memref_slice %arg9[%add3A_72, %dma_wait3A_161] : memref<10240x128xf32, #tpu.memory_space<vmem_shared>> -> memref<64x128xf32, #tpu.memory_space<vmem_shared>>
      tpu.wait_dma2 semaphore(%run_scoped3A : memref<!tpu.dma_semaphore, #tpu.memory_space<semaphore_mem>>) src(%dma_wait3A_162 : memref<64x128xf32, #tpu.memory_space<vmem_shared>>) dst(%arg8 : memref<64x128xf32, #tpu.memory_space<vmem>>)
      tpu.yield
    }) : () -> ()
    %mul3A_73 = arith.constant 10240 : i32
    %mul3A_74 = arith.muli %arg0, %mul3A_73 : i32
    %mul3A_75 = arith.constant 640 : i32
    %mul3A_76 = arith.muli %arg1, %mul3A_75 : i32
    %add3A_77 = arith.addi %mul3A_74, %mul3A_76 : i32
    %add3A_78 = arith.constant 128 : i32
    %add3A_79 = arith.addi %add3A_77, %add3A_78 : i32
    "tpu.region"() ({
      %run_scoped3A = tpu.sem_alloc : memref<!tpu.dma_semaphore, #tpu.memory_space<semaphore_mem>>
      %dma_start3A = arith.constant 0 : i32
      %dma_start3A_157 = tpu.memref_slice %arg5[%add3A_79, %dma_start3A] : memref<20480x128xf32, #tpu.memory_space<hbm>> -> memref<64x128xf32, #tpu.memory_space<hbm>>
      %dma_start3A_158 = arith.constant 0 : i32
      %dma_start3A_159 = tpu.memref_slice %arg5[%add3A_79, %dma_start3A_158] : memref<20480x128xf32, #tpu.memory_space<hbm>> -> memref<64x128xf32, #tpu.memory_space<hbm>>
      tpu.enqueue_dma source(%arg8 : memref<64x128xf32, #tpu.memory_space<vmem>>) target(%dma_start3A_159 : memref<64x128xf32, #tpu.memory_space<hbm>>) target_semaphore(%run_scoped3A : memref<!tpu.dma_semaphore, #tpu.memory_space<semaphore_mem>>)
      %dma_wait3A = arith.constant 0 : i32
      %dma_wait3A_160 = tpu.memref_slice %arg5[%add3A_79, %dma_wait3A] : memref<20480x128xf32, #tpu.memory_space<hbm>> -> memref<64x128xf32, #tpu.memory_space<hbm>>
      %dma_wait3A_161 = arith.constant 0 : i32
      %dma_wait3A_162 = tpu.memref_slice %arg5[%add3A_79, %dma_wait3A_161] : memref<20480x128xf32, #tpu.memory_space<hbm>> -> memref<64x128xf32, #tpu.memory_space<hbm>>
      tpu.wait_dma2 semaphore(%run_scoped3A : memref<!tpu.dma_semaphore, #tpu.memory_space<semaphore_mem>>) src(%arg8 : memref<64x128xf32, #tpu.memory_space<vmem>>) dst(%dma_wait3A_162 : memref<64x128xf32, #tpu.memory_space<hbm>>)
      tpu.yield
    }) : () -> ()
    %mul3A_80 = arith.constant 640 : i32
    %mul3A_81 = arith.muli %arg1, %mul3A_80 : i32
    %add3A_82 = arith.constant 192 : i32
    %add3A_83 = arith.addi %mul3A_81, %add3A_82 : i32
    "tpu.region"() ({
      %run_scoped3A = tpu.sem_alloc : memref<!tpu.dma_semaphore, #tpu.memory_space<semaphore_mem>>
      %dma_start3A = arith.constant 0 : i32
      %dma_start3A_157 = tpu.memref_slice %arg9[%add3A_83, %dma_start3A] : memref<10240x128xf32, #tpu.memory_space<vmem_shared>> -> memref<64x128xf32, #tpu.memory_space<vmem_shared>>
      %dma_start3A_158 = arith.constant 0 : i32
      %dma_start3A_159 = tpu.memref_slice %arg9[%add3A_83, %dma_start3A_158] : memref<10240x128xf32, #tpu.memory_space<vmem_shared>> -> memref<64x128xf32, #tpu.memory_space<vmem_shared>>
      tpu.enqueue_dma source(%dma_start3A_159 : memref<64x128xf32, #tpu.memory_space<vmem_shared>>) target(%arg8 : memref<64x128xf32, #tpu.memory_space<vmem>>) target_semaphore(%run_scoped3A : memref<!tpu.dma_semaphore, #tpu.memory_space<semaphore_mem>>)
      %dma_wait3A = arith.constant 0 : i32
      %dma_wait3A_160 = tpu.memref_slice %arg9[%add3A_83, %dma_wait3A] : memref<10240x128xf32, #tpu.memory_space<vmem_shared>> -> memref<64x128xf32, #tpu.memory_space<vmem_shared>>
      %dma_wait3A_161 = arith.constant 0 : i32
      %dma_wait3A_162 = tpu.memref_slice %arg9[%add3A_83, %dma_wait3A_161] : memref<10240x128xf32, #tpu.memory_space<vmem_shared>> -> memref<64x128xf32, #tpu.memory_space<vmem_shared>>
      tpu.wait_dma2 semaphore(%run_scoped3A : memref<!tpu.dma_semaphore, #tpu.memory_space<semaphore_mem>>) src(%dma_wait3A_162 : memref<64x128xf32, #tpu.memory_space<vmem_shared>>) dst(%arg8 : memref<64x128xf32, #tpu.memory_space<vmem>>)
      tpu.yield
    }) : () -> ()
    %mul3A_84 = arith.constant 10240 : i32
    %mul3A_85 = arith.muli %arg0, %mul3A_84 : i32
    %mul3A_86 = arith.constant 640 : i32
    %mul3A_87 = arith.muli %arg1, %mul3A_86 : i32
    %add3A_88 = arith.addi %mul3A_85, %mul3A_87 : i32
    %add3A_89 = arith.constant 192 : i32
    %add3A_90 = arith.addi %add3A_88, %add3A_89 : i32
    "tpu.region"() ({
      %run_scoped3A = tpu.sem_alloc : memref<!tpu.dma_semaphore, #tpu.memory_space<semaphore_mem>>
      %dma_start3A = arith.constant 0 : i32
      %dma_start3A_157 = tpu.memref_slice %arg5[%add3A_90, %dma_start3A] : memref<20480x128xf32, #tpu.memory_space<hbm>> -> memref<64x128xf32, #tpu.memory_space<hbm>>
      %dma_start3A_158 = arith.constant 0 : i32
      %dma_start3A_159 = tpu.memref_slice %arg5[%add3A_90, %dma_start3A_158] : memref<20480x128xf32, #tpu.memory_space<hbm>> -> memref<64x128xf32, #tpu.memory_space<hbm>>
      tpu.enqueue_dma source(%arg8 : memref<64x128xf32, #tpu.memory_space<vmem>>) target(%dma_start3A_159 : memref<64x128xf32, #tpu.memory_space<hbm>>) target_semaphore(%run_scoped3A : memref<!tpu.dma_semaphore, #tpu.memory_space<semaphore_mem>>)
      %dma_wait3A = arith.constant 0 : i32
      %dma_wait3A_160 = tpu.memref_slice %arg5[%add3A_90, %dma_wait3A] : memref<20480x128xf32, #tpu.memory_space<hbm>> -> memref<64x128xf32, #tpu.memory_space<hbm>>
      %dma_wait3A_161 = arith.constant 0 : i32
      %dma_wait3A_162 = tpu.memref_slice %arg5[%add3A_90, %dma_wait3A_161] : memref<20480x128xf32, #tpu.memory_space<hbm>> -> memref<64x128xf32, #tpu.memory_space<hbm>>
      tpu.wait_dma2 semaphore(%run_scoped3A : memref<!tpu.dma_semaphore, #tpu.memory_space<semaphore_mem>>) src(%arg8 : memref<64x128xf32, #tpu.memory_space<vmem>>) dst(%dma_wait3A_162 : memref<64x128xf32, #tpu.memory_space<hbm>>)
      tpu.yield
    }) : () -> ()
    %mul3A_91 = arith.constant 640 : i32
    %mul3A_92 = arith.muli %arg1, %mul3A_91 : i32
    %add3A_93 = arith.constant 256 : i32
    %add3A_94 = arith.addi %mul3A_92, %add3A_93 : i32
    "tpu.region"() ({
      %run_scoped3A = tpu.sem_alloc : memref<!tpu.dma_semaphore, #tpu.memory_space<semaphore_mem>>
      %dma_start3A = arith.constant 0 : i32
      %dma_start3A_157 = tpu.memref_slice %arg9[%add3A_94, %dma_start3A] : memref<10240x128xf32, #tpu.memory_space<vmem_shared>> -> memref<64x128xf32, #tpu.memory_space<vmem_shared>>
      %dma_start3A_158 = arith.constant 0 : i32
      %dma_start3A_159 = tpu.memref_slice %arg9[%add3A_94, %dma_start3A_158] : memref<10240x128xf32, #tpu.memory_space<vmem_shared>> -> memref<64x128xf32, #tpu.memory_space<vmem_shared>>
      tpu.enqueue_dma source(%dma_start3A_159 : memref<64x128xf32, #tpu.memory_space<vmem_shared>>) target(%arg8 : memref<64x128xf32, #tpu.memory_space<vmem>>) target_semaphore(%run_scoped3A : memref<!tpu.dma_semaphore, #tpu.memory_space<semaphore_mem>>)
      %dma_wait3A = arith.constant 0 : i32
      %dma_wait3A_160 = tpu.memref_slice %arg9[%add3A_94, %dma_wait3A] : memref<10240x128xf32, #tpu.memory_space<vmem_shared>> -> memref<64x128xf32, #tpu.memory_space<vmem_shared>>
      %dma_wait3A_161 = arith.constant 0 : i32
      %dma_wait3A_162 = tpu.memref_slice %arg9[%add3A_94, %dma_wait3A_161] : memref<10240x128xf32, #tpu.memory_space<vmem_shared>> -> memref<64x128xf32, #tpu.memory_space<vmem_shared>>
      tpu.wait_dma2 semaphore(%run_scoped3A : memref<!tpu.dma_semaphore, #tpu.memory_space<semaphore_mem>>) src(%dma_wait3A_162 : memref<64x128xf32, #tpu.memory_space<vmem_shared>>) dst(%arg8 : memref<64x128xf32, #tpu.memory_space<vmem>>)
      tpu.yield
    }) : () -> ()
    %mul3A_95 = arith.constant 10240 : i32
    %mul3A_96 = arith.muli %arg0, %mul3A_95 : i32
    %mul3A_97 = arith.constant 640 : i32
    %mul3A_98 = arith.muli %arg1, %mul3A_97 : i32
    %add3A_99 = arith.addi %mul3A_96, %mul3A_98 : i32
    %add3A_100 = arith.constant 256 : i32
    %add3A_101 = arith.addi %add3A_99, %add3A_100 : i32
    "tpu.region"() ({
      %run_scoped3A = tpu.sem_alloc : memref<!tpu.dma_semaphore, #tpu.memory_space<semaphore_mem>>
      %dma_start3A = arith.constant 0 : i32
      %dma_start3A_157 = tpu.memref_slice %arg5[%add3A_101, %dma_start3A] : memref<20480x128xf32, #tpu.memory_space<hbm>> -> memref<64x128xf32, #tpu.memory_space<hbm>>
      %dma_start3A_158 = arith.constant 0 : i32
      %dma_start3A_159 = tpu.memref_slice %arg5[%add3A_101, %dma_start3A_158] : memref<20480x128xf32, #tpu.memory_space<hbm>> -> memref<64x128xf32, #tpu.memory_space<hbm>>
      tpu.enqueue_dma source(%arg8 : memref<64x128xf32, #tpu.memory_space<vmem>>) target(%dma_start3A_159 : memref<64x128xf32, #tpu.memory_space<hbm>>) target_semaphore(%run_scoped3A : memref<!tpu.dma_semaphore, #tpu.memory_space<semaphore_mem>>)
      %dma_wait3A = arith.constant 0 : i32
      %dma_wait3A_160 = tpu.memref_slice %arg5[%add3A_101, %dma_wait3A] : memref<20480x128xf32, #tpu.memory_space<hbm>> -> memref<64x128xf32, #tpu.memory_space<hbm>>
      %dma_wait3A_161 = arith.constant 0 : i32
      %dma_wait3A_162 = tpu.memref_slice %arg5[%add3A_101, %dma_wait3A_161] : memref<20480x128xf32, #tpu.memory_space<hbm>> -> memref<64x128xf32, #tpu.memory_space<hbm>>
      tpu.wait_dma2 semaphore(%run_scoped3A : memref<!tpu.dma_semaphore, #tpu.memory_space<semaphore_mem>>) src(%arg8 : memref<64x128xf32, #tpu.memory_space<vmem>>) dst(%dma_wait3A_162 : memref<64x128xf32, #tpu.memory_space<hbm>>)
      tpu.yield
    }) : () -> ()
    %mul3A_102 = arith.constant 640 : i32
    %mul3A_103 = arith.muli %arg1, %mul3A_102 : i32
    %add3A_104 = arith.constant 320 : i32
    %add3A_105 = arith.addi %mul3A_103, %add3A_104 : i32
    "tpu.region"() ({
      %run_scoped3A = tpu.sem_alloc : memref<!tpu.dma_semaphore, #tpu.memory_space<semaphore_mem>>
      %dma_start3A = arith.constant 0 : i32
      %dma_start3A_157 = tpu.memref_slice %arg9[%add3A_105, %dma_start3A] : memref<10240x128xf32, #tpu.memory_space<vmem_shared>> -> memref<64x128xf32, #tpu.memory_space<vmem_shared>>
      %dma_start3A_158 = arith.constant 0 : i32
      %dma_start3A_159 = tpu.memref_slice %arg9[%add3A_105, %dma_start3A_158] : memref<10240x128xf32, #tpu.memory_space<vmem_shared>> -> memref<64x128xf32, #tpu.memory_space<vmem_shared>>
      tpu.enqueue_dma source(%dma_start3A_159 : memref<64x128xf32, #tpu.memory_space<vmem_shared>>) target(%arg8 : memref<64x128xf32, #tpu.memory_space<vmem>>) target_semaphore(%run_scoped3A : memref<!tpu.dma_semaphore, #tpu.memory_space<semaphore_mem>>)
      %dma_wait3A = arith.constant 0 : i32
      %dma_wait3A_160 = tpu.memref_slice %arg9[%add3A_105, %dma_wait3A] : memref<10240x128xf32, #tpu.memory_space<vmem_shared>> -> memref<64x128xf32, #tpu.memory_space<vmem_shared>>
      %dma_wait3A_161 = arith.constant 0 : i32
      %dma_wait3A_162 = tpu.memref_slice %arg9[%add3A_105, %dma_wait3A_161] : memref<10240x128xf32, #tpu.memory_space<vmem_shared>> -> memref<64x128xf32, #tpu.memory_space<vmem_shared>>
      tpu.wait_dma2 semaphore(%run_scoped3A : memref<!tpu.dma_semaphore, #tpu.memory_space<semaphore_mem>>) src(%dma_wait3A_162 : memref<64x128xf32, #tpu.memory_space<vmem_shared>>) dst(%arg8 : memref<64x128xf32, #tpu.memory_space<vmem>>)
      tpu.yield
    }) : () -> ()
    %mul3A_106 = arith.constant 10240 : i32
    %mul3A_107 = arith.muli %arg0, %mul3A_106 : i32
    %mul3A_108 = arith.constant 640 : i32
    %mul3A_109 = arith.muli %arg1, %mul3A_108 : i32
    %add3A_110 = arith.addi %mul3A_107, %mul3A_109 : i32
    %add3A_111 = arith.constant 320 : i32
    %add3A_112 = arith.addi %add3A_110, %add3A_111 : i32
    "tpu.region"() ({
      %run_scoped3A = tpu.sem_alloc : memref<!tpu.dma_semaphore, #tpu.memory_space<semaphore_mem>>
      %dma_start3A = arith.constant 0 : i32
      %dma_start3A_157 = tpu.memref_slice %arg5[%add3A_112, %dma_start3A] : memref<20480x128xf32, #tpu.memory_space<hbm>> -> memref<64x128xf32, #tpu.memory_space<hbm>>
      %dma_start3A_158 = arith.constant 0 : i32
      %dma_start3A_159 = tpu.memref_slice %arg5[%add3A_112, %dma_start3A_158] : memref<20480x128xf32, #tpu.memory_space<hbm>> -> memref<64x128xf32, #tpu.memory_space<hbm>>
      tpu.enqueue_dma source(%arg8 : memref<64x128xf32, #tpu.memory_space<vmem>>) target(%dma_start3A_159 : memref<64x128xf32, #tpu.memory_space<hbm>>) target_semaphore(%run_scoped3A : memref<!tpu.dma_semaphore, #tpu.memory_space<semaphore_mem>>)
      %dma_wait3A = arith.constant 0 : i32
      %dma_wait3A_160 = tpu.memref_slice %arg5[%add3A_112, %dma_wait3A] : memref<20480x128xf32, #tpu.memory_space<hbm>> -> memref<64x128xf32, #tpu.memory_space<hbm>>
      %dma_wait3A_161 = arith.constant 0 : i32
      %dma_wait3A_162 = tpu.memref_slice %arg5[%add3A_112, %dma_wait3A_161] : memref<20480x128xf32, #tpu.memory_space<hbm>> -> memref<64x128xf32, #tpu.memory_space<hbm>>
      tpu.wait_dma2 semaphore(%run_scoped3A : memref<!tpu.dma_semaphore, #tpu.memory_space<semaphore_mem>>) src(%arg8 : memref<64x128xf32, #tpu.memory_space<vmem>>) dst(%dma_wait3A_162 : memref<64x128xf32, #tpu.memory_space<hbm>>)
      tpu.yield
    }) : () -> ()
    %mul3A_113 = arith.constant 640 : i32
    %mul3A_114 = arith.muli %arg1, %mul3A_113 : i32
    %add3A_115 = arith.constant 384 : i32
    %add3A_116 = arith.addi %mul3A_114, %add3A_115 : i32
    "tpu.region"() ({
      %run_scoped3A = tpu.sem_alloc : memref<!tpu.dma_semaphore, #tpu.memory_space<semaphore_mem>>
      %dma_start3A = arith.constant 0 : i32
      %dma_start3A_157 = tpu.memref_slice %arg9[%add3A_116, %dma_start3A] : memref<10240x128xf32, #tpu.memory_space<vmem_shared>> -> memref<64x128xf32, #tpu.memory_space<vmem_shared>>
      %dma_start3A_158 = arith.constant 0 : i32
      %dma_start3A_159 = tpu.memref_slice %arg9[%add3A_116, %dma_start3A_158] : memref<10240x128xf32, #tpu.memory_space<vmem_shared>> -> memref<64x128xf32, #tpu.memory_space<vmem_shared>>
      tpu.enqueue_dma source(%dma_start3A_159 : memref<64x128xf32, #tpu.memory_space<vmem_shared>>) target(%arg8 : memref<64x128xf32, #tpu.memory_space<vmem>>) target_semaphore(%run_scoped3A : memref<!tpu.dma_semaphore, #tpu.memory_space<semaphore_mem>>)
      %dma_wait3A = arith.constant 0 : i32
      %dma_wait3A_160 = tpu.memref_slice %arg9[%add3A_116, %dma_wait3A] : memref<10240x128xf32, #tpu.memory_space<vmem_shared>> -> memref<64x128xf32, #tpu.memory_space<vmem_shared>>
      %dma_wait3A_161 = arith.constant 0 : i32
      %dma_wait3A_162 = tpu.memref_slice %arg9[%add3A_116, %dma_wait3A_161] : memref<10240x128xf32, #tpu.memory_space<vmem_shared>> -> memref<64x128xf32, #tpu.memory_space<vmem_shared>>
      tpu.wait_dma2 semaphore(%run_scoped3A : memref<!tpu.dma_semaphore, #tpu.memory_space<semaphore_mem>>) src(%dma_wait3A_162 : memref<64x128xf32, #tpu.memory_space<vmem_shared>>) dst(%arg8 : memref<64x128xf32, #tpu.memory_space<vmem>>)
      tpu.yield
    }) : () -> ()
    %mul3A_117 = arith.constant 10240 : i32
    %mul3A_118 = arith.muli %arg0, %mul3A_117 : i32
    %mul3A_119 = arith.constant 640 : i32
    %mul3A_120 = arith.muli %arg1, %mul3A_119 : i32
    %add3A_121 = arith.addi %mul3A_118, %mul3A_120 : i32
    %add3A_122 = arith.constant 384 : i32
    %add3A_123 = arith.addi %add3A_121, %add3A_122 : i32
    "tpu.region"() ({
      %run_scoped3A = tpu.sem_alloc : memref<!tpu.dma_semaphore, #tpu.memory_space<semaphore_mem>>
      %dma_start3A = arith.constant 0 : i32
      %dma_start3A_157 = tpu.memref_slice %arg5[%add3A_123, %dma_start3A] : memref<20480x128xf32, #tpu.memory_space<hbm>> -> memref<64x128xf32, #tpu.memory_space<hbm>>
      %dma_start3A_158 = arith.constant 0 : i32
      %dma_start3A_159 = tpu.memref_slice %arg5[%add3A_123, %dma_start3A_158] : memref<20480x128xf32, #tpu.memory_space<hbm>> -> memref<64x128xf32, #tpu.memory_space<hbm>>
      tpu.enqueue_dma source(%arg8 : memref<64x128xf32, #tpu.memory_space<vmem>>) target(%dma_start3A_159 : memref<64x128xf32, #tpu.memory_space<hbm>>) target_semaphore(%run_scoped3A : memref<!tpu.dma_semaphore, #tpu.memory_space<semaphore_mem>>)
      %dma_wait3A = arith.constant 0 : i32
      %dma_wait3A_160 = tpu.memref_slice %arg5[%add3A_123, %dma_wait3A] : memref<20480x128xf32, #tpu.memory_space<hbm>> -> memref<64x128xf32, #tpu.memory_space<hbm>>
      %dma_wait3A_161 = arith.constant 0 : i32
      %dma_wait3A_162 = tpu.memref_slice %arg5[%add3A_123, %dma_wait3A_161] : memref<20480x128xf32, #tpu.memory_space<hbm>> -> memref<64x128xf32, #tpu.memory_space<hbm>>
      tpu.wait_dma2 semaphore(%run_scoped3A : memref<!tpu.dma_semaphore, #tpu.memory_space<semaphore_mem>>) src(%arg8 : memref<64x128xf32, #tpu.memory_space<vmem>>) dst(%dma_wait3A_162 : memref<64x128xf32, #tpu.memory_space<hbm>>)
      tpu.yield
    }) : () -> ()
    %mul3A_124 = arith.constant 640 : i32
    %mul3A_125 = arith.muli %arg1, %mul3A_124 : i32
    %add3A_126 = arith.constant 448 : i32
    %add3A_127 = arith.addi %mul3A_125, %add3A_126 : i32
    "tpu.region"() ({
      %run_scoped3A = tpu.sem_alloc : memref<!tpu.dma_semaphore, #tpu.memory_space<semaphore_mem>>
      %dma_start3A = arith.constant 0 : i32
      %dma_start3A_157 = tpu.memref_slice %arg9[%add3A_127, %dma_start3A] : memref<10240x128xf32, #tpu.memory_space<vmem_shared>> -> memref<64x128xf32, #tpu.memory_space<vmem_shared>>
      %dma_start3A_158 = arith.constant 0 : i32
      %dma_start3A_159 = tpu.memref_slice %arg9[%add3A_127, %dma_start3A_158] : memref<10240x128xf32, #tpu.memory_space<vmem_shared>> -> memref<64x128xf32, #tpu.memory_space<vmem_shared>>
      tpu.enqueue_dma source(%dma_start3A_159 : memref<64x128xf32, #tpu.memory_space<vmem_shared>>) target(%arg8 : memref<64x128xf32, #tpu.memory_space<vmem>>) target_semaphore(%run_scoped3A : memref<!tpu.dma_semaphore, #tpu.memory_space<semaphore_mem>>)
      %dma_wait3A = arith.constant 0 : i32
      %dma_wait3A_160 = tpu.memref_slice %arg9[%add3A_127, %dma_wait3A] : memref<10240x128xf32, #tpu.memory_space<vmem_shared>> -> memref<64x128xf32, #tpu.memory_space<vmem_shared>>
      %dma_wait3A_161 = arith.constant 0 : i32
      %dma_wait3A_162 = tpu.memref_slice %arg9[%add3A_127, %dma_wait3A_161] : memref<10240x128xf32, #tpu.memory_space<vmem_shared>> -> memref<64x128xf32, #tpu.memory_space<vmem_shared>>
      tpu.wait_dma2 semaphore(%run_scoped3A : memref<!tpu.dma_semaphore, #tpu.memory_space<semaphore_mem>>) src(%dma_wait3A_162 : memref<64x128xf32, #tpu.memory_space<vmem_shared>>) dst(%arg8 : memref<64x128xf32, #tpu.memory_space<vmem>>)
      tpu.yield
    }) : () -> ()
    %mul3A_128 = arith.constant 10240 : i32
    %mul3A_129 = arith.muli %arg0, %mul3A_128 : i32
    %mul3A_130 = arith.constant 640 : i32
    %mul3A_131 = arith.muli %arg1, %mul3A_130 : i32
    %add3A_132 = arith.addi %mul3A_129, %mul3A_131 : i32
    %add3A_133 = arith.constant 448 : i32
    %add3A_134 = arith.addi %add3A_132, %add3A_133 : i32
    "tpu.region"() ({
      %run_scoped3A = tpu.sem_alloc : memref<!tpu.dma_semaphore, #tpu.memory_space<semaphore_mem>>
      %dma_start3A = arith.constant 0 : i32
      %dma_start3A_157 = tpu.memref_slice %arg5[%add3A_134, %dma_start3A] : memref<20480x128xf32, #tpu.memory_space<hbm>> -> memref<64x128xf32, #tpu.memory_space<hbm>>
      %dma_start3A_158 = arith.constant 0 : i32
      %dma_start3A_159 = tpu.memref_slice %arg5[%add3A_134, %dma_start3A_158] : memref<20480x128xf32, #tpu.memory_space<hbm>> -> memref<64x128xf32, #tpu.memory_space<hbm>>
      tpu.enqueue_dma source(%arg8 : memref<64x128xf32, #tpu.memory_space<vmem>>) target(%dma_start3A_159 : memref<64x128xf32, #tpu.memory_space<hbm>>) target_semaphore(%run_scoped3A : memref<!tpu.dma_semaphore, #tpu.memory_space<semaphore_mem>>)
      %dma_wait3A = arith.constant 0 : i32
      %dma_wait3A_160 = tpu.memref_slice %arg5[%add3A_134, %dma_wait3A] : memref<20480x128xf32, #tpu.memory_space<hbm>> -> memref<64x128xf32, #tpu.memory_space<hbm>>
      %dma_wait3A_161 = arith.constant 0 : i32
      %dma_wait3A_162 = tpu.memref_slice %arg5[%add3A_134, %dma_wait3A_161] : memref<20480x128xf32, #tpu.memory_space<hbm>> -> memref<64x128xf32, #tpu.memory_space<hbm>>
      tpu.wait_dma2 semaphore(%run_scoped3A : memref<!tpu.dma_semaphore, #tpu.memory_space<semaphore_mem>>) src(%arg8 : memref<64x128xf32, #tpu.memory_space<vmem>>) dst(%dma_wait3A_162 : memref<64x128xf32, #tpu.memory_space<hbm>>)
      tpu.yield
    }) : () -> ()
    %mul3A_135 = arith.constant 640 : i32
    %mul3A_136 = arith.muli %arg1, %mul3A_135 : i32
    %add3A_137 = arith.constant 512 : i32
    %add3A_138 = arith.addi %mul3A_136, %add3A_137 : i32
    "tpu.region"() ({
      %run_scoped3A = tpu.sem_alloc : memref<!tpu.dma_semaphore, #tpu.memory_space<semaphore_mem>>
      %dma_start3A = arith.constant 0 : i32
      %dma_start3A_157 = tpu.memref_slice %arg9[%add3A_138, %dma_start3A] : memref<10240x128xf32, #tpu.memory_space<vmem_shared>> -> memref<64x128xf32, #tpu.memory_space<vmem_shared>>
      %dma_start3A_158 = arith.constant 0 : i32
      %dma_start3A_159 = tpu.memref_slice %arg9[%add3A_138, %dma_start3A_158] : memref<10240x128xf32, #tpu.memory_space<vmem_shared>> -> memref<64x128xf32, #tpu.memory_space<vmem_shared>>
      tpu.enqueue_dma source(%dma_start3A_159 : memref<64x128xf32, #tpu.memory_space<vmem_shared>>) target(%arg8 : memref<64x128xf32, #tpu.memory_space<vmem>>) target_semaphore(%run_scoped3A : memref<!tpu.dma_semaphore, #tpu.memory_space<semaphore_mem>>)
      %dma_wait3A = arith.constant 0 : i32
      %dma_wait3A_160 = tpu.memref_slice %arg9[%add3A_138, %dma_wait3A] : memref<10240x128xf32, #tpu.memory_space<vmem_shared>> -> memref<64x128xf32, #tpu.memory_space<vmem_shared>>
      %dma_wait3A_161 = arith.constant 0 : i32
      %dma_wait3A_162 = tpu.memref_slice %arg9[%add3A_138, %dma_wait3A_161] : memref<10240x128xf32, #tpu.memory_space<vmem_shared>> -> memref<64x128xf32, #tpu.memory_space<vmem_shared>>
      tpu.wait_dma2 semaphore(%run_scoped3A : memref<!tpu.dma_semaphore, #tpu.memory_space<semaphore_mem>>) src(%dma_wait3A_162 : memref<64x128xf32, #tpu.memory_space<vmem_shared>>) dst(%arg8 : memref<64x128xf32, #tpu.memory_space<vmem>>)
      tpu.yield
    }) : () -> ()
    %mul3A_139 = arith.constant 10240 : i32
    %mul3A_140 = arith.muli %arg0, %mul3A_139 : i32
    %mul3A_141 = arith.constant 640 : i32
    %mul3A_142 = arith.muli %arg1, %mul3A_141 : i32
    %add3A_143 = arith.addi %mul3A_140, %mul3A_142 : i32
    %add3A_144 = arith.constant 512 : i32
    %add3A_145 = arith.addi %add3A_143, %add3A_144 : i32
    "tpu.region"() ({
      %run_scoped3A = tpu.sem_alloc : memref<!tpu.dma_semaphore, #tpu.memory_space<semaphore_mem>>
      %dma_start3A = arith.constant 0 : i32
      %dma_start3A_157 = tpu.memref_slice %arg5[%add3A_145, %dma_start3A] : memref<20480x128xf32, #tpu.memory_space<hbm>> -> memref<64x128xf32, #tpu.memory_space<hbm>>
      %dma_start3A_158 = arith.constant 0 : i32
      %dma_start3A_159 = tpu.memref_slice %arg5[%add3A_145, %dma_start3A_158] : memref<20480x128xf32, #tpu.memory_space<hbm>> -> memref<64x128xf32, #tpu.memory_space<hbm>>
      tpu.enqueue_dma source(%arg8 : memref<64x128xf32, #tpu.memory_space<vmem>>) target(%dma_start3A_159 : memref<64x128xf32, #tpu.memory_space<hbm>>) target_semaphore(%run_scoped3A : memref<!tpu.dma_semaphore, #tpu.memory_space<semaphore_mem>>)
      %dma_wait3A = arith.constant 0 : i32
      %dma_wait3A_160 = tpu.memref_slice %arg5[%add3A_145, %dma_wait3A] : memref<20480x128xf32, #tpu.memory_space<hbm>> -> memref<64x128xf32, #tpu.memory_space<hbm>>
      %dma_wait3A_161 = arith.constant 0 : i32
      %dma_wait3A_162 = tpu.memref_slice %arg5[%add3A_145, %dma_wait3A_161] : memref<20480x128xf32, #tpu.memory_space<hbm>> -> memref<64x128xf32, #tpu.memory_space<hbm>>
      tpu.wait_dma2 semaphore(%run_scoped3A : memref<!tpu.dma_semaphore, #tpu.memory_space<semaphore_mem>>) src(%arg8 : memref<64x128xf32, #tpu.memory_space<vmem>>) dst(%dma_wait3A_162 : memref<64x128xf32, #tpu.memory_space<hbm>>)
      tpu.yield
    }) : () -> ()
    %mul3A_146 = arith.constant 640 : i32
    %mul3A_147 = arith.muli %arg1, %mul3A_146 : i32
    %add3A_148 = arith.constant 576 : i32
    %add3A_149 = arith.addi %mul3A_147, %add3A_148 : i32
    "tpu.region"() ({
      %run_scoped3A = tpu.sem_alloc : memref<!tpu.dma_semaphore, #tpu.memory_space<semaphore_mem>>
      %dma_start3A = arith.constant 0 : i32
      %dma_start3A_157 = tpu.memref_slice %arg9[%add3A_149, %dma_start3A] : memref<10240x128xf32, #tpu.memory_space<vmem_shared>> -> memref<64x128xf32, #tpu.memory_space<vmem_shared>>
      %dma_start3A_158 = arith.constant 0 : i32
      %dma_start3A_159 = tpu.memref_slice %arg9[%add3A_149, %dma_start3A_158] : memref<10240x128xf32, #tpu.memory_space<vmem_shared>> -> memref<64x128xf32, #tpu.memory_space<vmem_shared>>
      tpu.enqueue_dma source(%dma_start3A_159 : memref<64x128xf32, #tpu.memory_space<vmem_shared>>) target(%arg8 : memref<64x128xf32, #tpu.memory_space<vmem>>) target_semaphore(%run_scoped3A : memref<!tpu.dma_semaphore, #tpu.memory_space<semaphore_mem>>)
      %dma_wait3A = arith.constant 0 : i32
      %dma_wait3A_160 = tpu.memref_slice %arg9[%add3A_149, %dma_wait3A] : memref<10240x128xf32, #tpu.memory_space<vmem_shared>> -> memref<64x128xf32, #tpu.memory_space<vmem_shared>>
      %dma_wait3A_161 = arith.constant 0 : i32
      %dma_wait3A_162 = tpu.memref_slice %arg9[%add3A_149, %dma_wait3A_161] : memref<10240x128xf32, #tpu.memory_space<vmem_shared>> -> memref<64x128xf32, #tpu.memory_space<vmem_shared>>
      tpu.wait_dma2 semaphore(%run_scoped3A : memref<!tpu.dma_semaphore, #tpu.memory_space<semaphore_mem>>) src(%dma_wait3A_162 : memref<64x128xf32, #tpu.memory_space<vmem_shared>>) dst(%arg8 : memref<64x128xf32, #tpu.memory_space<vmem>>)
      tpu.yield
    }) : () -> ()
    %mul3A_150 = arith.constant 10240 : i32
    %mul3A_151 = arith.muli %arg0, %mul3A_150 : i32
    %mul3A_152 = arith.constant 640 : i32
    %mul3A_153 = arith.muli %arg1, %mul3A_152 : i32
    %add3A_154 = arith.addi %mul3A_151, %mul3A_153 : i32
    %add3A_155 = arith.constant 576 : i32
    %add3A_156 = arith.addi %add3A_154, %add3A_155 : i32
    "tpu.region"() ({
      %run_scoped3A = tpu.sem_alloc : memref<!tpu.dma_semaphore, #tpu.memory_space<semaphore_mem>>
      %dma_start3A = arith.constant 0 : i32
      %dma_start3A_157 = tpu.memref_slice %arg5[%add3A_156, %dma_start3A] : memref<20480x128xf32, #tpu.memory_space<hbm>> -> memref<64x128xf32, #tpu.memory_space<hbm>>
      %dma_start3A_158 = arith.constant 0 : i32
      %dma_start3A_159 = tpu.memref_slice %arg5[%add3A_156, %dma_start3A_158] : memref<20480x128xf32, #tpu.memory_space<hbm>> -> memref<64x128xf32, #tpu.memory_space<hbm>>
      tpu.enqueue_dma source(%arg8 : memref<64x128xf32, #tpu.memory_space<vmem>>) target(%dma_start3A_159 : memref<64x128xf32, #tpu.memory_space<hbm>>) target_semaphore(%run_scoped3A : memref<!tpu.dma_semaphore, #tpu.memory_space<semaphore_mem>>)
      %dma_wait3A = arith.constant 0 : i32
      %dma_wait3A_160 = tpu.memref_slice %arg5[%add3A_156, %dma_wait3A] : memref<20480x128xf32, #tpu.memory_space<hbm>> -> memref<64x128xf32, #tpu.memory_space<hbm>>
      %dma_wait3A_161 = arith.constant 0 : i32
      %dma_wait3A_162 = tpu.memref_slice %arg5[%add3A_156, %dma_wait3A_161] : memref<20480x128xf32, #tpu.memory_space<hbm>> -> memref<64x128xf32, #tpu.memory_space<hbm>>
      tpu.wait_dma2 semaphore(%run_scoped3A : memref<!tpu.dma_semaphore, #tpu.memory_space<semaphore_mem>>) src(%arg8 : memref<64x128xf32, #tpu.memory_space<vmem>>) dst(%dma_wait3A_162 : memref<64x128xf32, #tpu.memory_space<hbm>>)
      tpu.yield
    }) : () -> ()
    return
  }
}

#map = affine_map<(d0, d1) -> (0, 0)>
#map1 = affine_map<(d0, d1) -> (0, 0, 0, 0, 0)>
#map2 = affine_map<(d0, d1) -> (0, 0, 0, 0)>
module attributes {stable_mosaic.version = 14 : i64} {
  func.func @k(%arg0: i32, %arg1: i32, %arg2: memref<20000x128xf32, #tpu.memory_space<hbm>>, %arg3: memref<2x16x5x50x80xi32, #tpu.memory_space<hbm>>, %arg4: memref<16x5x50x80xi32, #tpu.memory_space<hbm>>, %arg5: memref<64x128xf32, #tpu.memory_space<hbm>>, %arg6: memref<20480x128xf32, #tpu.memory_space<hbm>>, %arg7: memref<50x80xi32, #tpu.memory_space<vmem>>, %arg8: memref<50x80xi32, #tpu.memory_space<vmem>>, %arg9: memref<80x128xf32, #tpu.memory_space<vmem>>, %arg10: memref<80x128xf32, #tpu.memory_space<vmem>>, %arg11: memref<64x128xf32, #tpu.memory_space<vmem>>, %arg12: memref<10240x128xf32, #tpu.memory_space<vmem_shared>>, %arg13: memref<!tpu.dma_semaphore, #tpu.memory_space<semaphore_mem>>, %arg14: memref<!tpu.dma_semaphore, #tpu.memory_space<semaphore_mem>>) attributes {dimension_semantics = [#tpu.dimension_semantics<core_parallel>, #tpu.dimension_semantics<subcore_parallel>], iteration_bounds = array<i64: 2, 16>, scalar_prefetch = 0 : i64, scratch_operands = 8 : i64, tpu.core_type = #tpu.core_type<sc_vector_subcore>, window_params = [{transform_indices = #map}, {transform_indices = #map1}, {transform_indices = #map2}, {transform_indices = #map}, {transform_indices = #map}]} {
    "tpu.region"() ({
      %run_scoped3A = tpu.sem_alloc : memref<!tpu.dma_semaphore, #tpu.memory_space<semaphore_mem>>
      tpu.enqueue_dma source(%arg5 : memref<64x128xf32, #tpu.memory_space<hbm>>) target(%arg11 : memref<64x128xf32, #tpu.memory_space<vmem>>) target_semaphore(%run_scoped3A : memref<!tpu.dma_semaphore, #tpu.memory_space<semaphore_mem>>)
      tpu.wait_dma2 semaphore(%run_scoped3A : memref<!tpu.dma_semaphore, #tpu.memory_space<semaphore_mem>>) src(%arg5 : memref<64x128xf32, #tpu.memory_space<hbm>>) dst(%arg11 : memref<64x128xf32, #tpu.memory_space<vmem>>)
      tpu.yield
    }) : () -> ()
    %mul3A = arith.constant 640 : i32
    %mul3A_0 = arith.muli %arg1, %mul3A : i32
    %add3A = arith.constant 0 : i32
    %add3A_1 = arith.addi %mul3A_0, %add3A : i32
    "tpu.region"() ({
      %run_scoped3A = tpu.sem_alloc : memref<!tpu.dma_semaphore, #tpu.memory_space<semaphore_mem>>
      %dma_start3A = arith.constant 0 : i32
      %dma_start3A_154 = tpu.memref_slice %arg12[%add3A_1, %dma_start3A] : memref<10240x128xf32, #tpu.memory_space<vmem_shared>> -> memref<64x128xf32, #tpu.memory_space<vmem_shared>>
      %dma_start3A_155 = arith.constant 0 : i32
      %dma_start3A_156 = tpu.memref_slice %arg12[%add3A_1, %dma_start3A_155] : memref<10240x128xf32, #tpu.memory_space<vmem_shared>> -> memref<64x128xf32, #tpu.memory_space<vmem_shared>>
      tpu.enqueue_dma source(%arg11 : memref<64x128xf32, #tpu.memory_space<vmem>>) target(%dma_start3A_156 : memref<64x128xf32, #tpu.memory_space<vmem_shared>>) target_semaphore(%run_scoped3A : memref<!tpu.dma_semaphore, #tpu.memory_space<semaphore_mem>>)
      %dma_wait3A = arith.constant 0 : i32
      %dma_wait3A_157 = tpu.memref_slice %arg12[%add3A_1, %dma_wait3A] : memref<10240x128xf32, #tpu.memory_space<vmem_shared>> -> memref<64x128xf32, #tpu.memory_space<vmem_shared>>
      %dma_wait3A_158 = arith.constant 0 : i32
      %dma_wait3A_159 = tpu.memref_slice %arg12[%add3A_1, %dma_wait3A_158] : memref<10240x128xf32, #tpu.memory_space<vmem_shared>> -> memref<64x128xf32, #tpu.memory_space<vmem_shared>>
      tpu.wait_dma2 semaphore(%run_scoped3A : memref<!tpu.dma_semaphore, #tpu.memory_space<semaphore_mem>>) src(%arg11 : memref<64x128xf32, #tpu.memory_space<vmem>>) dst(%dma_wait3A_159 : memref<64x128xf32, #tpu.memory_space<vmem_shared>>)
      tpu.yield
    }) : () -> ()
    %mul3A_2 = arith.constant 640 : i32
    %mul3A_3 = arith.muli %arg1, %mul3A_2 : i32
    %add3A_4 = arith.constant 64 : i32
    %add3A_5 = arith.addi %mul3A_3, %add3A_4 : i32
    "tpu.region"() ({
      %run_scoped3A = tpu.sem_alloc : memref<!tpu.dma_semaphore, #tpu.memory_space<semaphore_mem>>
      %dma_start3A = arith.constant 0 : i32
      %dma_start3A_154 = tpu.memref_slice %arg12[%add3A_5, %dma_start3A] : memref<10240x128xf32, #tpu.memory_space<vmem_shared>> -> memref<64x128xf32, #tpu.memory_space<vmem_shared>>
      %dma_start3A_155 = arith.constant 0 : i32
      %dma_start3A_156 = tpu.memref_slice %arg12[%add3A_5, %dma_start3A_155] : memref<10240x128xf32, #tpu.memory_space<vmem_shared>> -> memref<64x128xf32, #tpu.memory_space<vmem_shared>>
      tpu.enqueue_dma source(%arg11 : memref<64x128xf32, #tpu.memory_space<vmem>>) target(%dma_start3A_156 : memref<64x128xf32, #tpu.memory_space<vmem_shared>>) target_semaphore(%run_scoped3A : memref<!tpu.dma_semaphore, #tpu.memory_space<semaphore_mem>>)
      %dma_wait3A = arith.constant 0 : i32
      %dma_wait3A_157 = tpu.memref_slice %arg12[%add3A_5, %dma_wait3A] : memref<10240x128xf32, #tpu.memory_space<vmem_shared>> -> memref<64x128xf32, #tpu.memory_space<vmem_shared>>
      %dma_wait3A_158 = arith.constant 0 : i32
      %dma_wait3A_159 = tpu.memref_slice %arg12[%add3A_5, %dma_wait3A_158] : memref<10240x128xf32, #tpu.memory_space<vmem_shared>> -> memref<64x128xf32, #tpu.memory_space<vmem_shared>>
      tpu.wait_dma2 semaphore(%run_scoped3A : memref<!tpu.dma_semaphore, #tpu.memory_space<semaphore_mem>>) src(%arg11 : memref<64x128xf32, #tpu.memory_space<vmem>>) dst(%dma_wait3A_159 : memref<64x128xf32, #tpu.memory_space<vmem_shared>>)
      tpu.yield
    }) : () -> ()
    %mul3A_6 = arith.constant 640 : i32
    %mul3A_7 = arith.muli %arg1, %mul3A_6 : i32
    %add3A_8 = arith.constant 128 : i32
    %add3A_9 = arith.addi %mul3A_7, %add3A_8 : i32
    "tpu.region"() ({
      %run_scoped3A = tpu.sem_alloc : memref<!tpu.dma_semaphore, #tpu.memory_space<semaphore_mem>>
      %dma_start3A = arith.constant 0 : i32
      %dma_start3A_154 = tpu.memref_slice %arg12[%add3A_9, %dma_start3A] : memref<10240x128xf32, #tpu.memory_space<vmem_shared>> -> memref<64x128xf32, #tpu.memory_space<vmem_shared>>
      %dma_start3A_155 = arith.constant 0 : i32
      %dma_start3A_156 = tpu.memref_slice %arg12[%add3A_9, %dma_start3A_155] : memref<10240x128xf32, #tpu.memory_space<vmem_shared>> -> memref<64x128xf32, #tpu.memory_space<vmem_shared>>
      tpu.enqueue_dma source(%arg11 : memref<64x128xf32, #tpu.memory_space<vmem>>) target(%dma_start3A_156 : memref<64x128xf32, #tpu.memory_space<vmem_shared>>) target_semaphore(%run_scoped3A : memref<!tpu.dma_semaphore, #tpu.memory_space<semaphore_mem>>)
      %dma_wait3A = arith.constant 0 : i32
      %dma_wait3A_157 = tpu.memref_slice %arg12[%add3A_9, %dma_wait3A] : memref<10240x128xf32, #tpu.memory_space<vmem_shared>> -> memref<64x128xf32, #tpu.memory_space<vmem_shared>>
      %dma_wait3A_158 = arith.constant 0 : i32
      %dma_wait3A_159 = tpu.memref_slice %arg12[%add3A_9, %dma_wait3A_158] : memref<10240x128xf32, #tpu.memory_space<vmem_shared>> -> memref<64x128xf32, #tpu.memory_space<vmem_shared>>
      tpu.wait_dma2 semaphore(%run_scoped3A : memref<!tpu.dma_semaphore, #tpu.memory_space<semaphore_mem>>) src(%arg11 : memref<64x128xf32, #tpu.memory_space<vmem>>) dst(%dma_wait3A_159 : memref<64x128xf32, #tpu.memory_space<vmem_shared>>)
      tpu.yield
    }) : () -> ()
    %mul3A_10 = arith.constant 640 : i32
    %mul3A_11 = arith.muli %arg1, %mul3A_10 : i32
    %add3A_12 = arith.constant 192 : i32
    %add3A_13 = arith.addi %mul3A_11, %add3A_12 : i32
    "tpu.region"() ({
      %run_scoped3A = tpu.sem_alloc : memref<!tpu.dma_semaphore, #tpu.memory_space<semaphore_mem>>
      %dma_start3A = arith.constant 0 : i32
      %dma_start3A_154 = tpu.memref_slice %arg12[%add3A_13, %dma_start3A] : memref<10240x128xf32, #tpu.memory_space<vmem_shared>> -> memref<64x128xf32, #tpu.memory_space<vmem_shared>>
      %dma_start3A_155 = arith.constant 0 : i32
      %dma_start3A_156 = tpu.memref_slice %arg12[%add3A_13, %dma_start3A_155] : memref<10240x128xf32, #tpu.memory_space<vmem_shared>> -> memref<64x128xf32, #tpu.memory_space<vmem_shared>>
      tpu.enqueue_dma source(%arg11 : memref<64x128xf32, #tpu.memory_space<vmem>>) target(%dma_start3A_156 : memref<64x128xf32, #tpu.memory_space<vmem_shared>>) target_semaphore(%run_scoped3A : memref<!tpu.dma_semaphore, #tpu.memory_space<semaphore_mem>>)
      %dma_wait3A = arith.constant 0 : i32
      %dma_wait3A_157 = tpu.memref_slice %arg12[%add3A_13, %dma_wait3A] : memref<10240x128xf32, #tpu.memory_space<vmem_shared>> -> memref<64x128xf32, #tpu.memory_space<vmem_shared>>
      %dma_wait3A_158 = arith.constant 0 : i32
      %dma_wait3A_159 = tpu.memref_slice %arg12[%add3A_13, %dma_wait3A_158] : memref<10240x128xf32, #tpu.memory_space<vmem_shared>> -> memref<64x128xf32, #tpu.memory_space<vmem_shared>>
      tpu.wait_dma2 semaphore(%run_scoped3A : memref<!tpu.dma_semaphore, #tpu.memory_space<semaphore_mem>>) src(%arg11 : memref<64x128xf32, #tpu.memory_space<vmem>>) dst(%dma_wait3A_159 : memref<64x128xf32, #tpu.memory_space<vmem_shared>>)
      tpu.yield
    }) : () -> ()
    %mul3A_14 = arith.constant 640 : i32
    %mul3A_15 = arith.muli %arg1, %mul3A_14 : i32
    %add3A_16 = arith.constant 256 : i32
    %add3A_17 = arith.addi %mul3A_15, %add3A_16 : i32
    "tpu.region"() ({
      %run_scoped3A = tpu.sem_alloc : memref<!tpu.dma_semaphore, #tpu.memory_space<semaphore_mem>>
      %dma_start3A = arith.constant 0 : i32
      %dma_start3A_154 = tpu.memref_slice %arg12[%add3A_17, %dma_start3A] : memref<10240x128xf32, #tpu.memory_space<vmem_shared>> -> memref<64x128xf32, #tpu.memory_space<vmem_shared>>
      %dma_start3A_155 = arith.constant 0 : i32
      %dma_start3A_156 = tpu.memref_slice %arg12[%add3A_17, %dma_start3A_155] : memref<10240x128xf32, #tpu.memory_space<vmem_shared>> -> memref<64x128xf32, #tpu.memory_space<vmem_shared>>
      tpu.enqueue_dma source(%arg11 : memref<64x128xf32, #tpu.memory_space<vmem>>) target(%dma_start3A_156 : memref<64x128xf32, #tpu.memory_space<vmem_shared>>) target_semaphore(%run_scoped3A : memref<!tpu.dma_semaphore, #tpu.memory_space<semaphore_mem>>)
      %dma_wait3A = arith.constant 0 : i32
      %dma_wait3A_157 = tpu.memref_slice %arg12[%add3A_17, %dma_wait3A] : memref<10240x128xf32, #tpu.memory_space<vmem_shared>> -> memref<64x128xf32, #tpu.memory_space<vmem_shared>>
      %dma_wait3A_158 = arith.constant 0 : i32
      %dma_wait3A_159 = tpu.memref_slice %arg12[%add3A_17, %dma_wait3A_158] : memref<10240x128xf32, #tpu.memory_space<vmem_shared>> -> memref<64x128xf32, #tpu.memory_space<vmem_shared>>
      tpu.wait_dma2 semaphore(%run_scoped3A : memref<!tpu.dma_semaphore, #tpu.memory_space<semaphore_mem>>) src(%arg11 : memref<64x128xf32, #tpu.memory_space<vmem>>) dst(%dma_wait3A_159 : memref<64x128xf32, #tpu.memory_space<vmem_shared>>)
      tpu.yield
    }) : () -> ()
    %mul3A_18 = arith.constant 640 : i32
    %mul3A_19 = arith.muli %arg1, %mul3A_18 : i32
    %add3A_20 = arith.constant 320 : i32
    %add3A_21 = arith.addi %mul3A_19, %add3A_20 : i32
    "tpu.region"() ({
      %run_scoped3A = tpu.sem_alloc : memref<!tpu.dma_semaphore, #tpu.memory_space<semaphore_mem>>
      %dma_start3A = arith.constant 0 : i32
      %dma_start3A_154 = tpu.memref_slice %arg12[%add3A_21, %dma_start3A] : memref<10240x128xf32, #tpu.memory_space<vmem_shared>> -> memref<64x128xf32, #tpu.memory_space<vmem_shared>>
      %dma_start3A_155 = arith.constant 0 : i32
      %dma_start3A_156 = tpu.memref_slice %arg12[%add3A_21, %dma_start3A_155] : memref<10240x128xf32, #tpu.memory_space<vmem_shared>> -> memref<64x128xf32, #tpu.memory_space<vmem_shared>>
      tpu.enqueue_dma source(%arg11 : memref<64x128xf32, #tpu.memory_space<vmem>>) target(%dma_start3A_156 : memref<64x128xf32, #tpu.memory_space<vmem_shared>>) target_semaphore(%run_scoped3A : memref<!tpu.dma_semaphore, #tpu.memory_space<semaphore_mem>>)
      %dma_wait3A = arith.constant 0 : i32
      %dma_wait3A_157 = tpu.memref_slice %arg12[%add3A_21, %dma_wait3A] : memref<10240x128xf32, #tpu.memory_space<vmem_shared>> -> memref<64x128xf32, #tpu.memory_space<vmem_shared>>
      %dma_wait3A_158 = arith.constant 0 : i32
      %dma_wait3A_159 = tpu.memref_slice %arg12[%add3A_21, %dma_wait3A_158] : memref<10240x128xf32, #tpu.memory_space<vmem_shared>> -> memref<64x128xf32, #tpu.memory_space<vmem_shared>>
      tpu.wait_dma2 semaphore(%run_scoped3A : memref<!tpu.dma_semaphore, #tpu.memory_space<semaphore_mem>>) src(%arg11 : memref<64x128xf32, #tpu.memory_space<vmem>>) dst(%dma_wait3A_159 : memref<64x128xf32, #tpu.memory_space<vmem_shared>>)
      tpu.yield
    }) : () -> ()
    %mul3A_22 = arith.constant 640 : i32
    %mul3A_23 = arith.muli %arg1, %mul3A_22 : i32
    %add3A_24 = arith.constant 384 : i32
    %add3A_25 = arith.addi %mul3A_23, %add3A_24 : i32
    "tpu.region"() ({
      %run_scoped3A = tpu.sem_alloc : memref<!tpu.dma_semaphore, #tpu.memory_space<semaphore_mem>>
      %dma_start3A = arith.constant 0 : i32
      %dma_start3A_154 = tpu.memref_slice %arg12[%add3A_25, %dma_start3A] : memref<10240x128xf32, #tpu.memory_space<vmem_shared>> -> memref<64x128xf32, #tpu.memory_space<vmem_shared>>
      %dma_start3A_155 = arith.constant 0 : i32
      %dma_start3A_156 = tpu.memref_slice %arg12[%add3A_25, %dma_start3A_155] : memref<10240x128xf32, #tpu.memory_space<vmem_shared>> -> memref<64x128xf32, #tpu.memory_space<vmem_shared>>
      tpu.enqueue_dma source(%arg11 : memref<64x128xf32, #tpu.memory_space<vmem>>) target(%dma_start3A_156 : memref<64x128xf32, #tpu.memory_space<vmem_shared>>) target_semaphore(%run_scoped3A : memref<!tpu.dma_semaphore, #tpu.memory_space<semaphore_mem>>)
      %dma_wait3A = arith.constant 0 : i32
      %dma_wait3A_157 = tpu.memref_slice %arg12[%add3A_25, %dma_wait3A] : memref<10240x128xf32, #tpu.memory_space<vmem_shared>> -> memref<64x128xf32, #tpu.memory_space<vmem_shared>>
      %dma_wait3A_158 = arith.constant 0 : i32
      %dma_wait3A_159 = tpu.memref_slice %arg12[%add3A_25, %dma_wait3A_158] : memref<10240x128xf32, #tpu.memory_space<vmem_shared>> -> memref<64x128xf32, #tpu.memory_space<vmem_shared>>
      tpu.wait_dma2 semaphore(%run_scoped3A : memref<!tpu.dma_semaphore, #tpu.memory_space<semaphore_mem>>) src(%arg11 : memref<64x128xf32, #tpu.memory_space<vmem>>) dst(%dma_wait3A_159 : memref<64x128xf32, #tpu.memory_space<vmem_shared>>)
      tpu.yield
    }) : () -> ()
    %mul3A_26 = arith.constant 640 : i32
    %mul3A_27 = arith.muli %arg1, %mul3A_26 : i32
    %add3A_28 = arith.constant 448 : i32
    %add3A_29 = arith.addi %mul3A_27, %add3A_28 : i32
    "tpu.region"() ({
      %run_scoped3A = tpu.sem_alloc : memref<!tpu.dma_semaphore, #tpu.memory_space<semaphore_mem>>
      %dma_start3A = arith.constant 0 : i32
      %dma_start3A_154 = tpu.memref_slice %arg12[%add3A_29, %dma_start3A] : memref<10240x128xf32, #tpu.memory_space<vmem_shared>> -> memref<64x128xf32, #tpu.memory_space<vmem_shared>>
      %dma_start3A_155 = arith.constant 0 : i32
      %dma_start3A_156 = tpu.memref_slice %arg12[%add3A_29, %dma_start3A_155] : memref<10240x128xf32, #tpu.memory_space<vmem_shared>> -> memref<64x128xf32, #tpu.memory_space<vmem_shared>>
      tpu.enqueue_dma source(%arg11 : memref<64x128xf32, #tpu.memory_space<vmem>>) target(%dma_start3A_156 : memref<64x128xf32, #tpu.memory_space<vmem_shared>>) target_semaphore(%run_scoped3A : memref<!tpu.dma_semaphore, #tpu.memory_space<semaphore_mem>>)
      %dma_wait3A = arith.constant 0 : i32
      %dma_wait3A_157 = tpu.memref_slice %arg12[%add3A_29, %dma_wait3A] : memref<10240x128xf32, #tpu.memory_space<vmem_shared>> -> memref<64x128xf32, #tpu.memory_space<vmem_shared>>
      %dma_wait3A_158 = arith.constant 0 : i32
      %dma_wait3A_159 = tpu.memref_slice %arg12[%add3A_29, %dma_wait3A_158] : memref<10240x128xf32, #tpu.memory_space<vmem_shared>> -> memref<64x128xf32, #tpu.memory_space<vmem_shared>>
      tpu.wait_dma2 semaphore(%run_scoped3A : memref<!tpu.dma_semaphore, #tpu.memory_space<semaphore_mem>>) src(%arg11 : memref<64x128xf32, #tpu.memory_space<vmem>>) dst(%dma_wait3A_159 : memref<64x128xf32, #tpu.memory_space<vmem_shared>>)
      tpu.yield
    }) : () -> ()
    %mul3A_30 = arith.constant 640 : i32
    %mul3A_31 = arith.muli %arg1, %mul3A_30 : i32
    %add3A_32 = arith.constant 512 : i32
    %add3A_33 = arith.addi %mul3A_31, %add3A_32 : i32
    "tpu.region"() ({
      %run_scoped3A = tpu.sem_alloc : memref<!tpu.dma_semaphore, #tpu.memory_space<semaphore_mem>>
      %dma_start3A = arith.constant 0 : i32
      %dma_start3A_154 = tpu.memref_slice %arg12[%add3A_33, %dma_start3A] : memref<10240x128xf32, #tpu.memory_space<vmem_shared>> -> memref<64x128xf32, #tpu.memory_space<vmem_shared>>
      %dma_start3A_155 = arith.constant 0 : i32
      %dma_start3A_156 = tpu.memref_slice %arg12[%add3A_33, %dma_start3A_155] : memref<10240x128xf32, #tpu.memory_space<vmem_shared>> -> memref<64x128xf32, #tpu.memory_space<vmem_shared>>
      tpu.enqueue_dma source(%arg11 : memref<64x128xf32, #tpu.memory_space<vmem>>) target(%dma_start3A_156 : memref<64x128xf32, #tpu.memory_space<vmem_shared>>) target_semaphore(%run_scoped3A : memref<!tpu.dma_semaphore, #tpu.memory_space<semaphore_mem>>)
      %dma_wait3A = arith.constant 0 : i32
      %dma_wait3A_157 = tpu.memref_slice %arg12[%add3A_33, %dma_wait3A] : memref<10240x128xf32, #tpu.memory_space<vmem_shared>> -> memref<64x128xf32, #tpu.memory_space<vmem_shared>>
      %dma_wait3A_158 = arith.constant 0 : i32
      %dma_wait3A_159 = tpu.memref_slice %arg12[%add3A_33, %dma_wait3A_158] : memref<10240x128xf32, #tpu.memory_space<vmem_shared>> -> memref<64x128xf32, #tpu.memory_space<vmem_shared>>
      tpu.wait_dma2 semaphore(%run_scoped3A : memref<!tpu.dma_semaphore, #tpu.memory_space<semaphore_mem>>) src(%arg11 : memref<64x128xf32, #tpu.memory_space<vmem>>) dst(%dma_wait3A_159 : memref<64x128xf32, #tpu.memory_space<vmem_shared>>)
      tpu.yield
    }) : () -> ()
    %mul3A_34 = arith.constant 640 : i32
    %mul3A_35 = arith.muli %arg1, %mul3A_34 : i32
    %add3A_36 = arith.constant 576 : i32
    %add3A_37 = arith.addi %mul3A_35, %add3A_36 : i32
    "tpu.region"() ({
      %run_scoped3A = tpu.sem_alloc : memref<!tpu.dma_semaphore, #tpu.memory_space<semaphore_mem>>
      %dma_start3A = arith.constant 0 : i32
      %dma_start3A_154 = tpu.memref_slice %arg12[%add3A_37, %dma_start3A] : memref<10240x128xf32, #tpu.memory_space<vmem_shared>> -> memref<64x128xf32, #tpu.memory_space<vmem_shared>>
      %dma_start3A_155 = arith.constant 0 : i32
      %dma_start3A_156 = tpu.memref_slice %arg12[%add3A_37, %dma_start3A_155] : memref<10240x128xf32, #tpu.memory_space<vmem_shared>> -> memref<64x128xf32, #tpu.memory_space<vmem_shared>>
      tpu.enqueue_dma source(%arg11 : memref<64x128xf32, #tpu.memory_space<vmem>>) target(%dma_start3A_156 : memref<64x128xf32, #tpu.memory_space<vmem_shared>>) target_semaphore(%run_scoped3A : memref<!tpu.dma_semaphore, #tpu.memory_space<semaphore_mem>>)
      %dma_wait3A = arith.constant 0 : i32
      %dma_wait3A_157 = tpu.memref_slice %arg12[%add3A_37, %dma_wait3A] : memref<10240x128xf32, #tpu.memory_space<vmem_shared>> -> memref<64x128xf32, #tpu.memory_space<vmem_shared>>
      %dma_wait3A_158 = arith.constant 0 : i32
      %dma_wait3A_159 = tpu.memref_slice %arg12[%add3A_37, %dma_wait3A_158] : memref<10240x128xf32, #tpu.memory_space<vmem_shared>> -> memref<64x128xf32, #tpu.memory_space<vmem_shared>>
      tpu.wait_dma2 semaphore(%run_scoped3A : memref<!tpu.dma_semaphore, #tpu.memory_space<semaphore_mem>>) src(%arg11 : memref<64x128xf32, #tpu.memory_space<vmem>>) dst(%dma_wait3A_159 : memref<64x128xf32, #tpu.memory_space<vmem_shared>>)
      tpu.yield
    }) : () -> ()
    %barrier3A = arith.constant 0 : index
    tpu.barrier barrier_id(%barrier3A)
    %scan3A = arith.constant 0 : i32
    %scan3A_38 = arith.constant 0 : i32
    %scan3A_39 = arith.constant 5 : i32
    %scan3A_40 = arith.addi %scan3A_38, %scan3A_39 : i32
    %scan3A_41 = arith.constant 1 : i32
    scf.for %scan3A_154 = %scan3A_38 to %scan3A_40 step %scan3A_41  : i32 {
      "tpu.region"() ({
        %run_scoped3A = tpu.sem_alloc : memref<!tpu.dma_semaphore, #tpu.memory_space<semaphore_mem>>
        %dma_start3A_167 = arith.constant 0 : i32
        %dma_start3A_168 = arith.constant 0 : i32
        %dma_start3A_169 = tpu.memref_slice %arg3[%arg0, %arg1, %scan3A_154, %dma_start3A_167, %dma_start3A_168] : memref<2x16x5x50x80xi32, #tpu.memory_space<hbm>> -> memref<1x1x1x50x80xi32, #tpu.memory_space<hbm>>
        %dma_start3A_170 = tpu.memref_squeeze %dma_start3A_169 : memref<1x1x1x50x80xi32, #tpu.memory_space<hbm>> -> memref<50x80xi32, #tpu.memory_space<hbm>>
        %dma_start3A_171 = arith.constant 0 : i32
        %dma_start3A_172 = arith.constant 0 : i32
        %dma_start3A_173 = tpu.memref_slice %arg3[%arg0, %arg1, %scan3A_154, %dma_start3A_171, %dma_start3A_172] : memref<2x16x5x50x80xi32, #tpu.memory_space<hbm>> -> memref<1x1x1x50x80xi32, #tpu.memory_space<hbm>>
        %dma_start3A_174 = tpu.memref_squeeze %dma_start3A_173 : memref<1x1x1x50x80xi32, #tpu.memory_space<hbm>> -> memref<50x80xi32, #tpu.memory_space<hbm>>
        tpu.enqueue_dma source(%dma_start3A_174 : memref<50x80xi32, #tpu.memory_space<hbm>>) target(%arg7 : memref<50x80xi32, #tpu.memory_space<vmem>>) target_semaphore(%run_scoped3A : memref<!tpu.dma_semaphore, #tpu.memory_space<semaphore_mem>>)
        %dma_wait3A = arith.constant 0 : i32
        %dma_wait3A_175 = arith.constant 0 : i32
        %dma_wait3A_176 = tpu.memref_slice %arg3[%arg0, %arg1, %scan3A_154, %dma_wait3A, %dma_wait3A_175] : memref<2x16x5x50x80xi32, #tpu.memory_space<hbm>> -> memref<1x1x1x50x80xi32, #tpu.memory_space<hbm>>
        %dma_wait3A_177 = tpu.memref_squeeze %dma_wait3A_176 : memref<1x1x1x50x80xi32, #tpu.memory_space<hbm>> -> memref<50x80xi32, #tpu.memory_space<hbm>>
        %dma_wait3A_178 = arith.constant 0 : i32
        %dma_wait3A_179 = arith.constant 0 : i32
        %dma_wait3A_180 = tpu.memref_slice %arg3[%arg0, %arg1, %scan3A_154, %dma_wait3A_178, %dma_wait3A_179] : memref<2x16x5x50x80xi32, #tpu.memory_space<hbm>> -> memref<1x1x1x50x80xi32, #tpu.memory_space<hbm>>
        %dma_wait3A_181 = tpu.memref_squeeze %dma_wait3A_180 : memref<1x1x1x50x80xi32, #tpu.memory_space<hbm>> -> memref<50x80xi32, #tpu.memory_space<hbm>>
        tpu.wait_dma2 semaphore(%run_scoped3A : memref<!tpu.dma_semaphore, #tpu.memory_space<semaphore_mem>>) src(%dma_wait3A_181 : memref<50x80xi32, #tpu.memory_space<hbm>>) dst(%arg7 : memref<50x80xi32, #tpu.memory_space<vmem>>)
        tpu.yield
      }) : () -> ()
      "tpu.region"() ({
        %run_scoped3A = tpu.sem_alloc : memref<!tpu.dma_semaphore, #tpu.memory_space<semaphore_mem>>
        %dma_start3A_167 = arith.constant 0 : i32
        %dma_start3A_168 = arith.constant 0 : i32
        %dma_start3A_169 = tpu.memref_slice %arg4[%arg1, %scan3A_154, %dma_start3A_167, %dma_start3A_168] : memref<16x5x50x80xi32, #tpu.memory_space<hbm>> -> memref<1x1x50x80xi32, #tpu.memory_space<hbm>>
        %dma_start3A_170 = tpu.memref_squeeze %dma_start3A_169 : memref<1x1x50x80xi32, #tpu.memory_space<hbm>> -> memref<50x80xi32, #tpu.memory_space<hbm>>
        %dma_start3A_171 = arith.constant 0 : i32
        %dma_start3A_172 = arith.constant 0 : i32
        %dma_start3A_173 = tpu.memref_slice %arg4[%arg1, %scan3A_154, %dma_start3A_171, %dma_start3A_172] : memref<16x5x50x80xi32, #tpu.memory_space<hbm>> -> memref<1x1x50x80xi32, #tpu.memory_space<hbm>>
        %dma_start3A_174 = tpu.memref_squeeze %dma_start3A_173 : memref<1x1x50x80xi32, #tpu.memory_space<hbm>> -> memref<50x80xi32, #tpu.memory_space<hbm>>
        tpu.enqueue_dma source(%dma_start3A_174 : memref<50x80xi32, #tpu.memory_space<hbm>>) target(%arg8 : memref<50x80xi32, #tpu.memory_space<vmem>>) target_semaphore(%run_scoped3A : memref<!tpu.dma_semaphore, #tpu.memory_space<semaphore_mem>>)
        %dma_wait3A = arith.constant 0 : i32
        %dma_wait3A_175 = arith.constant 0 : i32
        %dma_wait3A_176 = tpu.memref_slice %arg4[%arg1, %scan3A_154, %dma_wait3A, %dma_wait3A_175] : memref<16x5x50x80xi32, #tpu.memory_space<hbm>> -> memref<1x1x50x80xi32, #tpu.memory_space<hbm>>
        %dma_wait3A_177 = tpu.memref_squeeze %dma_wait3A_176 : memref<1x1x50x80xi32, #tpu.memory_space<hbm>> -> memref<50x80xi32, #tpu.memory_space<hbm>>
        %dma_wait3A_178 = arith.constant 0 : i32
        %dma_wait3A_179 = arith.constant 0 : i32
        %dma_wait3A_180 = tpu.memref_slice %arg4[%arg1, %scan3A_154, %dma_wait3A_178, %dma_wait3A_179] : memref<16x5x50x80xi32, #tpu.memory_space<hbm>> -> memref<1x1x50x80xi32, #tpu.memory_space<hbm>>
        %dma_wait3A_181 = tpu.memref_squeeze %dma_wait3A_180 : memref<1x1x50x80xi32, #tpu.memory_space<hbm>> -> memref<50x80xi32, #tpu.memory_space<hbm>>
        tpu.wait_dma2 semaphore(%run_scoped3A : memref<!tpu.dma_semaphore, #tpu.memory_space<semaphore_mem>>) src(%dma_wait3A_181 : memref<50x80xi32, #tpu.memory_space<hbm>>) dst(%arg8 : memref<50x80xi32, #tpu.memory_space<vmem>>)
        tpu.yield
      }) : () -> ()
      %dma_start3A = arith.constant 0 : i32
      %dma_start3A_155 = arith.constant 0 : i32
      %dma_start3A_156 = tpu.memref_slice %arg7[%dma_start3A, %dma_start3A_155] : memref<50x80xi32, #tpu.memory_space<vmem>> -> memref<1x80xi32, #tpu.memory_space<vmem>>
      %dma_start3A_157 = tpu.memref_squeeze %dma_start3A_156 : memref<1x80xi32, #tpu.memory_space<vmem>> -> memref<80xi32, #tpu.memory_space<vmem>>
      %dma_start3A_158 = arith.constant 0 : i32
      %dma_start3A_159 = arith.constant 0 : i32
      %dma_start3A_160 = tpu.memref_slice %arg2[%dma_start3A_158, %dma_start3A_159] : memref<20000x128xf32, #tpu.memory_space<hbm>> -> memref<20000x128xf32, #tpu.memory_space<hbm>>
      tpu.enqueue_indirect_dma source(%dma_start3A_160 : memref<20000x128xf32, #tpu.memory_space<hbm>>) target(%arg9 : memref<80x128xf32, #tpu.memory_space<vmem>>) offsets(%dma_start3A_157 : memref<80xi32, #tpu.memory_space<vmem>>) semaphore(%arg13 : memref<!tpu.dma_semaphore, #tpu.memory_space<semaphore_mem>>)
      %scan3A_161 = arith.constant 0 : i32
      %scan3A_162 = arith.constant 0 : i32
      %scan3A_163 = arith.constant 25 : i32
      %scan3A_164 = arith.addi %scan3A_162, %scan3A_163 : i32
      %scan3A_165 = arith.constant 1 : i32
      scf.for %scan3A_167 = %scan3A_162 to %scan3A_164 step %scan3A_165  : i32 {
        %mul3A_168 = arith.constant 2 : i32
        %mul3A_169 = arith.muli %mul3A_168, %scan3A_167 : i32
        %add3A_170 = arith.constant 1 : i32
        %add3A_171 = arith.addi %mul3A_169, %add3A_170 : i32
        %dma_start3A_172 = arith.constant 0 : i32
        %dma_start3A_173 = tpu.memref_slice %arg7[%add3A_171, %dma_start3A_172] : memref<50x80xi32, #tpu.memory_space<vmem>> -> memref<1x80xi32, #tpu.memory_space<vmem>>
        %dma_start3A_174 = tpu.memref_squeeze %dma_start3A_173 : memref<1x80xi32, #tpu.memory_space<vmem>> -> memref<80xi32, #tpu.memory_space<vmem>>
        %dma_start3A_175 = arith.constant 0 : i32
        %dma_start3A_176 = arith.constant 0 : i32
        %dma_start3A_177 = tpu.memref_slice %arg2[%dma_start3A_175, %dma_start3A_176] : memref<20000x128xf32, #tpu.memory_space<hbm>> -> memref<20000x128xf32, #tpu.memory_space<hbm>>
        tpu.enqueue_indirect_dma source(%dma_start3A_177 : memref<20000x128xf32, #tpu.memory_space<hbm>>) target(%arg10 : memref<80x128xf32, #tpu.memory_space<vmem>>) offsets(%dma_start3A_174 : memref<80xi32, #tpu.memory_space<vmem>>) semaphore(%arg14 : memref<!tpu.dma_semaphore, #tpu.memory_space<semaphore_mem>>)
        %dma_wait3A = arith.constant 0 : i32
        %dma_wait3A_178 = arith.constant 0 : i32
        %dma_wait3A_179 = tpu.memref_slice %arg7[%dma_wait3A, %dma_wait3A_178] : memref<50x80xi32, #tpu.memory_space<vmem>> -> memref<1x80xi32, #tpu.memory_space<vmem>>
        %dma_wait3A_180 = tpu.memref_squeeze %dma_wait3A_179 : memref<1x80xi32, #tpu.memory_space<vmem>> -> memref<80xi32, #tpu.memory_space<vmem>>
        %dma_wait3A_181 = arith.constant 0 : i32
        %dma_wait3A_182 = arith.constant 0 : i32
        %dma_wait3A_183 = tpu.memref_slice %arg2[%dma_wait3A_181, %dma_wait3A_182] : memref<20000x128xf32, #tpu.memory_space<hbm>> -> memref<20000x128xf32, #tpu.memory_space<hbm>>
        tpu.wait_indirect_dma semaphore(%arg13 : memref<!tpu.dma_semaphore, #tpu.memory_space<semaphore_mem>>) src(%dma_wait3A_183 : memref<20000x128xf32, #tpu.memory_space<hbm>>) dst(%arg9 : memref<80x128xf32, #tpu.memory_space<vmem>>)
        %mul3A_184 = arith.constant 2 : i32
        %mul3A_185 = arith.muli %mul3A_184, %scan3A_167 : i32
        "tpu.region"() ({
          %run_scoped3A = tpu.sem_alloc : memref<!tpu.dma_semaphore, #tpu.memory_space<semaphore_mem>>
          %dma_start3A_201 = arith.constant 0 : i32
          %dma_start3A_202 = tpu.memref_slice %arg8[%mul3A_185, %dma_start3A_201] : memref<50x80xi32, #tpu.memory_space<vmem>> -> memref<1x80xi32, #tpu.memory_space<vmem>>
          %dma_start3A_203 = tpu.memref_squeeze %dma_start3A_202 : memref<1x80xi32, #tpu.memory_space<vmem>> -> memref<80xi32, #tpu.memory_space<vmem>>
          %dma_start3A_204 = arith.constant 0 : i32
          %dma_start3A_205 = arith.constant 0 : i32
          %dma_start3A_206 = tpu.memref_slice %arg12[%dma_start3A_204, %dma_start3A_205] : memref<10240x128xf32, #tpu.memory_space<vmem_shared>> -> memref<10240x128xf32, #tpu.memory_space<vmem_shared>>
          tpu.enqueue_indirect_dma source(%arg9 : memref<80x128xf32, #tpu.memory_space<vmem>>) target(%dma_start3A_206 : memref<10240x128xf32, #tpu.memory_space<vmem_shared>>) offsets(%dma_start3A_203 : memref<80xi32, #tpu.memory_space<vmem>>) semaphore(%run_scoped3A : memref<!tpu.dma_semaphore, #tpu.memory_space<semaphore_mem>>) {add = true}
          %dma_wait3A_207 = arith.constant 0 : i32
          %dma_wait3A_208 = tpu.memref_slice %arg8[%mul3A_185, %dma_wait3A_207] : memref<50x80xi32, #tpu.memory_space<vmem>> -> memref<1x80xi32, #tpu.memory_space<vmem>>
          %dma_wait3A_209 = tpu.memref_squeeze %dma_wait3A_208 : memref<1x80xi32, #tpu.memory_space<vmem>> -> memref<80xi32, #tpu.memory_space<vmem>>
          %dma_wait3A_210 = arith.constant 0 : i32
          %dma_wait3A_211 = arith.constant 0 : i32
          %dma_wait3A_212 = tpu.memref_slice %arg12[%dma_wait3A_210, %dma_wait3A_211] : memref<10240x128xf32, #tpu.memory_space<vmem_shared>> -> memref<10240x128xf32, #tpu.memory_space<vmem_shared>>
          tpu.wait_indirect_dma semaphore(%run_scoped3A : memref<!tpu.dma_semaphore, #tpu.memory_space<semaphore_mem>>) src(%arg9 : memref<80x128xf32, #tpu.memory_space<vmem>>) dst(%dma_wait3A_212 : memref<10240x128xf32, #tpu.memory_space<vmem_shared>>)
          tpu.yield
        }) : () -> ()
        %add3A_186 = arith.constant 1 : i32
        %add3A_187 = arith.addi %scan3A_167, %add3A_186 : i32
        %lt3A = arith.constant 25 : i32
        %lt3A_188 = arith.cmpi slt, %add3A_187, %lt3A : i32
        %convert_element_type3A = arith.extui %lt3A_188 : i1 to i32
        %cond3A = arith.constant 0 : i32
        %cond3A_189 = arith.cmpi ne, %convert_element_type3A, %cond3A : i32
        scf.if %cond3A_189 {
          %mul3A_201 = arith.constant 2 : i32
          %mul3A_202 = arith.muli %mul3A_201, %scan3A_167 : i32
          %add3A_203 = arith.constant 2 : i32
          %add3A_204 = arith.addi %mul3A_202, %add3A_203 : i32
          %dma_start3A_205 = arith.constant 0 : i32
          %dma_start3A_206 = tpu.memref_slice %arg7[%add3A_204, %dma_start3A_205] : memref<50x80xi32, #tpu.memory_space<vmem>> -> memref<1x80xi32, #tpu.memory_space<vmem>>
          %dma_start3A_207 = tpu.memref_squeeze %dma_start3A_206 : memref<1x80xi32, #tpu.memory_space<vmem>> -> memref<80xi32, #tpu.memory_space<vmem>>
          %dma_start3A_208 = arith.constant 0 : i32
          %dma_start3A_209 = arith.constant 0 : i32
          %dma_start3A_210 = tpu.memref_slice %arg2[%dma_start3A_208, %dma_start3A_209] : memref<20000x128xf32, #tpu.memory_space<hbm>> -> memref<20000x128xf32, #tpu.memory_space<hbm>>
          tpu.enqueue_indirect_dma source(%dma_start3A_210 : memref<20000x128xf32, #tpu.memory_space<hbm>>) target(%arg9 : memref<80x128xf32, #tpu.memory_space<vmem>>) offsets(%dma_start3A_207 : memref<80xi32, #tpu.memory_space<vmem>>) semaphore(%arg13 : memref<!tpu.dma_semaphore, #tpu.memory_space<semaphore_mem>>)
        } else {
        }
        %dma_wait3A_190 = arith.constant 0 : i32
        %dma_wait3A_191 = arith.constant 0 : i32
        %dma_wait3A_192 = tpu.memref_slice %arg7[%dma_wait3A_190, %dma_wait3A_191] : memref<50x80xi32, #tpu.memory_space<vmem>> -> memref<1x80xi32, #tpu.memory_space<vmem>>
        %dma_wait3A_193 = tpu.memref_squeeze %dma_wait3A_192 : memref<1x80xi32, #tpu.memory_space<vmem>> -> memref<80xi32, #tpu.memory_space<vmem>>
        %dma_wait3A_194 = arith.constant 0 : i32
        %dma_wait3A_195 = arith.constant 0 : i32
        %dma_wait3A_196 = tpu.memref_slice %arg2[%dma_wait3A_194, %dma_wait3A_195] : memref<20000x128xf32, #tpu.memory_space<hbm>> -> memref<20000x128xf32, #tpu.memory_space<hbm>>
        tpu.wait_indirect_dma semaphore(%arg14 : memref<!tpu.dma_semaphore, #tpu.memory_space<semaphore_mem>>) src(%dma_wait3A_196 : memref<20000x128xf32, #tpu.memory_space<hbm>>) dst(%arg10 : memref<80x128xf32, #tpu.memory_space<vmem>>)
        %mul3A_197 = arith.constant 2 : i32
        %mul3A_198 = arith.muli %mul3A_197, %scan3A_167 : i32
        %add3A_199 = arith.constant 1 : i32
        %add3A_200 = arith.addi %mul3A_198, %add3A_199 : i32
        "tpu.region"() ({
          %run_scoped3A = tpu.sem_alloc : memref<!tpu.dma_semaphore, #tpu.memory_space<semaphore_mem>>
          %dma_start3A_201 = arith.constant 0 : i32
          %dma_start3A_202 = tpu.memref_slice %arg8[%add3A_200, %dma_start3A_201] : memref<50x80xi32, #tpu.memory_space<vmem>> -> memref<1x80xi32, #tpu.memory_space<vmem>>
          %dma_start3A_203 = tpu.memref_squeeze %dma_start3A_202 : memref<1x80xi32, #tpu.memory_space<vmem>> -> memref<80xi32, #tpu.memory_space<vmem>>
          %dma_start3A_204 = arith.constant 0 : i32
          %dma_start3A_205 = arith.constant 0 : i32
          %dma_start3A_206 = tpu.memref_slice %arg12[%dma_start3A_204, %dma_start3A_205] : memref<10240x128xf32, #tpu.memory_space<vmem_shared>> -> memref<10240x128xf32, #tpu.memory_space<vmem_shared>>
          tpu.enqueue_indirect_dma source(%arg10 : memref<80x128xf32, #tpu.memory_space<vmem>>) target(%dma_start3A_206 : memref<10240x128xf32, #tpu.memory_space<vmem_shared>>) offsets(%dma_start3A_203 : memref<80xi32, #tpu.memory_space<vmem>>) semaphore(%run_scoped3A : memref<!tpu.dma_semaphore, #tpu.memory_space<semaphore_mem>>) {add = true}
          %dma_wait3A_207 = arith.constant 0 : i32
          %dma_wait3A_208 = tpu.memref_slice %arg8[%add3A_200, %dma_wait3A_207] : memref<50x80xi32, #tpu.memory_space<vmem>> -> memref<1x80xi32, #tpu.memory_space<vmem>>
          %dma_wait3A_209 = tpu.memref_squeeze %dma_wait3A_208 : memref<1x80xi32, #tpu.memory_space<vmem>> -> memref<80xi32, #tpu.memory_space<vmem>>
          %dma_wait3A_210 = arith.constant 0 : i32
          %dma_wait3A_211 = arith.constant 0 : i32
          %dma_wait3A_212 = tpu.memref_slice %arg12[%dma_wait3A_210, %dma_wait3A_211] : memref<10240x128xf32, #tpu.memory_space<vmem_shared>> -> memref<10240x128xf32, #tpu.memory_space<vmem_shared>>
          tpu.wait_indirect_dma semaphore(%run_scoped3A : memref<!tpu.dma_semaphore, #tpu.memory_space<semaphore_mem>>) src(%arg10 : memref<80x128xf32, #tpu.memory_space<vmem>>) dst(%dma_wait3A_212 : memref<10240x128xf32, #tpu.memory_space<vmem_shared>>)
          tpu.yield
        }) : () -> ()
      }
      %scan3A_166 = arith.constant 25 : i32
    }
    %scan3A_42 = arith.constant 5 : i32
    %barrier3A_43 = arith.constant 0 : index
    tpu.barrier barrier_id(%barrier3A_43)
    %mul3A_44 = arith.constant 640 : i32
    %mul3A_45 = arith.muli %arg1, %mul3A_44 : i32
    %add3A_46 = arith.constant 0 : i32
    %add3A_47 = arith.addi %mul3A_45, %add3A_46 : i32
    "tpu.region"() ({
      %run_scoped3A = tpu.sem_alloc : memref<!tpu.dma_semaphore, #tpu.memory_space<semaphore_mem>>
      %dma_start3A = arith.constant 0 : i32
      %dma_start3A_154 = tpu.memref_slice %arg12[%add3A_47, %dma_start3A] : memref<10240x128xf32, #tpu.memory_space<vmem_shared>> -> memref<64x128xf32, #tpu.memory_space<vmem_shared>>
      %dma_start3A_155 = arith.constant 0 : i32
      %dma_start3A_156 = tpu.memref_slice %arg12[%add3A_47, %dma_start3A_155] : memref<10240x128xf32, #tpu.memory_space<vmem_shared>> -> memref<64x128xf32, #tpu.memory_space<vmem_shared>>
      tpu.enqueue_dma source(%dma_start3A_156 : memref<64x128xf32, #tpu.memory_space<vmem_shared>>) target(%arg11 : memref<64x128xf32, #tpu.memory_space<vmem>>) target_semaphore(%run_scoped3A : memref<!tpu.dma_semaphore, #tpu.memory_space<semaphore_mem>>)
      %dma_wait3A = arith.constant 0 : i32
      %dma_wait3A_157 = tpu.memref_slice %arg12[%add3A_47, %dma_wait3A] : memref<10240x128xf32, #tpu.memory_space<vmem_shared>> -> memref<64x128xf32, #tpu.memory_space<vmem_shared>>
      %dma_wait3A_158 = arith.constant 0 : i32
      %dma_wait3A_159 = tpu.memref_slice %arg12[%add3A_47, %dma_wait3A_158] : memref<10240x128xf32, #tpu.memory_space<vmem_shared>> -> memref<64x128xf32, #tpu.memory_space<vmem_shared>>
      tpu.wait_dma2 semaphore(%run_scoped3A : memref<!tpu.dma_semaphore, #tpu.memory_space<semaphore_mem>>) src(%dma_wait3A_159 : memref<64x128xf32, #tpu.memory_space<vmem_shared>>) dst(%arg11 : memref<64x128xf32, #tpu.memory_space<vmem>>)
      tpu.yield
    }) : () -> ()
    %mul3A_48 = arith.constant 10240 : i32
    %mul3A_49 = arith.muli %arg0, %mul3A_48 : i32
    %mul3A_50 = arith.constant 640 : i32
    %mul3A_51 = arith.muli %arg1, %mul3A_50 : i32
    %add3A_52 = arith.addi %mul3A_49, %mul3A_51 : i32
    %add3A_53 = arith.constant 0 : i32
    %add3A_54 = arith.addi %add3A_52, %add3A_53 : i32
    "tpu.region"() ({
      %run_scoped3A = tpu.sem_alloc : memref<!tpu.dma_semaphore, #tpu.memory_space<semaphore_mem>>
      %dma_start3A = arith.constant 0 : i32
      %dma_start3A_154 = tpu.memref_slice %arg6[%add3A_54, %dma_start3A] : memref<20480x128xf32, #tpu.memory_space<hbm>> -> memref<64x128xf32, #tpu.memory_space<hbm>>
      %dma_start3A_155 = arith.constant 0 : i32
      %dma_start3A_156 = tpu.memref_slice %arg6[%add3A_54, %dma_start3A_155] : memref<20480x128xf32, #tpu.memory_space<hbm>> -> memref<64x128xf32, #tpu.memory_space<hbm>>
      tpu.enqueue_dma source(%arg11 : memref<64x128xf32, #tpu.memory_space<vmem>>) target(%dma_start3A_156 : memref<64x128xf32, #tpu.memory_space<hbm>>) target_semaphore(%run_scoped3A : memref<!tpu.dma_semaphore, #tpu.memory_space<semaphore_mem>>)
      %dma_wait3A = arith.constant 0 : i32
      %dma_wait3A_157 = tpu.memref_slice %arg6[%add3A_54, %dma_wait3A] : memref<20480x128xf32, #tpu.memory_space<hbm>> -> memref<64x128xf32, #tpu.memory_space<hbm>>
      %dma_wait3A_158 = arith.constant 0 : i32
      %dma_wait3A_159 = tpu.memref_slice %arg6[%add3A_54, %dma_wait3A_158] : memref<20480x128xf32, #tpu.memory_space<hbm>> -> memref<64x128xf32, #tpu.memory_space<hbm>>
      tpu.wait_dma2 semaphore(%run_scoped3A : memref<!tpu.dma_semaphore, #tpu.memory_space<semaphore_mem>>) src(%arg11 : memref<64x128xf32, #tpu.memory_space<vmem>>) dst(%dma_wait3A_159 : memref<64x128xf32, #tpu.memory_space<hbm>>)
      tpu.yield
    }) : () -> ()
    %mul3A_55 = arith.constant 640 : i32
    %mul3A_56 = arith.muli %arg1, %mul3A_55 : i32
    %add3A_57 = arith.constant 64 : i32
    %add3A_58 = arith.addi %mul3A_56, %add3A_57 : i32
    "tpu.region"() ({
      %run_scoped3A = tpu.sem_alloc : memref<!tpu.dma_semaphore, #tpu.memory_space<semaphore_mem>>
      %dma_start3A = arith.constant 0 : i32
      %dma_start3A_154 = tpu.memref_slice %arg12[%add3A_58, %dma_start3A] : memref<10240x128xf32, #tpu.memory_space<vmem_shared>> -> memref<64x128xf32, #tpu.memory_space<vmem_shared>>
      %dma_start3A_155 = arith.constant 0 : i32
      %dma_start3A_156 = tpu.memref_slice %arg12[%add3A_58, %dma_start3A_155] : memref<10240x128xf32, #tpu.memory_space<vmem_shared>> -> memref<64x128xf32, #tpu.memory_space<vmem_shared>>
      tpu.enqueue_dma source(%dma_start3A_156 : memref<64x128xf32, #tpu.memory_space<vmem_shared>>) target(%arg11 : memref<64x128xf32, #tpu.memory_space<vmem>>) target_semaphore(%run_scoped3A : memref<!tpu.dma_semaphore, #tpu.memory_space<semaphore_mem>>)
      %dma_wait3A = arith.constant 0 : i32
      %dma_wait3A_157 = tpu.memref_slice %arg12[%add3A_58, %dma_wait3A] : memref<10240x128xf32, #tpu.memory_space<vmem_shared>> -> memref<64x128xf32, #tpu.memory_space<vmem_shared>>
      %dma_wait3A_158 = arith.constant 0 : i32
      %dma_wait3A_159 = tpu.memref_slice %arg12[%add3A_58, %dma_wait3A_158] : memref<10240x128xf32, #tpu.memory_space<vmem_shared>> -> memref<64x128xf32, #tpu.memory_space<vmem_shared>>
      tpu.wait_dma2 semaphore(%run_scoped3A : memref<!tpu.dma_semaphore, #tpu.memory_space<semaphore_mem>>) src(%dma_wait3A_159 : memref<64x128xf32, #tpu.memory_space<vmem_shared>>) dst(%arg11 : memref<64x128xf32, #tpu.memory_space<vmem>>)
      tpu.yield
    }) : () -> ()
    %mul3A_59 = arith.constant 10240 : i32
    %mul3A_60 = arith.muli %arg0, %mul3A_59 : i32
    %mul3A_61 = arith.constant 640 : i32
    %mul3A_62 = arith.muli %arg1, %mul3A_61 : i32
    %add3A_63 = arith.addi %mul3A_60, %mul3A_62 : i32
    %add3A_64 = arith.constant 64 : i32
    %add3A_65 = arith.addi %add3A_63, %add3A_64 : i32
    "tpu.region"() ({
      %run_scoped3A = tpu.sem_alloc : memref<!tpu.dma_semaphore, #tpu.memory_space<semaphore_mem>>
      %dma_start3A = arith.constant 0 : i32
      %dma_start3A_154 = tpu.memref_slice %arg6[%add3A_65, %dma_start3A] : memref<20480x128xf32, #tpu.memory_space<hbm>> -> memref<64x128xf32, #tpu.memory_space<hbm>>
      %dma_start3A_155 = arith.constant 0 : i32
      %dma_start3A_156 = tpu.memref_slice %arg6[%add3A_65, %dma_start3A_155] : memref<20480x128xf32, #tpu.memory_space<hbm>> -> memref<64x128xf32, #tpu.memory_space<hbm>>
      tpu.enqueue_dma source(%arg11 : memref<64x128xf32, #tpu.memory_space<vmem>>) target(%dma_start3A_156 : memref<64x128xf32, #tpu.memory_space<hbm>>) target_semaphore(%run_scoped3A : memref<!tpu.dma_semaphore, #tpu.memory_space<semaphore_mem>>)
      %dma_wait3A = arith.constant 0 : i32
      %dma_wait3A_157 = tpu.memref_slice %arg6[%add3A_65, %dma_wait3A] : memref<20480x128xf32, #tpu.memory_space<hbm>> -> memref<64x128xf32, #tpu.memory_space<hbm>>
      %dma_wait3A_158 = arith.constant 0 : i32
      %dma_wait3A_159 = tpu.memref_slice %arg6[%add3A_65, %dma_wait3A_158] : memref<20480x128xf32, #tpu.memory_space<hbm>> -> memref<64x128xf32, #tpu.memory_space<hbm>>
      tpu.wait_dma2 semaphore(%run_scoped3A : memref<!tpu.dma_semaphore, #tpu.memory_space<semaphore_mem>>) src(%arg11 : memref<64x128xf32, #tpu.memory_space<vmem>>) dst(%dma_wait3A_159 : memref<64x128xf32, #tpu.memory_space<hbm>>)
      tpu.yield
    }) : () -> ()
    %mul3A_66 = arith.constant 640 : i32
    %mul3A_67 = arith.muli %arg1, %mul3A_66 : i32
    %add3A_68 = arith.constant 128 : i32
    %add3A_69 = arith.addi %mul3A_67, %add3A_68 : i32
    "tpu.region"() ({
      %run_scoped3A = tpu.sem_alloc : memref<!tpu.dma_semaphore, #tpu.memory_space<semaphore_mem>>
      %dma_start3A = arith.constant 0 : i32
      %dma_start3A_154 = tpu.memref_slice %arg12[%add3A_69, %dma_start3A] : memref<10240x128xf32, #tpu.memory_space<vmem_shared>> -> memref<64x128xf32, #tpu.memory_space<vmem_shared>>
      %dma_start3A_155 = arith.constant 0 : i32
      %dma_start3A_156 = tpu.memref_slice %arg12[%add3A_69, %dma_start3A_155] : memref<10240x128xf32, #tpu.memory_space<vmem_shared>> -> memref<64x128xf32, #tpu.memory_space<vmem_shared>>
      tpu.enqueue_dma source(%dma_start3A_156 : memref<64x128xf32, #tpu.memory_space<vmem_shared>>) target(%arg11 : memref<64x128xf32, #tpu.memory_space<vmem>>) target_semaphore(%run_scoped3A : memref<!tpu.dma_semaphore, #tpu.memory_space<semaphore_mem>>)
      %dma_wait3A = arith.constant 0 : i32
      %dma_wait3A_157 = tpu.memref_slice %arg12[%add3A_69, %dma_wait3A] : memref<10240x128xf32, #tpu.memory_space<vmem_shared>> -> memref<64x128xf32, #tpu.memory_space<vmem_shared>>
      %dma_wait3A_158 = arith.constant 0 : i32
      %dma_wait3A_159 = tpu.memref_slice %arg12[%add3A_69, %dma_wait3A_158] : memref<10240x128xf32, #tpu.memory_space<vmem_shared>> -> memref<64x128xf32, #tpu.memory_space<vmem_shared>>
      tpu.wait_dma2 semaphore(%run_scoped3A : memref<!tpu.dma_semaphore, #tpu.memory_space<semaphore_mem>>) src(%dma_wait3A_159 : memref<64x128xf32, #tpu.memory_space<vmem_shared>>) dst(%arg11 : memref<64x128xf32, #tpu.memory_space<vmem>>)
      tpu.yield
    }) : () -> ()
    %mul3A_70 = arith.constant 10240 : i32
    %mul3A_71 = arith.muli %arg0, %mul3A_70 : i32
    %mul3A_72 = arith.constant 640 : i32
    %mul3A_73 = arith.muli %arg1, %mul3A_72 : i32
    %add3A_74 = arith.addi %mul3A_71, %mul3A_73 : i32
    %add3A_75 = arith.constant 128 : i32
    %add3A_76 = arith.addi %add3A_74, %add3A_75 : i32
    "tpu.region"() ({
      %run_scoped3A = tpu.sem_alloc : memref<!tpu.dma_semaphore, #tpu.memory_space<semaphore_mem>>
      %dma_start3A = arith.constant 0 : i32
      %dma_start3A_154 = tpu.memref_slice %arg6[%add3A_76, %dma_start3A] : memref<20480x128xf32, #tpu.memory_space<hbm>> -> memref<64x128xf32, #tpu.memory_space<hbm>>
      %dma_start3A_155 = arith.constant 0 : i32
      %dma_start3A_156 = tpu.memref_slice %arg6[%add3A_76, %dma_start3A_155] : memref<20480x128xf32, #tpu.memory_space<hbm>> -> memref<64x128xf32, #tpu.memory_space<hbm>>
      tpu.enqueue_dma source(%arg11 : memref<64x128xf32, #tpu.memory_space<vmem>>) target(%dma_start3A_156 : memref<64x128xf32, #tpu.memory_space<hbm>>) target_semaphore(%run_scoped3A : memref<!tpu.dma_semaphore, #tpu.memory_space<semaphore_mem>>)
      %dma_wait3A = arith.constant 0 : i32
      %dma_wait3A_157 = tpu.memref_slice %arg6[%add3A_76, %dma_wait3A] : memref<20480x128xf32, #tpu.memory_space<hbm>> -> memref<64x128xf32, #tpu.memory_space<hbm>>
      %dma_wait3A_158 = arith.constant 0 : i32
      %dma_wait3A_159 = tpu.memref_slice %arg6[%add3A_76, %dma_wait3A_158] : memref<20480x128xf32, #tpu.memory_space<hbm>> -> memref<64x128xf32, #tpu.memory_space<hbm>>
      tpu.wait_dma2 semaphore(%run_scoped3A : memref<!tpu.dma_semaphore, #tpu.memory_space<semaphore_mem>>) src(%arg11 : memref<64x128xf32, #tpu.memory_space<vmem>>) dst(%dma_wait3A_159 : memref<64x128xf32, #tpu.memory_space<hbm>>)
      tpu.yield
    }) : () -> ()
    %mul3A_77 = arith.constant 640 : i32
    %mul3A_78 = arith.muli %arg1, %mul3A_77 : i32
    %add3A_79 = arith.constant 192 : i32
    %add3A_80 = arith.addi %mul3A_78, %add3A_79 : i32
    "tpu.region"() ({
      %run_scoped3A = tpu.sem_alloc : memref<!tpu.dma_semaphore, #tpu.memory_space<semaphore_mem>>
      %dma_start3A = arith.constant 0 : i32
      %dma_start3A_154 = tpu.memref_slice %arg12[%add3A_80, %dma_start3A] : memref<10240x128xf32, #tpu.memory_space<vmem_shared>> -> memref<64x128xf32, #tpu.memory_space<vmem_shared>>
      %dma_start3A_155 = arith.constant 0 : i32
      %dma_start3A_156 = tpu.memref_slice %arg12[%add3A_80, %dma_start3A_155] : memref<10240x128xf32, #tpu.memory_space<vmem_shared>> -> memref<64x128xf32, #tpu.memory_space<vmem_shared>>
      tpu.enqueue_dma source(%dma_start3A_156 : memref<64x128xf32, #tpu.memory_space<vmem_shared>>) target(%arg11 : memref<64x128xf32, #tpu.memory_space<vmem>>) target_semaphore(%run_scoped3A : memref<!tpu.dma_semaphore, #tpu.memory_space<semaphore_mem>>)
      %dma_wait3A = arith.constant 0 : i32
      %dma_wait3A_157 = tpu.memref_slice %arg12[%add3A_80, %dma_wait3A] : memref<10240x128xf32, #tpu.memory_space<vmem_shared>> -> memref<64x128xf32, #tpu.memory_space<vmem_shared>>
      %dma_wait3A_158 = arith.constant 0 : i32
      %dma_wait3A_159 = tpu.memref_slice %arg12[%add3A_80, %dma_wait3A_158] : memref<10240x128xf32, #tpu.memory_space<vmem_shared>> -> memref<64x128xf32, #tpu.memory_space<vmem_shared>>
      tpu.wait_dma2 semaphore(%run_scoped3A : memref<!tpu.dma_semaphore, #tpu.memory_space<semaphore_mem>>) src(%dma_wait3A_159 : memref<64x128xf32, #tpu.memory_space<vmem_shared>>) dst(%arg11 : memref<64x128xf32, #tpu.memory_space<vmem>>)
      tpu.yield
    }) : () -> ()
    %mul3A_81 = arith.constant 10240 : i32
    %mul3A_82 = arith.muli %arg0, %mul3A_81 : i32
    %mul3A_83 = arith.constant 640 : i32
    %mul3A_84 = arith.muli %arg1, %mul3A_83 : i32
    %add3A_85 = arith.addi %mul3A_82, %mul3A_84 : i32
    %add3A_86 = arith.constant 192 : i32
    %add3A_87 = arith.addi %add3A_85, %add3A_86 : i32
    "tpu.region"() ({
      %run_scoped3A = tpu.sem_alloc : memref<!tpu.dma_semaphore, #tpu.memory_space<semaphore_mem>>
      %dma_start3A = arith.constant 0 : i32
      %dma_start3A_154 = tpu.memref_slice %arg6[%add3A_87, %dma_start3A] : memref<20480x128xf32, #tpu.memory_space<hbm>> -> memref<64x128xf32, #tpu.memory_space<hbm>>
      %dma_start3A_155 = arith.constant 0 : i32
      %dma_start3A_156 = tpu.memref_slice %arg6[%add3A_87, %dma_start3A_155] : memref<20480x128xf32, #tpu.memory_space<hbm>> -> memref<64x128xf32, #tpu.memory_space<hbm>>
      tpu.enqueue_dma source(%arg11 : memref<64x128xf32, #tpu.memory_space<vmem>>) target(%dma_start3A_156 : memref<64x128xf32, #tpu.memory_space<hbm>>) target_semaphore(%run_scoped3A : memref<!tpu.dma_semaphore, #tpu.memory_space<semaphore_mem>>)
      %dma_wait3A = arith.constant 0 : i32
      %dma_wait3A_157 = tpu.memref_slice %arg6[%add3A_87, %dma_wait3A] : memref<20480x128xf32, #tpu.memory_space<hbm>> -> memref<64x128xf32, #tpu.memory_space<hbm>>
      %dma_wait3A_158 = arith.constant 0 : i32
      %dma_wait3A_159 = tpu.memref_slice %arg6[%add3A_87, %dma_wait3A_158] : memref<20480x128xf32, #tpu.memory_space<hbm>> -> memref<64x128xf32, #tpu.memory_space<hbm>>
      tpu.wait_dma2 semaphore(%run_scoped3A : memref<!tpu.dma_semaphore, #tpu.memory_space<semaphore_mem>>) src(%arg11 : memref<64x128xf32, #tpu.memory_space<vmem>>) dst(%dma_wait3A_159 : memref<64x128xf32, #tpu.memory_space<hbm>>)
      tpu.yield
    }) : () -> ()
    %mul3A_88 = arith.constant 640 : i32
    %mul3A_89 = arith.muli %arg1, %mul3A_88 : i32
    %add3A_90 = arith.constant 256 : i32
    %add3A_91 = arith.addi %mul3A_89, %add3A_90 : i32
    "tpu.region"() ({
      %run_scoped3A = tpu.sem_alloc : memref<!tpu.dma_semaphore, #tpu.memory_space<semaphore_mem>>
      %dma_start3A = arith.constant 0 : i32
      %dma_start3A_154 = tpu.memref_slice %arg12[%add3A_91, %dma_start3A] : memref<10240x128xf32, #tpu.memory_space<vmem_shared>> -> memref<64x128xf32, #tpu.memory_space<vmem_shared>>
      %dma_start3A_155 = arith.constant 0 : i32
      %dma_start3A_156 = tpu.memref_slice %arg12[%add3A_91, %dma_start3A_155] : memref<10240x128xf32, #tpu.memory_space<vmem_shared>> -> memref<64x128xf32, #tpu.memory_space<vmem_shared>>
      tpu.enqueue_dma source(%dma_start3A_156 : memref<64x128xf32, #tpu.memory_space<vmem_shared>>) target(%arg11 : memref<64x128xf32, #tpu.memory_space<vmem>>) target_semaphore(%run_scoped3A : memref<!tpu.dma_semaphore, #tpu.memory_space<semaphore_mem>>)
      %dma_wait3A = arith.constant 0 : i32
      %dma_wait3A_157 = tpu.memref_slice %arg12[%add3A_91, %dma_wait3A] : memref<10240x128xf32, #tpu.memory_space<vmem_shared>> -> memref<64x128xf32, #tpu.memory_space<vmem_shared>>
      %dma_wait3A_158 = arith.constant 0 : i32
      %dma_wait3A_159 = tpu.memref_slice %arg12[%add3A_91, %dma_wait3A_158] : memref<10240x128xf32, #tpu.memory_space<vmem_shared>> -> memref<64x128xf32, #tpu.memory_space<vmem_shared>>
      tpu.wait_dma2 semaphore(%run_scoped3A : memref<!tpu.dma_semaphore, #tpu.memory_space<semaphore_mem>>) src(%dma_wait3A_159 : memref<64x128xf32, #tpu.memory_space<vmem_shared>>) dst(%arg11 : memref<64x128xf32, #tpu.memory_space<vmem>>)
      tpu.yield
    }) : () -> ()
    %mul3A_92 = arith.constant 10240 : i32
    %mul3A_93 = arith.muli %arg0, %mul3A_92 : i32
    %mul3A_94 = arith.constant 640 : i32
    %mul3A_95 = arith.muli %arg1, %mul3A_94 : i32
    %add3A_96 = arith.addi %mul3A_93, %mul3A_95 : i32
    %add3A_97 = arith.constant 256 : i32
    %add3A_98 = arith.addi %add3A_96, %add3A_97 : i32
    "tpu.region"() ({
      %run_scoped3A = tpu.sem_alloc : memref<!tpu.dma_semaphore, #tpu.memory_space<semaphore_mem>>
      %dma_start3A = arith.constant 0 : i32
      %dma_start3A_154 = tpu.memref_slice %arg6[%add3A_98, %dma_start3A] : memref<20480x128xf32, #tpu.memory_space<hbm>> -> memref<64x128xf32, #tpu.memory_space<hbm>>
      %dma_start3A_155 = arith.constant 0 : i32
      %dma_start3A_156 = tpu.memref_slice %arg6[%add3A_98, %dma_start3A_155] : memref<20480x128xf32, #tpu.memory_space<hbm>> -> memref<64x128xf32, #tpu.memory_space<hbm>>
      tpu.enqueue_dma source(%arg11 : memref<64x128xf32, #tpu.memory_space<vmem>>) target(%dma_start3A_156 : memref<64x128xf32, #tpu.memory_space<hbm>>) target_semaphore(%run_scoped3A : memref<!tpu.dma_semaphore, #tpu.memory_space<semaphore_mem>>)
      %dma_wait3A = arith.constant 0 : i32
      %dma_wait3A_157 = tpu.memref_slice %arg6[%add3A_98, %dma_wait3A] : memref<20480x128xf32, #tpu.memory_space<hbm>> -> memref<64x128xf32, #tpu.memory_space<hbm>>
      %dma_wait3A_158 = arith.constant 0 : i32
      %dma_wait3A_159 = tpu.memref_slice %arg6[%add3A_98, %dma_wait3A_158] : memref<20480x128xf32, #tpu.memory_space<hbm>> -> memref<64x128xf32, #tpu.memory_space<hbm>>
      tpu.wait_dma2 semaphore(%run_scoped3A : memref<!tpu.dma_semaphore, #tpu.memory_space<semaphore_mem>>) src(%arg11 : memref<64x128xf32, #tpu.memory_space<vmem>>) dst(%dma_wait3A_159 : memref<64x128xf32, #tpu.memory_space<hbm>>)
      tpu.yield
    }) : () -> ()
    %mul3A_99 = arith.constant 640 : i32
    %mul3A_100 = arith.muli %arg1, %mul3A_99 : i32
    %add3A_101 = arith.constant 320 : i32
    %add3A_102 = arith.addi %mul3A_100, %add3A_101 : i32
    "tpu.region"() ({
      %run_scoped3A = tpu.sem_alloc : memref<!tpu.dma_semaphore, #tpu.memory_space<semaphore_mem>>
      %dma_start3A = arith.constant 0 : i32
      %dma_start3A_154 = tpu.memref_slice %arg12[%add3A_102, %dma_start3A] : memref<10240x128xf32, #tpu.memory_space<vmem_shared>> -> memref<64x128xf32, #tpu.memory_space<vmem_shared>>
      %dma_start3A_155 = arith.constant 0 : i32
      %dma_start3A_156 = tpu.memref_slice %arg12[%add3A_102, %dma_start3A_155] : memref<10240x128xf32, #tpu.memory_space<vmem_shared>> -> memref<64x128xf32, #tpu.memory_space<vmem_shared>>
      tpu.enqueue_dma source(%dma_start3A_156 : memref<64x128xf32, #tpu.memory_space<vmem_shared>>) target(%arg11 : memref<64x128xf32, #tpu.memory_space<vmem>>) target_semaphore(%run_scoped3A : memref<!tpu.dma_semaphore, #tpu.memory_space<semaphore_mem>>)
      %dma_wait3A = arith.constant 0 : i32
      %dma_wait3A_157 = tpu.memref_slice %arg12[%add3A_102, %dma_wait3A] : memref<10240x128xf32, #tpu.memory_space<vmem_shared>> -> memref<64x128xf32, #tpu.memory_space<vmem_shared>>
      %dma_wait3A_158 = arith.constant 0 : i32
      %dma_wait3A_159 = tpu.memref_slice %arg12[%add3A_102, %dma_wait3A_158] : memref<10240x128xf32, #tpu.memory_space<vmem_shared>> -> memref<64x128xf32, #tpu.memory_space<vmem_shared>>
      tpu.wait_dma2 semaphore(%run_scoped3A : memref<!tpu.dma_semaphore, #tpu.memory_space<semaphore_mem>>) src(%dma_wait3A_159 : memref<64x128xf32, #tpu.memory_space<vmem_shared>>) dst(%arg11 : memref<64x128xf32, #tpu.memory_space<vmem>>)
      tpu.yield
    }) : () -> ()
    %mul3A_103 = arith.constant 10240 : i32
    %mul3A_104 = arith.muli %arg0, %mul3A_103 : i32
    %mul3A_105 = arith.constant 640 : i32
    %mul3A_106 = arith.muli %arg1, %mul3A_105 : i32
    %add3A_107 = arith.addi %mul3A_104, %mul3A_106 : i32
    %add3A_108 = arith.constant 320 : i32
    %add3A_109 = arith.addi %add3A_107, %add3A_108 : i32
    "tpu.region"() ({
      %run_scoped3A = tpu.sem_alloc : memref<!tpu.dma_semaphore, #tpu.memory_space<semaphore_mem>>
      %dma_start3A = arith.constant 0 : i32
      %dma_start3A_154 = tpu.memref_slice %arg6[%add3A_109, %dma_start3A] : memref<20480x128xf32, #tpu.memory_space<hbm>> -> memref<64x128xf32, #tpu.memory_space<hbm>>
      %dma_start3A_155 = arith.constant 0 : i32
      %dma_start3A_156 = tpu.memref_slice %arg6[%add3A_109, %dma_start3A_155] : memref<20480x128xf32, #tpu.memory_space<hbm>> -> memref<64x128xf32, #tpu.memory_space<hbm>>
      tpu.enqueue_dma source(%arg11 : memref<64x128xf32, #tpu.memory_space<vmem>>) target(%dma_start3A_156 : memref<64x128xf32, #tpu.memory_space<hbm>>) target_semaphore(%run_scoped3A : memref<!tpu.dma_semaphore, #tpu.memory_space<semaphore_mem>>)
      %dma_wait3A = arith.constant 0 : i32
      %dma_wait3A_157 = tpu.memref_slice %arg6[%add3A_109, %dma_wait3A] : memref<20480x128xf32, #tpu.memory_space<hbm>> -> memref<64x128xf32, #tpu.memory_space<hbm>>
      %dma_wait3A_158 = arith.constant 0 : i32
      %dma_wait3A_159 = tpu.memref_slice %arg6[%add3A_109, %dma_wait3A_158] : memref<20480x128xf32, #tpu.memory_space<hbm>> -> memref<64x128xf32, #tpu.memory_space<hbm>>
      tpu.wait_dma2 semaphore(%run_scoped3A : memref<!tpu.dma_semaphore, #tpu.memory_space<semaphore_mem>>) src(%arg11 : memref<64x128xf32, #tpu.memory_space<vmem>>) dst(%dma_wait3A_159 : memref<64x128xf32, #tpu.memory_space<hbm>>)
      tpu.yield
    }) : () -> ()
    %mul3A_110 = arith.constant 640 : i32
    %mul3A_111 = arith.muli %arg1, %mul3A_110 : i32
    %add3A_112 = arith.constant 384 : i32
    %add3A_113 = arith.addi %mul3A_111, %add3A_112 : i32
    "tpu.region"() ({
      %run_scoped3A = tpu.sem_alloc : memref<!tpu.dma_semaphore, #tpu.memory_space<semaphore_mem>>
      %dma_start3A = arith.constant 0 : i32
      %dma_start3A_154 = tpu.memref_slice %arg12[%add3A_113, %dma_start3A] : memref<10240x128xf32, #tpu.memory_space<vmem_shared>> -> memref<64x128xf32, #tpu.memory_space<vmem_shared>>
      %dma_start3A_155 = arith.constant 0 : i32
      %dma_start3A_156 = tpu.memref_slice %arg12[%add3A_113, %dma_start3A_155] : memref<10240x128xf32, #tpu.memory_space<vmem_shared>> -> memref<64x128xf32, #tpu.memory_space<vmem_shared>>
      tpu.enqueue_dma source(%dma_start3A_156 : memref<64x128xf32, #tpu.memory_space<vmem_shared>>) target(%arg11 : memref<64x128xf32, #tpu.memory_space<vmem>>) target_semaphore(%run_scoped3A : memref<!tpu.dma_semaphore, #tpu.memory_space<semaphore_mem>>)
      %dma_wait3A = arith.constant 0 : i32
      %dma_wait3A_157 = tpu.memref_slice %arg12[%add3A_113, %dma_wait3A] : memref<10240x128xf32, #tpu.memory_space<vmem_shared>> -> memref<64x128xf32, #tpu.memory_space<vmem_shared>>
      %dma_wait3A_158 = arith.constant 0 : i32
      %dma_wait3A_159 = tpu.memref_slice %arg12[%add3A_113, %dma_wait3A_158] : memref<10240x128xf32, #tpu.memory_space<vmem_shared>> -> memref<64x128xf32, #tpu.memory_space<vmem_shared>>
      tpu.wait_dma2 semaphore(%run_scoped3A : memref<!tpu.dma_semaphore, #tpu.memory_space<semaphore_mem>>) src(%dma_wait3A_159 : memref<64x128xf32, #tpu.memory_space<vmem_shared>>) dst(%arg11 : memref<64x128xf32, #tpu.memory_space<vmem>>)
      tpu.yield
    }) : () -> ()
    %mul3A_114 = arith.constant 10240 : i32
    %mul3A_115 = arith.muli %arg0, %mul3A_114 : i32
    %mul3A_116 = arith.constant 640 : i32
    %mul3A_117 = arith.muli %arg1, %mul3A_116 : i32
    %add3A_118 = arith.addi %mul3A_115, %mul3A_117 : i32
    %add3A_119 = arith.constant 384 : i32
    %add3A_120 = arith.addi %add3A_118, %add3A_119 : i32
    "tpu.region"() ({
      %run_scoped3A = tpu.sem_alloc : memref<!tpu.dma_semaphore, #tpu.memory_space<semaphore_mem>>
      %dma_start3A = arith.constant 0 : i32
      %dma_start3A_154 = tpu.memref_slice %arg6[%add3A_120, %dma_start3A] : memref<20480x128xf32, #tpu.memory_space<hbm>> -> memref<64x128xf32, #tpu.memory_space<hbm>>
      %dma_start3A_155 = arith.constant 0 : i32
      %dma_start3A_156 = tpu.memref_slice %arg6[%add3A_120, %dma_start3A_155] : memref<20480x128xf32, #tpu.memory_space<hbm>> -> memref<64x128xf32, #tpu.memory_space<hbm>>
      tpu.enqueue_dma source(%arg11 : memref<64x128xf32, #tpu.memory_space<vmem>>) target(%dma_start3A_156 : memref<64x128xf32, #tpu.memory_space<hbm>>) target_semaphore(%run_scoped3A : memref<!tpu.dma_semaphore, #tpu.memory_space<semaphore_mem>>)
      %dma_wait3A = arith.constant 0 : i32
      %dma_wait3A_157 = tpu.memref_slice %arg6[%add3A_120, %dma_wait3A] : memref<20480x128xf32, #tpu.memory_space<hbm>> -> memref<64x128xf32, #tpu.memory_space<hbm>>
      %dma_wait3A_158 = arith.constant 0 : i32
      %dma_wait3A_159 = tpu.memref_slice %arg6[%add3A_120, %dma_wait3A_158] : memref<20480x128xf32, #tpu.memory_space<hbm>> -> memref<64x128xf32, #tpu.memory_space<hbm>>
      tpu.wait_dma2 semaphore(%run_scoped3A : memref<!tpu.dma_semaphore, #tpu.memory_space<semaphore_mem>>) src(%arg11 : memref<64x128xf32, #tpu.memory_space<vmem>>) dst(%dma_wait3A_159 : memref<64x128xf32, #tpu.memory_space<hbm>>)
      tpu.yield
    }) : () -> ()
    %mul3A_121 = arith.constant 640 : i32
    %mul3A_122 = arith.muli %arg1, %mul3A_121 : i32
    %add3A_123 = arith.constant 448 : i32
    %add3A_124 = arith.addi %mul3A_122, %add3A_123 : i32
    "tpu.region"() ({
      %run_scoped3A = tpu.sem_alloc : memref<!tpu.dma_semaphore, #tpu.memory_space<semaphore_mem>>
      %dma_start3A = arith.constant 0 : i32
      %dma_start3A_154 = tpu.memref_slice %arg12[%add3A_124, %dma_start3A] : memref<10240x128xf32, #tpu.memory_space<vmem_shared>> -> memref<64x128xf32, #tpu.memory_space<vmem_shared>>
      %dma_start3A_155 = arith.constant 0 : i32
      %dma_start3A_156 = tpu.memref_slice %arg12[%add3A_124, %dma_start3A_155] : memref<10240x128xf32, #tpu.memory_space<vmem_shared>> -> memref<64x128xf32, #tpu.memory_space<vmem_shared>>
      tpu.enqueue_dma source(%dma_start3A_156 : memref<64x128xf32, #tpu.memory_space<vmem_shared>>) target(%arg11 : memref<64x128xf32, #tpu.memory_space<vmem>>) target_semaphore(%run_scoped3A : memref<!tpu.dma_semaphore, #tpu.memory_space<semaphore_mem>>)
      %dma_wait3A = arith.constant 0 : i32
      %dma_wait3A_157 = tpu.memref_slice %arg12[%add3A_124, %dma_wait3A] : memref<10240x128xf32, #tpu.memory_space<vmem_shared>> -> memref<64x128xf32, #tpu.memory_space<vmem_shared>>
      %dma_wait3A_158 = arith.constant 0 : i32
      %dma_wait3A_159 = tpu.memref_slice %arg12[%add3A_124, %dma_wait3A_158] : memref<10240x128xf32, #tpu.memory_space<vmem_shared>> -> memref<64x128xf32, #tpu.memory_space<vmem_shared>>
      tpu.wait_dma2 semaphore(%run_scoped3A : memref<!tpu.dma_semaphore, #tpu.memory_space<semaphore_mem>>) src(%dma_wait3A_159 : memref<64x128xf32, #tpu.memory_space<vmem_shared>>) dst(%arg11 : memref<64x128xf32, #tpu.memory_space<vmem>>)
      tpu.yield
    }) : () -> ()
    %mul3A_125 = arith.constant 10240 : i32
    %mul3A_126 = arith.muli %arg0, %mul3A_125 : i32
    %mul3A_127 = arith.constant 640 : i32
    %mul3A_128 = arith.muli %arg1, %mul3A_127 : i32
    %add3A_129 = arith.addi %mul3A_126, %mul3A_128 : i32
    %add3A_130 = arith.constant 448 : i32
    %add3A_131 = arith.addi %add3A_129, %add3A_130 : i32
    "tpu.region"() ({
      %run_scoped3A = tpu.sem_alloc : memref<!tpu.dma_semaphore, #tpu.memory_space<semaphore_mem>>
      %dma_start3A = arith.constant 0 : i32
      %dma_start3A_154 = tpu.memref_slice %arg6[%add3A_131, %dma_start3A] : memref<20480x128xf32, #tpu.memory_space<hbm>> -> memref<64x128xf32, #tpu.memory_space<hbm>>
      %dma_start3A_155 = arith.constant 0 : i32
      %dma_start3A_156 = tpu.memref_slice %arg6[%add3A_131, %dma_start3A_155] : memref<20480x128xf32, #tpu.memory_space<hbm>> -> memref<64x128xf32, #tpu.memory_space<hbm>>
      tpu.enqueue_dma source(%arg11 : memref<64x128xf32, #tpu.memory_space<vmem>>) target(%dma_start3A_156 : memref<64x128xf32, #tpu.memory_space<hbm>>) target_semaphore(%run_scoped3A : memref<!tpu.dma_semaphore, #tpu.memory_space<semaphore_mem>>)
      %dma_wait3A = arith.constant 0 : i32
      %dma_wait3A_157 = tpu.memref_slice %arg6[%add3A_131, %dma_wait3A] : memref<20480x128xf32, #tpu.memory_space<hbm>> -> memref<64x128xf32, #tpu.memory_space<hbm>>
      %dma_wait3A_158 = arith.constant 0 : i32
      %dma_wait3A_159 = tpu.memref_slice %arg6[%add3A_131, %dma_wait3A_158] : memref<20480x128xf32, #tpu.memory_space<hbm>> -> memref<64x128xf32, #tpu.memory_space<hbm>>
      tpu.wait_dma2 semaphore(%run_scoped3A : memref<!tpu.dma_semaphore, #tpu.memory_space<semaphore_mem>>) src(%arg11 : memref<64x128xf32, #tpu.memory_space<vmem>>) dst(%dma_wait3A_159 : memref<64x128xf32, #tpu.memory_space<hbm>>)
      tpu.yield
    }) : () -> ()
    %mul3A_132 = arith.constant 640 : i32
    %mul3A_133 = arith.muli %arg1, %mul3A_132 : i32
    %add3A_134 = arith.constant 512 : i32
    %add3A_135 = arith.addi %mul3A_133, %add3A_134 : i32
    "tpu.region"() ({
      %run_scoped3A = tpu.sem_alloc : memref<!tpu.dma_semaphore, #tpu.memory_space<semaphore_mem>>
      %dma_start3A = arith.constant 0 : i32
      %dma_start3A_154 = tpu.memref_slice %arg12[%add3A_135, %dma_start3A] : memref<10240x128xf32, #tpu.memory_space<vmem_shared>> -> memref<64x128xf32, #tpu.memory_space<vmem_shared>>
      %dma_start3A_155 = arith.constant 0 : i32
      %dma_start3A_156 = tpu.memref_slice %arg12[%add3A_135, %dma_start3A_155] : memref<10240x128xf32, #tpu.memory_space<vmem_shared>> -> memref<64x128xf32, #tpu.memory_space<vmem_shared>>
      tpu.enqueue_dma source(%dma_start3A_156 : memref<64x128xf32, #tpu.memory_space<vmem_shared>>) target(%arg11 : memref<64x128xf32, #tpu.memory_space<vmem>>) target_semaphore(%run_scoped3A : memref<!tpu.dma_semaphore, #tpu.memory_space<semaphore_mem>>)
      %dma_wait3A = arith.constant 0 : i32
      %dma_wait3A_157 = tpu.memref_slice %arg12[%add3A_135, %dma_wait3A] : memref<10240x128xf32, #tpu.memory_space<vmem_shared>> -> memref<64x128xf32, #tpu.memory_space<vmem_shared>>
      %dma_wait3A_158 = arith.constant 0 : i32
      %dma_wait3A_159 = tpu.memref_slice %arg12[%add3A_135, %dma_wait3A_158] : memref<10240x128xf32, #tpu.memory_space<vmem_shared>> -> memref<64x128xf32, #tpu.memory_space<vmem_shared>>
      tpu.wait_dma2 semaphore(%run_scoped3A : memref<!tpu.dma_semaphore, #tpu.memory_space<semaphore_mem>>) src(%dma_wait3A_159 : memref<64x128xf32, #tpu.memory_space<vmem_shared>>) dst(%arg11 : memref<64x128xf32, #tpu.memory_space<vmem>>)
      tpu.yield
    }) : () -> ()
    %mul3A_136 = arith.constant 10240 : i32
    %mul3A_137 = arith.muli %arg0, %mul3A_136 : i32
    %mul3A_138 = arith.constant 640 : i32
    %mul3A_139 = arith.muli %arg1, %mul3A_138 : i32
    %add3A_140 = arith.addi %mul3A_137, %mul3A_139 : i32
    %add3A_141 = arith.constant 512 : i32
    %add3A_142 = arith.addi %add3A_140, %add3A_141 : i32
    "tpu.region"() ({
      %run_scoped3A = tpu.sem_alloc : memref<!tpu.dma_semaphore, #tpu.memory_space<semaphore_mem>>
      %dma_start3A = arith.constant 0 : i32
      %dma_start3A_154 = tpu.memref_slice %arg6[%add3A_142, %dma_start3A] : memref<20480x128xf32, #tpu.memory_space<hbm>> -> memref<64x128xf32, #tpu.memory_space<hbm>>
      %dma_start3A_155 = arith.constant 0 : i32
      %dma_start3A_156 = tpu.memref_slice %arg6[%add3A_142, %dma_start3A_155] : memref<20480x128xf32, #tpu.memory_space<hbm>> -> memref<64x128xf32, #tpu.memory_space<hbm>>
      tpu.enqueue_dma source(%arg11 : memref<64x128xf32, #tpu.memory_space<vmem>>) target(%dma_start3A_156 : memref<64x128xf32, #tpu.memory_space<hbm>>) target_semaphore(%run_scoped3A : memref<!tpu.dma_semaphore, #tpu.memory_space<semaphore_mem>>)
      %dma_wait3A = arith.constant 0 : i32
      %dma_wait3A_157 = tpu.memref_slice %arg6[%add3A_142, %dma_wait3A] : memref<20480x128xf32, #tpu.memory_space<hbm>> -> memref<64x128xf32, #tpu.memory_space<hbm>>
      %dma_wait3A_158 = arith.constant 0 : i32
      %dma_wait3A_159 = tpu.memref_slice %arg6[%add3A_142, %dma_wait3A_158] : memref<20480x128xf32, #tpu.memory_space<hbm>> -> memref<64x128xf32, #tpu.memory_space<hbm>>
      tpu.wait_dma2 semaphore(%run_scoped3A : memref<!tpu.dma_semaphore, #tpu.memory_space<semaphore_mem>>) src(%arg11 : memref<64x128xf32, #tpu.memory_space<vmem>>) dst(%dma_wait3A_159 : memref<64x128xf32, #tpu.memory_space<hbm>>)
      tpu.yield
    }) : () -> ()
    %mul3A_143 = arith.constant 640 : i32
    %mul3A_144 = arith.muli %arg1, %mul3A_143 : i32
    %add3A_145 = arith.constant 576 : i32
    %add3A_146 = arith.addi %mul3A_144, %add3A_145 : i32
    "tpu.region"() ({
      %run_scoped3A = tpu.sem_alloc : memref<!tpu.dma_semaphore, #tpu.memory_space<semaphore_mem>>
      %dma_start3A = arith.constant 0 : i32
      %dma_start3A_154 = tpu.memref_slice %arg12[%add3A_146, %dma_start3A] : memref<10240x128xf32, #tpu.memory_space<vmem_shared>> -> memref<64x128xf32, #tpu.memory_space<vmem_shared>>
      %dma_start3A_155 = arith.constant 0 : i32
      %dma_start3A_156 = tpu.memref_slice %arg12[%add3A_146, %dma_start3A_155] : memref<10240x128xf32, #tpu.memory_space<vmem_shared>> -> memref<64x128xf32, #tpu.memory_space<vmem_shared>>
      tpu.enqueue_dma source(%dma_start3A_156 : memref<64x128xf32, #tpu.memory_space<vmem_shared>>) target(%arg11 : memref<64x128xf32, #tpu.memory_space<vmem>>) target_semaphore(%run_scoped3A : memref<!tpu.dma_semaphore, #tpu.memory_space<semaphore_mem>>)
      %dma_wait3A = arith.constant 0 : i32
      %dma_wait3A_157 = tpu.memref_slice %arg12[%add3A_146, %dma_wait3A] : memref<10240x128xf32, #tpu.memory_space<vmem_shared>> -> memref<64x128xf32, #tpu.memory_space<vmem_shared>>
      %dma_wait3A_158 = arith.constant 0 : i32
      %dma_wait3A_159 = tpu.memref_slice %arg12[%add3A_146, %dma_wait3A_158] : memref<10240x128xf32, #tpu.memory_space<vmem_shared>> -> memref<64x128xf32, #tpu.memory_space<vmem_shared>>
      tpu.wait_dma2 semaphore(%run_scoped3A : memref<!tpu.dma_semaphore, #tpu.memory_space<semaphore_mem>>) src(%dma_wait3A_159 : memref<64x128xf32, #tpu.memory_space<vmem_shared>>) dst(%arg11 : memref<64x128xf32, #tpu.memory_space<vmem>>)
      tpu.yield
    }) : () -> ()
    %mul3A_147 = arith.constant 10240 : i32
    %mul3A_148 = arith.muli %arg0, %mul3A_147 : i32
    %mul3A_149 = arith.constant 640 : i32
    %mul3A_150 = arith.muli %arg1, %mul3A_149 : i32
    %add3A_151 = arith.addi %mul3A_148, %mul3A_150 : i32
    %add3A_152 = arith.constant 576 : i32
    %add3A_153 = arith.addi %add3A_151, %add3A_152 : i32
    "tpu.region"() ({
      %run_scoped3A = tpu.sem_alloc : memref<!tpu.dma_semaphore, #tpu.memory_space<semaphore_mem>>
      %dma_start3A = arith.constant 0 : i32
      %dma_start3A_154 = tpu.memref_slice %arg6[%add3A_153, %dma_start3A] : memref<20480x128xf32, #tpu.memory_space<hbm>> -> memref<64x128xf32, #tpu.memory_space<hbm>>
      %dma_start3A_155 = arith.constant 0 : i32
      %dma_start3A_156 = tpu.memref_slice %arg6[%add3A_153, %dma_start3A_155] : memref<20480x128xf32, #tpu.memory_space<hbm>> -> memref<64x128xf32, #tpu.memory_space<hbm>>
      tpu.enqueue_dma source(%arg11 : memref<64x128xf32, #tpu.memory_space<vmem>>) target(%dma_start3A_156 : memref<64x128xf32, #tpu.memory_space<hbm>>) target_semaphore(%run_scoped3A : memref<!tpu.dma_semaphore, #tpu.memory_space<semaphore_mem>>)
      %dma_wait3A = arith.constant 0 : i32
      %dma_wait3A_157 = tpu.memref_slice %arg6[%add3A_153, %dma_wait3A] : memref<20480x128xf32, #tpu.memory_space<hbm>> -> memref<64x128xf32, #tpu.memory_space<hbm>>
      %dma_wait3A_158 = arith.constant 0 : i32
      %dma_wait3A_159 = tpu.memref_slice %arg6[%add3A_153, %dma_wait3A_158] : memref<20480x128xf32, #tpu.memory_space<hbm>> -> memref<64x128xf32, #tpu.memory_space<hbm>>
      tpu.wait_dma2 semaphore(%run_scoped3A : memref<!tpu.dma_semaphore, #tpu.memory_space<semaphore_mem>>) src(%arg11 : memref<64x128xf32, #tpu.memory_space<vmem>>) dst(%dma_wait3A_159 : memref<64x128xf32, #tpu.memory_space<hbm>>)
      tpu.yield
    }) : () -> ()
    return
  }
}

#map = affine_map<(d0, d1) -> (0, 0)>
#map1 = affine_map<(d0, d1) -> (0, 0, 0, 0, 0)>
#map2 = affine_map<(d0, d1) -> (0, 0, 0, 0)>
module attributes {stable_mosaic.version = 14 : i64} {
  func.func @k(%arg0: i32, %arg1: i32, %arg2: memref<20000x128xf32, #tpu.memory_space<hbm>>, %arg3: memref<2x16x5x50x80xi32, #tpu.memory_space<hbm>>, %arg4: memref<16x5x50x80xi32, #tpu.memory_space<hbm>>, %arg5: memref<64x128xf32, #tpu.memory_space<hbm>>, %arg6: memref<20480x128xf32, #tpu.memory_space<hbm>>, %arg7: memref<50x80xi32, #tpu.memory_space<vmem>>, %arg8: memref<50x80xi32, #tpu.memory_space<vmem>>, %arg9: memref<80x128xf32, #tpu.memory_space<vmem>>, %arg10: memref<80x128xf32, #tpu.memory_space<vmem>>, %arg11: memref<64x128xf32, #tpu.memory_space<vmem>>, %arg12: memref<10240x128xf32, #tpu.memory_space<vmem_shared>>, %arg13: memref<!tpu.dma_semaphore, #tpu.memory_space<semaphore_mem>>, %arg14: memref<!tpu.dma_semaphore, #tpu.memory_space<semaphore_mem>>) attributes {dimension_semantics = [#tpu.dimension_semantics<core_parallel>, #tpu.dimension_semantics<subcore_parallel>], iteration_bounds = array<i64: 2, 16>, scalar_prefetch = 0 : i64, scratch_operands = 8 : i64, tpu.core_type = #tpu.core_type<sc_vector_subcore>, window_params = [{transform_indices = #map}, {transform_indices = #map1}, {transform_indices = #map2}, {transform_indices = #map}, {transform_indices = #map}]} {
    "tpu.region"() ({
      %run_scoped3A = tpu.sem_alloc : memref<!tpu.dma_semaphore, #tpu.memory_space<semaphore_mem>>
      tpu.enqueue_dma source(%arg5 : memref<64x128xf32, #tpu.memory_space<hbm>>) target(%arg11 : memref<64x128xf32, #tpu.memory_space<vmem>>) target_semaphore(%run_scoped3A : memref<!tpu.dma_semaphore, #tpu.memory_space<semaphore_mem>>)
      tpu.wait_dma2 semaphore(%run_scoped3A : memref<!tpu.dma_semaphore, #tpu.memory_space<semaphore_mem>>) src(%arg5 : memref<64x128xf32, #tpu.memory_space<hbm>>) dst(%arg11 : memref<64x128xf32, #tpu.memory_space<vmem>>)
      tpu.yield
    }) : () -> ()
    %mul3A = arith.constant 640 : i32
    %mul3A_0 = arith.muli %arg1, %mul3A : i32
    %add3A = arith.constant 0 : i32
    %add3A_1 = arith.addi %mul3A_0, %add3A : i32
    "tpu.region"() ({
      %run_scoped3A = tpu.sem_alloc : memref<!tpu.dma_semaphore, #tpu.memory_space<semaphore_mem>>
      %dma_start3A = arith.constant 0 : i32
      %dma_start3A_154 = tpu.memref_slice %arg12[%add3A_1, %dma_start3A] : memref<10240x128xf32, #tpu.memory_space<vmem_shared>> -> memref<64x128xf32, #tpu.memory_space<vmem_shared>>
      %dma_start3A_155 = arith.constant 0 : i32
      %dma_start3A_156 = tpu.memref_slice %arg12[%add3A_1, %dma_start3A_155] : memref<10240x128xf32, #tpu.memory_space<vmem_shared>> -> memref<64x128xf32, #tpu.memory_space<vmem_shared>>
      tpu.enqueue_dma source(%arg11 : memref<64x128xf32, #tpu.memory_space<vmem>>) target(%dma_start3A_156 : memref<64x128xf32, #tpu.memory_space<vmem_shared>>) target_semaphore(%run_scoped3A : memref<!tpu.dma_semaphore, #tpu.memory_space<semaphore_mem>>)
      %dma_wait3A = arith.constant 0 : i32
      %dma_wait3A_157 = tpu.memref_slice %arg12[%add3A_1, %dma_wait3A] : memref<10240x128xf32, #tpu.memory_space<vmem_shared>> -> memref<64x128xf32, #tpu.memory_space<vmem_shared>>
      %dma_wait3A_158 = arith.constant 0 : i32
      %dma_wait3A_159 = tpu.memref_slice %arg12[%add3A_1, %dma_wait3A_158] : memref<10240x128xf32, #tpu.memory_space<vmem_shared>> -> memref<64x128xf32, #tpu.memory_space<vmem_shared>>
      tpu.wait_dma2 semaphore(%run_scoped3A : memref<!tpu.dma_semaphore, #tpu.memory_space<semaphore_mem>>) src(%arg11 : memref<64x128xf32, #tpu.memory_space<vmem>>) dst(%dma_wait3A_159 : memref<64x128xf32, #tpu.memory_space<vmem_shared>>)
      tpu.yield
    }) : () -> ()
    %mul3A_2 = arith.constant 640 : i32
    %mul3A_3 = arith.muli %arg1, %mul3A_2 : i32
    %add3A_4 = arith.constant 64 : i32
    %add3A_5 = arith.addi %mul3A_3, %add3A_4 : i32
    "tpu.region"() ({
      %run_scoped3A = tpu.sem_alloc : memref<!tpu.dma_semaphore, #tpu.memory_space<semaphore_mem>>
      %dma_start3A = arith.constant 0 : i32
      %dma_start3A_154 = tpu.memref_slice %arg12[%add3A_5, %dma_start3A] : memref<10240x128xf32, #tpu.memory_space<vmem_shared>> -> memref<64x128xf32, #tpu.memory_space<vmem_shared>>
      %dma_start3A_155 = arith.constant 0 : i32
      %dma_start3A_156 = tpu.memref_slice %arg12[%add3A_5, %dma_start3A_155] : memref<10240x128xf32, #tpu.memory_space<vmem_shared>> -> memref<64x128xf32, #tpu.memory_space<vmem_shared>>
      tpu.enqueue_dma source(%arg11 : memref<64x128xf32, #tpu.memory_space<vmem>>) target(%dma_start3A_156 : memref<64x128xf32, #tpu.memory_space<vmem_shared>>) target_semaphore(%run_scoped3A : memref<!tpu.dma_semaphore, #tpu.memory_space<semaphore_mem>>)
      %dma_wait3A = arith.constant 0 : i32
      %dma_wait3A_157 = tpu.memref_slice %arg12[%add3A_5, %dma_wait3A] : memref<10240x128xf32, #tpu.memory_space<vmem_shared>> -> memref<64x128xf32, #tpu.memory_space<vmem_shared>>
      %dma_wait3A_158 = arith.constant 0 : i32
      %dma_wait3A_159 = tpu.memref_slice %arg12[%add3A_5, %dma_wait3A_158] : memref<10240x128xf32, #tpu.memory_space<vmem_shared>> -> memref<64x128xf32, #tpu.memory_space<vmem_shared>>
      tpu.wait_dma2 semaphore(%run_scoped3A : memref<!tpu.dma_semaphore, #tpu.memory_space<semaphore_mem>>) src(%arg11 : memref<64x128xf32, #tpu.memory_space<vmem>>) dst(%dma_wait3A_159 : memref<64x128xf32, #tpu.memory_space<vmem_shared>>)
      tpu.yield
    }) : () -> ()
    %mul3A_6 = arith.constant 640 : i32
    %mul3A_7 = arith.muli %arg1, %mul3A_6 : i32
    %add3A_8 = arith.constant 128 : i32
    %add3A_9 = arith.addi %mul3A_7, %add3A_8 : i32
    "tpu.region"() ({
      %run_scoped3A = tpu.sem_alloc : memref<!tpu.dma_semaphore, #tpu.memory_space<semaphore_mem>>
      %dma_start3A = arith.constant 0 : i32
      %dma_start3A_154 = tpu.memref_slice %arg12[%add3A_9, %dma_start3A] : memref<10240x128xf32, #tpu.memory_space<vmem_shared>> -> memref<64x128xf32, #tpu.memory_space<vmem_shared>>
      %dma_start3A_155 = arith.constant 0 : i32
      %dma_start3A_156 = tpu.memref_slice %arg12[%add3A_9, %dma_start3A_155] : memref<10240x128xf32, #tpu.memory_space<vmem_shared>> -> memref<64x128xf32, #tpu.memory_space<vmem_shared>>
      tpu.enqueue_dma source(%arg11 : memref<64x128xf32, #tpu.memory_space<vmem>>) target(%dma_start3A_156 : memref<64x128xf32, #tpu.memory_space<vmem_shared>>) target_semaphore(%run_scoped3A : memref<!tpu.dma_semaphore, #tpu.memory_space<semaphore_mem>>)
      %dma_wait3A = arith.constant 0 : i32
      %dma_wait3A_157 = tpu.memref_slice %arg12[%add3A_9, %dma_wait3A] : memref<10240x128xf32, #tpu.memory_space<vmem_shared>> -> memref<64x128xf32, #tpu.memory_space<vmem_shared>>
      %dma_wait3A_158 = arith.constant 0 : i32
      %dma_wait3A_159 = tpu.memref_slice %arg12[%add3A_9, %dma_wait3A_158] : memref<10240x128xf32, #tpu.memory_space<vmem_shared>> -> memref<64x128xf32, #tpu.memory_space<vmem_shared>>
      tpu.wait_dma2 semaphore(%run_scoped3A : memref<!tpu.dma_semaphore, #tpu.memory_space<semaphore_mem>>) src(%arg11 : memref<64x128xf32, #tpu.memory_space<vmem>>) dst(%dma_wait3A_159 : memref<64x128xf32, #tpu.memory_space<vmem_shared>>)
      tpu.yield
    }) : () -> ()
    %mul3A_10 = arith.constant 640 : i32
    %mul3A_11 = arith.muli %arg1, %mul3A_10 : i32
    %add3A_12 = arith.constant 192 : i32
    %add3A_13 = arith.addi %mul3A_11, %add3A_12 : i32
    "tpu.region"() ({
      %run_scoped3A = tpu.sem_alloc : memref<!tpu.dma_semaphore, #tpu.memory_space<semaphore_mem>>
      %dma_start3A = arith.constant 0 : i32
      %dma_start3A_154 = tpu.memref_slice %arg12[%add3A_13, %dma_start3A] : memref<10240x128xf32, #tpu.memory_space<vmem_shared>> -> memref<64x128xf32, #tpu.memory_space<vmem_shared>>
      %dma_start3A_155 = arith.constant 0 : i32
      %dma_start3A_156 = tpu.memref_slice %arg12[%add3A_13, %dma_start3A_155] : memref<10240x128xf32, #tpu.memory_space<vmem_shared>> -> memref<64x128xf32, #tpu.memory_space<vmem_shared>>
      tpu.enqueue_dma source(%arg11 : memref<64x128xf32, #tpu.memory_space<vmem>>) target(%dma_start3A_156 : memref<64x128xf32, #tpu.memory_space<vmem_shared>>) target_semaphore(%run_scoped3A : memref<!tpu.dma_semaphore, #tpu.memory_space<semaphore_mem>>)
      %dma_wait3A = arith.constant 0 : i32
      %dma_wait3A_157 = tpu.memref_slice %arg12[%add3A_13, %dma_wait3A] : memref<10240x128xf32, #tpu.memory_space<vmem_shared>> -> memref<64x128xf32, #tpu.memory_space<vmem_shared>>
      %dma_wait3A_158 = arith.constant 0 : i32
      %dma_wait3A_159 = tpu.memref_slice %arg12[%add3A_13, %dma_wait3A_158] : memref<10240x128xf32, #tpu.memory_space<vmem_shared>> -> memref<64x128xf32, #tpu.memory_space<vmem_shared>>
      tpu.wait_dma2 semaphore(%run_scoped3A : memref<!tpu.dma_semaphore, #tpu.memory_space<semaphore_mem>>) src(%arg11 : memref<64x128xf32, #tpu.memory_space<vmem>>) dst(%dma_wait3A_159 : memref<64x128xf32, #tpu.memory_space<vmem_shared>>)
      tpu.yield
    }) : () -> ()
    %mul3A_14 = arith.constant 640 : i32
    %mul3A_15 = arith.muli %arg1, %mul3A_14 : i32
    %add3A_16 = arith.constant 256 : i32
    %add3A_17 = arith.addi %mul3A_15, %add3A_16 : i32
    "tpu.region"() ({
      %run_scoped3A = tpu.sem_alloc : memref<!tpu.dma_semaphore, #tpu.memory_space<semaphore_mem>>
      %dma_start3A = arith.constant 0 : i32
      %dma_start3A_154 = tpu.memref_slice %arg12[%add3A_17, %dma_start3A] : memref<10240x128xf32, #tpu.memory_space<vmem_shared>> -> memref<64x128xf32, #tpu.memory_space<vmem_shared>>
      %dma_start3A_155 = arith.constant 0 : i32
      %dma_start3A_156 = tpu.memref_slice %arg12[%add3A_17, %dma_start3A_155] : memref<10240x128xf32, #tpu.memory_space<vmem_shared>> -> memref<64x128xf32, #tpu.memory_space<vmem_shared>>
      tpu.enqueue_dma source(%arg11 : memref<64x128xf32, #tpu.memory_space<vmem>>) target(%dma_start3A_156 : memref<64x128xf32, #tpu.memory_space<vmem_shared>>) target_semaphore(%run_scoped3A : memref<!tpu.dma_semaphore, #tpu.memory_space<semaphore_mem>>)
      %dma_wait3A = arith.constant 0 : i32
      %dma_wait3A_157 = tpu.memref_slice %arg12[%add3A_17, %dma_wait3A] : memref<10240x128xf32, #tpu.memory_space<vmem_shared>> -> memref<64x128xf32, #tpu.memory_space<vmem_shared>>
      %dma_wait3A_158 = arith.constant 0 : i32
      %dma_wait3A_159 = tpu.memref_slice %arg12[%add3A_17, %dma_wait3A_158] : memref<10240x128xf32, #tpu.memory_space<vmem_shared>> -> memref<64x128xf32, #tpu.memory_space<vmem_shared>>
      tpu.wait_dma2 semaphore(%run_scoped3A : memref<!tpu.dma_semaphore, #tpu.memory_space<semaphore_mem>>) src(%arg11 : memref<64x128xf32, #tpu.memory_space<vmem>>) dst(%dma_wait3A_159 : memref<64x128xf32, #tpu.memory_space<vmem_shared>>)
      tpu.yield
    }) : () -> ()
    %mul3A_18 = arith.constant 640 : i32
    %mul3A_19 = arith.muli %arg1, %mul3A_18 : i32
    %add3A_20 = arith.constant 320 : i32
    %add3A_21 = arith.addi %mul3A_19, %add3A_20 : i32
    "tpu.region"() ({
      %run_scoped3A = tpu.sem_alloc : memref<!tpu.dma_semaphore, #tpu.memory_space<semaphore_mem>>
      %dma_start3A = arith.constant 0 : i32
      %dma_start3A_154 = tpu.memref_slice %arg12[%add3A_21, %dma_start3A] : memref<10240x128xf32, #tpu.memory_space<vmem_shared>> -> memref<64x128xf32, #tpu.memory_space<vmem_shared>>
      %dma_start3A_155 = arith.constant 0 : i32
      %dma_start3A_156 = tpu.memref_slice %arg12[%add3A_21, %dma_start3A_155] : memref<10240x128xf32, #tpu.memory_space<vmem_shared>> -> memref<64x128xf32, #tpu.memory_space<vmem_shared>>
      tpu.enqueue_dma source(%arg11 : memref<64x128xf32, #tpu.memory_space<vmem>>) target(%dma_start3A_156 : memref<64x128xf32, #tpu.memory_space<vmem_shared>>) target_semaphore(%run_scoped3A : memref<!tpu.dma_semaphore, #tpu.memory_space<semaphore_mem>>)
      %dma_wait3A = arith.constant 0 : i32
      %dma_wait3A_157 = tpu.memref_slice %arg12[%add3A_21, %dma_wait3A] : memref<10240x128xf32, #tpu.memory_space<vmem_shared>> -> memref<64x128xf32, #tpu.memory_space<vmem_shared>>
      %dma_wait3A_158 = arith.constant 0 : i32
      %dma_wait3A_159 = tpu.memref_slice %arg12[%add3A_21, %dma_wait3A_158] : memref<10240x128xf32, #tpu.memory_space<vmem_shared>> -> memref<64x128xf32, #tpu.memory_space<vmem_shared>>
      tpu.wait_dma2 semaphore(%run_scoped3A : memref<!tpu.dma_semaphore, #tpu.memory_space<semaphore_mem>>) src(%arg11 : memref<64x128xf32, #tpu.memory_space<vmem>>) dst(%dma_wait3A_159 : memref<64x128xf32, #tpu.memory_space<vmem_shared>>)
      tpu.yield
    }) : () -> ()
    %mul3A_22 = arith.constant 640 : i32
    %mul3A_23 = arith.muli %arg1, %mul3A_22 : i32
    %add3A_24 = arith.constant 384 : i32
    %add3A_25 = arith.addi %mul3A_23, %add3A_24 : i32
    "tpu.region"() ({
      %run_scoped3A = tpu.sem_alloc : memref<!tpu.dma_semaphore, #tpu.memory_space<semaphore_mem>>
      %dma_start3A = arith.constant 0 : i32
      %dma_start3A_154 = tpu.memref_slice %arg12[%add3A_25, %dma_start3A] : memref<10240x128xf32, #tpu.memory_space<vmem_shared>> -> memref<64x128xf32, #tpu.memory_space<vmem_shared>>
      %dma_start3A_155 = arith.constant 0 : i32
      %dma_start3A_156 = tpu.memref_slice %arg12[%add3A_25, %dma_start3A_155] : memref<10240x128xf32, #tpu.memory_space<vmem_shared>> -> memref<64x128xf32, #tpu.memory_space<vmem_shared>>
      tpu.enqueue_dma source(%arg11 : memref<64x128xf32, #tpu.memory_space<vmem>>) target(%dma_start3A_156 : memref<64x128xf32, #tpu.memory_space<vmem_shared>>) target_semaphore(%run_scoped3A : memref<!tpu.dma_semaphore, #tpu.memory_space<semaphore_mem>>)
      %dma_wait3A = arith.constant 0 : i32
      %dma_wait3A_157 = tpu.memref_slice %arg12[%add3A_25, %dma_wait3A] : memref<10240x128xf32, #tpu.memory_space<vmem_shared>> -> memref<64x128xf32, #tpu.memory_space<vmem_shared>>
      %dma_wait3A_158 = arith.constant 0 : i32
      %dma_wait3A_159 = tpu.memref_slice %arg12[%add3A_25, %dma_wait3A_158] : memref<10240x128xf32, #tpu.memory_space<vmem_shared>> -> memref<64x128xf32, #tpu.memory_space<vmem_shared>>
      tpu.wait_dma2 semaphore(%run_scoped3A : memref<!tpu.dma_semaphore, #tpu.memory_space<semaphore_mem>>) src(%arg11 : memref<64x128xf32, #tpu.memory_space<vmem>>) dst(%dma_wait3A_159 : memref<64x128xf32, #tpu.memory_space<vmem_shared>>)
      tpu.yield
    }) : () -> ()
    %mul3A_26 = arith.constant 640 : i32
    %mul3A_27 = arith.muli %arg1, %mul3A_26 : i32
    %add3A_28 = arith.constant 448 : i32
    %add3A_29 = arith.addi %mul3A_27, %add3A_28 : i32
    "tpu.region"() ({
      %run_scoped3A = tpu.sem_alloc : memref<!tpu.dma_semaphore, #tpu.memory_space<semaphore_mem>>
      %dma_start3A = arith.constant 0 : i32
      %dma_start3A_154 = tpu.memref_slice %arg12[%add3A_29, %dma_start3A] : memref<10240x128xf32, #tpu.memory_space<vmem_shared>> -> memref<64x128xf32, #tpu.memory_space<vmem_shared>>
      %dma_start3A_155 = arith.constant 0 : i32
      %dma_start3A_156 = tpu.memref_slice %arg12[%add3A_29, %dma_start3A_155] : memref<10240x128xf32, #tpu.memory_space<vmem_shared>> -> memref<64x128xf32, #tpu.memory_space<vmem_shared>>
      tpu.enqueue_dma source(%arg11 : memref<64x128xf32, #tpu.memory_space<vmem>>) target(%dma_start3A_156 : memref<64x128xf32, #tpu.memory_space<vmem_shared>>) target_semaphore(%run_scoped3A : memref<!tpu.dma_semaphore, #tpu.memory_space<semaphore_mem>>)
      %dma_wait3A = arith.constant 0 : i32
      %dma_wait3A_157 = tpu.memref_slice %arg12[%add3A_29, %dma_wait3A] : memref<10240x128xf32, #tpu.memory_space<vmem_shared>> -> memref<64x128xf32, #tpu.memory_space<vmem_shared>>
      %dma_wait3A_158 = arith.constant 0 : i32
      %dma_wait3A_159 = tpu.memref_slice %arg12[%add3A_29, %dma_wait3A_158] : memref<10240x128xf32, #tpu.memory_space<vmem_shared>> -> memref<64x128xf32, #tpu.memory_space<vmem_shared>>
      tpu.wait_dma2 semaphore(%run_scoped3A : memref<!tpu.dma_semaphore, #tpu.memory_space<semaphore_mem>>) src(%arg11 : memref<64x128xf32, #tpu.memory_space<vmem>>) dst(%dma_wait3A_159 : memref<64x128xf32, #tpu.memory_space<vmem_shared>>)
      tpu.yield
    }) : () -> ()
    %mul3A_30 = arith.constant 640 : i32
    %mul3A_31 = arith.muli %arg1, %mul3A_30 : i32
    %add3A_32 = arith.constant 512 : i32
    %add3A_33 = arith.addi %mul3A_31, %add3A_32 : i32
    "tpu.region"() ({
      %run_scoped3A = tpu.sem_alloc : memref<!tpu.dma_semaphore, #tpu.memory_space<semaphore_mem>>
      %dma_start3A = arith.constant 0 : i32
      %dma_start3A_154 = tpu.memref_slice %arg12[%add3A_33, %dma_start3A] : memref<10240x128xf32, #tpu.memory_space<vmem_shared>> -> memref<64x128xf32, #tpu.memory_space<vmem_shared>>
      %dma_start3A_155 = arith.constant 0 : i32
      %dma_start3A_156 = tpu.memref_slice %arg12[%add3A_33, %dma_start3A_155] : memref<10240x128xf32, #tpu.memory_space<vmem_shared>> -> memref<64x128xf32, #tpu.memory_space<vmem_shared>>
      tpu.enqueue_dma source(%arg11 : memref<64x128xf32, #tpu.memory_space<vmem>>) target(%dma_start3A_156 : memref<64x128xf32, #tpu.memory_space<vmem_shared>>) target_semaphore(%run_scoped3A : memref<!tpu.dma_semaphore, #tpu.memory_space<semaphore_mem>>)
      %dma_wait3A = arith.constant 0 : i32
      %dma_wait3A_157 = tpu.memref_slice %arg12[%add3A_33, %dma_wait3A] : memref<10240x128xf32, #tpu.memory_space<vmem_shared>> -> memref<64x128xf32, #tpu.memory_space<vmem_shared>>
      %dma_wait3A_158 = arith.constant 0 : i32
      %dma_wait3A_159 = tpu.memref_slice %arg12[%add3A_33, %dma_wait3A_158] : memref<10240x128xf32, #tpu.memory_space<vmem_shared>> -> memref<64x128xf32, #tpu.memory_space<vmem_shared>>
      tpu.wait_dma2 semaphore(%run_scoped3A : memref<!tpu.dma_semaphore, #tpu.memory_space<semaphore_mem>>) src(%arg11 : memref<64x128xf32, #tpu.memory_space<vmem>>) dst(%dma_wait3A_159 : memref<64x128xf32, #tpu.memory_space<vmem_shared>>)
      tpu.yield
    }) : () -> ()
    %mul3A_34 = arith.constant 640 : i32
    %mul3A_35 = arith.muli %arg1, %mul3A_34 : i32
    %add3A_36 = arith.constant 576 : i32
    %add3A_37 = arith.addi %mul3A_35, %add3A_36 : i32
    "tpu.region"() ({
      %run_scoped3A = tpu.sem_alloc : memref<!tpu.dma_semaphore, #tpu.memory_space<semaphore_mem>>
      %dma_start3A = arith.constant 0 : i32
      %dma_start3A_154 = tpu.memref_slice %arg12[%add3A_37, %dma_start3A] : memref<10240x128xf32, #tpu.memory_space<vmem_shared>> -> memref<64x128xf32, #tpu.memory_space<vmem_shared>>
      %dma_start3A_155 = arith.constant 0 : i32
      %dma_start3A_156 = tpu.memref_slice %arg12[%add3A_37, %dma_start3A_155] : memref<10240x128xf32, #tpu.memory_space<vmem_shared>> -> memref<64x128xf32, #tpu.memory_space<vmem_shared>>
      tpu.enqueue_dma source(%arg11 : memref<64x128xf32, #tpu.memory_space<vmem>>) target(%dma_start3A_156 : memref<64x128xf32, #tpu.memory_space<vmem_shared>>) target_semaphore(%run_scoped3A : memref<!tpu.dma_semaphore, #tpu.memory_space<semaphore_mem>>)
      %dma_wait3A = arith.constant 0 : i32
      %dma_wait3A_157 = tpu.memref_slice %arg12[%add3A_37, %dma_wait3A] : memref<10240x128xf32, #tpu.memory_space<vmem_shared>> -> memref<64x128xf32, #tpu.memory_space<vmem_shared>>
      %dma_wait3A_158 = arith.constant 0 : i32
      %dma_wait3A_159 = tpu.memref_slice %arg12[%add3A_37, %dma_wait3A_158] : memref<10240x128xf32, #tpu.memory_space<vmem_shared>> -> memref<64x128xf32, #tpu.memory_space<vmem_shared>>
      tpu.wait_dma2 semaphore(%run_scoped3A : memref<!tpu.dma_semaphore, #tpu.memory_space<semaphore_mem>>) src(%arg11 : memref<64x128xf32, #tpu.memory_space<vmem>>) dst(%dma_wait3A_159 : memref<64x128xf32, #tpu.memory_space<vmem_shared>>)
      tpu.yield
    }) : () -> ()
    %barrier3A = arith.constant 0 : index
    tpu.barrier barrier_id(%barrier3A)
    %scan3A = arith.constant 0 : i32
    %scan3A_38 = arith.constant 0 : i32
    %scan3A_39 = arith.constant 5 : i32
    %scan3A_40 = arith.addi %scan3A_38, %scan3A_39 : i32
    %scan3A_41 = arith.constant 1 : i32
    scf.for %scan3A_154 = %scan3A_38 to %scan3A_40 step %scan3A_41  : i32 {
      "tpu.region"() ({
        %run_scoped3A = tpu.sem_alloc : memref<!tpu.dma_semaphore, #tpu.memory_space<semaphore_mem>>
        %dma_start3A_167 = arith.constant 0 : i32
        %dma_start3A_168 = arith.constant 0 : i32
        %dma_start3A_169 = tpu.memref_slice %arg3[%arg0, %arg1, %scan3A_154, %dma_start3A_167, %dma_start3A_168] : memref<2x16x5x50x80xi32, #tpu.memory_space<hbm>> -> memref<1x1x1x50x80xi32, #tpu.memory_space<hbm>>
        %dma_start3A_170 = tpu.memref_squeeze %dma_start3A_169 : memref<1x1x1x50x80xi32, #tpu.memory_space<hbm>> -> memref<50x80xi32, #tpu.memory_space<hbm>>
        %dma_start3A_171 = arith.constant 0 : i32
        %dma_start3A_172 = arith.constant 0 : i32
        %dma_start3A_173 = tpu.memref_slice %arg3[%arg0, %arg1, %scan3A_154, %dma_start3A_171, %dma_start3A_172] : memref<2x16x5x50x80xi32, #tpu.memory_space<hbm>> -> memref<1x1x1x50x80xi32, #tpu.memory_space<hbm>>
        %dma_start3A_174 = tpu.memref_squeeze %dma_start3A_173 : memref<1x1x1x50x80xi32, #tpu.memory_space<hbm>> -> memref<50x80xi32, #tpu.memory_space<hbm>>
        tpu.enqueue_dma source(%dma_start3A_174 : memref<50x80xi32, #tpu.memory_space<hbm>>) target(%arg7 : memref<50x80xi32, #tpu.memory_space<vmem>>) target_semaphore(%run_scoped3A : memref<!tpu.dma_semaphore, #tpu.memory_space<semaphore_mem>>)
        %dma_wait3A = arith.constant 0 : i32
        %dma_wait3A_175 = arith.constant 0 : i32
        %dma_wait3A_176 = tpu.memref_slice %arg3[%arg0, %arg1, %scan3A_154, %dma_wait3A, %dma_wait3A_175] : memref<2x16x5x50x80xi32, #tpu.memory_space<hbm>> -> memref<1x1x1x50x80xi32, #tpu.memory_space<hbm>>
        %dma_wait3A_177 = tpu.memref_squeeze %dma_wait3A_176 : memref<1x1x1x50x80xi32, #tpu.memory_space<hbm>> -> memref<50x80xi32, #tpu.memory_space<hbm>>
        %dma_wait3A_178 = arith.constant 0 : i32
        %dma_wait3A_179 = arith.constant 0 : i32
        %dma_wait3A_180 = tpu.memref_slice %arg3[%arg0, %arg1, %scan3A_154, %dma_wait3A_178, %dma_wait3A_179] : memref<2x16x5x50x80xi32, #tpu.memory_space<hbm>> -> memref<1x1x1x50x80xi32, #tpu.memory_space<hbm>>
        %dma_wait3A_181 = tpu.memref_squeeze %dma_wait3A_180 : memref<1x1x1x50x80xi32, #tpu.memory_space<hbm>> -> memref<50x80xi32, #tpu.memory_space<hbm>>
        tpu.wait_dma2 semaphore(%run_scoped3A : memref<!tpu.dma_semaphore, #tpu.memory_space<semaphore_mem>>) src(%dma_wait3A_181 : memref<50x80xi32, #tpu.memory_space<hbm>>) dst(%arg7 : memref<50x80xi32, #tpu.memory_space<vmem>>)
        tpu.yield
      }) : () -> ()
      "tpu.region"() ({
        %run_scoped3A = tpu.sem_alloc : memref<!tpu.dma_semaphore, #tpu.memory_space<semaphore_mem>>
        %dma_start3A_167 = arith.constant 0 : i32
        %dma_start3A_168 = arith.constant 0 : i32
        %dma_start3A_169 = tpu.memref_slice %arg4[%arg1, %scan3A_154, %dma_start3A_167, %dma_start3A_168] : memref<16x5x50x80xi32, #tpu.memory_space<hbm>> -> memref<1x1x50x80xi32, #tpu.memory_space<hbm>>
        %dma_start3A_170 = tpu.memref_squeeze %dma_start3A_169 : memref<1x1x50x80xi32, #tpu.memory_space<hbm>> -> memref<50x80xi32, #tpu.memory_space<hbm>>
        %dma_start3A_171 = arith.constant 0 : i32
        %dma_start3A_172 = arith.constant 0 : i32
        %dma_start3A_173 = tpu.memref_slice %arg4[%arg1, %scan3A_154, %dma_start3A_171, %dma_start3A_172] : memref<16x5x50x80xi32, #tpu.memory_space<hbm>> -> memref<1x1x50x80xi32, #tpu.memory_space<hbm>>
        %dma_start3A_174 = tpu.memref_squeeze %dma_start3A_173 : memref<1x1x50x80xi32, #tpu.memory_space<hbm>> -> memref<50x80xi32, #tpu.memory_space<hbm>>
        tpu.enqueue_dma source(%dma_start3A_174 : memref<50x80xi32, #tpu.memory_space<hbm>>) target(%arg8 : memref<50x80xi32, #tpu.memory_space<vmem>>) target_semaphore(%run_scoped3A : memref<!tpu.dma_semaphore, #tpu.memory_space<semaphore_mem>>)
        %dma_wait3A = arith.constant 0 : i32
        %dma_wait3A_175 = arith.constant 0 : i32
        %dma_wait3A_176 = tpu.memref_slice %arg4[%arg1, %scan3A_154, %dma_wait3A, %dma_wait3A_175] : memref<16x5x50x80xi32, #tpu.memory_space<hbm>> -> memref<1x1x50x80xi32, #tpu.memory_space<hbm>>
        %dma_wait3A_177 = tpu.memref_squeeze %dma_wait3A_176 : memref<1x1x50x80xi32, #tpu.memory_space<hbm>> -> memref<50x80xi32, #tpu.memory_space<hbm>>
        %dma_wait3A_178 = arith.constant 0 : i32
        %dma_wait3A_179 = arith.constant 0 : i32
        %dma_wait3A_180 = tpu.memref_slice %arg4[%arg1, %scan3A_154, %dma_wait3A_178, %dma_wait3A_179] : memref<16x5x50x80xi32, #tpu.memory_space<hbm>> -> memref<1x1x50x80xi32, #tpu.memory_space<hbm>>
        %dma_wait3A_181 = tpu.memref_squeeze %dma_wait3A_180 : memref<1x1x50x80xi32, #tpu.memory_space<hbm>> -> memref<50x80xi32, #tpu.memory_space<hbm>>
        tpu.wait_dma2 semaphore(%run_scoped3A : memref<!tpu.dma_semaphore, #tpu.memory_space<semaphore_mem>>) src(%dma_wait3A_181 : memref<50x80xi32, #tpu.memory_space<hbm>>) dst(%arg8 : memref<50x80xi32, #tpu.memory_space<vmem>>)
        tpu.yield
      }) : () -> ()
      %dma_start3A = arith.constant 0 : i32
      %dma_start3A_155 = arith.constant 0 : i32
      %dma_start3A_156 = tpu.memref_slice %arg7[%dma_start3A, %dma_start3A_155] : memref<50x80xi32, #tpu.memory_space<vmem>> -> memref<1x80xi32, #tpu.memory_space<vmem>>
      %dma_start3A_157 = tpu.memref_squeeze %dma_start3A_156 : memref<1x80xi32, #tpu.memory_space<vmem>> -> memref<80xi32, #tpu.memory_space<vmem>>
      %dma_start3A_158 = arith.constant 0 : i32
      %dma_start3A_159 = arith.constant 0 : i32
      %dma_start3A_160 = tpu.memref_slice %arg2[%dma_start3A_158, %dma_start3A_159] : memref<20000x128xf32, #tpu.memory_space<hbm>> -> memref<20000x128xf32, #tpu.memory_space<hbm>>
      tpu.enqueue_indirect_dma source(%dma_start3A_160 : memref<20000x128xf32, #tpu.memory_space<hbm>>) target(%arg9 : memref<80x128xf32, #tpu.memory_space<vmem>>) offsets(%dma_start3A_157 : memref<80xi32, #tpu.memory_space<vmem>>) semaphore(%arg13 : memref<!tpu.dma_semaphore, #tpu.memory_space<semaphore_mem>>)
      %scan3A_161 = arith.constant 0 : i32
      %scan3A_162 = arith.constant 0 : i32
      %scan3A_163 = arith.constant 25 : i32
      %scan3A_164 = arith.addi %scan3A_162, %scan3A_163 : i32
      %scan3A_165 = arith.constant 1 : i32
      scf.for %scan3A_167 = %scan3A_162 to %scan3A_164 step %scan3A_165  : i32 {
        %mul3A_168 = arith.constant 2 : i32
        %mul3A_169 = arith.muli %mul3A_168, %scan3A_167 : i32
        %add3A_170 = arith.constant 1 : i32
        %add3A_171 = arith.addi %mul3A_169, %add3A_170 : i32
        %dma_start3A_172 = arith.constant 0 : i32
        %dma_start3A_173 = tpu.memref_slice %arg7[%add3A_171, %dma_start3A_172] : memref<50x80xi32, #tpu.memory_space<vmem>> -> memref<1x80xi32, #tpu.memory_space<vmem>>
        %dma_start3A_174 = tpu.memref_squeeze %dma_start3A_173 : memref<1x80xi32, #tpu.memory_space<vmem>> -> memref<80xi32, #tpu.memory_space<vmem>>
        %dma_start3A_175 = arith.constant 0 : i32
        %dma_start3A_176 = arith.constant 0 : i32
        %dma_start3A_177 = tpu.memref_slice %arg2[%dma_start3A_175, %dma_start3A_176] : memref<20000x128xf32, #tpu.memory_space<hbm>> -> memref<20000x128xf32, #tpu.memory_space<hbm>>
        tpu.enqueue_indirect_dma source(%dma_start3A_177 : memref<20000x128xf32, #tpu.memory_space<hbm>>) target(%arg10 : memref<80x128xf32, #tpu.memory_space<vmem>>) offsets(%dma_start3A_174 : memref<80xi32, #tpu.memory_space<vmem>>) semaphore(%arg14 : memref<!tpu.dma_semaphore, #tpu.memory_space<semaphore_mem>>)
        %dma_wait3A = arith.constant 0 : i32
        %dma_wait3A_178 = arith.constant 0 : i32
        %dma_wait3A_179 = tpu.memref_slice %arg7[%dma_wait3A, %dma_wait3A_178] : memref<50x80xi32, #tpu.memory_space<vmem>> -> memref<1x80xi32, #tpu.memory_space<vmem>>
        %dma_wait3A_180 = tpu.memref_squeeze %dma_wait3A_179 : memref<1x80xi32, #tpu.memory_space<vmem>> -> memref<80xi32, #tpu.memory_space<vmem>>
        %dma_wait3A_181 = arith.constant 0 : i32
        %dma_wait3A_182 = arith.constant 0 : i32
        %dma_wait3A_183 = tpu.memref_slice %arg2[%dma_wait3A_181, %dma_wait3A_182] : memref<20000x128xf32, #tpu.memory_space<hbm>> -> memref<20000x128xf32, #tpu.memory_space<hbm>>
        tpu.wait_indirect_dma semaphore(%arg13 : memref<!tpu.dma_semaphore, #tpu.memory_space<semaphore_mem>>) src(%dma_wait3A_183 : memref<20000x128xf32, #tpu.memory_space<hbm>>) dst(%arg9 : memref<80x128xf32, #tpu.memory_space<vmem>>)
        %mul3A_184 = arith.constant 2 : i32
        %mul3A_185 = arith.muli %mul3A_184, %scan3A_167 : i32
        "tpu.region"() ({
          %run_scoped3A = tpu.sem_alloc : memref<!tpu.dma_semaphore, #tpu.memory_space<semaphore_mem>>
          %dma_start3A_201 = arith.constant 0 : i32
          %dma_start3A_202 = tpu.memref_slice %arg8[%mul3A_185, %dma_start3A_201] : memref<50x80xi32, #tpu.memory_space<vmem>> -> memref<1x80xi32, #tpu.memory_space<vmem>>
          %dma_start3A_203 = tpu.memref_squeeze %dma_start3A_202 : memref<1x80xi32, #tpu.memory_space<vmem>> -> memref<80xi32, #tpu.memory_space<vmem>>
          %dma_start3A_204 = arith.constant 0 : i32
          %dma_start3A_205 = arith.constant 0 : i32
          %dma_start3A_206 = tpu.memref_slice %arg12[%dma_start3A_204, %dma_start3A_205] : memref<10240x128xf32, #tpu.memory_space<vmem_shared>> -> memref<10240x128xf32, #tpu.memory_space<vmem_shared>>
          tpu.enqueue_indirect_dma source(%arg9 : memref<80x128xf32, #tpu.memory_space<vmem>>) target(%dma_start3A_206 : memref<10240x128xf32, #tpu.memory_space<vmem_shared>>) offsets(%dma_start3A_203 : memref<80xi32, #tpu.memory_space<vmem>>) semaphore(%run_scoped3A : memref<!tpu.dma_semaphore, #tpu.memory_space<semaphore_mem>>) {add = true}
          %dma_wait3A_207 = arith.constant 0 : i32
          %dma_wait3A_208 = tpu.memref_slice %arg8[%mul3A_185, %dma_wait3A_207] : memref<50x80xi32, #tpu.memory_space<vmem>> -> memref<1x80xi32, #tpu.memory_space<vmem>>
          %dma_wait3A_209 = tpu.memref_squeeze %dma_wait3A_208 : memref<1x80xi32, #tpu.memory_space<vmem>> -> memref<80xi32, #tpu.memory_space<vmem>>
          %dma_wait3A_210 = arith.constant 0 : i32
          %dma_wait3A_211 = arith.constant 0 : i32
          %dma_wait3A_212 = tpu.memref_slice %arg12[%dma_wait3A_210, %dma_wait3A_211] : memref<10240x128xf32, #tpu.memory_space<vmem_shared>> -> memref<10240x128xf32, #tpu.memory_space<vmem_shared>>
          tpu.wait_indirect_dma semaphore(%run_scoped3A : memref<!tpu.dma_semaphore, #tpu.memory_space<semaphore_mem>>) src(%arg9 : memref<80x128xf32, #tpu.memory_space<vmem>>) dst(%dma_wait3A_212 : memref<10240x128xf32, #tpu.memory_space<vmem_shared>>)
          tpu.yield
        }) : () -> ()
        %add3A_186 = arith.constant 1 : i32
        %add3A_187 = arith.addi %scan3A_167, %add3A_186 : i32
        %lt3A = arith.constant 25 : i32
        %lt3A_188 = arith.cmpi slt, %add3A_187, %lt3A : i32
        %convert_element_type3A = arith.extui %lt3A_188 : i1 to i32
        %cond3A = arith.constant 0 : i32
        %cond3A_189 = arith.cmpi ne, %convert_element_type3A, %cond3A : i32
        scf.if %cond3A_189 {
          %mul3A_201 = arith.constant 2 : i32
          %mul3A_202 = arith.muli %mul3A_201, %scan3A_167 : i32
          %add3A_203 = arith.constant 2 : i32
          %add3A_204 = arith.addi %mul3A_202, %add3A_203 : i32
          %dma_start3A_205 = arith.constant 0 : i32
          %dma_start3A_206 = tpu.memref_slice %arg7[%add3A_204, %dma_start3A_205] : memref<50x80xi32, #tpu.memory_space<vmem>> -> memref<1x80xi32, #tpu.memory_space<vmem>>
          %dma_start3A_207 = tpu.memref_squeeze %dma_start3A_206 : memref<1x80xi32, #tpu.memory_space<vmem>> -> memref<80xi32, #tpu.memory_space<vmem>>
          %dma_start3A_208 = arith.constant 0 : i32
          %dma_start3A_209 = arith.constant 0 : i32
          %dma_start3A_210 = tpu.memref_slice %arg2[%dma_start3A_208, %dma_start3A_209] : memref<20000x128xf32, #tpu.memory_space<hbm>> -> memref<20000x128xf32, #tpu.memory_space<hbm>>
          tpu.enqueue_indirect_dma source(%dma_start3A_210 : memref<20000x128xf32, #tpu.memory_space<hbm>>) target(%arg9 : memref<80x128xf32, #tpu.memory_space<vmem>>) offsets(%dma_start3A_207 : memref<80xi32, #tpu.memory_space<vmem>>) semaphore(%arg13 : memref<!tpu.dma_semaphore, #tpu.memory_space<semaphore_mem>>)
        } else {
        }
        %dma_wait3A_190 = arith.constant 0 : i32
        %dma_wait3A_191 = arith.constant 0 : i32
        %dma_wait3A_192 = tpu.memref_slice %arg7[%dma_wait3A_190, %dma_wait3A_191] : memref<50x80xi32, #tpu.memory_space<vmem>> -> memref<1x80xi32, #tpu.memory_space<vmem>>
        %dma_wait3A_193 = tpu.memref_squeeze %dma_wait3A_192 : memref<1x80xi32, #tpu.memory_space<vmem>> -> memref<80xi32, #tpu.memory_space<vmem>>
        %dma_wait3A_194 = arith.constant 0 : i32
        %dma_wait3A_195 = arith.constant 0 : i32
        %dma_wait3A_196 = tpu.memref_slice %arg2[%dma_wait3A_194, %dma_wait3A_195] : memref<20000x128xf32, #tpu.memory_space<hbm>> -> memref<20000x128xf32, #tpu.memory_space<hbm>>
        tpu.wait_indirect_dma semaphore(%arg14 : memref<!tpu.dma_semaphore, #tpu.memory_space<semaphore_mem>>) src(%dma_wait3A_196 : memref<20000x128xf32, #tpu.memory_space<hbm>>) dst(%arg10 : memref<80x128xf32, #tpu.memory_space<vmem>>)
        %mul3A_197 = arith.constant 2 : i32
        %mul3A_198 = arith.muli %mul3A_197, %scan3A_167 : i32
        %add3A_199 = arith.constant 1 : i32
        %add3A_200 = arith.addi %mul3A_198, %add3A_199 : i32
        "tpu.region"() ({
          %run_scoped3A = tpu.sem_alloc : memref<!tpu.dma_semaphore, #tpu.memory_space<semaphore_mem>>
          %dma_start3A_201 = arith.constant 0 : i32
          %dma_start3A_202 = tpu.memref_slice %arg8[%add3A_200, %dma_start3A_201] : memref<50x80xi32, #tpu.memory_space<vmem>> -> memref<1x80xi32, #tpu.memory_space<vmem>>
          %dma_start3A_203 = tpu.memref_squeeze %dma_start3A_202 : memref<1x80xi32, #tpu.memory_space<vmem>> -> memref<80xi32, #tpu.memory_space<vmem>>
          %dma_start3A_204 = arith.constant 0 : i32
          %dma_start3A_205 = arith.constant 0 : i32
          %dma_start3A_206 = tpu.memref_slice %arg12[%dma_start3A_204, %dma_start3A_205] : memref<10240x128xf32, #tpu.memory_space<vmem_shared>> -> memref<10240x128xf32, #tpu.memory_space<vmem_shared>>
          tpu.enqueue_indirect_dma source(%arg10 : memref<80x128xf32, #tpu.memory_space<vmem>>) target(%dma_start3A_206 : memref<10240x128xf32, #tpu.memory_space<vmem_shared>>) offsets(%dma_start3A_203 : memref<80xi32, #tpu.memory_space<vmem>>) semaphore(%run_scoped3A : memref<!tpu.dma_semaphore, #tpu.memory_space<semaphore_mem>>) {add = true}
          %dma_wait3A_207 = arith.constant 0 : i32
          %dma_wait3A_208 = tpu.memref_slice %arg8[%add3A_200, %dma_wait3A_207] : memref<50x80xi32, #tpu.memory_space<vmem>> -> memref<1x80xi32, #tpu.memory_space<vmem>>
          %dma_wait3A_209 = tpu.memref_squeeze %dma_wait3A_208 : memref<1x80xi32, #tpu.memory_space<vmem>> -> memref<80xi32, #tpu.memory_space<vmem>>
          %dma_wait3A_210 = arith.constant 0 : i32
          %dma_wait3A_211 = arith.constant 0 : i32
          %dma_wait3A_212 = tpu.memref_slice %arg12[%dma_wait3A_210, %dma_wait3A_211] : memref<10240x128xf32, #tpu.memory_space<vmem_shared>> -> memref<10240x128xf32, #tpu.memory_space<vmem_shared>>
          tpu.wait_indirect_dma semaphore(%run_scoped3A : memref<!tpu.dma_semaphore, #tpu.memory_space<semaphore_mem>>) src(%arg10 : memref<80x128xf32, #tpu.memory_space<vmem>>) dst(%dma_wait3A_212 : memref<10240x128xf32, #tpu.memory_space<vmem_shared>>)
          tpu.yield
        }) : () -> ()
      }
      %scan3A_166 = arith.constant 25 : i32
    }
    %scan3A_42 = arith.constant 5 : i32
    %barrier3A_43 = arith.constant 0 : index
    tpu.barrier barrier_id(%barrier3A_43)
    %mul3A_44 = arith.constant 640 : i32
    %mul3A_45 = arith.muli %arg1, %mul3A_44 : i32
    %add3A_46 = arith.constant 0 : i32
    %add3A_47 = arith.addi %mul3A_45, %add3A_46 : i32
    "tpu.region"() ({
      %run_scoped3A = tpu.sem_alloc : memref<!tpu.dma_semaphore, #tpu.memory_space<semaphore_mem>>
      %dma_start3A = arith.constant 0 : i32
      %dma_start3A_154 = tpu.memref_slice %arg12[%add3A_47, %dma_start3A] : memref<10240x128xf32, #tpu.memory_space<vmem_shared>> -> memref<64x128xf32, #tpu.memory_space<vmem_shared>>
      %dma_start3A_155 = arith.constant 0 : i32
      %dma_start3A_156 = tpu.memref_slice %arg12[%add3A_47, %dma_start3A_155] : memref<10240x128xf32, #tpu.memory_space<vmem_shared>> -> memref<64x128xf32, #tpu.memory_space<vmem_shared>>
      tpu.enqueue_dma source(%dma_start3A_156 : memref<64x128xf32, #tpu.memory_space<vmem_shared>>) target(%arg11 : memref<64x128xf32, #tpu.memory_space<vmem>>) target_semaphore(%run_scoped3A : memref<!tpu.dma_semaphore, #tpu.memory_space<semaphore_mem>>)
      %dma_wait3A = arith.constant 0 : i32
      %dma_wait3A_157 = tpu.memref_slice %arg12[%add3A_47, %dma_wait3A] : memref<10240x128xf32, #tpu.memory_space<vmem_shared>> -> memref<64x128xf32, #tpu.memory_space<vmem_shared>>
      %dma_wait3A_158 = arith.constant 0 : i32
      %dma_wait3A_159 = tpu.memref_slice %arg12[%add3A_47, %dma_wait3A_158] : memref<10240x128xf32, #tpu.memory_space<vmem_shared>> -> memref<64x128xf32, #tpu.memory_space<vmem_shared>>
      tpu.wait_dma2 semaphore(%run_scoped3A : memref<!tpu.dma_semaphore, #tpu.memory_space<semaphore_mem>>) src(%dma_wait3A_159 : memref<64x128xf32, #tpu.memory_space<vmem_shared>>) dst(%arg11 : memref<64x128xf32, #tpu.memory_space<vmem>>)
      tpu.yield
    }) : () -> ()
    %mul3A_48 = arith.constant 10240 : i32
    %mul3A_49 = arith.muli %arg0, %mul3A_48 : i32
    %mul3A_50 = arith.constant 640 : i32
    %mul3A_51 = arith.muli %arg1, %mul3A_50 : i32
    %add3A_52 = arith.addi %mul3A_49, %mul3A_51 : i32
    %add3A_53 = arith.constant 0 : i32
    %add3A_54 = arith.addi %add3A_52, %add3A_53 : i32
    "tpu.region"() ({
      %run_scoped3A = tpu.sem_alloc : memref<!tpu.dma_semaphore, #tpu.memory_space<semaphore_mem>>
      %dma_start3A = arith.constant 0 : i32
      %dma_start3A_154 = tpu.memref_slice %arg6[%add3A_54, %dma_start3A] : memref<20480x128xf32, #tpu.memory_space<hbm>> -> memref<64x128xf32, #tpu.memory_space<hbm>>
      %dma_start3A_155 = arith.constant 0 : i32
      %dma_start3A_156 = tpu.memref_slice %arg6[%add3A_54, %dma_start3A_155] : memref<20480x128xf32, #tpu.memory_space<hbm>> -> memref<64x128xf32, #tpu.memory_space<hbm>>
      tpu.enqueue_dma source(%arg11 : memref<64x128xf32, #tpu.memory_space<vmem>>) target(%dma_start3A_156 : memref<64x128xf32, #tpu.memory_space<hbm>>) target_semaphore(%run_scoped3A : memref<!tpu.dma_semaphore, #tpu.memory_space<semaphore_mem>>)
      %dma_wait3A = arith.constant 0 : i32
      %dma_wait3A_157 = tpu.memref_slice %arg6[%add3A_54, %dma_wait3A] : memref<20480x128xf32, #tpu.memory_space<hbm>> -> memref<64x128xf32, #tpu.memory_space<hbm>>
      %dma_wait3A_158 = arith.constant 0 : i32
      %dma_wait3A_159 = tpu.memref_slice %arg6[%add3A_54, %dma_wait3A_158] : memref<20480x128xf32, #tpu.memory_space<hbm>> -> memref<64x128xf32, #tpu.memory_space<hbm>>
      tpu.wait_dma2 semaphore(%run_scoped3A : memref<!tpu.dma_semaphore, #tpu.memory_space<semaphore_mem>>) src(%arg11 : memref<64x128xf32, #tpu.memory_space<vmem>>) dst(%dma_wait3A_159 : memref<64x128xf32, #tpu.memory_space<hbm>>)
      tpu.yield
    }) : () -> ()
    %mul3A_55 = arith.constant 640 : i32
    %mul3A_56 = arith.muli %arg1, %mul3A_55 : i32
    %add3A_57 = arith.constant 64 : i32
    %add3A_58 = arith.addi %mul3A_56, %add3A_57 : i32
    "tpu.region"() ({
      %run_scoped3A = tpu.sem_alloc : memref<!tpu.dma_semaphore, #tpu.memory_space<semaphore_mem>>
      %dma_start3A = arith.constant 0 : i32
      %dma_start3A_154 = tpu.memref_slice %arg12[%add3A_58, %dma_start3A] : memref<10240x128xf32, #tpu.memory_space<vmem_shared>> -> memref<64x128xf32, #tpu.memory_space<vmem_shared>>
      %dma_start3A_155 = arith.constant 0 : i32
      %dma_start3A_156 = tpu.memref_slice %arg12[%add3A_58, %dma_start3A_155] : memref<10240x128xf32, #tpu.memory_space<vmem_shared>> -> memref<64x128xf32, #tpu.memory_space<vmem_shared>>
      tpu.enqueue_dma source(%dma_start3A_156 : memref<64x128xf32, #tpu.memory_space<vmem_shared>>) target(%arg11 : memref<64x128xf32, #tpu.memory_space<vmem>>) target_semaphore(%run_scoped3A : memref<!tpu.dma_semaphore, #tpu.memory_space<semaphore_mem>>)
      %dma_wait3A = arith.constant 0 : i32
      %dma_wait3A_157 = tpu.memref_slice %arg12[%add3A_58, %dma_wait3A] : memref<10240x128xf32, #tpu.memory_space<vmem_shared>> -> memref<64x128xf32, #tpu.memory_space<vmem_shared>>
      %dma_wait3A_158 = arith.constant 0 : i32
      %dma_wait3A_159 = tpu.memref_slice %arg12[%add3A_58, %dma_wait3A_158] : memref<10240x128xf32, #tpu.memory_space<vmem_shared>> -> memref<64x128xf32, #tpu.memory_space<vmem_shared>>
      tpu.wait_dma2 semaphore(%run_scoped3A : memref<!tpu.dma_semaphore, #tpu.memory_space<semaphore_mem>>) src(%dma_wait3A_159 : memref<64x128xf32, #tpu.memory_space<vmem_shared>>) dst(%arg11 : memref<64x128xf32, #tpu.memory_space<vmem>>)
      tpu.yield
    }) : () -> ()
    %mul3A_59 = arith.constant 10240 : i32
    %mul3A_60 = arith.muli %arg0, %mul3A_59 : i32
    %mul3A_61 = arith.constant 640 : i32
    %mul3A_62 = arith.muli %arg1, %mul3A_61 : i32
    %add3A_63 = arith.addi %mul3A_60, %mul3A_62 : i32
    %add3A_64 = arith.constant 64 : i32
    %add3A_65 = arith.addi %add3A_63, %add3A_64 : i32
    "tpu.region"() ({
      %run_scoped3A = tpu.sem_alloc : memref<!tpu.dma_semaphore, #tpu.memory_space<semaphore_mem>>
      %dma_start3A = arith.constant 0 : i32
      %dma_start3A_154 = tpu.memref_slice %arg6[%add3A_65, %dma_start3A] : memref<20480x128xf32, #tpu.memory_space<hbm>> -> memref<64x128xf32, #tpu.memory_space<hbm>>
      %dma_start3A_155 = arith.constant 0 : i32
      %dma_start3A_156 = tpu.memref_slice %arg6[%add3A_65, %dma_start3A_155] : memref<20480x128xf32, #tpu.memory_space<hbm>> -> memref<64x128xf32, #tpu.memory_space<hbm>>
      tpu.enqueue_dma source(%arg11 : memref<64x128xf32, #tpu.memory_space<vmem>>) target(%dma_start3A_156 : memref<64x128xf32, #tpu.memory_space<hbm>>) target_semaphore(%run_scoped3A : memref<!tpu.dma_semaphore, #tpu.memory_space<semaphore_mem>>)
      %dma_wait3A = arith.constant 0 : i32
      %dma_wait3A_157 = tpu.memref_slice %arg6[%add3A_65, %dma_wait3A] : memref<20480x128xf32, #tpu.memory_space<hbm>> -> memref<64x128xf32, #tpu.memory_space<hbm>>
      %dma_wait3A_158 = arith.constant 0 : i32
      %dma_wait3A_159 = tpu.memref_slice %arg6[%add3A_65, %dma_wait3A_158] : memref<20480x128xf32, #tpu.memory_space<hbm>> -> memref<64x128xf32, #tpu.memory_space<hbm>>
      tpu.wait_dma2 semaphore(%run_scoped3A : memref<!tpu.dma_semaphore, #tpu.memory_space<semaphore_mem>>) src(%arg11 : memref<64x128xf32, #tpu.memory_space<vmem>>) dst(%dma_wait3A_159 : memref<64x128xf32, #tpu.memory_space<hbm>>)
      tpu.yield
    }) : () -> ()
    %mul3A_66 = arith.constant 640 : i32
    %mul3A_67 = arith.muli %arg1, %mul3A_66 : i32
    %add3A_68 = arith.constant 128 : i32
    %add3A_69 = arith.addi %mul3A_67, %add3A_68 : i32
    "tpu.region"() ({
      %run_scoped3A = tpu.sem_alloc : memref<!tpu.dma_semaphore, #tpu.memory_space<semaphore_mem>>
      %dma_start3A = arith.constant 0 : i32
      %dma_start3A_154 = tpu.memref_slice %arg12[%add3A_69, %dma_start3A] : memref<10240x128xf32, #tpu.memory_space<vmem_shared>> -> memref<64x128xf32, #tpu.memory_space<vmem_shared>>
      %dma_start3A_155 = arith.constant 0 : i32
      %dma_start3A_156 = tpu.memref_slice %arg12[%add3A_69, %dma_start3A_155] : memref<10240x128xf32, #tpu.memory_space<vmem_shared>> -> memref<64x128xf32, #tpu.memory_space<vmem_shared>>
      tpu.enqueue_dma source(%dma_start3A_156 : memref<64x128xf32, #tpu.memory_space<vmem_shared>>) target(%arg11 : memref<64x128xf32, #tpu.memory_space<vmem>>) target_semaphore(%run_scoped3A : memref<!tpu.dma_semaphore, #tpu.memory_space<semaphore_mem>>)
      %dma_wait3A = arith.constant 0 : i32
      %dma_wait3A_157 = tpu.memref_slice %arg12[%add3A_69, %dma_wait3A] : memref<10240x128xf32, #tpu.memory_space<vmem_shared>> -> memref<64x128xf32, #tpu.memory_space<vmem_shared>>
      %dma_wait3A_158 = arith.constant 0 : i32
      %dma_wait3A_159 = tpu.memref_slice %arg12[%add3A_69, %dma_wait3A_158] : memref<10240x128xf32, #tpu.memory_space<vmem_shared>> -> memref<64x128xf32, #tpu.memory_space<vmem_shared>>
      tpu.wait_dma2 semaphore(%run_scoped3A : memref<!tpu.dma_semaphore, #tpu.memory_space<semaphore_mem>>) src(%dma_wait3A_159 : memref<64x128xf32, #tpu.memory_space<vmem_shared>>) dst(%arg11 : memref<64x128xf32, #tpu.memory_space<vmem>>)
      tpu.yield
    }) : () -> ()
    %mul3A_70 = arith.constant 10240 : i32
    %mul3A_71 = arith.muli %arg0, %mul3A_70 : i32
    %mul3A_72 = arith.constant 640 : i32
    %mul3A_73 = arith.muli %arg1, %mul3A_72 : i32
    %add3A_74 = arith.addi %mul3A_71, %mul3A_73 : i32
    %add3A_75 = arith.constant 128 : i32
    %add3A_76 = arith.addi %add3A_74, %add3A_75 : i32
    "tpu.region"() ({
      %run_scoped3A = tpu.sem_alloc : memref<!tpu.dma_semaphore, #tpu.memory_space<semaphore_mem>>
      %dma_start3A = arith.constant 0 : i32
      %dma_start3A_154 = tpu.memref_slice %arg6[%add3A_76, %dma_start3A] : memref<20480x128xf32, #tpu.memory_space<hbm>> -> memref<64x128xf32, #tpu.memory_space<hbm>>
      %dma_start3A_155 = arith.constant 0 : i32
      %dma_start3A_156 = tpu.memref_slice %arg6[%add3A_76, %dma_start3A_155] : memref<20480x128xf32, #tpu.memory_space<hbm>> -> memref<64x128xf32, #tpu.memory_space<hbm>>
      tpu.enqueue_dma source(%arg11 : memref<64x128xf32, #tpu.memory_space<vmem>>) target(%dma_start3A_156 : memref<64x128xf32, #tpu.memory_space<hbm>>) target_semaphore(%run_scoped3A : memref<!tpu.dma_semaphore, #tpu.memory_space<semaphore_mem>>)
      %dma_wait3A = arith.constant 0 : i32
      %dma_wait3A_157 = tpu.memref_slice %arg6[%add3A_76, %dma_wait3A] : memref<20480x128xf32, #tpu.memory_space<hbm>> -> memref<64x128xf32, #tpu.memory_space<hbm>>
      %dma_wait3A_158 = arith.constant 0 : i32
      %dma_wait3A_159 = tpu.memref_slice %arg6[%add3A_76, %dma_wait3A_158] : memref<20480x128xf32, #tpu.memory_space<hbm>> -> memref<64x128xf32, #tpu.memory_space<hbm>>
      tpu.wait_dma2 semaphore(%run_scoped3A : memref<!tpu.dma_semaphore, #tpu.memory_space<semaphore_mem>>) src(%arg11 : memref<64x128xf32, #tpu.memory_space<vmem>>) dst(%dma_wait3A_159 : memref<64x128xf32, #tpu.memory_space<hbm>>)
      tpu.yield
    }) : () -> ()
    %mul3A_77 = arith.constant 640 : i32
    %mul3A_78 = arith.muli %arg1, %mul3A_77 : i32
    %add3A_79 = arith.constant 192 : i32
    %add3A_80 = arith.addi %mul3A_78, %add3A_79 : i32
    "tpu.region"() ({
      %run_scoped3A = tpu.sem_alloc : memref<!tpu.dma_semaphore, #tpu.memory_space<semaphore_mem>>
      %dma_start3A = arith.constant 0 : i32
      %dma_start3A_154 = tpu.memref_slice %arg12[%add3A_80, %dma_start3A] : memref<10240x128xf32, #tpu.memory_space<vmem_shared>> -> memref<64x128xf32, #tpu.memory_space<vmem_shared>>
      %dma_start3A_155 = arith.constant 0 : i32
      %dma_start3A_156 = tpu.memref_slice %arg12[%add3A_80, %dma_start3A_155] : memref<10240x128xf32, #tpu.memory_space<vmem_shared>> -> memref<64x128xf32, #tpu.memory_space<vmem_shared>>
      tpu.enqueue_dma source(%dma_start3A_156 : memref<64x128xf32, #tpu.memory_space<vmem_shared>>) target(%arg11 : memref<64x128xf32, #tpu.memory_space<vmem>>) target_semaphore(%run_scoped3A : memref<!tpu.dma_semaphore, #tpu.memory_space<semaphore_mem>>)
      %dma_wait3A = arith.constant 0 : i32
      %dma_wait3A_157 = tpu.memref_slice %arg12[%add3A_80, %dma_wait3A] : memref<10240x128xf32, #tpu.memory_space<vmem_shared>> -> memref<64x128xf32, #tpu.memory_space<vmem_shared>>
      %dma_wait3A_158 = arith.constant 0 : i32
      %dma_wait3A_159 = tpu.memref_slice %arg12[%add3A_80, %dma_wait3A_158] : memref<10240x128xf32, #tpu.memory_space<vmem_shared>> -> memref<64x128xf32, #tpu.memory_space<vmem_shared>>
      tpu.wait_dma2 semaphore(%run_scoped3A : memref<!tpu.dma_semaphore, #tpu.memory_space<semaphore_mem>>) src(%dma_wait3A_159 : memref<64x128xf32, #tpu.memory_space<vmem_shared>>) dst(%arg11 : memref<64x128xf32, #tpu.memory_space<vmem>>)
      tpu.yield
    }) : () -> ()
    %mul3A_81 = arith.constant 10240 : i32
    %mul3A_82 = arith.muli %arg0, %mul3A_81 : i32
    %mul3A_83 = arith.constant 640 : i32
    %mul3A_84 = arith.muli %arg1, %mul3A_83 : i32
    %add3A_85 = arith.addi %mul3A_82, %mul3A_84 : i32
    %add3A_86 = arith.constant 192 : i32
    %add3A_87 = arith.addi %add3A_85, %add3A_86 : i32
    "tpu.region"() ({
      %run_scoped3A = tpu.sem_alloc : memref<!tpu.dma_semaphore, #tpu.memory_space<semaphore_mem>>
      %dma_start3A = arith.constant 0 : i32
      %dma_start3A_154 = tpu.memref_slice %arg6[%add3A_87, %dma_start3A] : memref<20480x128xf32, #tpu.memory_space<hbm>> -> memref<64x128xf32, #tpu.memory_space<hbm>>
      %dma_start3A_155 = arith.constant 0 : i32
      %dma_start3A_156 = tpu.memref_slice %arg6[%add3A_87, %dma_start3A_155] : memref<20480x128xf32, #tpu.memory_space<hbm>> -> memref<64x128xf32, #tpu.memory_space<hbm>>
      tpu.enqueue_dma source(%arg11 : memref<64x128xf32, #tpu.memory_space<vmem>>) target(%dma_start3A_156 : memref<64x128xf32, #tpu.memory_space<hbm>>) target_semaphore(%run_scoped3A : memref<!tpu.dma_semaphore, #tpu.memory_space<semaphore_mem>>)
      %dma_wait3A = arith.constant 0 : i32
      %dma_wait3A_157 = tpu.memref_slice %arg6[%add3A_87, %dma_wait3A] : memref<20480x128xf32, #tpu.memory_space<hbm>> -> memref<64x128xf32, #tpu.memory_space<hbm>>
      %dma_wait3A_158 = arith.constant 0 : i32
      %dma_wait3A_159 = tpu.memref_slice %arg6[%add3A_87, %dma_wait3A_158] : memref<20480x128xf32, #tpu.memory_space<hbm>> -> memref<64x128xf32, #tpu.memory_space<hbm>>
      tpu.wait_dma2 semaphore(%run_scoped3A : memref<!tpu.dma_semaphore, #tpu.memory_space<semaphore_mem>>) src(%arg11 : memref<64x128xf32, #tpu.memory_space<vmem>>) dst(%dma_wait3A_159 : memref<64x128xf32, #tpu.memory_space<hbm>>)
      tpu.yield
    }) : () -> ()
    %mul3A_88 = arith.constant 640 : i32
    %mul3A_89 = arith.muli %arg1, %mul3A_88 : i32
    %add3A_90 = arith.constant 256 : i32
    %add3A_91 = arith.addi %mul3A_89, %add3A_90 : i32
    "tpu.region"() ({
      %run_scoped3A = tpu.sem_alloc : memref<!tpu.dma_semaphore, #tpu.memory_space<semaphore_mem>>
      %dma_start3A = arith.constant 0 : i32
      %dma_start3A_154 = tpu.memref_slice %arg12[%add3A_91, %dma_start3A] : memref<10240x128xf32, #tpu.memory_space<vmem_shared>> -> memref<64x128xf32, #tpu.memory_space<vmem_shared>>
      %dma_start3A_155 = arith.constant 0 : i32
      %dma_start3A_156 = tpu.memref_slice %arg12[%add3A_91, %dma_start3A_155] : memref<10240x128xf32, #tpu.memory_space<vmem_shared>> -> memref<64x128xf32, #tpu.memory_space<vmem_shared>>
      tpu.enqueue_dma source(%dma_start3A_156 : memref<64x128xf32, #tpu.memory_space<vmem_shared>>) target(%arg11 : memref<64x128xf32, #tpu.memory_space<vmem>>) target_semaphore(%run_scoped3A : memref<!tpu.dma_semaphore, #tpu.memory_space<semaphore_mem>>)
      %dma_wait3A = arith.constant 0 : i32
      %dma_wait3A_157 = tpu.memref_slice %arg12[%add3A_91, %dma_wait3A] : memref<10240x128xf32, #tpu.memory_space<vmem_shared>> -> memref<64x128xf32, #tpu.memory_space<vmem_shared>>
      %dma_wait3A_158 = arith.constant 0 : i32
      %dma_wait3A_159 = tpu.memref_slice %arg12[%add3A_91, %dma_wait3A_158] : memref<10240x128xf32, #tpu.memory_space<vmem_shared>> -> memref<64x128xf32, #tpu.memory_space<vmem_shared>>
      tpu.wait_dma2 semaphore(%run_scoped3A : memref<!tpu.dma_semaphore, #tpu.memory_space<semaphore_mem>>) src(%dma_wait3A_159 : memref<64x128xf32, #tpu.memory_space<vmem_shared>>) dst(%arg11 : memref<64x128xf32, #tpu.memory_space<vmem>>)
      tpu.yield
    }) : () -> ()
    %mul3A_92 = arith.constant 10240 : i32
    %mul3A_93 = arith.muli %arg0, %mul3A_92 : i32
    %mul3A_94 = arith.constant 640 : i32
    %mul3A_95 = arith.muli %arg1, %mul3A_94 : i32
    %add3A_96 = arith.addi %mul3A_93, %mul3A_95 : i32
    %add3A_97 = arith.constant 256 : i32
    %add3A_98 = arith.addi %add3A_96, %add3A_97 : i32
    "tpu.region"() ({
      %run_scoped3A = tpu.sem_alloc : memref<!tpu.dma_semaphore, #tpu.memory_space<semaphore_mem>>
      %dma_start3A = arith.constant 0 : i32
      %dma_start3A_154 = tpu.memref_slice %arg6[%add3A_98, %dma_start3A] : memref<20480x128xf32, #tpu.memory_space<hbm>> -> memref<64x128xf32, #tpu.memory_space<hbm>>
      %dma_start3A_155 = arith.constant 0 : i32
      %dma_start3A_156 = tpu.memref_slice %arg6[%add3A_98, %dma_start3A_155] : memref<20480x128xf32, #tpu.memory_space<hbm>> -> memref<64x128xf32, #tpu.memory_space<hbm>>
      tpu.enqueue_dma source(%arg11 : memref<64x128xf32, #tpu.memory_space<vmem>>) target(%dma_start3A_156 : memref<64x128xf32, #tpu.memory_space<hbm>>) target_semaphore(%run_scoped3A : memref<!tpu.dma_semaphore, #tpu.memory_space<semaphore_mem>>)
      %dma_wait3A = arith.constant 0 : i32
      %dma_wait3A_157 = tpu.memref_slice %arg6[%add3A_98, %dma_wait3A] : memref<20480x128xf32, #tpu.memory_space<hbm>> -> memref<64x128xf32, #tpu.memory_space<hbm>>
      %dma_wait3A_158 = arith.constant 0 : i32
      %dma_wait3A_159 = tpu.memref_slice %arg6[%add3A_98, %dma_wait3A_158] : memref<20480x128xf32, #tpu.memory_space<hbm>> -> memref<64x128xf32, #tpu.memory_space<hbm>>
      tpu.wait_dma2 semaphore(%run_scoped3A : memref<!tpu.dma_semaphore, #tpu.memory_space<semaphore_mem>>) src(%arg11 : memref<64x128xf32, #tpu.memory_space<vmem>>) dst(%dma_wait3A_159 : memref<64x128xf32, #tpu.memory_space<hbm>>)
      tpu.yield
    }) : () -> ()
    %mul3A_99 = arith.constant 640 : i32
    %mul3A_100 = arith.muli %arg1, %mul3A_99 : i32
    %add3A_101 = arith.constant 320 : i32
    %add3A_102 = arith.addi %mul3A_100, %add3A_101 : i32
    "tpu.region"() ({
      %run_scoped3A = tpu.sem_alloc : memref<!tpu.dma_semaphore, #tpu.memory_space<semaphore_mem>>
      %dma_start3A = arith.constant 0 : i32
      %dma_start3A_154 = tpu.memref_slice %arg12[%add3A_102, %dma_start3A] : memref<10240x128xf32, #tpu.memory_space<vmem_shared>> -> memref<64x128xf32, #tpu.memory_space<vmem_shared>>
      %dma_start3A_155 = arith.constant 0 : i32
      %dma_start3A_156 = tpu.memref_slice %arg12[%add3A_102, %dma_start3A_155] : memref<10240x128xf32, #tpu.memory_space<vmem_shared>> -> memref<64x128xf32, #tpu.memory_space<vmem_shared>>
      tpu.enqueue_dma source(%dma_start3A_156 : memref<64x128xf32, #tpu.memory_space<vmem_shared>>) target(%arg11 : memref<64x128xf32, #tpu.memory_space<vmem>>) target_semaphore(%run_scoped3A : memref<!tpu.dma_semaphore, #tpu.memory_space<semaphore_mem>>)
      %dma_wait3A = arith.constant 0 : i32
      %dma_wait3A_157 = tpu.memref_slice %arg12[%add3A_102, %dma_wait3A] : memref<10240x128xf32, #tpu.memory_space<vmem_shared>> -> memref<64x128xf32, #tpu.memory_space<vmem_shared>>
      %dma_wait3A_158 = arith.constant 0 : i32
      %dma_wait3A_159 = tpu.memref_slice %arg12[%add3A_102, %dma_wait3A_158] : memref<10240x128xf32, #tpu.memory_space<vmem_shared>> -> memref<64x128xf32, #tpu.memory_space<vmem_shared>>
      tpu.wait_dma2 semaphore(%run_scoped3A : memref<!tpu.dma_semaphore, #tpu.memory_space<semaphore_mem>>) src(%dma_wait3A_159 : memref<64x128xf32, #tpu.memory_space<vmem_shared>>) dst(%arg11 : memref<64x128xf32, #tpu.memory_space<vmem>>)
      tpu.yield
    }) : () -> ()
    %mul3A_103 = arith.constant 10240 : i32
    %mul3A_104 = arith.muli %arg0, %mul3A_103 : i32
    %mul3A_105 = arith.constant 640 : i32
    %mul3A_106 = arith.muli %arg1, %mul3A_105 : i32
    %add3A_107 = arith.addi %mul3A_104, %mul3A_106 : i32
    %add3A_108 = arith.constant 320 : i32
    %add3A_109 = arith.addi %add3A_107, %add3A_108 : i32
    "tpu.region"() ({
      %run_scoped3A = tpu.sem_alloc : memref<!tpu.dma_semaphore, #tpu.memory_space<semaphore_mem>>
      %dma_start3A = arith.constant 0 : i32
      %dma_start3A_154 = tpu.memref_slice %arg6[%add3A_109, %dma_start3A] : memref<20480x128xf32, #tpu.memory_space<hbm>> -> memref<64x128xf32, #tpu.memory_space<hbm>>
      %dma_start3A_155 = arith.constant 0 : i32
      %dma_start3A_156 = tpu.memref_slice %arg6[%add3A_109, %dma_start3A_155] : memref<20480x128xf32, #tpu.memory_space<hbm>> -> memref<64x128xf32, #tpu.memory_space<hbm>>
      tpu.enqueue_dma source(%arg11 : memref<64x128xf32, #tpu.memory_space<vmem>>) target(%dma_start3A_156 : memref<64x128xf32, #tpu.memory_space<hbm>>) target_semaphore(%run_scoped3A : memref<!tpu.dma_semaphore, #tpu.memory_space<semaphore_mem>>)
      %dma_wait3A = arith.constant 0 : i32
      %dma_wait3A_157 = tpu.memref_slice %arg6[%add3A_109, %dma_wait3A] : memref<20480x128xf32, #tpu.memory_space<hbm>> -> memref<64x128xf32, #tpu.memory_space<hbm>>
      %dma_wait3A_158 = arith.constant 0 : i32
      %dma_wait3A_159 = tpu.memref_slice %arg6[%add3A_109, %dma_wait3A_158] : memref<20480x128xf32, #tpu.memory_space<hbm>> -> memref<64x128xf32, #tpu.memory_space<hbm>>
      tpu.wait_dma2 semaphore(%run_scoped3A : memref<!tpu.dma_semaphore, #tpu.memory_space<semaphore_mem>>) src(%arg11 : memref<64x128xf32, #tpu.memory_space<vmem>>) dst(%dma_wait3A_159 : memref<64x128xf32, #tpu.memory_space<hbm>>)
      tpu.yield
    }) : () -> ()
    %mul3A_110 = arith.constant 640 : i32
    %mul3A_111 = arith.muli %arg1, %mul3A_110 : i32
    %add3A_112 = arith.constant 384 : i32
    %add3A_113 = arith.addi %mul3A_111, %add3A_112 : i32
    "tpu.region"() ({
      %run_scoped3A = tpu.sem_alloc : memref<!tpu.dma_semaphore, #tpu.memory_space<semaphore_mem>>
      %dma_start3A = arith.constant 0 : i32
      %dma_start3A_154 = tpu.memref_slice %arg12[%add3A_113, %dma_start3A] : memref<10240x128xf32, #tpu.memory_space<vmem_shared>> -> memref<64x128xf32, #tpu.memory_space<vmem_shared>>
      %dma_start3A_155 = arith.constant 0 : i32
      %dma_start3A_156 = tpu.memref_slice %arg12[%add3A_113, %dma_start3A_155] : memref<10240x128xf32, #tpu.memory_space<vmem_shared>> -> memref<64x128xf32, #tpu.memory_space<vmem_shared>>
      tpu.enqueue_dma source(%dma_start3A_156 : memref<64x128xf32, #tpu.memory_space<vmem_shared>>) target(%arg11 : memref<64x128xf32, #tpu.memory_space<vmem>>) target_semaphore(%run_scoped3A : memref<!tpu.dma_semaphore, #tpu.memory_space<semaphore_mem>>)
      %dma_wait3A = arith.constant 0 : i32
      %dma_wait3A_157 = tpu.memref_slice %arg12[%add3A_113, %dma_wait3A] : memref<10240x128xf32, #tpu.memory_space<vmem_shared>> -> memref<64x128xf32, #tpu.memory_space<vmem_shared>>
      %dma_wait3A_158 = arith.constant 0 : i32
      %dma_wait3A_159 = tpu.memref_slice %arg12[%add3A_113, %dma_wait3A_158] : memref<10240x128xf32, #tpu.memory_space<vmem_shared>> -> memref<64x128xf32, #tpu.memory_space<vmem_shared>>
      tpu.wait_dma2 semaphore(%run_scoped3A : memref<!tpu.dma_semaphore, #tpu.memory_space<semaphore_mem>>) src(%dma_wait3A_159 : memref<64x128xf32, #tpu.memory_space<vmem_shared>>) dst(%arg11 : memref<64x128xf32, #tpu.memory_space<vmem>>)
      tpu.yield
    }) : () -> ()
    %mul3A_114 = arith.constant 10240 : i32
    %mul3A_115 = arith.muli %arg0, %mul3A_114 : i32
    %mul3A_116 = arith.constant 640 : i32
    %mul3A_117 = arith.muli %arg1, %mul3A_116 : i32
    %add3A_118 = arith.addi %mul3A_115, %mul3A_117 : i32
    %add3A_119 = arith.constant 384 : i32
    %add3A_120 = arith.addi %add3A_118, %add3A_119 : i32
    "tpu.region"() ({
      %run_scoped3A = tpu.sem_alloc : memref<!tpu.dma_semaphore, #tpu.memory_space<semaphore_mem>>
      %dma_start3A = arith.constant 0 : i32
      %dma_start3A_154 = tpu.memref_slice %arg6[%add3A_120, %dma_start3A] : memref<20480x128xf32, #tpu.memory_space<hbm>> -> memref<64x128xf32, #tpu.memory_space<hbm>>
      %dma_start3A_155 = arith.constant 0 : i32
      %dma_start3A_156 = tpu.memref_slice %arg6[%add3A_120, %dma_start3A_155] : memref<20480x128xf32, #tpu.memory_space<hbm>> -> memref<64x128xf32, #tpu.memory_space<hbm>>
      tpu.enqueue_dma source(%arg11 : memref<64x128xf32, #tpu.memory_space<vmem>>) target(%dma_start3A_156 : memref<64x128xf32, #tpu.memory_space<hbm>>) target_semaphore(%run_scoped3A : memref<!tpu.dma_semaphore, #tpu.memory_space<semaphore_mem>>)
      %dma_wait3A = arith.constant 0 : i32
      %dma_wait3A_157 = tpu.memref_slice %arg6[%add3A_120, %dma_wait3A] : memref<20480x128xf32, #tpu.memory_space<hbm>> -> memref<64x128xf32, #tpu.memory_space<hbm>>
      %dma_wait3A_158 = arith.constant 0 : i32
      %dma_wait3A_159 = tpu.memref_slice %arg6[%add3A_120, %dma_wait3A_158] : memref<20480x128xf32, #tpu.memory_space<hbm>> -> memref<64x128xf32, #tpu.memory_space<hbm>>
      tpu.wait_dma2 semaphore(%run_scoped3A : memref<!tpu.dma_semaphore, #tpu.memory_space<semaphore_mem>>) src(%arg11 : memref<64x128xf32, #tpu.memory_space<vmem>>) dst(%dma_wait3A_159 : memref<64x128xf32, #tpu.memory_space<hbm>>)
      tpu.yield
    }) : () -> ()
    %mul3A_121 = arith.constant 640 : i32
    %mul3A_122 = arith.muli %arg1, %mul3A_121 : i32
    %add3A_123 = arith.constant 448 : i32
    %add3A_124 = arith.addi %mul3A_122, %add3A_123 : i32
    "tpu.region"() ({
      %run_scoped3A = tpu.sem_alloc : memref<!tpu.dma_semaphore, #tpu.memory_space<semaphore_mem>>
      %dma_start3A = arith.constant 0 : i32
      %dma_start3A_154 = tpu.memref_slice %arg12[%add3A_124, %dma_start3A] : memref<10240x128xf32, #tpu.memory_space<vmem_shared>> -> memref<64x128xf32, #tpu.memory_space<vmem_shared>>
      %dma_start3A_155 = arith.constant 0 : i32
      %dma_start3A_156 = tpu.memref_slice %arg12[%add3A_124, %dma_start3A_155] : memref<10240x128xf32, #tpu.memory_space<vmem_shared>> -> memref<64x128xf32, #tpu.memory_space<vmem_shared>>
      tpu.enqueue_dma source(%dma_start3A_156 : memref<64x128xf32, #tpu.memory_space<vmem_shared>>) target(%arg11 : memref<64x128xf32, #tpu.memory_space<vmem>>) target_semaphore(%run_scoped3A : memref<!tpu.dma_semaphore, #tpu.memory_space<semaphore_mem>>)
      %dma_wait3A = arith.constant 0 : i32
      %dma_wait3A_157 = tpu.memref_slice %arg12[%add3A_124, %dma_wait3A] : memref<10240x128xf32, #tpu.memory_space<vmem_shared>> -> memref<64x128xf32, #tpu.memory_space<vmem_shared>>
      %dma_wait3A_158 = arith.constant 0 : i32
      %dma_wait3A_159 = tpu.memref_slice %arg12[%add3A_124, %dma_wait3A_158] : memref<10240x128xf32, #tpu.memory_space<vmem_shared>> -> memref<64x128xf32, #tpu.memory_space<vmem_shared>>
      tpu.wait_dma2 semaphore(%run_scoped3A : memref<!tpu.dma_semaphore, #tpu.memory_space<semaphore_mem>>) src(%dma_wait3A_159 : memref<64x128xf32, #tpu.memory_space<vmem_shared>>) dst(%arg11 : memref<64x128xf32, #tpu.memory_space<vmem>>)
      tpu.yield
    }) : () -> ()
    %mul3A_125 = arith.constant 10240 : i32
    %mul3A_126 = arith.muli %arg0, %mul3A_125 : i32
    %mul3A_127 = arith.constant 640 : i32
    %mul3A_128 = arith.muli %arg1, %mul3A_127 : i32
    %add3A_129 = arith.addi %mul3A_126, %mul3A_128 : i32
    %add3A_130 = arith.constant 448 : i32
    %add3A_131 = arith.addi %add3A_129, %add3A_130 : i32
    "tpu.region"() ({
      %run_scoped3A = tpu.sem_alloc : memref<!tpu.dma_semaphore, #tpu.memory_space<semaphore_mem>>
      %dma_start3A = arith.constant 0 : i32
      %dma_start3A_154 = tpu.memref_slice %arg6[%add3A_131, %dma_start3A] : memref<20480x128xf32, #tpu.memory_space<hbm>> -> memref<64x128xf32, #tpu.memory_space<hbm>>
      %dma_start3A_155 = arith.constant 0 : i32
      %dma_start3A_156 = tpu.memref_slice %arg6[%add3A_131, %dma_start3A_155] : memref<20480x128xf32, #tpu.memory_space<hbm>> -> memref<64x128xf32, #tpu.memory_space<hbm>>
      tpu.enqueue_dma source(%arg11 : memref<64x128xf32, #tpu.memory_space<vmem>>) target(%dma_start3A_156 : memref<64x128xf32, #tpu.memory_space<hbm>>) target_semaphore(%run_scoped3A : memref<!tpu.dma_semaphore, #tpu.memory_space<semaphore_mem>>)
      %dma_wait3A = arith.constant 0 : i32
      %dma_wait3A_157 = tpu.memref_slice %arg6[%add3A_131, %dma_wait3A] : memref<20480x128xf32, #tpu.memory_space<hbm>> -> memref<64x128xf32, #tpu.memory_space<hbm>>
      %dma_wait3A_158 = arith.constant 0 : i32
      %dma_wait3A_159 = tpu.memref_slice %arg6[%add3A_131, %dma_wait3A_158] : memref<20480x128xf32, #tpu.memory_space<hbm>> -> memref<64x128xf32, #tpu.memory_space<hbm>>
      tpu.wait_dma2 semaphore(%run_scoped3A : memref<!tpu.dma_semaphore, #tpu.memory_space<semaphore_mem>>) src(%arg11 : memref<64x128xf32, #tpu.memory_space<vmem>>) dst(%dma_wait3A_159 : memref<64x128xf32, #tpu.memory_space<hbm>>)
      tpu.yield
    }) : () -> ()
    %mul3A_132 = arith.constant 640 : i32
    %mul3A_133 = arith.muli %arg1, %mul3A_132 : i32
    %add3A_134 = arith.constant 512 : i32
    %add3A_135 = arith.addi %mul3A_133, %add3A_134 : i32
    "tpu.region"() ({
      %run_scoped3A = tpu.sem_alloc : memref<!tpu.dma_semaphore, #tpu.memory_space<semaphore_mem>>
      %dma_start3A = arith.constant 0 : i32
      %dma_start3A_154 = tpu.memref_slice %arg12[%add3A_135, %dma_start3A] : memref<10240x128xf32, #tpu.memory_space<vmem_shared>> -> memref<64x128xf32, #tpu.memory_space<vmem_shared>>
      %dma_start3A_155 = arith.constant 0 : i32
      %dma_start3A_156 = tpu.memref_slice %arg12[%add3A_135, %dma_start3A_155] : memref<10240x128xf32, #tpu.memory_space<vmem_shared>> -> memref<64x128xf32, #tpu.memory_space<vmem_shared>>
      tpu.enqueue_dma source(%dma_start3A_156 : memref<64x128xf32, #tpu.memory_space<vmem_shared>>) target(%arg11 : memref<64x128xf32, #tpu.memory_space<vmem>>) target_semaphore(%run_scoped3A : memref<!tpu.dma_semaphore, #tpu.memory_space<semaphore_mem>>)
      %dma_wait3A = arith.constant 0 : i32
      %dma_wait3A_157 = tpu.memref_slice %arg12[%add3A_135, %dma_wait3A] : memref<10240x128xf32, #tpu.memory_space<vmem_shared>> -> memref<64x128xf32, #tpu.memory_space<vmem_shared>>
      %dma_wait3A_158 = arith.constant 0 : i32
      %dma_wait3A_159 = tpu.memref_slice %arg12[%add3A_135, %dma_wait3A_158] : memref<10240x128xf32, #tpu.memory_space<vmem_shared>> -> memref<64x128xf32, #tpu.memory_space<vmem_shared>>
      tpu.wait_dma2 semaphore(%run_scoped3A : memref<!tpu.dma_semaphore, #tpu.memory_space<semaphore_mem>>) src(%dma_wait3A_159 : memref<64x128xf32, #tpu.memory_space<vmem_shared>>) dst(%arg11 : memref<64x128xf32, #tpu.memory_space<vmem>>)
      tpu.yield
    }) : () -> ()
    %mul3A_136 = arith.constant 10240 : i32
    %mul3A_137 = arith.muli %arg0, %mul3A_136 : i32
    %mul3A_138 = arith.constant 640 : i32
    %mul3A_139 = arith.muli %arg1, %mul3A_138 : i32
    %add3A_140 = arith.addi %mul3A_137, %mul3A_139 : i32
    %add3A_141 = arith.constant 512 : i32
    %add3A_142 = arith.addi %add3A_140, %add3A_141 : i32
    "tpu.region"() ({
      %run_scoped3A = tpu.sem_alloc : memref<!tpu.dma_semaphore, #tpu.memory_space<semaphore_mem>>
      %dma_start3A = arith.constant 0 : i32
      %dma_start3A_154 = tpu.memref_slice %arg6[%add3A_142, %dma_start3A] : memref<20480x128xf32, #tpu.memory_space<hbm>> -> memref<64x128xf32, #tpu.memory_space<hbm>>
      %dma_start3A_155 = arith.constant 0 : i32
      %dma_start3A_156 = tpu.memref_slice %arg6[%add3A_142, %dma_start3A_155] : memref<20480x128xf32, #tpu.memory_space<hbm>> -> memref<64x128xf32, #tpu.memory_space<hbm>>
      tpu.enqueue_dma source(%arg11 : memref<64x128xf32, #tpu.memory_space<vmem>>) target(%dma_start3A_156 : memref<64x128xf32, #tpu.memory_space<hbm>>) target_semaphore(%run_scoped3A : memref<!tpu.dma_semaphore, #tpu.memory_space<semaphore_mem>>)
      %dma_wait3A = arith.constant 0 : i32
      %dma_wait3A_157 = tpu.memref_slice %arg6[%add3A_142, %dma_wait3A] : memref<20480x128xf32, #tpu.memory_space<hbm>> -> memref<64x128xf32, #tpu.memory_space<hbm>>
      %dma_wait3A_158 = arith.constant 0 : i32
      %dma_wait3A_159 = tpu.memref_slice %arg6[%add3A_142, %dma_wait3A_158] : memref<20480x128xf32, #tpu.memory_space<hbm>> -> memref<64x128xf32, #tpu.memory_space<hbm>>
      tpu.wait_dma2 semaphore(%run_scoped3A : memref<!tpu.dma_semaphore, #tpu.memory_space<semaphore_mem>>) src(%arg11 : memref<64x128xf32, #tpu.memory_space<vmem>>) dst(%dma_wait3A_159 : memref<64x128xf32, #tpu.memory_space<hbm>>)
      tpu.yield
    }) : () -> ()
    %mul3A_143 = arith.constant 640 : i32
    %mul3A_144 = arith.muli %arg1, %mul3A_143 : i32
    %add3A_145 = arith.constant 576 : i32
    %add3A_146 = arith.addi %mul3A_144, %add3A_145 : i32
    "tpu.region"() ({
      %run_scoped3A = tpu.sem_alloc : memref<!tpu.dma_semaphore, #tpu.memory_space<semaphore_mem>>
      %dma_start3A = arith.constant 0 : i32
      %dma_start3A_154 = tpu.memref_slice %arg12[%add3A_146, %dma_start3A] : memref<10240x128xf32, #tpu.memory_space<vmem_shared>> -> memref<64x128xf32, #tpu.memory_space<vmem_shared>>
      %dma_start3A_155 = arith.constant 0 : i32
      %dma_start3A_156 = tpu.memref_slice %arg12[%add3A_146, %dma_start3A_155] : memref<10240x128xf32, #tpu.memory_space<vmem_shared>> -> memref<64x128xf32, #tpu.memory_space<vmem_shared>>
      tpu.enqueue_dma source(%dma_start3A_156 : memref<64x128xf32, #tpu.memory_space<vmem_shared>>) target(%arg11 : memref<64x128xf32, #tpu.memory_space<vmem>>) target_semaphore(%run_scoped3A : memref<!tpu.dma_semaphore, #tpu.memory_space<semaphore_mem>>)
      %dma_wait3A = arith.constant 0 : i32
      %dma_wait3A_157 = tpu.memref_slice %arg12[%add3A_146, %dma_wait3A] : memref<10240x128xf32, #tpu.memory_space<vmem_shared>> -> memref<64x128xf32, #tpu.memory_space<vmem_shared>>
      %dma_wait3A_158 = arith.constant 0 : i32
      %dma_wait3A_159 = tpu.memref_slice %arg12[%add3A_146, %dma_wait3A_158] : memref<10240x128xf32, #tpu.memory_space<vmem_shared>> -> memref<64x128xf32, #tpu.memory_space<vmem_shared>>
      tpu.wait_dma2 semaphore(%run_scoped3A : memref<!tpu.dma_semaphore, #tpu.memory_space<semaphore_mem>>) src(%dma_wait3A_159 : memref<64x128xf32, #tpu.memory_space<vmem_shared>>) dst(%arg11 : memref<64x128xf32, #tpu.memory_space<vmem>>)
      tpu.yield
    }) : () -> ()
    %mul3A_147 = arith.constant 10240 : i32
    %mul3A_148 = arith.muli %arg0, %mul3A_147 : i32
    %mul3A_149 = arith.constant 640 : i32
    %mul3A_150 = arith.muli %arg1, %mul3A_149 : i32
    %add3A_151 = arith.addi %mul3A_148, %mul3A_150 : i32
    %add3A_152 = arith.constant 576 : i32
    %add3A_153 = arith.addi %add3A_151, %add3A_152 : i32
    "tpu.region"() ({
      %run_scoped3A = tpu.sem_alloc : memref<!tpu.dma_semaphore, #tpu.memory_space<semaphore_mem>>
      %dma_start3A = arith.constant 0 : i32
      %dma_start3A_154 = tpu.memref_slice %arg6[%add3A_153, %dma_start3A] : memref<20480x128xf32, #tpu.memory_space<hbm>> -> memref<64x128xf32, #tpu.memory_space<hbm>>
      %dma_start3A_155 = arith.constant 0 : i32
      %dma_start3A_156 = tpu.memref_slice %arg6[%add3A_153, %dma_start3A_155] : memref<20480x128xf32, #tpu.memory_space<hbm>> -> memref<64x128xf32, #tpu.memory_space<hbm>>
      tpu.enqueue_dma source(%arg11 : memref<64x128xf32, #tpu.memory_space<vmem>>) target(%dma_start3A_156 : memref<64x128xf32, #tpu.memory_space<hbm>>) target_semaphore(%run_scoped3A : memref<!tpu.dma_semaphore, #tpu.memory_space<semaphore_mem>>)
      %dma_wait3A = arith.constant 0 : i32
      %dma_wait3A_157 = tpu.memref_slice %arg6[%add3A_153, %dma_wait3A] : memref<20480x128xf32, #tpu.memory_space<hbm>> -> memref<64x128xf32, #tpu.memory_space<hbm>>
      %dma_wait3A_158 = arith.constant 0 : i32
      %dma_wait3A_159 = tpu.memref_slice %arg6[%add3A_153, %dma_wait3A_158] : memref<20480x128xf32, #tpu.memory_space<hbm>> -> memref<64x128xf32, #tpu.memory_space<hbm>>
      tpu.wait_dma2 semaphore(%run_scoped3A : memref<!tpu.dma_semaphore, #tpu.memory_space<semaphore_mem>>) src(%arg11 : memref<64x128xf32, #tpu.memory_space<vmem>>) dst(%dma_wait3A_159 : memref<64x128xf32, #tpu.memory_space<hbm>>)
      tpu.yield
    }) : () -> ()
    return
  }
}

module attributes {stable_mosaic.version = 14 : i64} {
  func.func @_tc1_body(%arg0: i32, %arg1: memref<2000x128xf32, #tpu.memory_space<vmem>>, %arg2: memref<128x256xf32, #tpu.memory_space<vmem>>, %arg3: memref<1x256xf32, #tpu.memory_space<vmem>>, %arg4: memref<256x256xf32, #tpu.memory_space<vmem>>, %arg5: memref<2x2000x128xf32, #tpu.memory_space<vmem>>, %arg6: memref<2000x256xf32, #tpu.memory_space<vmem>>, %arg7: memref<2000x1xf32, #tpu.memory_space<vmem>>, %arg8: memref<2x2000x128xf32, #tpu.memory_space<vmem>>) attributes {dimension_semantics = [#tpu.dimension_semantics<arbitrary>], iteration_bounds = array<i64: 5>, scalar_prefetch = 0 : i64, scratch_operands = 0 : i64, tpu.core_type = #tpu.core_type<tc>, window_params = [{transform_indices = @transform_0, window_bounds = array<i64: 2000, 128>}, {pipeline_mode = #tpu.pipeline_mode<synchronous>, transform_indices = @transform_1, window_bounds = array<i64: 128, 256>}, {pipeline_mode = #tpu.pipeline_mode<synchronous>, transform_indices = @transform_2, window_bounds = array<i64: 1, 256>}, {pipeline_mode = #tpu.pipeline_mode<synchronous>, transform_indices = @transform_3, window_bounds = array<i64: 256, 256>}, {transform_indices = @transform_4, window_bounds = array<i64: 2, 2000, 128>}, {transform_indices = @transform_5, window_bounds = array<i64: 2000, 256>}, {transform_indices = @transform_6, window_bounds = array<i64: 2000, 1>}, {transform_indices = @transform_7, window_bounds = array<i64: 2, 2000, 128>}]} {
    %get3A = arith.constant 0 : index
    %get3A_0 = arith.constant 0 : index
    %get3A_1 = arith.constant 0 : index
    %get3A_2 = vector.load %arg5[%get3A, %get3A_0, %get3A_1] : memref<2x2000x128xf32, #tpu.memory_space<vmem>>, vector<1x2000x1xf32>
    %get3A_3 = vector.shape_cast %get3A_2 : vector<1x2000x1xf32> to vector<2000x1xf32>
    %get3A_4 = arith.constant 1 : index
    %get3A_5 = arith.constant 0 : index
    %get3A_6 = arith.constant 0 : index
    %get3A_7 = vector.load %arg5[%get3A_4, %get3A_5, %get3A_6] : memref<2x2000x128xf32, #tpu.memory_space<vmem>>, vector<1x2000x1xf32>
    %get3A_8 = vector.shape_cast %get3A_7 : vector<1x2000x1xf32> to vector<2000x1xf32>
    %add3A = arith.addf %get3A_3, %get3A_8 : vector<2000x1xf32>
    %add3A_9 = arith.constant 1.000000e+00 : f32
    %add3A_10 = vector.broadcast %add3A_9 : f32 to vector<2000x1xf32>
    %add3A_11 = arith.addf %add3A, %add3A_10 : vector<2000x1xf32>
    %rsqrt3A = math.rsqrt %add3A_11 : vector<2000x1xf32>
    %get3A_12 = arith.constant 0 : index
    %get3A_13 = arith.constant 0 : index
    %get3A_14 = vector.load %arg1[%get3A_12, %get3A_13] : memref<2000x128xf32, #tpu.memory_space<vmem>>, vector<2000x128xf32>
    %get3A_15 = arith.constant 0 : index
    %get3A_16 = arith.constant 0 : index
    %get3A_17 = vector.load %arg2[%get3A_15, %get3A_16] : memref<128x256xf32, #tpu.memory_space<vmem>>, vector<128x256xf32>
    %dot_general3A = arith.constant dense<0.000000e+00> : vector<2000x256xf32>
    %dot_general3A_18 = tpu.matmul %get3A_14, %get3A_17, %dot_general3A {dimension_numbers = #tpu.dot_dimension_numbers<[1], [0], [0], [1], [0, 0, 1, 1], [], []>, transpose_lhs_hint = false} : vector<2000x128xf32>, vector<128x256xf32>, vector<2000x256xf32> -> vector<2000x256xf32>
    %get3A_19 = arith.constant 0 : index
    %get3A_20 = arith.constant 0 : index
    %get3A_21 = vector.load %arg3[%get3A_19, %get3A_20] : memref<1x256xf32, #tpu.memory_space<vmem>>, vector<1x256xf32>
    %add3A_22 = vector.broadcast %get3A_21 : vector<1x256xf32> to vector<2000x256xf32>
    %add3A_23 = arith.addf %dot_general3A_18, %add3A_22 : vector<2000x256xf32>
    %swap3A = arith.constant 0 : index
    %swap3A_24 = arith.constant 0 : index
    %swap3A_25 = vector.load %arg6[%swap3A, %swap3A_24] : memref<2000x256xf32, #tpu.memory_space<vmem>>, vector<2000x256xf32>
    tpu.vector_store %arg6[%swap3A, %swap3A_24], %add3A_23 {strides = array<i32>} : memref<2000x256xf32, #tpu.memory_space<vmem>>, vector<2000x256xf32>,
    %swap3A_26 = arith.constant 0 : index
    %swap3A_27 = arith.constant 0 : index
    %swap3A_28 = vector.load %arg7[%swap3A_26, %swap3A_27] : memref<2000x1xf32, #tpu.memory_space<vmem>>, vector<2000x1xf32>
    tpu.vector_store %arg7[%swap3A_26, %swap3A_27], %rsqrt3A {strides = array<i32>} : memref<2000x1xf32, #tpu.memory_space<vmem>>, vector<2000x1xf32>,
    %get3A_29 = arith.constant 0 : index
    %get3A_30 = arith.constant 0 : index
    %get3A_31 = vector.load %arg4[%get3A_29, %get3A_30] : memref<256x256xf32, #tpu.memory_space<vmem>>, vector<256x256xf32>
    %dot_general3A_32 = arith.constant dense<0.000000e+00> : vector<2000x256xf32>
    %dot_general3A_33 = tpu.matmul %add3A_23, %get3A_31, %dot_general3A_32 {dimension_numbers = #tpu.dot_dimension_numbers<[1], [0], [0], [1], [0, 0, 1, 1], [], []>, transpose_lhs_hint = false} : vector<2000x256xf32>, vector<256x256xf32>, vector<2000x256xf32> -> vector<2000x256xf32>
    %mul3A = vector.broadcast %rsqrt3A : vector<2000x1xf32> to vector<2000x256xf32>
    %mul3A_34 = arith.mulf %dot_general3A_33, %mul3A : vector<2000x256xf32>
    %slice3A = vector.extract_strided_slice %mul3A_34 {offsets = [0, 0], sizes = [2000, 128], strides = [1, 1]} : vector<2000x256xf32> to vector<2000x128xf32>
    %swap3A_35 = arith.constant 0 : index
    %swap3A_36 = arith.constant 0 : index
    %swap3A_37 = arith.constant 0 : index
    %swap3A_38 = vector.load %arg8[%swap3A_35, %swap3A_36, %swap3A_37] : memref<2x2000x128xf32, #tpu.memory_space<vmem>>, vector<1x2000x128xf32>
    %swap3A_39 = vector.shape_cast %swap3A_38 : vector<1x2000x128xf32> to vector<2000x128xf32>
    %swap3A_40 = vector.shape_cast %slice3A : vector<2000x128xf32> to vector<1x2000x128xf32>
    tpu.vector_store %arg8[%swap3A_35, %swap3A_36, %swap3A_37], %swap3A_40 {strides = array<i32>} : memref<2x2000x128xf32, #tpu.memory_space<vmem>>, vector<1x2000x128xf32>,
    %slice3A_41 = vector.extract_strided_slice %mul3A_34 {offsets = [0, 128], sizes = [2000, 128], strides = [1, 1]} : vector<2000x256xf32> to vector<2000x128xf32>
    %swap3A_42 = arith.constant 1 : index
    %swap3A_43 = arith.constant 0 : index
    %swap3A_44 = arith.constant 0 : index
    %swap3A_45 = vector.load %arg8[%swap3A_42, %swap3A_43, %swap3A_44] : memref<2x2000x128xf32, #tpu.memory_space<vmem>>, vector<1x2000x128xf32>
    %swap3A_46 = vector.shape_cast %swap3A_45 : vector<1x2000x128xf32> to vector<2000x128xf32>
    %swap3A_47 = vector.shape_cast %slice3A_41 : vector<2000x128xf32> to vector<1x2000x128xf32>
    tpu.vector_store %arg8[%swap3A_42, %swap3A_43, %swap3A_44], %swap3A_47 {strides = array<i32>} : memref<2x2000x128xf32, #tpu.memory_space<vmem>>, vector<1x2000x128xf32>,
    return
  }
  func.func @transform_0(%arg0: i32) -> (i32, i32) {
    %c0_i32 = arith.constant 0 : i32
    %c0_i32_0 = arith.constant 0 : i32
    return %arg0, %c0_i32 : i32, i32
  }
  func.func @transform_1(%arg0: i32) -> (i32, i32) {
    %c0_i32 = arith.constant 0 : i32
    %c0_i32_0 = arith.constant 0 : i32
    %c0_i32_1 = arith.constant 0 : i32
    return %c0_i32, %c0_i32_0 : i32, i32
  }
  func.func @transform_2(%arg0: i32) -> (i32, i32) {
    %c0_i32 = arith.constant 0 : i32
    %c0_i32_0 = arith.constant 0 : i32
    %c0_i32_1 = arith.constant 0 : i32
    return %c0_i32, %c0_i32_0 : i32, i32
  }
  func.func @transform_3(%arg0: i32) -> (i32, i32) {
    %c0_i32 = arith.constant 0 : i32
    %c0_i32_0 = arith.constant 0 : i32
    %c0_i32_1 = arith.constant 0 : i32
    return %c0_i32, %c0_i32_0 : i32, i32
  }
  func.func @transform_4(%arg0: i32) -> (i32, i32, i32) {
    %c0_i32 = arith.constant 0 : i32
    %c0_i32_0 = arith.constant 0 : i32
    %c0_i32_1 = arith.constant 0 : i32
    return %c0_i32, %arg0, %c0_i32_0 : i32, i32, i32
  }
  func.func @transform_5(%arg0: i32) -> (i32, i32) {
    %c0_i32 = arith.constant 0 : i32
    %c0_i32_0 = arith.constant 0 : i32
    return %arg0, %c0_i32 : i32, i32
  }
  func.func @transform_6(%arg0: i32) -> (i32, i32) {
    %c0_i32 = arith.constant 0 : i32
    %c0_i32_0 = arith.constant 0 : i32
    return %arg0, %c0_i32 : i32, i32
  }
  func.func @transform_7(%arg0: i32) -> (i32, i32, i32) {
    %c0_i32 = arith.constant 0 : i32
    %c0_i32_0 = arith.constant 0 : i32
    %c0_i32_1 = arith.constant 0 : i32
    return %c0_i32, %arg0, %c0_i32_0 : i32, i32, i32
  }
}

module attributes {stable_mosaic.version = 14 : i64} {
  func.func @_tc_mid_body(%arg0: i32, %arg1: memref<2000x256xf32, #tpu.memory_space<vmem>>, %arg2: memref<2000x1xf32, #tpu.memory_space<vmem>>, %arg3: memref<2x2000x128xf32, #tpu.memory_space<vmem>>, %arg4: memref<2x2000x128xf32, #tpu.memory_space<vmem>>, %arg5: memref<1x256xf32, #tpu.memory_space<vmem>>, %arg6: memref<1x256xf32, #tpu.memory_space<vmem>>, %arg7: memref<1x256xf32, #tpu.memory_space<vmem>>, %arg8: memref<256x256xf32, #tpu.memory_space<vmem>>, %arg9: memref<2000x256xf32, #tpu.memory_space<vmem>>, %arg10: memref<2x2000x128xf32, #tpu.memory_space<vmem>>) attributes {dimension_semantics = [#tpu.dimension_semantics<arbitrary>], iteration_bounds = array<i64: 5>, scalar_prefetch = 0 : i64, scratch_operands = 0 : i64, tpu.core_type = #tpu.core_type<tc>, window_params = [{transform_indices = @transform_0, window_bounds = array<i64: 2000, 256>}, {transform_indices = @transform_1, window_bounds = array<i64: 2000, 1>}, {transform_indices = @transform_2, window_bounds = array<i64: 2, 2000, 128>}, {transform_indices = @transform_3, window_bounds = array<i64: 2, 2000, 128>}, {pipeline_mode = #tpu.pipeline_mode<synchronous>, transform_indices = @transform_4, window_bounds = array<i64: 1, 256>}, {pipeline_mode = #tpu.pipeline_mode<synchronous>, transform_indices = @transform_5, window_bounds = array<i64: 1, 256>}, {pipeline_mode = #tpu.pipeline_mode<synchronous>, transform_indices = @transform_6, window_bounds = array<i64: 1, 256>}, {pipeline_mode = #tpu.pipeline_mode<synchronous>, transform_indices = @transform_7, window_bounds = array<i64: 256, 256>}, {transform_indices = @transform_8, window_bounds = array<i64: 2000, 256>}, {transform_indices = @transform_9, window_bounds = array<i64: 2, 2000, 128>}]} {
    %get3A = arith.constant 0 : index
    %get3A_0 = arith.constant 0 : index
    %get3A_1 = vector.load %arg2[%get3A, %get3A_0] : memref<2000x1xf32, #tpu.memory_space<vmem>>, vector<2000x1xf32>
    %get3A_2 = arith.constant 0 : index
    %get3A_3 = arith.constant 0 : index
    %get3A_4 = arith.constant 0 : index
    %get3A_5 = vector.load %arg3[%get3A_2, %get3A_3, %get3A_4] : memref<2x2000x128xf32, #tpu.memory_space<vmem>>, vector<1x2000x128xf32>
    %get3A_6 = vector.shape_cast %get3A_5 : vector<1x2000x128xf32> to vector<2000x128xf32>
    %get3A_7 = arith.constant 1 : index
    %get3A_8 = arith.constant 0 : index
    %get3A_9 = arith.constant 0 : index
    %get3A_10 = vector.load %arg3[%get3A_7, %get3A_8, %get3A_9] : memref<2x2000x128xf32, #tpu.memory_space<vmem>>, vector<1x2000x128xf32>
    %get3A_11 = vector.shape_cast %get3A_10 : vector<1x2000x128xf32> to vector<2000x128xf32>
    %concatenate3A = tpu.concatenate %get3A_6, %get3A_11 in 1 : vector<2000x128xf32>, vector<2000x128xf32> -> vector<2000x256xf32>
    %get3A_12 = arith.constant 0 : index
    %get3A_13 = arith.constant 0 : index
    %get3A_14 = arith.constant 0 : index
    %get3A_15 = vector.load %arg4[%get3A_12, %get3A_13, %get3A_14] : memref<2x2000x128xf32, #tpu.memory_space<vmem>>, vector<1x2000x128xf32>
    %get3A_16 = vector.shape_cast %get3A_15 : vector<1x2000x128xf32> to vector<2000x128xf32>
    %get3A_17 = arith.constant 1 : index
    %get3A_18 = arith.constant 0 : index
    %get3A_19 = arith.constant 0 : index
    %get3A_20 = vector.load %arg4[%get3A_17, %get3A_18, %get3A_19] : memref<2x2000x128xf32, #tpu.memory_space<vmem>>, vector<1x2000x128xf32>
    %get3A_21 = vector.shape_cast %get3A_20 : vector<1x2000x128xf32> to vector<2000x128xf32>
    %concatenate3A_22 = tpu.concatenate %get3A_16, %get3A_21 in 1 : vector<2000x128xf32>, vector<2000x128xf32> -> vector<2000x256xf32>
    %add3A = arith.addf %concatenate3A, %concatenate3A_22 : vector<2000x256xf32>
    %mul3A = vector.broadcast %get3A_1 : vector<2000x1xf32> to vector<2000x256xf32>
    %mul3A_23 = arith.mulf %mul3A, %add3A : vector<2000x256xf32>
    %get3A_24 = arith.constant 0 : index
    %get3A_25 = arith.constant 0 : index
    %get3A_26 = vector.load %arg5[%get3A_24, %get3A_25] : memref<1x256xf32, #tpu.memory_space<vmem>>, vector<1x256xf32>
    %add3A_27 = vector.broadcast %get3A_26 : vector<1x256xf32> to vector<2000x256xf32>
    %add3A_28 = arith.addf %mul3A_23, %add3A_27 : vector<2000x256xf32>
    %get3A_29 = arith.constant 0 : index
    %get3A_30 = arith.constant 0 : index
    %get3A_31 = vector.load %arg6[%get3A_29, %get3A_30] : memref<1x256xf32, #tpu.memory_space<vmem>>, vector<1x256xf32>
    %get3A_32 = arith.constant 0 : index
    %get3A_33 = arith.constant 0 : index
    %get3A_34 = vector.load %arg7[%get3A_32, %get3A_33] : memref<1x256xf32, #tpu.memory_space<vmem>>, vector<1x256xf32>
    %reduce_sum3A = arith.constant dense<0.000000e+00> : vector<2000xf32>
    %reduce_sum3A_35 = vector.multi_reduction <add>, %add3A_28, %reduce_sum3A [1] : vector<2000x256xf32> to vector<2000xf32>
    %broadcast_in_dim3A = vector.shape_cast %reduce_sum3A_35 : vector<2000xf32> to vector<2000x1xf32>
    %div3A = arith.constant 2.560000e+02 : f32
    %div3A_36 = vector.broadcast %div3A : f32 to vector<2000x1xf32>
    %div3A_37 = arith.divf %broadcast_in_dim3A, %div3A_36 : vector<2000x1xf32>
    %sub3A = vector.broadcast %div3A_37 : vector<2000x1xf32> to vector<2000x256xf32>
    %sub3A_38 = arith.subf %add3A_28, %sub3A : vector<2000x256xf32>
    %integer_pow3A = arith.mulf %sub3A_38, %sub3A_38 : vector<2000x256xf32>
    %reduce_sum3A_39 = arith.constant dense<0.000000e+00> : vector<2000xf32>
    %reduce_sum3A_40 = vector.multi_reduction <add>, %integer_pow3A, %reduce_sum3A_39 [1] : vector<2000x256xf32> to vector<2000xf32>
    %broadcast_in_dim3A_41 = vector.shape_cast %reduce_sum3A_40 : vector<2000xf32> to vector<2000x1xf32>
    %div3A_42 = arith.constant 2.560000e+02 : f32
    %div3A_43 = vector.broadcast %div3A_42 : f32 to vector<2000x1xf32>
    %div3A_44 = arith.divf %broadcast_in_dim3A_41, %div3A_43 : vector<2000x1xf32>
    %sub3A_45 = vector.broadcast %div3A_37 : vector<2000x1xf32> to vector<2000x256xf32>
    %sub3A_46 = arith.subf %add3A_28, %sub3A_45 : vector<2000x256xf32>
    %add3A_47 = arith.constant 9.99999974E-6 : f32
    %add3A_48 = vector.broadcast %add3A_47 : f32 to vector<2000x1xf32>
    %add3A_49 = arith.addf %div3A_44, %add3A_48 : vector<2000x1xf32>
    %rsqrt3A = math.rsqrt %add3A_49 : vector<2000x1xf32>
    %mul3A_50 = vector.broadcast %rsqrt3A : vector<2000x1xf32> to vector<2000x256xf32>
    %mul3A_51 = arith.mulf %sub3A_46, %mul3A_50 : vector<2000x256xf32>
    %mul3A_52 = vector.broadcast %get3A_31 : vector<1x256xf32> to vector<2000x256xf32>
    %mul3A_53 = arith.mulf %mul3A_51, %mul3A_52 : vector<2000x256xf32>
    %add3A_54 = vector.broadcast %get3A_34 : vector<1x256xf32> to vector<2000x256xf32>
    %add3A_55 = arith.addf %mul3A_53, %add3A_54 : vector<2000x256xf32>
    %max3A = arith.constant 0.000000e+00 : f32
    %max3A_56 = vector.broadcast %max3A : f32 to vector<2000x256xf32>
    %max3A_57 = arith.maximumf %add3A_55, %max3A_56 : vector<2000x256xf32>
    %get3A_58 = arith.constant 0 : index
    %get3A_59 = arith.constant 0 : index
    %get3A_60 = vector.load %arg1[%get3A_58, %get3A_59] : memref<2000x256xf32, #tpu.memory_space<vmem>>, vector<2000x256xf32>
    %add3A_61 = arith.addf %max3A_57, %get3A_60 : vector<2000x256xf32>
    %swap3A = arith.constant 0 : index
    %swap3A_62 = arith.constant 0 : index
    %swap3A_63 = vector.load %arg9[%swap3A, %swap3A_62] : memref<2000x256xf32, #tpu.memory_space<vmem>>, vector<2000x256xf32>
    tpu.vector_store %arg9[%swap3A, %swap3A_62], %add3A_61 {strides = array<i32>} : memref<2000x256xf32, #tpu.memory_space<vmem>>, vector<2000x256xf32>,
    %get3A_64 = arith.constant 0 : index
    %get3A_65 = arith.constant 0 : index
    %get3A_66 = vector.load %arg8[%get3A_64, %get3A_65] : memref<256x256xf32, #tpu.memory_space<vmem>>, vector<256x256xf32>
    %dot_general3A = arith.constant dense<0.000000e+00> : vector<2000x256xf32>
    %dot_general3A_67 = tpu.matmul %add3A_61, %get3A_66, %dot_general3A {dimension_numbers = #tpu.dot_dimension_numbers<[1], [0], [0], [1], [0, 0, 1, 1], [], []>, transpose_lhs_hint = false} : vector<2000x256xf32>, vector<256x256xf32>, vector<2000x256xf32> -> vector<2000x256xf32>
    %mul3A_68 = vector.broadcast %get3A_1 : vector<2000x1xf32> to vector<2000x256xf32>
    %mul3A_69 = arith.mulf %dot_general3A_67, %mul3A_68 : vector<2000x256xf32>
    %slice3A = vector.extract_strided_slice %mul3A_69 {offsets = [0, 0], sizes = [2000, 128], strides = [1, 1]} : vector<2000x256xf32> to vector<2000x128xf32>
    %swap3A_70 = arith.constant 0 : index
    %swap3A_71 = arith.constant 0 : index
    %swap3A_72 = arith.constant 0 : index
    %swap3A_73 = vector.load %arg10[%swap3A_70, %swap3A_71, %swap3A_72] : memref<2x2000x128xf32, #tpu.memory_space<vmem>>, vector<1x2000x128xf32>
    %swap3A_74 = vector.shape_cast %swap3A_73 : vector<1x2000x128xf32> to vector<2000x128xf32>
    %swap3A_75 = vector.shape_cast %slice3A : vector<2000x128xf32> to vector<1x2000x128xf32>
    tpu.vector_store %arg10[%swap3A_70, %swap3A_71, %swap3A_72], %swap3A_75 {strides = array<i32>} : memref<2x2000x128xf32, #tpu.memory_space<vmem>>, vector<1x2000x128xf32>,
    %slice3A_76 = vector.extract_strided_slice %mul3A_69 {offsets = [0, 128], sizes = [2000, 128], strides = [1, 1]} : vector<2000x256xf32> to vector<2000x128xf32>
    %swap3A_77 = arith.constant 1 : index
    %swap3A_78 = arith.constant 0 : index
    %swap3A_79 = arith.constant 0 : index
    %swap3A_80 = vector.load %arg10[%swap3A_77, %swap3A_78, %swap3A_79] : memref<2x2000x128xf32, #tpu.memory_space<vmem>>, vector<1x2000x128xf32>
    %swap3A_81 = vector.shape_cast %swap3A_80 : vector<1x2000x128xf32> to vector<2000x128xf32>
    %swap3A_82 = vector.shape_cast %slice3A_76 : vector<2000x128xf32> to vector<1x2000x128xf32>
    tpu.vector_store %arg10[%swap3A_77, %swap3A_78, %swap3A_79], %swap3A_82 {strides = array<i32>} : memref<2x2000x128xf32, #tpu.memory_space<vmem>>, vector<1x2000x128xf32>,
    return
  }
  func.func @transform_0(%arg0: i32) -> (i32, i32) {
    %c0_i32 = arith.constant 0 : i32
    %c0_i32_0 = arith.constant 0 : i32
    return %arg0, %c0_i32 : i32, i32
  }
  func.func @transform_1(%arg0: i32) -> (i32, i32) {
    %c0_i32 = arith.constant 0 : i32
    %c0_i32_0 = arith.constant 0 : i32
    return %arg0, %c0_i32 : i32, i32
  }
  func.func @transform_2(%arg0: i32) -> (i32, i32, i32) {
    %c0_i32 = arith.constant 0 : i32
    %c0_i32_0 = arith.constant 0 : i32
    %c0_i32_1 = arith.constant 0 : i32
    return %c0_i32, %arg0, %c0_i32_0 : i32, i32, i32
  }
  func.func @transform_3(%arg0: i32) -> (i32, i32, i32) {
    %c0_i32 = arith.constant 0 : i32
    %c0_i32_0 = arith.constant 0 : i32
    %c0_i32_1 = arith.constant 0 : i32
    return %c0_i32, %arg0, %c0_i32_0 : i32, i32, i32
  }
  func.func @transform_4(%arg0: i32) -> (i32, i32) {
    %c0_i32 = arith.constant 0 : i32
    %c0_i32_0 = arith.constant 0 : i32
    %c0_i32_1 = arith.constant 0 : i32
    return %c0_i32, %c0_i32_0 : i32, i32
  }
  func.func @transform_5(%arg0: i32) -> (i32, i32) {
    %c0_i32 = arith.constant 0 : i32
    %c0_i32_0 = arith.constant 0 : i32
    %c0_i32_1 = arith.constant 0 : i32
    return %c0_i32, %c0_i32_0 : i32, i32
  }
  func.func @transform_6(%arg0: i32) -> (i32, i32) {
    %c0_i32 = arith.constant 0 : i32
    %c0_i32_0 = arith.constant 0 : i32
    %c0_i32_1 = arith.constant 0 : i32
    return %c0_i32, %c0_i32_0 : i32, i32
  }
  func.func @transform_7(%arg0: i32) -> (i32, i32) {
    %c0_i32 = arith.constant 0 : i32
    %c0_i32_0 = arith.constant 0 : i32
    %c0_i32_1 = arith.constant 0 : i32
    return %c0_i32, %c0_i32_0 : i32, i32
  }
  func.func @transform_8(%arg0: i32) -> (i32, i32) {
    %c0_i32 = arith.constant 0 : i32
    %c0_i32_0 = arith.constant 0 : i32
    return %arg0, %c0_i32 : i32, i32
  }
  func.func @transform_9(%arg0: i32) -> (i32, i32, i32) {
    %c0_i32 = arith.constant 0 : i32
    %c0_i32_0 = arith.constant 0 : i32
    %c0_i32_1 = arith.constant 0 : i32
    return %c0_i32, %arg0, %c0_i32_0 : i32, i32, i32
  }
}

module attributes {stable_mosaic.version = 14 : i64} {
  func.func @_tc3a_body(%arg0: i32, %arg1: memref<2000x256xf32, #tpu.memory_space<vmem>>, %arg2: memref<2000x1xf32, #tpu.memory_space<vmem>>, %arg3: memref<2x2000x128xf32, #tpu.memory_space<vmem>>, %arg4: memref<2x2000x128xf32, #tpu.memory_space<vmem>>, %arg5: memref<1x256xf32, #tpu.memory_space<vmem>>, %arg6: memref<1x256xf32, #tpu.memory_space<vmem>>, %arg7: memref<1x256xf32, #tpu.memory_space<vmem>>, %arg8: memref<4x256x128xf32, #tpu.memory_space<vmem>>, %arg9: memref<4x128xf32, #tpu.memory_space<vmem>>, %arg10: memref<4x128x1xf32, #tpu.memory_space<vmem>>, %arg11: memref<4x1xf32, #tpu.memory_space<vmem>>, %arg12: memref<2000x256xf32, #tpu.memory_space<vmem>>, %arg13: memref<2000x4xf32, #tpu.memory_space<vmem>>) attributes {dimension_semantics = [#tpu.dimension_semantics<arbitrary>], iteration_bounds = array<i64: 5>, scalar_prefetch = 0 : i64, scratch_operands = 0 : i64, tpu.core_type = #tpu.core_type<tc>, window_params = [{transform_indices = @transform_0, window_bounds = array<i64: 2000, 256>}, {transform_indices = @transform_1, window_bounds = array<i64: 2000, 1>}, {transform_indices = @transform_2, window_bounds = array<i64: 2, 2000, 128>}, {transform_indices = @transform_3, window_bounds = array<i64: 2, 2000, 128>}, {pipeline_mode = #tpu.pipeline_mode<synchronous>, transform_indices = @transform_4, window_bounds = array<i64: 1, 256>}, {pipeline_mode = #tpu.pipeline_mode<synchronous>, transform_indices = @transform_5, window_bounds = array<i64: 1, 256>}, {pipeline_mode = #tpu.pipeline_mode<synchronous>, transform_indices = @transform_6, window_bounds = array<i64: 1, 256>}, {pipeline_mode = #tpu.pipeline_mode<synchronous>, transform_indices = @transform_7, window_bounds = array<i64: 4, 256, 128>}, {pipeline_mode = #tpu.pipeline_mode<synchronous>, transform_indices = @transform_8, window_bounds = array<i64: 4, 128>}, {pipeline_mode = #tpu.pipeline_mode<synchronous>, transform_indices = @transform_9, window_bounds = array<i64: 4, 128, 1>}, {pipeline_mode = #tpu.pipeline_mode<synchronous>, transform_indices = @transform_10, window_bounds = array<i64: 4, 1>}, {transform_indices = @transform_11, window_bounds = array<i64: 2000, 256>}, {transform_indices = @transform_12, window_bounds = array<i64: 2000, 4>}]} {
    %get3A = arith.constant 0 : index
    %get3A_0 = arith.constant 0 : index
    %get3A_1 = vector.load %arg2[%get3A, %get3A_0] : memref<2000x1xf32, #tpu.memory_space<vmem>>, vector<2000x1xf32>
    %get3A_2 = arith.constant 0 : index
    %get3A_3 = arith.constant 0 : index
    %get3A_4 = arith.constant 0 : index
    %get3A_5 = vector.load %arg3[%get3A_2, %get3A_3, %get3A_4] : memref<2x2000x128xf32, #tpu.memory_space<vmem>>, vector<1x2000x128xf32>
    %get3A_6 = vector.shape_cast %get3A_5 : vector<1x2000x128xf32> to vector<2000x128xf32>
    %get3A_7 = arith.constant 1 : index
    %get3A_8 = arith.constant 0 : index
    %get3A_9 = arith.constant 0 : index
    %get3A_10 = vector.load %arg3[%get3A_7, %get3A_8, %get3A_9] : memref<2x2000x128xf32, #tpu.memory_space<vmem>>, vector<1x2000x128xf32>
    %get3A_11 = vector.shape_cast %get3A_10 : vector<1x2000x128xf32> to vector<2000x128xf32>
    %concatenate3A = tpu.concatenate %get3A_6, %get3A_11 in 1 : vector<2000x128xf32>, vector<2000x128xf32> -> vector<2000x256xf32>
    %get3A_12 = arith.constant 0 : index
    %get3A_13 = arith.constant 0 : index
    %get3A_14 = arith.constant 0 : index
    %get3A_15 = vector.load %arg4[%get3A_12, %get3A_13, %get3A_14] : memref<2x2000x128xf32, #tpu.memory_space<vmem>>, vector<1x2000x128xf32>
    %get3A_16 = vector.shape_cast %get3A_15 : vector<1x2000x128xf32> to vector<2000x128xf32>
    %get3A_17 = arith.constant 1 : index
    %get3A_18 = arith.constant 0 : index
    %get3A_19 = arith.constant 0 : index
    %get3A_20 = vector.load %arg4[%get3A_17, %get3A_18, %get3A_19] : memref<2x2000x128xf32, #tpu.memory_space<vmem>>, vector<1x2000x128xf32>
    %get3A_21 = vector.shape_cast %get3A_20 : vector<1x2000x128xf32> to vector<2000x128xf32>
    %concatenate3A_22 = tpu.concatenate %get3A_16, %get3A_21 in 1 : vector<2000x128xf32>, vector<2000x128xf32> -> vector<2000x256xf32>
    %add3A = arith.addf %concatenate3A, %concatenate3A_22 : vector<2000x256xf32>
    %mul3A = vector.broadcast %get3A_1 : vector<2000x1xf32> to vector<2000x256xf32>
    %mul3A_23 = arith.mulf %mul3A, %add3A : vector<2000x256xf32>
    %get3A_24 = arith.constant 0 : index
    %get3A_25 = arith.constant 0 : index
    %get3A_26 = vector.load %arg5[%get3A_24, %get3A_25] : memref<1x256xf32, #tpu.memory_space<vmem>>, vector<1x256xf32>
    %add3A_27 = vector.broadcast %get3A_26 : vector<1x256xf32> to vector<2000x256xf32>
    %add3A_28 = arith.addf %mul3A_23, %add3A_27 : vector<2000x256xf32>
    %get3A_29 = arith.constant 0 : index
    %get3A_30 = arith.constant 0 : index
    %get3A_31 = vector.load %arg6[%get3A_29, %get3A_30] : memref<1x256xf32, #tpu.memory_space<vmem>>, vector<1x256xf32>
    %get3A_32 = arith.constant 0 : index
    %get3A_33 = arith.constant 0 : index
    %get3A_34 = vector.load %arg7[%get3A_32, %get3A_33] : memref<1x256xf32, #tpu.memory_space<vmem>>, vector<1x256xf32>
    %reduce_sum3A = arith.constant dense<0.000000e+00> : vector<2000xf32>
    %reduce_sum3A_35 = vector.multi_reduction <add>, %add3A_28, %reduce_sum3A [1] : vector<2000x256xf32> to vector<2000xf32>
    %broadcast_in_dim3A = vector.shape_cast %reduce_sum3A_35 : vector<2000xf32> to vector<2000x1xf32>
    %div3A = arith.constant 2.560000e+02 : f32
    %div3A_36 = vector.broadcast %div3A : f32 to vector<2000x1xf32>
    %div3A_37 = arith.divf %broadcast_in_dim3A, %div3A_36 : vector<2000x1xf32>
    %sub3A = vector.broadcast %div3A_37 : vector<2000x1xf32> to vector<2000x256xf32>
    %sub3A_38 = arith.subf %add3A_28, %sub3A : vector<2000x256xf32>
    %integer_pow3A = arith.mulf %sub3A_38, %sub3A_38 : vector<2000x256xf32>
    %reduce_sum3A_39 = arith.constant dense<0.000000e+00> : vector<2000xf32>
    %reduce_sum3A_40 = vector.multi_reduction <add>, %integer_pow3A, %reduce_sum3A_39 [1] : vector<2000x256xf32> to vector<2000xf32>
    %broadcast_in_dim3A_41 = vector.shape_cast %reduce_sum3A_40 : vector<2000xf32> to vector<2000x1xf32>
    %div3A_42 = arith.constant 2.560000e+02 : f32
    %div3A_43 = vector.broadcast %div3A_42 : f32 to vector<2000x1xf32>
    %div3A_44 = arith.divf %broadcast_in_dim3A_41, %div3A_43 : vector<2000x1xf32>
    %sub3A_45 = vector.broadcast %div3A_37 : vector<2000x1xf32> to vector<2000x256xf32>
    %sub3A_46 = arith.subf %add3A_28, %sub3A_45 : vector<2000x256xf32>
    %add3A_47 = arith.constant 9.99999974E-6 : f32
    %add3A_48 = vector.broadcast %add3A_47 : f32 to vector<2000x1xf32>
    %add3A_49 = arith.addf %div3A_44, %add3A_48 : vector<2000x1xf32>
    %rsqrt3A = math.rsqrt %add3A_49 : vector<2000x1xf32>
    %mul3A_50 = vector.broadcast %rsqrt3A : vector<2000x1xf32> to vector<2000x256xf32>
    %mul3A_51 = arith.mulf %sub3A_46, %mul3A_50 : vector<2000x256xf32>
    %mul3A_52 = vector.broadcast %get3A_31 : vector<1x256xf32> to vector<2000x256xf32>
    %mul3A_53 = arith.mulf %mul3A_51, %mul3A_52 : vector<2000x256xf32>
    %add3A_54 = vector.broadcast %get3A_34 : vector<1x256xf32> to vector<2000x256xf32>
    %add3A_55 = arith.addf %mul3A_53, %add3A_54 : vector<2000x256xf32>
    %max3A = arith.constant 0.000000e+00 : f32
    %max3A_56 = vector.broadcast %max3A : f32 to vector<2000x256xf32>
    %max3A_57 = arith.maximumf %add3A_55, %max3A_56 : vector<2000x256xf32>
    %get3A_58 = arith.constant 0 : index
    %get3A_59 = arith.constant 0 : index
    %get3A_60 = vector.load %arg1[%get3A_58, %get3A_59] : memref<2000x256xf32, #tpu.memory_space<vmem>>, vector<2000x256xf32>
    %add3A_61 = arith.addf %max3A_57, %get3A_60 : vector<2000x256xf32>
    %swap3A = arith.constant 0 : index
    %swap3A_62 = arith.constant 0 : index
    %swap3A_63 = vector.load %arg12[%swap3A, %swap3A_62] : memref<2000x256xf32, #tpu.memory_space<vmem>>, vector<2000x256xf32>
    tpu.vector_store %arg12[%swap3A, %swap3A_62], %add3A_61 {strides = array<i32>} : memref<2000x256xf32, #tpu.memory_space<vmem>>, vector<2000x256xf32>,
    %get3A_64 = arith.constant 0 : index
    %get3A_65 = arith.constant 0 : index
    %get3A_66 = vector.load %arg9[%get3A_64, %get3A_65] : memref<4x128xf32, #tpu.memory_space<vmem>>, vector<4x128xf32>
    %get3A_67 = arith.constant 0 : index
    %get3A_68 = arith.constant 0 : index
    %get3A_69 = vector.load %arg11[%get3A_67, %get3A_68] : memref<4x1xf32, #tpu.memory_space<vmem>>, vector<4x1xf32>
    %get3A_70 = arith.constant 0 : index
    %get3A_71 = arith.constant 0 : index
    %get3A_72 = arith.constant 0 : index
    %get3A_73 = vector.load %arg8[%get3A_70, %get3A_71, %get3A_72] : memref<4x256x128xf32, #tpu.memory_space<vmem>>, vector<1x256x128xf32>
    %get3A_74 = vector.shape_cast %get3A_73 : vector<1x256x128xf32> to vector<256x128xf32>
    %dot_general3A = arith.constant dense<0.000000e+00> : vector<2000x128xf32>
    %dot_general3A_75 = tpu.matmul %add3A_61, %get3A_74, %dot_general3A {dimension_numbers = #tpu.dot_dimension_numbers<[1], [0], [0], [1], [0, 0, 1, 1], [], []>, transpose_lhs_hint = false} : vector<2000x256xf32>, vector<256x128xf32>, vector<2000x128xf32> -> vector<2000x128xf32>
    %slice3A = vector.extract_strided_slice %get3A_66 {offsets = [0, 0], sizes = [1, 128], strides = [1, 1]} : vector<4x128xf32> to vector<1x128xf32>
    %add3A_76 = vector.broadcast %slice3A : vector<1x128xf32> to vector<2000x128xf32>
    %add3A_77 = arith.addf %dot_general3A_75, %add3A_76 : vector<2000x128xf32>
    %tanh3A = math.tanh %add3A_77 : vector<2000x128xf32>
    %get3A_78 = arith.constant 0 : index
    %get3A_79 = arith.constant 0 : index
    %get3A_80 = arith.constant 0 : index
    %get3A_81 = vector.load %arg10[%get3A_78, %get3A_79, %get3A_80] : memref<4x128x1xf32, #tpu.memory_space<vmem>>, vector<1x128x1xf32>
    %get3A_82 = vector.shape_cast %get3A_81 : vector<1x128x1xf32> to vector<128x1xf32>
    %dot_general3A_83 = arith.constant dense<0.000000e+00> : vector<2000x1xf32>
    %dot_general3A_84 = tpu.matmul %tanh3A, %get3A_82, %dot_general3A_83 {dimension_numbers = #tpu.dot_dimension_numbers<[1], [0], [0], [1], [0, 0, 1, 1], [], []>, transpose_lhs_hint = false} : vector<2000x128xf32>, vector<128x1xf32>, vector<2000x1xf32> -> vector<2000x1xf32>
    %slice3A_85 = vector.extract_strided_slice %get3A_69 {offsets = [0, 0], sizes = [1, 1], strides = [1, 1]} : vector<4x1xf32> to vector<1x1xf32>
    %add3A_86 = vector.broadcast %slice3A_85 : vector<1x1xf32> to vector<2000x1xf32>
    %add3A_87 = arith.addf %dot_general3A_84, %add3A_86 : vector<2000x1xf32>
    %get3A_88 = arith.constant 1 : index
    %get3A_89 = arith.constant 0 : index
    %get3A_90 = arith.constant 0 : index
    %get3A_91 = vector.load %arg8[%get3A_88, %get3A_89, %get3A_90] : memref<4x256x128xf32, #tpu.memory_space<vmem>>, vector<1x256x128xf32>
    %get3A_92 = vector.shape_cast %get3A_91 : vector<1x256x128xf32> to vector<256x128xf32>
    %dot_general3A_93 = arith.constant dense<0.000000e+00> : vector<2000x128xf32>
    %dot_general3A_94 = tpu.matmul %add3A_61, %get3A_92, %dot_general3A_93 {dimension_numbers = #tpu.dot_dimension_numbers<[1], [0], [0], [1], [0, 0, 1, 1], [], []>, transpose_lhs_hint = false} : vector<2000x256xf32>, vector<256x128xf32>, vector<2000x128xf32> -> vector<2000x128xf32>
    %slice3A_95 = vector.extract_strided_slice %get3A_66 {offsets = [1, 0], sizes = [1, 128], strides = [1, 1]} : vector<4x128xf32> to vector<1x128xf32>
    %add3A_96 = vector.broadcast %slice3A_95 : vector<1x128xf32> to vector<2000x128xf32>
    %add3A_97 = arith.addf %dot_general3A_94, %add3A_96 : vector<2000x128xf32>
    %tanh3A_98 = math.tanh %add3A_97 : vector<2000x128xf32>
    %get3A_99 = arith.constant 1 : index
    %get3A_100 = arith.constant 0 : index
    %get3A_101 = arith.constant 0 : index
    %get3A_102 = vector.load %arg10[%get3A_99, %get3A_100, %get3A_101] : memref<4x128x1xf32, #tpu.memory_space<vmem>>, vector<1x128x1xf32>
    %get3A_103 = vector.shape_cast %get3A_102 : vector<1x128x1xf32> to vector<128x1xf32>
    %dot_general3A_104 = arith.constant dense<0.000000e+00> : vector<2000x1xf32>
    %dot_general3A_105 = tpu.matmul %tanh3A_98, %get3A_103, %dot_general3A_104 {dimension_numbers = #tpu.dot_dimension_numbers<[1], [0], [0], [1], [0, 0, 1, 1], [], []>, transpose_lhs_hint = false} : vector<2000x128xf32>, vector<128x1xf32>, vector<2000x1xf32> -> vector<2000x1xf32>
    %slice3A_106 = vector.extract_strided_slice %get3A_69 {offsets = [1, 0], sizes = [1, 1], strides = [1, 1]} : vector<4x1xf32> to vector<1x1xf32>
    %add3A_107 = vector.broadcast %slice3A_106 : vector<1x1xf32> to vector<2000x1xf32>
    %add3A_108 = arith.addf %dot_general3A_105, %add3A_107 : vector<2000x1xf32>
    %get3A_109 = arith.constant 2 : index
    %get3A_110 = arith.constant 0 : index
    %get3A_111 = arith.constant 0 : index
    %get3A_112 = vector.load %arg8[%get3A_109, %get3A_110, %get3A_111] : memref<4x256x128xf32, #tpu.memory_space<vmem>>, vector<1x256x128xf32>
    %get3A_113 = vector.shape_cast %get3A_112 : vector<1x256x128xf32> to vector<256x128xf32>
    %dot_general3A_114 = arith.constant dense<0.000000e+00> : vector<2000x128xf32>
    %dot_general3A_115 = tpu.matmul %add3A_61, %get3A_113, %dot_general3A_114 {dimension_numbers = #tpu.dot_dimension_numbers<[1], [0], [0], [1], [0, 0, 1, 1], [], []>, transpose_lhs_hint = false} : vector<2000x256xf32>, vector<256x128xf32>, vector<2000x128xf32> -> vector<2000x128xf32>
    %slice3A_116 = vector.extract_strided_slice %get3A_66 {offsets = [2, 0], sizes = [1, 128], strides = [1, 1]} : vector<4x128xf32> to vector<1x128xf32>
    %add3A_117 = vector.broadcast %slice3A_116 : vector<1x128xf32> to vector<2000x128xf32>
    %add3A_118 = arith.addf %dot_general3A_115, %add3A_117 : vector<2000x128xf32>
    %tanh3A_119 = math.tanh %add3A_118 : vector<2000x128xf32>
    %get3A_120 = arith.constant 2 : index
    %get3A_121 = arith.constant 0 : index
    %get3A_122 = arith.constant 0 : index
    %get3A_123 = vector.load %arg10[%get3A_120, %get3A_121, %get3A_122] : memref<4x128x1xf32, #tpu.memory_space<vmem>>, vector<1x128x1xf32>
    %get3A_124 = vector.shape_cast %get3A_123 : vector<1x128x1xf32> to vector<128x1xf32>
    %dot_general3A_125 = arith.constant dense<0.000000e+00> : vector<2000x1xf32>
    %dot_general3A_126 = tpu.matmul %tanh3A_119, %get3A_124, %dot_general3A_125 {dimension_numbers = #tpu.dot_dimension_numbers<[1], [0], [0], [1], [0, 0, 1, 1], [], []>, transpose_lhs_hint = false} : vector<2000x128xf32>, vector<128x1xf32>, vector<2000x1xf32> -> vector<2000x1xf32>
    %slice3A_127 = vector.extract_strided_slice %get3A_69 {offsets = [2, 0], sizes = [1, 1], strides = [1, 1]} : vector<4x1xf32> to vector<1x1xf32>
    %add3A_128 = vector.broadcast %slice3A_127 : vector<1x1xf32> to vector<2000x1xf32>
    %add3A_129 = arith.addf %dot_general3A_126, %add3A_128 : vector<2000x1xf32>
    %get3A_130 = arith.constant 3 : index
    %get3A_131 = arith.constant 0 : index
    %get3A_132 = arith.constant 0 : index
    %get3A_133 = vector.load %arg8[%get3A_130, %get3A_131, %get3A_132] : memref<4x256x128xf32, #tpu.memory_space<vmem>>, vector<1x256x128xf32>
    %get3A_134 = vector.shape_cast %get3A_133 : vector<1x256x128xf32> to vector<256x128xf32>
    %dot_general3A_135 = arith.constant dense<0.000000e+00> : vector<2000x128xf32>
    %dot_general3A_136 = tpu.matmul %add3A_61, %get3A_134, %dot_general3A_135 {dimension_numbers = #tpu.dot_dimension_numbers<[1], [0], [0], [1], [0, 0, 1, 1], [], []>, transpose_lhs_hint = false} : vector<2000x256xf32>, vector<256x128xf32>, vector<2000x128xf32> -> vector<2000x128xf32>
    %slice3A_137 = vector.extract_strided_slice %get3A_66 {offsets = [3, 0], sizes = [1, 128], strides = [1, 1]} : vector<4x128xf32> to vector<1x128xf32>
    %add3A_138 = vector.broadcast %slice3A_137 : vector<1x128xf32> to vector<2000x128xf32>
    %add3A_139 = arith.addf %dot_general3A_136, %add3A_138 : vector<2000x128xf32>
    %tanh3A_140 = math.tanh %add3A_139 : vector<2000x128xf32>
    %get3A_141 = arith.constant 3 : index
    %get3A_142 = arith.constant 0 : index
    %get3A_143 = arith.constant 0 : index
    %get3A_144 = vector.load %arg10[%get3A_141, %get3A_142, %get3A_143] : memref<4x128x1xf32, #tpu.memory_space<vmem>>, vector<1x128x1xf32>
    %get3A_145 = vector.shape_cast %get3A_144 : vector<1x128x1xf32> to vector<128x1xf32>
    %dot_general3A_146 = arith.constant dense<0.000000e+00> : vector<2000x1xf32>
    %dot_general3A_147 = tpu.matmul %tanh3A_140, %get3A_145, %dot_general3A_146 {dimension_numbers = #tpu.dot_dimension_numbers<[1], [0], [0], [1], [0, 0, 1, 1], [], []>, transpose_lhs_hint = false} : vector<2000x128xf32>, vector<128x1xf32>, vector<2000x1xf32> -> vector<2000x1xf32>
    %slice3A_148 = vector.extract_strided_slice %get3A_69 {offsets = [3, 0], sizes = [1, 1], strides = [1, 1]} : vector<4x1xf32> to vector<1x1xf32>
    %add3A_149 = vector.broadcast %slice3A_148 : vector<1x1xf32> to vector<2000x1xf32>
    %add3A_150 = arith.addf %dot_general3A_147, %add3A_149 : vector<2000x1xf32>
    %concatenate3A_151 = tpu.concatenate %add3A_87, %add3A_108, %add3A_129, %add3A_150 in 1 : vector<2000x1xf32>, vector<2000x1xf32>, vector<2000x1xf32>, vector<2000x1xf32> -> vector<2000x4xf32>
    %swap3A_152 = arith.constant 0 : index
    %swap3A_153 = arith.constant 0 : index
    %swap3A_154 = vector.load %arg13[%swap3A_152, %swap3A_153] : memref<2000x4xf32, #tpu.memory_space<vmem>>, vector<2000x4xf32>
    tpu.vector_store %arg13[%swap3A_152, %swap3A_153], %concatenate3A_151 {strides = array<i32>} : memref<2000x4xf32, #tpu.memory_space<vmem>>, vector<2000x4xf32>,
    return
  }
  func.func @transform_0(%arg0: i32) -> (i32, i32) {
    %c0_i32 = arith.constant 0 : i32
    %c0_i32_0 = arith.constant 0 : i32
    return %arg0, %c0_i32 : i32, i32
  }
  func.func @transform_1(%arg0: i32) -> (i32, i32) {
    %c0_i32 = arith.constant 0 : i32
    %c0_i32_0 = arith.constant 0 : i32
    return %arg0, %c0_i32 : i32, i32
  }
  func.func @transform_2(%arg0: i32) -> (i32, i32, i32) {
    %c0_i32 = arith.constant 0 : i32
    %c0_i32_0 = arith.constant 0 : i32
    %c0_i32_1 = arith.constant 0 : i32
    return %c0_i32, %arg0, %c0_i32_0 : i32, i32, i32
  }
  func.func @transform_3(%arg0: i32) -> (i32, i32, i32) {
    %c0_i32 = arith.constant 0 : i32
    %c0_i32_0 = arith.constant 0 : i32
    %c0_i32_1 = arith.constant 0 : i32
    return %c0_i32, %arg0, %c0_i32_0 : i32, i32, i32
  }
  func.func @transform_4(%arg0: i32) -> (i32, i32) {
    %c0_i32 = arith.constant 0 : i32
    %c0_i32_0 = arith.constant 0 : i32
    %c0_i32_1 = arith.constant 0 : i32
    return %c0_i32, %c0_i32_0 : i32, i32
  }
  func.func @transform_5(%arg0: i32) -> (i32, i32) {
    %c0_i32 = arith.constant 0 : i32
    %c0_i32_0 = arith.constant 0 : i32
    %c0_i32_1 = arith.constant 0 : i32
    return %c0_i32, %c0_i32_0 : i32, i32
  }
  func.func @transform_6(%arg0: i32) -> (i32, i32) {
    %c0_i32 = arith.constant 0 : i32
    %c0_i32_0 = arith.constant 0 : i32
    %c0_i32_1 = arith.constant 0 : i32
    return %c0_i32, %c0_i32_0 : i32, i32
  }
  func.func @transform_7(%arg0: i32) -> (i32, i32, i32) {
    %c0_i32 = arith.constant 0 : i32
    %c0_i32_0 = arith.constant 0 : i32
    %c0_i32_1 = arith.constant 0 : i32
    %c0_i32_2 = arith.constant 0 : i32
    return %c0_i32, %c0_i32_0, %c0_i32_1 : i32, i32, i32
  }
  func.func @transform_8(%arg0: i32) -> (i32, i32) {
    %c0_i32 = arith.constant 0 : i32
    %c0_i32_0 = arith.constant 0 : i32
    %c0_i32_1 = arith.constant 0 : i32
    return %c0_i32, %c0_i32_0 : i32, i32
  }
  func.func @transform_9(%arg0: i32) -> (i32, i32, i32) {
    %c0_i32 = arith.constant 0 : i32
    %c0_i32_0 = arith.constant 0 : i32
    %c0_i32_1 = arith.constant 0 : i32
    %c0_i32_2 = arith.constant 0 : i32
    return %c0_i32, %c0_i32_0, %c0_i32_1 : i32, i32, i32
  }
  func.func @transform_10(%arg0: i32) -> (i32, i32) {
    %c0_i32 = arith.constant 0 : i32
    %c0_i32_0 = arith.constant 0 : i32
    %c0_i32_1 = arith.constant 0 : i32
    return %c0_i32, %c0_i32_0 : i32, i32
  }
  func.func @transform_11(%arg0: i32) -> (i32, i32) {
    %c0_i32 = arith.constant 0 : i32
    %c0_i32_0 = arith.constant 0 : i32
    return %arg0, %c0_i32 : i32, i32
  }
  func.func @transform_12(%arg0: i32) -> (i32, i32) {
    %c0_i32 = arith.constant 0 : i32
    %c0_i32_0 = arith.constant 0 : i32
    return %arg0, %c0_i32 : i32, i32
  }
}

module attributes {stable_mosaic.version = 14 : i64} {
  func.func @_tc3b_body(%arg0: memref<10000x256xf32, #tpu.memory_space<vmem>>, %arg1: memref<10000x4xf32, #tpu.memory_space<vmem>>, %arg2: memref<256x128xf32, #tpu.memory_space<vmem>>, %arg3: memref<1x128xf32, #tpu.memory_space<vmem>>, %arg4: memref<128x7xf32, #tpu.memory_space<vmem>>, %arg5: memref<1x7xf32, #tpu.memory_space<vmem>>, %arg6: memref<1x7xf32, #tpu.memory_space<vmem>>, %arg7: memref<10000x4xf32, #tpu.memory_space<vmem>>) attributes {dimension_semantics = [], scalar_prefetch = 0 : i64, scratch_operands = 0 : i64, tpu.core_type = #tpu.core_type<tc>} {
    %get3A = arith.constant 0 : index
    %get3A_0 = arith.constant 0 : index
    %get3A_1 = vector.load %arg0[%get3A, %get3A_0] : memref<10000x256xf32, #tpu.memory_space<vmem>>, vector<10000x256xf32>
    %get3A_2 = arith.constant 0 : index
    %get3A_3 = arith.constant 0 : index
    %get3A_4 = vector.load %arg1[%get3A_2, %get3A_3] : memref<10000x4xf32, #tpu.memory_space<vmem>>, vector<10000x4xf32>
    %reduce_max3A = arith.constant dense<0xFF800000> : vector<4xf32>
    %reduce_max3A_5 = vector.multi_reduction <maximumf>, %get3A_4, %reduce_max3A [0] : vector<10000x4xf32> to vector<4xf32>
    %broadcast_in_dim3A = vector.shape_cast %reduce_max3A_5 : vector<4xf32> to vector<1x4xf32>
    %sub3A = vector.broadcast %broadcast_in_dim3A : vector<1x4xf32> to vector<10000x4xf32>
    %sub3A_6 = arith.subf %get3A_4, %sub3A : vector<10000x4xf32>
    %exp3A = math.exp %sub3A_6 : vector<10000x4xf32>
    %reduce_sum3A = arith.constant dense<0.000000e+00> : vector<4xf32>
    %reduce_sum3A_7 = vector.multi_reduction <add>, %exp3A, %reduce_sum3A [0] : vector<10000x4xf32> to vector<4xf32>
    %broadcast_in_dim3A_8 = vector.shape_cast %reduce_sum3A_7 : vector<4xf32> to vector<1x4xf32>
    %div3A = vector.broadcast %broadcast_in_dim3A_8 : vector<1x4xf32> to vector<10000x4xf32>
    %div3A_9 = arith.divf %exp3A, %div3A : vector<10000x4xf32>
    %swap3A = arith.constant 0 : index
    %swap3A_10 = arith.constant 0 : index
    %swap3A_11 = vector.load %arg7[%swap3A, %swap3A_10] : memref<10000x4xf32, #tpu.memory_space<vmem>>, vector<10000x4xf32>
    tpu.vector_store %arg7[%swap3A, %swap3A_10], %div3A_9 {strides = array<i32>} : memref<10000x4xf32, #tpu.memory_space<vmem>>, vector<10000x4xf32>,
    %broadcast_in_dim3A_12 = arith.constant 0.000000e+00 : f32
    %broadcast_in_dim3A_13 = vector.broadcast %broadcast_in_dim3A_12 : f32 to vector<1x256xf32>
    %slice3A = vector.extract_strided_slice %div3A_9 {offsets = [0, 0], sizes = [10000, 1], strides = [1, 1]} : vector<10000x4xf32> to vector<10000x1xf32>
    %mul3A = vector.broadcast %slice3A : vector<10000x1xf32> to vector<10000x256xf32>
    %mul3A_14 = arith.mulf %mul3A, %get3A_1 : vector<10000x256xf32>
    %reduce_sum3A_15 = arith.constant dense<0.000000e+00> : vector<256xf32>
    %reduce_sum3A_16 = vector.multi_reduction <add>, %mul3A_14, %reduce_sum3A_15 [0] : vector<10000x256xf32> to vector<256xf32>
    %broadcast_in_dim3A_17 = vector.shape_cast %reduce_sum3A_16 : vector<256xf32> to vector<1x256xf32>
    %add3A = arith.addf %broadcast_in_dim3A_13, %broadcast_in_dim3A_17 : vector<1x256xf32>
    %slice3A_18 = vector.extract_strided_slice %div3A_9 {offsets = [0, 1], sizes = [10000, 1], strides = [1, 1]} : vector<10000x4xf32> to vector<10000x1xf32>
    %mul3A_19 = vector.broadcast %slice3A_18 : vector<10000x1xf32> to vector<10000x256xf32>
    %mul3A_20 = arith.mulf %mul3A_19, %get3A_1 : vector<10000x256xf32>
    %reduce_sum3A_21 = arith.constant dense<0.000000e+00> : vector<256xf32>
    %reduce_sum3A_22 = vector.multi_reduction <add>, %mul3A_20, %reduce_sum3A_21 [0] : vector<10000x256xf32> to vector<256xf32>
    %broadcast_in_dim3A_23 = vector.shape_cast %reduce_sum3A_22 : vector<256xf32> to vector<1x256xf32>
    %add3A_24 = arith.addf %add3A, %broadcast_in_dim3A_23 : vector<1x256xf32>
    %slice3A_25 = vector.extract_strided_slice %div3A_9 {offsets = [0, 2], sizes = [10000, 1], strides = [1, 1]} : vector<10000x4xf32> to vector<10000x1xf32>
    %mul3A_26 = vector.broadcast %slice3A_25 : vector<10000x1xf32> to vector<10000x256xf32>
    %mul3A_27 = arith.mulf %mul3A_26, %get3A_1 : vector<10000x256xf32>
    %reduce_sum3A_28 = arith.constant dense<0.000000e+00> : vector<256xf32>
    %reduce_sum3A_29 = vector.multi_reduction <add>, %mul3A_27, %reduce_sum3A_28 [0] : vector<10000x256xf32> to vector<256xf32>
    %broadcast_in_dim3A_30 = vector.shape_cast %reduce_sum3A_29 : vector<256xf32> to vector<1x256xf32>
    %add3A_31 = arith.addf %add3A_24, %broadcast_in_dim3A_30 : vector<1x256xf32>
    %slice3A_32 = vector.extract_strided_slice %div3A_9 {offsets = [0, 3], sizes = [10000, 1], strides = [1, 1]} : vector<10000x4xf32> to vector<10000x1xf32>
    %mul3A_33 = vector.broadcast %slice3A_32 : vector<10000x1xf32> to vector<10000x256xf32>
    %mul3A_34 = arith.mulf %mul3A_33, %get3A_1 : vector<10000x256xf32>
    %reduce_sum3A_35 = arith.constant dense<0.000000e+00> : vector<256xf32>
    %reduce_sum3A_36 = vector.multi_reduction <add>, %mul3A_34, %reduce_sum3A_35 [0] : vector<10000x256xf32> to vector<256xf32>
    %broadcast_in_dim3A_37 = vector.shape_cast %reduce_sum3A_36 : vector<256xf32> to vector<1x256xf32>
    %add3A_38 = arith.addf %add3A_31, %broadcast_in_dim3A_37 : vector<1x256xf32>
    %mul3A_39 = arith.constant 2.500000e-01 : f32
    %mul3A_40 = vector.broadcast %mul3A_39 : f32 to vector<1x256xf32>
    %mul3A_41 = arith.mulf %add3A_38, %mul3A_40 : vector<1x256xf32>
    %get3A_42 = arith.constant 0 : index
    %get3A_43 = arith.constant 0 : index
    %get3A_44 = vector.load %arg2[%get3A_42, %get3A_43] : memref<256x128xf32, #tpu.memory_space<vmem>>, vector<256x128xf32>
    %dot_general3A = arith.constant dense<0.000000e+00> : vector<1x128xf32>
    %dot_general3A_45 = tpu.matmul %mul3A_41, %get3A_44, %dot_general3A {dimension_numbers = #tpu.dot_dimension_numbers<[1], [0], [0], [1], [0, 0, 1, 1], [], []>, transpose_lhs_hint = false} : vector<1x256xf32>, vector<256x128xf32>, vector<1x128xf32> -> vector<1x128xf32>
    %get3A_46 = arith.constant 0 : index
    %get3A_47 = arith.constant 0 : index
    %get3A_48 = vector.load %arg3[%get3A_46, %get3A_47] : memref<1x128xf32, #tpu.memory_space<vmem>>, vector<1x128xf32>
    %add3A_49 = arith.addf %dot_general3A_45, %get3A_48 : vector<1x128xf32>
    %max3A = arith.constant 0.000000e+00 : f32
    %max3A_50 = vector.broadcast %max3A : f32 to vector<1x128xf32>
    %max3A_51 = arith.maximumf %add3A_49, %max3A_50 : vector<1x128xf32>
    %get3A_52 = arith.constant 0 : index
    %get3A_53 = arith.constant 0 : index
    %get3A_54 = vector.load %arg4[%get3A_52, %get3A_53] : memref<128x7xf32, #tpu.memory_space<vmem>>, vector<128x7xf32>
    %dot_general3A_55 = arith.constant dense<0.000000e+00> : vector<1x7xf32>
    %dot_general3A_56 = tpu.matmul %max3A_51, %get3A_54, %dot_general3A_55 {dimension_numbers = #tpu.dot_dimension_numbers<[1], [0], [0], [1], [0, 0, 1, 1], [], []>, transpose_lhs_hint = false} : vector<1x128xf32>, vector<128x7xf32>, vector<1x7xf32> -> vector<1x7xf32>
    %get3A_57 = arith.constant 0 : index
    %get3A_58 = arith.constant 0 : index
    %get3A_59 = vector.load %arg5[%get3A_57, %get3A_58] : memref<1x7xf32, #tpu.memory_space<vmem>>, vector<1x7xf32>
    %add3A_60 = arith.addf %dot_general3A_56, %get3A_59 : vector<1x7xf32>
    %reduce_max3A_61 = arith.constant dense<0xFF800000> : vector<1xf32>
    %reduce_max3A_62 = vector.multi_reduction <maximumf>, %add3A_60, %reduce_max3A_61 [1] : vector<1x7xf32> to vector<1xf32>
    %broadcast_in_dim3A_63 = vector.shape_cast %reduce_max3A_62 : vector<1xf32> to vector<1x1xf32>
    %sub3A_64 = vector.broadcast %broadcast_in_dim3A_63 : vector<1x1xf32> to vector<1x7xf32>
    %sub3A_65 = arith.subf %add3A_60, %sub3A_64 : vector<1x7xf32>
    %exp3A_66 = math.exp %sub3A_65 : vector<1x7xf32>
    %reduce_sum3A_67 = arith.constant dense<0.000000e+00> : vector<1xf32>
    %reduce_sum3A_68 = vector.multi_reduction <add>, %exp3A_66, %reduce_sum3A_67 [1] : vector<1x7xf32> to vector<1xf32>
    %broadcast_in_dim3A_69 = vector.shape_cast %reduce_sum3A_68 : vector<1xf32> to vector<1x1xf32>
    %div3A_70 = vector.broadcast %broadcast_in_dim3A_69 : vector<1x1xf32> to vector<1x7xf32>
    %div3A_71 = arith.divf %exp3A_66, %div3A_70 : vector<1x7xf32>
    %swap3A_72 = arith.constant 0 : index
    %swap3A_73 = arith.constant 0 : index
    %swap3A_74 = vector.load %arg6[%swap3A_72, %swap3A_73] : memref<1x7xf32, #tpu.memory_space<vmem>>, vector<1x7xf32>
    tpu.vector_store %arg6[%swap3A_72, %swap3A_73], %div3A_71 {strides = array<i32>} : memref<1x7xf32, #tpu.memory_space<vmem>>, vector<1x7xf32>,
    return
  }
}

</mosaic_0001>

<sc_bundles>
// kernel: kernel.12.cloned.1.call-start
scs
__scs_entry_jumppad:
0x0: {  	(pc) =	sbr.rel $0x88, $3  }
0x1: {  	(tag) =	ssettag $0x0;
	lr =	simm.s32 $0x1  }
0x2: {  	[smem:$0x3F8D] =	sst lr;
	_ =	strace $0xD0000000  }
0x3: {  	_ = 	snop  }
0x4: {  	_ = 	snop  }
0x5: {  	_ = 	snop  }
0x6: {  	_ = 	snop  }
0x7: {  	_ = 	snop  }
__scs_overlays_trampoline_lowered:
0x8: {  	[smem:$0x3F9C] =	sst s0  }
0x9: {  	[smem:$0x3F9D] =	sst s1  }
0xa: {  	[smem:$0x3F9E] =	sst s2  }
0xb: {  	[smem:$0x3F9F] =	sst s3  }
0xc: {  	[smem:$0x3FA0] =	sst s4  }
0xd: {  	[smem:$0x3FA1] =	sst s5  }
0xe: {  	[smem:$0x3FA2] =	sst s6  }
0xf: {  	[smem:$0x3FA3] =	sst s7  }
0x10: {  	[smem:$0x3FA4] =	sst s8  }
0x11: {  	[smem:$0x3FA5] =	sst s9;
	s0 =	simm.s32 @!p0 $0x0  }
0x12: {  	s1 =	sld [smem:$0x3F8B];
	s0 =	simm.s32 @p0 $0x1  }
0x13: {  	[smem:$0x3FA6] =	sst s0;
	s0 =	simm.s32 @!p1 $0x0  }
0x14: {  	s2 =	sld [smem:$0x3F8A];
	s0 =	simm.s32 @p1 $0x1  }
0x15: {  	[smem:$0x3FA7] =	sst s0;
	s0 =	simm.s32 @!p2 $0x0  }
0x16: {  	s3 =	sld [smem:$0x3FDB];
	s0 =	simm.s32 @p2 $0x1  }
0x17: {  	s4 =	simm.s32 $0x1BF5;
	[smem:$0x3FA9] =	sst s0  }
0x18: {  	s0 =	sld [smem:$0x3F8C];
	_ =	swait.ge [sflag:s4], $0x0  }
0x19: {  	s7 =	sld [smem:$0x3F8D]  }
0x1a: {  	s8 =	sadd.s32 $0xFFFFE003, lr  }
0x1b: {  	s9 =	sadd.s32 $0xFFFFFEF7, lr;
	s5 =	simm.s32 $0xFFFFFFFF;
	p2 =	slt.u32 s8, $0xFFFFF086  }
0x1c: {  	p1 =	slt.u32 s9, $0xF7A;
	s5 =	simm.s32 @!p2 $0x0  }
0x1d: {  	s5 =	simm.s32 @p1 $0x1;
	p0 =	seq.s32 s7, s2  }
0x1e: {  	s7 =	smul.u32 @!p0 $0xF7A, s2;
	p2 =	seq.s32 @!p0 s5, $0x0  }
0x1f: {  	s9 =	smul.u32 $0xF7A, s1;
	s8 =	simm.s32 @!p0 $0x1BF5;
	p2 =	por !p2, p0  }
0x20: {  	[sflag:s8] =	ssyncset.s32 @!p0 $0xFFFFF086;
	s6 =	sadd.s32 @!p0 s3, s7;
	s7 =	simm.s32 @!p0 $0x108  }
0x21: {  	s3 =	sadd.s32 s3, s9;
	s6 =	sadd.s32 @!p0 $0x88, s6;
	s7 =	simm.s32 @p2 $0x1082  }
0x22: {  	[simem:s7], [sflag:s8] =	dma.local @!p0 [hbm:s6], $0xF7A  }
0x23: {  	s9 =	sor.u32 $0xD0000000, s2;
	s6 =	simm.s32 $0x108;
	_ =	swait.ge @!p0 [sflag:s8], $0x0  }
0x24: {  	s3 =	sadd.s32 $0x88, s3;
	s6 =	simm.s32 @!p1 $0x1082;
	[sflag:s4] =	ssyncset.s32 $0xFFFFF086  }
0x25: {  	[simem:s6], [sflag:s4] =	dma.local [hbm:s3], $0xF7A  }
0x26: {  	[smem:$0x3F8D] =	sst s1;
	(tag) =	ssettag s2;
	_ =	strace s9  }
0x27: {  	s1 =	sld [smem:$0x3F9D]  }
0x28: {  	s2 =	sld [smem:$0x3F9E]  }
0x29: {  	s4 =	sld [smem:$0x3FA0]  }
0x2a: {  	p0 =	seq.s32 s5, $0x0;
	s5 =	sld [smem:$0x3FA1]  }
0x2b: {  	s6 =	sld [smem:$0x3FA2]  }
0x2c: {  	s7 =	sld [smem:$0x3FA3]  }
0x2d: {  	s3 =	simm.s32 $0x108;
	s8 =	sld [smem:$0x3FA4]  }
0x2e: {  	s3 =	simm.s32 @!p0 $0x1082;
	s9 =	sld [smem:$0x3FA5]  }
0x2f: {  	lr =	sadd.s32 s0, s3;
	s0 =	sld [smem:$0x3F9C]  }
0x30: {  	s3 =	sld [smem:$0x3F9F]  }
0x31: {  	[smem:$0x3FA8] =	sst s10  }
0x32: {  	s10 =	sld [smem:$0x3FA6];
	_ =	sdelay $0x3  }
0x33: {  	p0 =	seq.s32 s10, $0x1;
	s10 =	sld [smem:$0x3FA8];
	_ =	sdelay $0x3  }
0x34: {  	[smem:$0x3FA8] =	sst s10  }
0x35: {  	s10 =	sld [smem:$0x3FA7];
	_ =	sdelay $0x3  }
0x36: {  	p1 =	seq.s32 s10, $0x1;
	s10 =	sld [smem:$0x3FA8];
	_ =	sdelay $0x3  }
0x37: {  	[smem:$0x3FA8] =	sst s10  }
0x38: {  	s10 =	sld [smem:$0x3FA9]  }
0x39: {  	_ = 	snop;
	(pc) =	sbr.ind lr, $3  }
0x3a: {  	_ = 	snop  }
0x3b: {  	_ = 	snop  }
0x3c: {  	p2 =	seq.s32 s10, $0x1;
	s10 =	sld [smem:$0x3FA8]  }
0x3d: {  	_ =	shalt  }
0x3e: {  	_ =	shalt  }
0x3f: {  	_ =	shalt  }
0x40: {  	_ =	shalt  }
0x41: {  	_ =	shalt  }
0x42: {  	_ =	shalt  }
0x43: {  	_ =	shalt  }
0x44: {  	_ =	shalt  }
0x45: {  	_ =	shalt  }
0x46: {  	_ =	shalt  }
0x47: {  	_ =	shalt  }
0x48: {  	_ =	shalt  }
0x49: {  	_ =	shalt  }
0x4a: {  	_ =	shalt  }
0x4b: {  	_ =	shalt  }
0x4c: {  	_ =	shalt  }
0x4d: {  	_ =	shalt  }
0x4e: {  	_ =	shalt  }
0x4f: {  	_ =	shalt  }
0x50: {  	_ =	shalt  }
0x51: {  	_ =	shalt  }
0x52: {  	_ =	shalt  }
0x53: {  	_ =	shalt  }
0x54: {  	_ =	shalt  }
0x55: {  	_ =	shalt  }
0x56: {  	_ =	shalt  }
0x57: {  	_ =	shalt  }
0x58: {  	_ =	shalt  }
0x59: {  	_ =	shalt  }
0x5a: {  	_ =	shalt  }
0x5b: {  	_ =	shalt  }
0x5c: {  	_ =	shalt  }
0x5d: {  	_ =	shalt  }
0x5e: {  	_ =	shalt  }
0x5f: {  	_ =	shalt  }
0x60: {  	_ =	shalt  }
0x61: {  	_ =	shalt  }
0x62: {  	_ =	shalt  }
0x63: {  	_ =	shalt  }
0x64: {  	_ =	shalt  }
0x65: {  	_ =	shalt  }
0x66: {  	_ =	shalt  }
0x67: {  	_ =	shalt  }
0x68: {  	_ =	shalt  }
0x69: {  	_ =	shalt  }
0x6a: {  	_ =	shalt  }
0x6b: {  	_ =	shalt  }
0x6c: {  	_ =	shalt  }
0x6d: {  	_ =	shalt  }
0x6e: {  	_ =	shalt  }
0x6f: {  	_ =	shalt  }
0x70: {  	_ =	shalt  }
0x71: {  	_ =	shalt  }
0x72: {  	_ =	shalt  }
0x73: {  	_ =	shalt  }
0x74: {  	_ =	shalt  }
0x75: {  	_ =	shalt  }
0x76: {  	_ =	shalt  }
0x77: {  	_ =	shalt  }
0x78: {  	_ =	shalt  }
0x79: {  	_ =	shalt  }
0x7a: {  	_ =	shalt  }
0x7b: {  	_ =	shalt  }
0x7c: {  	_ =	shalt  }
0x7d: {  	_ =	shalt  }
0x7e: {  	_ =	shalt  }
0x7f: {  	_ =	shalt  }
0x80: {  	_ =	shalt  }
0x81: {  	_ =	shalt  }
0x82: {  	_ =	shalt  }
0x83: {  	_ =	shalt  }
0x84: {  	_ =	shalt  }
0x85: {  	_ =	shalt  }
0x86: {  	_ =	shalt  }
0x87: {  	_ =	shalt  }
.Lfunc_end0:
.L_simem_size_0:
called_computation.1_lowered:
.L_overlay_start_0:
0x88: {  	s2 =	sld [smem:$0x3FD9]  }
0x89: {  	s3 =	sld [smem:$0x3FFE];
	_ =	sdelay $0x1  }
0x8a: {  	s1 =	srdreg.scid  }
0x8b: {  	s0 =	sand.u32 $0x1, s1  }
0x8c: {  	s16 =	sshll.u32 s0, $0xA;
	s2 =	sadd.s32 s3, s2  }
0x8d: {  	s2 =	sadd.s32 s2, s16  }
0x8e: {  	[smem:$0x3FB4] =	sst s2  }
0x8f: {  	_ = 	snop  }
0x90: {  	(tm) =	ssettm $0x1  }
0x91: {  	s17 =	sld [smem:$0x3FFB];
	_ =	sdelay $0x3  }
0x92: {  	_ =	strace s17  }
0x93: {  	s2 =	sld [smem:$0x3FFC];
	_ =	sdelay $0x3  }
0x94: {  	_ =	strace s2  }
0x95: {  	s2 =	sld [smem:$0x3FFD];
	_ =	sdelay $0x3  }
0x96: {  	_ =	strace s2  }
0x97: {  	_ =	strace $0x8FFFFFFF  }
0x98: {  	s18 =	sld [smem:$0x3FDB];
	_ =	sdelay $0x1  }
0x99: {  	s19 =	simm.s32 $_scs_section_size  }
0x9a: {  	s4 =	simm.s32 $_size__tile_overlayer_lowered;
	s5 =	simm.s32 $_tile_overlayer_lowered  }
0x9b: {  	s22 =	simm.s32 $0x1BFF;
	s21 =	sshll.u32 s5, $0x1;
	s2 =	sadd.s32 s19, s18  }
0x9c: {  	s6 =	simm.s32 $0x0;
	s20 =	sshll.u32 s4, $0x1;
	s4 =	sadd.s32 s21, s2  }
0x9d: {  	[timem:s6], [sflag:s22] =	dma.local [hbm:s4], s20  }
0x9e: {  	_ =	swait.ge [sflag:s22], s20  }
0x9f: {  	s3 =	ssub.s32 $0x0, s20;
	[sflag:s22] =	ssyncset.done $0x0  }
0xa0: {  	[sflag:s22] =	ssyncadd.s32 s3;
	_ =	sdelay $0x1  }
0xa1: {  	s23 =	simm.s32 $0x1B8B  }
0xa2: {  	_ =	swait.ge [sflag:s23], $0x1  }
0xa3: {  	[sflag:s23] =	ssyncset.done $0x0  }
0xa4: {  	s25 =	simm.s32 $0x1B8E;
	s24 =	sld [smem:$0x3FFE];
	[sflag:s23] =	ssyncadd.s32 $0xFFFFFFFF  }
0xa5: {  	s26 =	simm.s32 $execute0_lowered;
	[smem:$0x3FD2] =	sst s25  }
0xa6: {  	s4 =	sshll.u32 s26, $0x1;
	_ =	strace $0x80000049;
	[dreg:$0x1] =	wrdreg $0xFFFFFFFF  }
0xa7: {  	s28 =	simm.s32 $_size_execute0_lowered;
	s2 =	sadd.s32 s2, s4;
	[dreg:$0x0] =	wrdreg $0x0  }
0xa8: {  	s4 =	sshll.u32 s28, $0x1;
	[dreg:$0x2] =	wrdreg s2  }
0xa9: {  	[dreg:$0x3] =	wrdreg s4  }
0xaa: {  	[dreg:$0x4] =	wrdreg $0xC0  }
0xab: {  	_ =	task [dreg:s6], $0x5FFFF  }
0xac: {  	[dreg:$0x1] =	wrdreg $0xFFFFFFFF  }
0xad: {  	[dreg:$0x0] =	wrdreg $0x60  }
0xae: {  	[dreg:$0x2] =	wrdreg s24  }
0xaf: {  	[dreg:$0x3] =	wrdreg $0xA8000  }
0xb0: {  	[dreg:$0x4] =	wrdreg $0x9  }
0xb1: {  	_ =	task.clear_ibuf [dreg:s6], $0x5FFFF;
	_ =	strace $0x90000049  }
0xb2: {  	s29 =	simm.s32 $0x9;
	_ =	strace $0x8000004B  }
0xb3: {  	_ =	swait.ge [sflag:s29], $0x1  }
0xb4: {  	[sflag:s29] =	ssyncadd.s32 $0xFFFFFFFF  }
0xb5: {  	_ =	strace $0x9000004B  }
0xb6: {  	_ =	sfence  }
0xb7: {  	s30 =	sld [smem:$0x0];
	_ =	sdelay $0x2  }
0xb8: {  	s31 =	sshll.u32 s1, $0xD;
	s1 =	sshrl.u32 s1, $0x2  }
0xb9: {  	s3 =	sand.u32 $0x4000, s31;
	s1 =	sadd.s32 s1, s30  }
0xba: {  	s0 =	sor.u32 s3, s0;
	s1 =	sshll.u32 s1, $0x11  }
0xbb: {  	s0 =	sor.u32 s1, s0  }
0xbc: {  	s0 =	sadd.s32 $0x8F2B, s0  }
0xbd: {  	[sflag:s0] =	ssyncadd.remote.s32 $0x1  }
0xbe: {  	_ =	sfence.sel $0xFFFF  }
0xbf: {  	[dreg:$0x0] =	wrdreg $0xFFFFFFFF;
	(pc) =	sbr.abs _section_cstart, $3  }
0xc0: {  	[dreg:$0x1] =	wrdreg $0xFFFFFFFF  }
0xc1: {  	_ =	task.clear_ibuf [dreg:s6], $0x2FFFF;
	_ =	strace $0x9FFFFFFF  }
0xc2: {  	(tm) =	ssettm $0x7FFFFFFF  }
0xc3: {  	_ =	shalt  }
tec
execute0_lowered:
.L_overlay_start_1:
0x0: {  	(tag) =	ssettag $0x1  }
0x1: {  	s0 =	rddreg [dreg:$0x0]  }
0x2: {  	s2 =	rddreg [dreg:$0x1];
	s10 =	stileid.u32  }
0x3: {  	s1 =	srdreg.scid;
	s6 =	smul.u32 $0x280, s10  }
0x4: {  	s3 =	simm.s32 $0x0;
	s1 =	sand.u32 $0x1, s1;
	s8 =	smul.u32 $0x50000, s10  }
0x5: {  	[smem:$0x7FF] =	sst s3;
	s4 =	sadd.s32 $0x98800, s0;
	s5 =	sadd.s32 $0x75800, s0  }
0x6: {  	s9 =	sadd.s32 $0x13C00, s0;
	s7 =	smul.u32 $0x2800, s1;
	s8 =	sshrl.u32 s8, $0x2  }
0x7: {  	_ =	strace $0x8000004A;
	[dreg:$0x3] =	wrdreg s9;
	s26 =	sadd.s32 s8, s2  }
0x8: {  	s14 =	ssub.s32 $0x2, s1;
	s7 =	sadd.s32 s6, s7;
	s8 =	sadd.s32 $0xC000, s26  }
0x9: {  	s6 =	sadd.s32 $0x64000, s0;
	s28 =	sadd.s32 $0xE000, s26;
	[dreg:$0xf] =	wrdreg s8  }
0xa: {  	s7 =	sshll.u32 s7, $0x4;
	s29 =	sadd.s32 $0x10000, s26;
	[dreg:$0x10] =	wrdreg s28  }
0xb: {  	s30 =	sadd.s32 $0x12000, s26;
	s0 =	sadd.s32 s7, s0;
	[dreg:$0x11] =	wrdreg s29  }
0xc: {  	s1 =	smul.u32 $0x8C000, s1;
	[dreg:$0x12] =	wrdreg s30;
	s16 =	sadd.s32 $0xE6A00, s0  }
0xd: {  	s9 =	smul.u32 $0x8C00, s10;
	s17 =	sadd.s32 $0xE6E00, s0;
	[dreg:$0x4] =	wrdreg s16  }
0xe: {  	s15 =	sshrl.u32 s14, $0x1;
	s18 =	sadd.s32 $0xE7200, s0;
	[dreg:$0x5] =	wrdreg s17  }
0xf: {  	s11 =	sadd.s32 $0x2000, s26;
	s19 =	sadd.s32 $0xE7600, s0;
	[dreg:$0x6] =	wrdreg s18  }
0x10: {  	s12 =	sadd.s32 $0x4000, s26;
	s20 =	sadd.s32 $0xE7A00, s0;
	[dreg:$0x7] =	wrdreg s19  }
0x11: {  	s13 =	sadd.s32 $0x6000, s26;
	s21 =	sadd.s32 $0xE7E00, s0;
	[dreg:$0x8] =	wrdreg s20  }
0x12: {  	s24 =	sadd.s32 $0x8000, s26;
	s22 =	sadd.s32 $0xE8200, s0;
	[dreg:$0x9] =	wrdreg s21  }
0x13: {  	s7 =	ssub.s32 s14, s15;
	s23 =	sadd.s32 $0xE8600, s0;
	[dreg:$0xa] =	wrdreg s22  }
0x14: {  	s14 =	sadd.s32 s1, s9;
	s25 =	sadd.s32 $0xE8A00, s0;
	[dreg:$0xb] =	wrdreg s23  }
0x15: {  	s1 =	simm.s32 $0x3;
	s0 =	sadd.s32 $0xE8E00, s0;
	[dreg:$0xc] =	wrdreg s25  }
0x16: {  	s15 =	simm.s32 $0x50;
	s31 =	smax.u32 s7, $0x1;
	[dreg:$0xd] =	wrdreg s0  }
0x17: {  	s7 =	simm.s32 $0x1C00;
	[dreg:$0xe] =	wrdreg s31;
	s25 =	sadd.s32 $0xA000, s26  }
0x18: {  	s0 =	simm.s32 $0x8800;
	s16 =	simm.s32 $0x3800;
	s17 =	simm.s32 $0x6000  }
0x19: {  	s18 =	simm.s32 $0x1;
	s19 =	simm.s32 $0x2;
	s20 =	simm.s32 $0x1880  }
0x1a: {  	s21 =	simm.s32 $0x3400;
	s22 =	simm.s32 $0x3480;
	s23 =	simm.s32 $0x0  }
.LBB2_1:
0x1b: {  	s10 =	rddreg [dreg:$0x3]  }
0x1c: {  	[tilespmem:s0], [sflag:$0x3] =	stream.linear.gather [hbm4b:s10+s3], $0x2000, $0x38;
	[tilespmem:$0x1E800] =	vst v63  }
0x1d: {  	_ =	swait.ge [sflag:s1], $0x2000  }
0x1e: {  	[sflag:s1] =	ssyncset.done $0x0  }
0x1f: {  	[sflag:s1] =	ssyncadd.s32 $0xFFFFE000  }
0x20: {  	[spmem:s26] =	stream.linear.scatter [tilespmem:s0], [sflag:$0x3], $0x2000, $0x38;
	[tilespmem:$0x1E800] =	vst v63  }
0x21: {  	_ =	swait.ge [sflag:s1], $0x2000  }
0x22: {  	[sflag:s1] =	ssyncset.done $0x0  }
0x23: {  	[sflag:s1] =	ssyncadd.s32 $0xFFFFE000  }
0x24: {  	[spmem:s11] =	stream.linear.scatter [tilespmem:s0], [sflag:$0x3], $0x2000, $0x38;
	[tilespmem:$0x1E800] =	vst v63  }
0x25: {  	_ =	swait.ge [sflag:s1], $0x2000  }
0x26: {  	[sflag:s1] =	ssyncset.done $0x0  }
0x27: {  	[sflag:s1] =	ssyncadd.s32 $0xFFFFE000  }
0x28: {  	[spmem:s12] =	stream.linear.scatter [tilespmem:s0], [sflag:$0x3], $0x2000, $0x38;
	[tilespmem:$0x1E800] =	vst v63  }
0x29: {  	_ =	swait.ge [sflag:s1], $0x2000  }
0x2a: {  	[sflag:s1] =	ssyncset.done $0x0  }
0x2b: {  	[sflag:s1] =	ssyncadd.s32 $0xFFFFE000  }
0x2c: {  	[spmem:s13] =	stream.linear.scatter [tilespmem:s0], [sflag:$0x3], $0x2000, $0x38;
	[tilespmem:$0x1E800] =	vst v63  }
0x2d: {  	_ =	swait.ge [sflag:s1], $0x2000  }
0x2e: {  	[sflag:s1] =	ssyncset.done $0x0  }
0x2f: {  	[sflag:s1] =	ssyncadd.s32 $0xFFFFE000  }
0x30: {  	[spmem:s24] =	stream.linear.scatter [tilespmem:s0], [sflag:$0x3], $0x2000, $0x38;
	[tilespmem:$0x1E800] =	vst v63  }
0x31: {  	_ =	swait.ge [sflag:s1], $0x2000  }
0x32: {  	[sflag:s1] =	ssyncset.done $0x0  }
0x33: {  	[sflag:s1] =	ssyncadd.s32 $0xFFFFE000  }
0x34: {  	[spmem:s25] =	stream.linear.scatter [tilespmem:s0], [sflag:$0x3], $0x2000, $0x38;
	[tilespmem:$0x1E800] =	vst v63  }
0x35: {  	_ =	swait.ge [sflag:s1], $0x2000  }
0x36: {  	[sflag:s1] =	ssyncset.done $0x0  }
0x37: {  	s10 =	smov.u32 s8;
	[sflag:s1] =	ssyncadd.s32 $0xFFFFE000  }
0x38: {  	[spmem:s10] =	stream.linear.scatter [tilespmem:s0], [sflag:$0x3], $0x2000, $0x38;
	[tilespmem:$0x1E800] =	vst v63  }
0x39: {  	_ =	swait.ge [sflag:s1], $0x2000  }
0x3a: {  	s31 =	smov.u32 s26;
	[sflag:s1] =	ssyncset.done $0x0  }
0x3b: {  	s26 =	smov.u32 s11;
	s11 =	smov.u32 s28;
	[sflag:s1] =	ssyncadd.s32 $0xFFFFE000  }
0x3c: {  	[spmem:s11] =	stream.linear.scatter [tilespmem:s0], [sflag:$0x3], $0x2000, $0x38;
	[tilespmem:$0x1E800] =	vst v63  }
0x3d: {  	_ =	swait.ge [sflag:s1], $0x2000  }
0x3e: {  	[sflag:s1] =	ssyncset.done $0x0  }
0x3f: {  	s28 =	smov.u32 s12;
	s12 =	smov.u32 s29;
	[sflag:s1] =	ssyncadd.s32 $0xFFFFE000  }
0x40: {  	[spmem:s12] =	stream.linear.scatter [tilespmem:s0], [sflag:$0x3], $0x2000, $0x38;
	[tilespmem:$0x1E800] =	vst v63  }
0x41: {  	_ =	swait.ge [sflag:s1], $0x2000  }
0x42: {  	[sflag:s1] =	ssyncset.done $0x0  }
0x43: {  	s29 =	smov.u32 s13;
	s13 =	smov.u32 s30;
	[sflag:s1] =	ssyncadd.s32 $0xFFFFE000  }
0x44: {  	[spmem:s13] =	stream.linear.scatter [tilespmem:s0], [sflag:$0x3], $0x2000, $0x38;
	[tilespmem:$0x1E800] =	vst v63  }
0x45: {  	_ =	swait.ge [sflag:s1], $0x2000  }
0x46: {  	[sflag:s1] =	ssyncset.done $0x0  }
0x47: {  	s8 =	smov.u32 s25;
	[sflag:s1] =	ssyncadd.s32 $0xFFFFE000  }
0x48: {  	s30 =	smov.u32 s24;
	s24 =	simm.s32 $0x0;
	[bflag:$0x0] =	sbarrier.arrive $0xFFFF  }
.LBB2_2:
0x49: {  	s10 =	smul.u32 $0x1C00, s24;
	_ =	sdelay $0x1  }
0x4a: {  	s25 =	sadd.s32 s14, s10  }
0x4b: {  	s25 =	sshrl.u32 s25, $0x3  }
0x4c: {  	s11 =	simm.s32 $0x0;
	s25 =	sadd.s32 s5, s25  }
0x4d: {  	[tilespmem:s11], [sflag:$0x3] =	stream.linear.gather [hbm4b:s25+s11], $0x1900, $0x38;
	[tilespmem:$0x1E800] =	vst v63  }
0x4e: {  	s10 =	sadd.s32 s9, s10;
	_ =	swait.ge [sflag:s1], $0x1900  }
0x4f: {  	s10 =	sshrl.u32 s10, $0x3;
	[sflag:s1] =	ssyncset.done $0x0  }
0x50: {  	s10 =	sadd.s32 s6, s10;
	[sflag:s1] =	ssyncadd.s32 $0xFFFFE700  }
0x51: {  	[tilespmem:s7], [sflag:$0x3] =	stream.linear.gather [hbm4b:s10+s11], $0x1900, $0x38;
	[tilespmem:$0x1E800] =	vst v63  }
0x52: {  	_ =	swait.ge [sflag:s1], $0x1900  }
0x53: {  	[sflag:s1] =	ssyncset.done $0x0  }
0x54: {  	[sflag:s1] =	ssyncadd.s32 $0xFFFFE700  }
0x55: {  	[tilespmem:s16], [sflag:$0x1] =	stream.indirect.gather [hbm4b:s4+s15], $0x80, s11, s15, $0xb8;
	[tilespmem:$0x1E800] =	vst v63  }
0x56: {  	s11 =	simm.s32 $0x80  }
0x57: {  	[tilespmem:s17], [sflag:$0x2] =	stream.indirect.gather [hbm4b:s4+s15], $0x80, s11, s15, $0xb8;
	[tilespmem:$0x1E800] =	vst v63  }
0x58: {  	_ =	swait.ge [sflag:s18], $0x2800  }
0x59: {  	[sflag:s18] =	ssyncset.done $0x0  }
0x5a: {  	s12 =	simm.s32 $0x1C00;
	[sflag:s18] =	ssyncadd.s32 $0xFFFFD800  }
0x5b: {  	[spmem:s2] =	stream.indirect.scatter.add.f32 [tilespmem:s16], [sflag:$0x3], $0x80, s12, s15, $0xb8;
	[tilespmem:$0x1E800] =	vst v63  }
0x5c: {  	_ =	swait.ge [sflag:s1], $0x2800  }
0x5d: {  	[sflag:s1] =	ssyncset.done $0x0  }
0x5e: {  	s13 =	simm.s32 $0x100;
	[sflag:s1] =	ssyncadd.s32 $0xFFFFD800  }
0x5f: {  	[tilespmem:s16], [sflag:$0x1] =	stream.indirect.gather [hbm4b:s4+s15], $0x80, s13, s15, $0xb8;
	[tilespmem:$0x1E800] =	vst v63  }
0x60: {  	_ =	swait.ge [sflag:s19], $0x2800  }
0x61: {  	[sflag:s19] =	ssyncset.done $0x0  }
0x62: {  	s25 =	simm.s32 $0x1C80;
	[sflag:s19] =	ssyncadd.s32 $0xFFFFD800  }
0x63: {  	[spmem:s2] =	stream.indirect.scatter.add.f32 [tilespmem:s17], [sflag:$0x3], $0x80, s25, s15, $0xb8;
	[tilespmem:$0x1E800] =	vst v63  }
0x64: {  	_ =	swait.ge [sflag:s1], $0x2800  }
0x65: {  	s10 =	simm.s32 $0x800;
	s25 =	simm.s32 $0x100;
	[sflag:s1] =	ssyncset.done $0x0  }
.LBB2_3:
0x66: {  	s11 =	sadd.s32 $0x80, s25  }
0x67: {  	[sflag:s1] =	ssyncadd.s32 $0xFFFFD800;
	s12 =	smov.u32 s10;
	s13 =	sadd.s32 $0x400, s10  }
0x68: {  	[tilespmem:s17], [sflag:$0x2] =	stream.indirect.gather [hbm4b:s4+s15], $0x80, s11, s15, $0xb8;
	[tilespmem:$0x1E800] =	vst v63  }
0x69: {  	p0 =	sne.s32 s10, $0x5C00;
	_ =	swait.ge [sflag:s18], $0x2800  }
0x6a: {  	[sflag:s18] =	ssyncset.done $0x0  }
0x6b: {  	s10 =	sadd.s32 $0x1C00, s25;
	[sflag:s18] =	ssyncadd.s32 $0xFFFFD800  }
0x6c: {  	[spmem:s2] =	stream.indirect.scatter.add.f32 [tilespmem:s16], [sflag:$0x3], $0x80, s10, s15, $0xb8;
	[tilespmem:$0x1E800] =	vst v63  }
0x6d: {  	_ =	swait.ge [sflag:s1], $0x2800  }
0x6e: {  	[sflag:s1] =	ssyncset.done $0x0  }
0x6f: {  	s10 =	sadd.s32 $0x100, s25;
	[sflag:s1] =	ssyncadd.s32 $0xFFFFD800  }
0x70: {  	[tilespmem:s16], [sflag:$0x1] =	stream.indirect.gather [hbm4b:s4+s15], $0x80, s10, s15, $0xb8;
	[tilespmem:$0x1E800] =	vst v63  }
0x71: {  	_ =	swait.ge [sflag:s19], $0x2800  }
.Ltmp0:
0x72: {  	[sflag:s19] =	ssyncset.done $0x0;
	(pc) =	sbr.rel @p0 .LBB2_3-.Ltmp0, $4  }
0x73: {  	s10 =	sadd.s32 $0x1C80, s25;
	[sflag:s19] =	ssyncadd.s32 $0xFFFFD800  }
0x74: {  	[spmem:s2] =	stream.indirect.scatter.add.f32 [tilespmem:s17], [sflag:$0x3], $0x80, s10, s15, $0xb8;
	[tilespmem:$0x1E800] =	vst v63  }
0x75: {  	_ =	swait.ge [sflag:s1], $0x2800  }
0x76: {  	s25 =	sshra.s32 s12, $0x2;
	s10 =	smov.u32 s13;
	[sflag:s1] =	ssyncset.done $0x0  }
0x77: {  	s10 =	sadd.s32 $0x80, s25;
	[sflag:s1] =	ssyncadd.s32 $0xFFFFD800  }
0x78: {  	[tilespmem:s17], [sflag:$0x2] =	stream.indirect.gather [hbm4b:s4+s15], $0x80, s10, s15, $0xb8;
	[tilespmem:$0x1E800] =	vst v63  }
0x79: {  	_ =	swait.ge [sflag:s18], $0x2800  }
0x7a: {  	[sflag:s18] =	ssyncset.done $0x0  }
0x7b: {  	s12 =	sadd.s32 $0x1C00, s25;
	[sflag:s18] =	ssyncadd.s32 $0xFFFFD800  }
0x7c: {  	[spmem:s2] =	stream.indirect.scatter.add.f32 [tilespmem:s16], [sflag:$0x3], $0x80, s12, s15, $0xb8;
	[tilespmem:$0x1E800] =	vst v63  }
0x7d: {  	_ =	swait.ge [sflag:s1], $0x2800  }
0x7e: {  	[sflag:s1] =	ssyncset.done $0x0  }
0x7f: {  	s13 =	sadd.s32 $0x100, s25;
	[sflag:s1] =	ssyncadd.s32 $0xFFFFD800  }
0x80: {  	[tilespmem:s16], [sflag:$0x1] =	stream.indirect.gather [hbm4b:s4+s15], $0x80, s13, s15, $0xb8;
	[tilespmem:$0x1E800] =	vst v63  }
0x81: {  	_ =	swait.ge [sflag:s19], $0x2800  }
0x82: {  	[sflag:s19] =	ssyncset.done $0x0  }
0x83: {  	s25 =	sadd.s32 $0x1C80, s25;
	[sflag:s19] =	ssyncadd.s32 $0xFFFFD800  }
0x84: {  	[spmem:s2] =	stream.indirect.scatter.add.f32 [tilespmem:s17], [sflag:$0x3], $0x80, s25, s15, $0xb8;
	[tilespmem:$0x1E800] =	vst v63  }
0x85: {  	_ =	swait.ge [sflag:s1], $0x2800  }
0x86: {  	[sflag:s1] =	ssyncset.done $0x0  }
0x87: {  	[sflag:s1] =	ssyncadd.s32 $0xFFFFD800  }
0x88: {  	[tilespmem:s17], [sflag:$0x2] =	stream.indirect.gather [hbm4b:s4+s15], $0x80, s20, s15, $0xb8;
	[tilespmem:$0x1E800] =	vst v63  }
0x89: {  	_ =	swait.ge [sflag:s18], $0x2800  }
0x8a: {  	[sflag:s18] =	ssyncset.done $0x0  }
0x8b: {  	[sflag:s18] =	ssyncadd.s32 $0xFFFFD800  }
0x8c: {  	[spmem:s2] =	stream.indirect.scatter.add.f32 [tilespmem:s16], [sflag:$0x3], $0x80, s21, s15, $0xb8;
	[tilespmem:$0x1E800] =	vst v63  }
0x8d: {  	_ =	swait.ge [sflag:s1], $0x2800  }
0x8e: {  	[sflag:s1] =	ssyncset.done $0x0  }
0x8f: {  	[sflag:s1] =	ssyncadd.s32 $0xFFFFD800  }
0x90: {  	s24 =	sadd.s32 $0x1, s24;
	_ =	swait.ge [sflag:s19], $0x2800  }
0x91: {  	p0 =	sne.s32 s24, $0x5;
	[sflag:s19] =	ssyncset.done $0x0  }
.Ltmp1:
0x92: {  	[sflag:s19] =	ssyncadd.s32 $0xFFFFD800;
	(pc) =	sbr.rel @p0 .LBB2_2-.Ltmp1, $4  }
0x93: {  	[spmem:s2] =	stream.indirect.scatter.add.f32 [tilespmem:s17], [sflag:$0x3], $0x80, s22, s15, $0xb8;
	[tilespmem:$0x1E800] =	vst v63  }
0x94: {  	_ =	swait.ge [sflag:s1], $0x2800  }
0x95: {  	[sflag:s1] =	ssyncset.done $0x0  }
0x96: {  	[sflag:s1] =	ssyncadd.s32 $0xFFFFD800  }
0x97: {  	[bflag:$0x0] =	sbarrier.arrive $0xFFFF  }
0x98: {  	[tilespmem:s0], [sflag:$0x3] =	stream.linear.gather [spmem:s31], $0x2000, $0x38;
	[tilespmem:$0x1E800] =	vst v63  }
0x99: {  	_ =	swait.ge [sflag:s1], $0x2000  }
0x9a: {  	[sflag:s1] =	ssyncset.done $0x0  }
0x9b: {  	s10 =	rddreg [dreg:$0x4];
	[sflag:s1] =	ssyncadd.s32 $0xFFFFE000  }
0x9c: {  	[hbm4b:s10+s3] =	stream.linear.scatter [tilespmem:s0], [sflag:$0x3], $0x2000, $0x38;
	[tilespmem:$0x1E800] =	vst v63  }
0x9d: {  	_ =	swait.ge [sflag:s1], $0x2000  }
0x9e: {  	[sflag:s1] =	ssyncset.done $0x0  }
0x9f: {  	s11 =	smov.u32 s26;
	[sflag:s1] =	ssyncadd.s32 $0xFFFFE000  }
0xa0: {  	[tilespmem:s0], [sflag:$0x3] =	stream.linear.gather [spmem:s11], $0x2000, $0x38;
	[tilespmem:$0x1E800] =	vst v63  }
0xa1: {  	_ =	swait.ge [sflag:s1], $0x2000  }
0xa2: {  	[sflag:s1] =	ssyncset.done $0x0  }
0xa3: {  	s13 =	rddreg [dreg:$0x5];
	[sflag:s1] =	ssyncadd.s32 $0xFFFFE000  }
0xa4: {  	[hbm4b:s13+s3] =	stream.linear.scatter [tilespmem:s0], [sflag:$0x3], $0x2000, $0x38;
	[tilespmem:$0x1E800] =	vst v63  }
0xa5: {  	_ =	swait.ge [sflag:s1], $0x2000  }
0xa6: {  	[sflag:s1] =	ssyncset.done $0x0  }
0xa7: {  	[sflag:s1] =	ssyncadd.s32 $0xFFFFE000  }
0xa8: {  	[tilespmem:s0], [sflag:$0x3] =	stream.linear.gather [spmem:s28], $0x2000, $0x38;
	[tilespmem:$0x1E800] =	vst v63  }
0xa9: {  	_ =	swait.ge [sflag:s1], $0x2000  }
0xaa: {  	[sflag:s1] =	ssyncset.done $0x0  }
0xab: {  	s24 =	rddreg [dreg:$0x6];
	[sflag:s1] =	ssyncadd.s32 $0xFFFFE000  }
0xac: {  	[hbm4b:s24+s3] =	stream.linear.scatter [tilespmem:s0], [sflag:$0x3], $0x2000, $0x38;
	[tilespmem:$0x1E800] =	vst v63  }
0xad: {  	_ =	swait.ge [sflag:s1], $0x2000  }
0xae: {  	[sflag:s1] =	ssyncset.done $0x0  }
0xaf: {  	[sflag:s1] =	ssyncadd.s32 $0xFFFFE000  }
0xb0: {  	[tilespmem:s0], [sflag:$0x3] =	stream.linear.gather [spmem:s29], $0x2000, $0x38;
	[tilespmem:$0x1E800] =	vst v63  }
0xb1: {  	_ =	swait.ge [sflag:s1], $0x2000  }
0xb2: {  	[sflag:s1] =	ssyncset.done $0x0  }
0xb3: {  	s25 =	rddreg [dreg:$0x7];
	[sflag:s1] =	ssyncadd.s32 $0xFFFFE000  }
0xb4: {  	[hbm4b:s25+s3] =	stream.linear.scatter [tilespmem:s0], [sflag:$0x3], $0x2000, $0x38;
	[tilespmem:$0x1E800] =	vst v63  }
0xb5: {  	_ =	swait.ge [sflag:s1], $0x2000  }
0xb6: {  	[sflag:s1] =	ssyncset.done $0x0  }
0xb7: {  	[sflag:s1] =	ssyncadd.s32 $0xFFFFE000  }
0xb8: {  	[tilespmem:s0], [sflag:$0x3] =	stream.linear.gather [spmem:s30], $0x2000, $0x38;
	[tilespmem:$0x1E800] =	vst v63  }
0xb9: {  	_ =	swait.ge [sflag:s1], $0x2000  }
0xba: {  	[sflag:s1] =	ssyncset.done $0x0  }
0xbb: {  	s26 =	smov.u32 s31;
	s31 =	rddreg [dreg:$0x8];
	[sflag:s1] =	ssyncadd.s32 $0xFFFFE000  }
0xbc: {  	[hbm4b:s31+s3] =	stream.linear.scatter [tilespmem:s0], [sflag:$0x3], $0x2000, $0x38;
	[tilespmem:$0x1E800] =	vst v63  }
0xbd: {  	_ =	swait.ge [sflag:s1], $0x2000  }
0xbe: {  	[sflag:s1] =	ssyncset.done $0x0  }
0xbf: {  	[sflag:s1] =	ssyncadd.s32 $0xFFFFE000  }
0xc0: {  	[tilespmem:s0], [sflag:$0x3] =	stream.linear.gather [spmem:s8], $0x2000, $0x38;
	[tilespmem:$0x1E800] =	vst v63  }
0xc1: {  	_ =	swait.ge [sflag:s1], $0x2000  }
0xc2: {  	[sflag:s1] =	ssyncset.done $0x0  }
0xc3: {  	s25 =	smov.u32 s8;
	s8 =	rddreg [dreg:$0x9];
	[sflag:s1] =	ssyncadd.s32 $0xFFFFE000  }
0xc4: {  	[hbm4b:s8+s3] =	stream.linear.scatter [tilespmem:s0], [sflag:$0x3], $0x2000, $0x38;
	[tilespmem:$0x1E800] =	vst v63  }
0xc5: {  	_ =	swait.ge [sflag:s1], $0x2000  }
0xc6: {  	[sflag:s1] =	ssyncset.done $0x0  }
0xc7: {  	s8 =	rddreg [dreg:$0xf];
	[sflag:s1] =	ssyncadd.s32 $0xFFFFE000  }
0xc8: {  	[tilespmem:s0], [sflag:$0x3] =	stream.linear.gather [spmem:s8], $0x2000, $0x38;
	[tilespmem:$0x1E800] =	vst v63  }
0xc9: {  	_ =	swait.ge [sflag:s1], $0x2000  }
0xca: {  	[sflag:s1] =	ssyncset.done $0x0  }
0xcb: {  	s31 =	rddreg [dreg:$0xa];
	[sflag:s1] =	ssyncadd.s32 $0xFFFFE000  }
0xcc: {  	[hbm4b:s31+s3] =	stream.linear.scatter [tilespmem:s0], [sflag:$0x3], $0x2000, $0x38;
	[tilespmem:$0x1E800] =	vst v63  }
0xcd: {  	_ =	swait.ge [sflag:s1], $0x2000  }
0xce: {  	[sflag:s1] =	ssyncset.done $0x0  }
0xcf: {  	s12 =	smov.u32 s28;
	s28 =	rddreg [dreg:$0x10];
	[sflag:s1] =	ssyncadd.s32 $0xFFFFE000  }
0xd0: {  	[tilespmem:s0], [sflag:$0x3] =	stream.linear.gather [spmem:s28], $0x2000, $0x38;
	[tilespmem:$0x1E800] =	vst v63  }
0xd1: {  	_ =	swait.ge [sflag:s1], $0x2000  }
0xd2: {  	[sflag:s1] =	ssyncset.done $0x0  }
0xd3: {  	s31 =	rddreg [dreg:$0xb];
	[sflag:s1] =	ssyncadd.s32 $0xFFFFE000  }
0xd4: {  	[hbm4b:s31+s3] =	stream.linear.scatter [tilespmem:s0], [sflag:$0x3], $0x2000, $0x38;
	[tilespmem:$0x1E800] =	vst v63  }
0xd5: {  	_ =	swait.ge [sflag:s1], $0x2000  }
0xd6: {  	[sflag:s1] =	ssyncset.done $0x0  }
0xd7: {  	s13 =	smov.u32 s29;
	s29 =	rddreg [dreg:$0x11];
	[sflag:s1] =	ssyncadd.s32 $0xFFFFE000  }
0xd8: {  	[tilespmem:s0], [sflag:$0x3] =	stream.linear.gather [spmem:s29], $0x2000, $0x38;
	[tilespmem:$0x1E800] =	vst v63  }
0xd9: {  	_ =	swait.ge [sflag:s1], $0x2000  }
0xda: {  	[sflag:s1] =	ssyncset.done $0x0  }
0xdb: {  	s31 =	rddreg [dreg:$0xc];
	[sflag:s1] =	ssyncadd.s32 $0xFFFFE000  }
0xdc: {  	[hbm4b:s31+s3] =	stream.linear.scatter [tilespmem:s0], [sflag:$0x3], $0x2000, $0x38;
	[tilespmem:$0x1E800] =	vst v63  }
0xdd: {  	_ =	swait.ge [sflag:s1], $0x2000  }
0xde: {  	[sflag:s1] =	ssyncset.done $0x0  }
0xdf: {  	s24 =	smov.u32 s30;
	s30 =	rddreg [dreg:$0x12];
	[sflag:s1] =	ssyncadd.s32 $0xFFFFE000  }
0xe0: {  	[tilespmem:s0], [sflag:$0x3] =	stream.linear.gather [spmem:s30], $0x2000, $0x38;
	[tilespmem:$0x1E800] =	vst v63  }
0xe1: {  	_ =	swait.ge [sflag:s1], $0x2000  }
0xe2: {  	[sflag:s1] =	ssyncset.done $0x0  }
0xe3: {  	s31 =	rddreg [dreg:$0xd];
	[sflag:s1] =	ssyncadd.s32 $0xFFFFE000  }
0xe4: {  	[hbm4b:s31+s3] =	stream.linear.scatter [tilespmem:s0], [sflag:$0x3], $0x2000, $0x38;
	[tilespmem:$0x1E800] =	vst v63  }
0xe5: {  	_ =	swait.ge [sflag:s1], $0x2000  }
0xe6: {  	s23 =	sadd.s32 $0x1, s23;
	s31 =	rddreg [dreg:$0xe]  }
0xe7: {  	p0 =	sne.s32 s23, s31  }
.Ltmp2:
0xe8: {  	_ = 	snop;
	(pc) =	sbr.rel @p0 .LBB2_1-.Ltmp2, $3  }
0xe9: {  	_ =	sdelay $0x1  }
0xea: {  	[sflag:s1] =	ssyncset.done $0x0  }
0xeb: {  	[sflag:s1] =	ssyncadd.s32 $0xFFFFE000  }
0xec: {  	_ =	sfence.sel $0x180000  }
0xed: {  	[bflag:$0x0] =	sbarrier.arrive $0xFFFF  }
0xee: {  	_ =	strace $0x9000004A  }
0xef: {  	s0 =	stileid.u32;
	[bflag:$0x2] =	sbarrier.arrive $0xFFFF  }
0xf0: {  	p0 =	sne.s32 s0, $0x0;
	s0 =	rddreg [dreg:$0x2]  }
0xf1: {  	s0 =	sadd.s32 @!p0 $0x100000, s0  }
0xf2: {  	[sflag:s0] =	ssyncadd.tile.s32 @!p0 $0x1;
	_ =	shalt  }
.Lfunc_end2:
_tile_overlayer_lowered:
.L_overlay_start_2:
0xf3: {  	(tag) =	ssettag $0x2  }
0xf4: {  	s0 =	rddreg [dreg:$0x0];
	s2 =	stileid.u32  }
0xf5: {  	s1 =	rddreg [dreg:$0x1];
	p0 =	sne.s32 s2, $0x0  }
0xf6: {  	s3 =	rddreg [dreg:$0x2];
	[bflag:$0x3] =	sbarrier.arrive $0xFFFF;
	s2 =	simm.s32 @!p0 $0x1C03  }
0xf7: {  	[timem:s3], [sflag:s2] =	dma.local @!p0 [hbm:s0], s1  }
0xf8: {  	s0 =	simm.s32 @!p0 $0x3  }
0xf9: {  	_ =	swait.ge @!p0 [sflag:s0], s1  }
0xfa: {  	s1 =	ssub.s32 @!p0 $0x0, s1;
	[sflag:s0] =	ssyncset.done @!p0 $0x0  }
0xfb: {  	[sflag:s0] =	ssyncadd.s32 @!p0 s1  }
0xfc: {  	[bflag:$0x3] =	sbarrier.arrive $0xFFFF  }
0xfd: {  	_ =	shalt  }

// kernel: kernel.15.cloned.1.call-start
scs
__scs_entry_jumppad:
0x0: {  	(pc) =	sbr.rel $0x88, $3  }
0x1: {  	(tag) =	ssettag $0x0;
	lr =	simm.s32 $0x1  }
0x2: {  	[smem:$0x3F8D] =	sst lr;
	_ =	strace $0xD0000000  }
0x3: {  	_ = 	snop  }
0x4: {  	_ = 	snop  }
0x5: {  	_ = 	snop  }
0x6: {  	_ = 	snop  }
0x7: {  	_ = 	snop  }
__scs_overlays_trampoline_lowered:
0x8: {  	[smem:$0x3F9C] =	sst s0  }
0x9: {  	[smem:$0x3F9D] =	sst s1  }
0xa: {  	[smem:$0x3F9E] =	sst s2  }
0xb: {  	[smem:$0x3F9F] =	sst s3  }
0xc: {  	[smem:$0x3FA0] =	sst s4  }
0xd: {  	[smem:$0x3FA1] =	sst s5  }
0xe: {  	[smem:$0x3FA2] =	sst s6  }
0xf: {  	[smem:$0x3FA3] =	sst s7  }
0x10: {  	[smem:$0x3FA4] =	sst s8  }
0x11: {  	[smem:$0x3FA5] =	sst s9;
	s0 =	simm.s32 @!p0 $0x0  }
0x12: {  	s1 =	sld [smem:$0x3F8B];
	s0 =	simm.s32 @p0 $0x1  }
0x13: {  	[smem:$0x3FA6] =	sst s0;
	s0 =	simm.s32 @!p1 $0x0  }
0x14: {  	s2 =	sld [smem:$0x3F8A];
	s0 =	simm.s32 @p1 $0x1  }
0x15: {  	[smem:$0x3FA7] =	sst s0;
	s0 =	simm.s32 @!p2 $0x0  }
0x16: {  	s3 =	sld [smem:$0x3FDB];
	s0 =	simm.s32 @p2 $0x1  }
0x17: {  	s4 =	simm.s32 $0x1BF5;
	[smem:$0x3FA9] =	sst s0  }
0x18: {  	s0 =	sld [smem:$0x3F8C];
	_ =	swait.ge [sflag:s4], $0x0  }
0x19: {  	s7 =	sld [smem:$0x3F8D]  }
0x1a: {  	s8 =	sadd.s32 $0xFFFFE003, lr  }
0x1b: {  	s9 =	sadd.s32 $0xFFFFFEF7, lr;
	s5 =	simm.s32 $0xFFFFFFFF;
	p2 =	slt.u32 s8, $0xFFFFF086  }
0x1c: {  	p1 =	slt.u32 s9, $0xF7A;
	s5 =	simm.s32 @!p2 $0x0  }
0x1d: {  	s5 =	simm.s32 @p1 $0x1;
	p0 =	seq.s32 s7, s2  }
0x1e: {  	s7 =	smul.u32 @!p0 $0xF7A, s2;
	p2 =	seq.s32 @!p0 s5, $0x0  }
0x1f: {  	s9 =	smul.u32 $0xF7A, s1;
	s8 =	simm.s32 @!p0 $0x1BF5;
	p2 =	por !p2, p0  }
0x20: {  	[sflag:s8] =	ssyncset.s32 @!p0 $0xFFFFF086;
	s6 =	sadd.s32 @!p0 s3, s7;
	s7 =	simm.s32 @!p0 $0x108  }
0x21: {  	s3 =	sadd.s32 s3, s9;
	s6 =	sadd.s32 @!p0 $0x88, s6;
	s7 =	simm.s32 @p2 $0x1082  }
0x22: {  	[simem:s7], [sflag:s8] =	dma.local @!p0 [hbm:s6], $0xF7A  }
0x23: {  	s9 =	sor.u32 $0xD0000000, s2;
	s6 =	simm.s32 $0x108;
	_ =	swait.ge @!p0 [sflag:s8], $0x0  }
0x24: {  	s3 =	sadd.s32 $0x88, s3;
	s6 =	simm.s32 @!p1 $0x1082;
	[sflag:s4] =	ssyncset.s32 $0xFFFFF086  }
0x25: {  	[simem:s6], [sflag:s4] =	dma.local [hbm:s3], $0xF7A  }
0x26: {  	[smem:$0x3F8D] =	sst s1;
	(tag) =	ssettag s2;
	_ =	strace s9  }
0x27: {  	s1 =	sld [smem:$0x3F9D]  }
0x28: {  	s2 =	sld [smem:$0x3F9E]  }
0x29: {  	s4 =	sld [smem:$0x3FA0]  }
0x2a: {  	p0 =	seq.s32 s5, $0x0;
	s5 =	sld [smem:$0x3FA1]  }
0x2b: {  	s6 =	sld [smem:$0x3FA2]  }
0x2c: {  	s7 =	sld [smem:$0x3FA3]  }
0x2d: {  	s3 =	simm.s32 $0x108;
	s8 =	sld [smem:$0x3FA4]  }
0x2e: {  	s3 =	simm.s32 @!p0 $0x1082;
	s9 =	sld [smem:$0x3FA5]  }
0x2f: {  	lr =	sadd.s32 s0, s3;
	s0 =	sld [smem:$0x3F9C]  }
0x30: {  	s3 =	sld [smem:$0x3F9F]  }
0x31: {  	[smem:$0x3FA8] =	sst s10  }
0x32: {  	s10 =	sld [smem:$0x3FA6];
	_ =	sdelay $0x3  }
0x33: {  	p0 =	seq.s32 s10, $0x1;
	s10 =	sld [smem:$0x3FA8];
	_ =	sdelay $0x3  }
0x34: {  	[smem:$0x3FA8] =	sst s10  }
0x35: {  	s10 =	sld [smem:$0x3FA7];
	_ =	sdelay $0x3  }
0x36: {  	p1 =	seq.s32 s10, $0x1;
	s10 =	sld [smem:$0x3FA8];
	_ =	sdelay $0x3  }
0x37: {  	[smem:$0x3FA8] =	sst s10  }
0x38: {  	s10 =	sld [smem:$0x3FA9]  }
0x39: {  	_ = 	snop;
	(pc) =	sbr.ind lr, $3  }
0x3a: {  	_ = 	snop  }
0x3b: {  	_ = 	snop  }
0x3c: {  	p2 =	seq.s32 s10, $0x1;
	s10 =	sld [smem:$0x3FA8]  }
0x3d: {  	_ =	shalt  }
0x3e: {  	_ =	shalt  }
0x3f: {  	_ =	shalt  }
0x40: {  	_ =	shalt  }
0x41: {  	_ =	shalt  }
0x42: {  	_ =	shalt  }
0x43: {  	_ =	shalt  }
0x44: {  	_ =	shalt  }
0x45: {  	_ =	shalt  }
0x46: {  	_ =	shalt  }
0x47: {  	_ =	shalt  }
0x48: {  	_ =	shalt  }
0x49: {  	_ =	shalt  }
0x4a: {  	_ =	shalt  }
0x4b: {  	_ =	shalt  }
0x4c: {  	_ =	shalt  }
0x4d: {  	_ =	shalt  }
0x4e: {  	_ =	shalt  }
0x4f: {  	_ =	shalt  }
0x50: {  	_ =	shalt  }
0x51: {  	_ =	shalt  }
0x52: {  	_ =	shalt  }
0x53: {  	_ =	shalt  }
0x54: {  	_ =	shalt  }
0x55: {  	_ =	shalt  }
0x56: {  	_ =	shalt  }
0x57: {  	_ =	shalt  }
0x58: {  	_ =	shalt  }
0x59: {  	_ =	shalt  }
0x5a: {  	_ =	shalt  }
0x5b: {  	_ =	shalt  }
0x5c: {  	_ =	shalt  }
0x5d: {  	_ =	shalt  }
0x5e: {  	_ =	shalt  }
0x5f: {  	_ =	shalt  }
0x60: {  	_ =	shalt  }
0x61: {  	_ =	shalt  }
0x62: {  	_ =	shalt  }
0x63: {  	_ =	shalt  }
0x64: {  	_ =	shalt  }
0x65: {  	_ =	shalt  }
0x66: {  	_ =	shalt  }
0x67: {  	_ =	shalt  }
0x68: {  	_ =	shalt  }
0x69: {  	_ =	shalt  }
0x6a: {  	_ =	shalt  }
0x6b: {  	_ =	shalt  }
0x6c: {  	_ =	shalt  }
0x6d: {  	_ =	shalt  }
0x6e: {  	_ =	shalt  }
0x6f: {  	_ =	shalt  }
0x70: {  	_ =	shalt  }
0x71: {  	_ =	shalt  }
0x72: {  	_ =	shalt  }
0x73: {  	_ =	shalt  }
0x74: {  	_ =	shalt  }
0x75: {  	_ =	shalt  }
0x76: {  	_ =	shalt  }
0x77: {  	_ =	shalt  }
0x78: {  	_ =	shalt  }
0x79: {  	_ =	shalt  }
0x7a: {  	_ =	shalt  }
0x7b: {  	_ =	shalt  }
0x7c: {  	_ =	shalt  }
0x7d: {  	_ =	shalt  }
0x7e: {  	_ =	shalt  }
0x7f: {  	_ =	shalt  }
0x80: {  	_ =	shalt  }
0x81: {  	_ =	shalt  }
0x82: {  	_ =	shalt  }
0x83: {  	_ =	shalt  }
0x84: {  	_ =	shalt  }
0x85: {  	_ =	shalt  }
0x86: {  	_ =	shalt  }
0x87: {  	_ =	shalt  }
.Lfunc_end0:
.L_simem_size_0:
called_computation.2_lowered:
.L_overlay_start_0:
0x88: {  	s2 =	sld [smem:$0x3FD9]  }
0x89: {  	s3 =	sld [smem:$0x3FFE];
	_ =	sdelay $0x1  }
0x8a: {  	s1 =	srdreg.scid  }
0x8b: {  	s0 =	sand.u32 $0x1, s1  }
0x8c: {  	s16 =	sshll.u32 s0, $0xA;
	s2 =	sadd.s32 s3, s2  }
0x8d: {  	s2 =	sadd.s32 s2, s16  }
0x8e: {  	[smem:$0x3FB4] =	sst s2  }
0x8f: {  	_ = 	snop  }
0x90: {  	(tm) =	ssettm $0x1  }
0x91: {  	s17 =	sld [smem:$0x3FFB];
	_ =	sdelay $0x3  }
0x92: {  	_ =	strace s17  }
0x93: {  	s2 =	sld [smem:$0x3FFC];
	_ =	sdelay $0x3  }
0x94: {  	_ =	strace s2  }
0x95: {  	s2 =	sld [smem:$0x3FFD];
	_ =	sdelay $0x3  }
0x96: {  	_ =	strace s2  }
0x97: {  	_ =	strace $0x8FFFFFFF  }
0x98: {  	s18 =	sld [smem:$0x3FDB];
	_ =	sdelay $0x1  }
0x99: {  	s19 =	simm.s32 $_scs_section_size  }
0x9a: {  	s4 =	simm.s32 $_size__tile_overlayer_lowered;
	s5 =	simm.s32 $_tile_overlayer_lowered  }
0x9b: {  	s22 =	simm.s32 $0x1BFF;
	s21 =	sshll.u32 s5, $0x1;
	s2 =	sadd.s32 s19, s18  }
0x9c: {  	s6 =	simm.s32 $0x0;
	s20 =	sshll.u32 s4, $0x1;
	s4 =	sadd.s32 s21, s2  }
0x9d: {  	[timem:s6], [sflag:s22] =	dma.local [hbm:s4], s20  }
0x9e: {  	_ =	swait.ge [sflag:s22], s20  }
0x9f: {  	s3 =	ssub.s32 $0x0, s20;
	[sflag:s22] =	ssyncset.done $0x0  }
0xa0: {  	[sflag:s22] =	ssyncadd.s32 s3;
	_ =	sdelay $0x1  }
0xa1: {  	s23 =	simm.s32 $0x1B8B  }
0xa2: {  	_ =	swait.ge [sflag:s23], $0x1  }
0xa3: {  	[sflag:s23] =	ssyncset.done $0x0  }
0xa4: {  	s25 =	simm.s32 $0x1B8E;
	s24 =	sld [smem:$0x3FFE];
	[sflag:s23] =	ssyncadd.s32 $0xFFFFFFFF  }
0xa5: {  	s26 =	simm.s32 $execute0_lowered;
	[smem:$0x3FD2] =	sst s25  }
0xa6: {  	s4 =	sshll.u32 s26, $0x1;
	_ =	strace $0x8000004C;
	[dreg:$0x1] =	wrdreg $0xFFFFFFFF  }
0xa7: {  	s28 =	simm.s32 $_size_execute0_lowered;
	s2 =	sadd.s32 s2, s4;
	[dreg:$0x0] =	wrdreg $0x0  }
0xa8: {  	s4 =	sshll.u32 s28, $0x1;
	[dreg:$0x2] =	wrdreg s2  }
0xa9: {  	[dreg:$0x3] =	wrdreg s4  }
0xaa: {  	[dreg:$0x4] =	wrdreg $0xC0  }
0xab: {  	_ =	task [dreg:s6], $0x5FFFF  }
0xac: {  	[dreg:$0x1] =	wrdreg $0xFFFFFFFF  }
0xad: {  	[dreg:$0x0] =	wrdreg $0x60  }
0xae: {  	[dreg:$0x2] =	wrdreg s24  }
0xaf: {  	[dreg:$0x3] =	wrdreg $0xA8000  }
0xb0: {  	[dreg:$0x4] =	wrdreg $0x9  }
0xb1: {  	_ =	task.clear_ibuf [dreg:s6], $0x5FFFF;
	_ =	strace $0x9000004C  }
0xb2: {  	s29 =	simm.s32 $0x9;
	_ =	strace $0x8000004E  }
0xb3: {  	_ =	swait.ge [sflag:s29], $0x1  }
0xb4: {  	[sflag:s29] =	ssyncadd.s32 $0xFFFFFFFF  }
0xb5: {  	_ =	strace $0x9000004E  }
0xb6: {  	_ =	sfence  }
0xb7: {  	s30 =	sld [smem:$0x0];
	_ =	sdelay $0x2  }
0xb8: {  	s31 =	sshll.u32 s1, $0xD;
	s1 =	sshrl.u32 s1, $0x2  }
0xb9: {  	s3 =	sand.u32 $0x4000, s31;
	s1 =	sadd.s32 s1, s30  }
0xba: {  	s0 =	sor.u32 s3, s0;
	s1 =	sshll.u32 s1, $0x11  }
0xbb: {  	s0 =	sor.u32 s1, s0  }
0xbc: {  	s0 =	sadd.s32 $0x8F2B, s0  }
0xbd: {  	[sflag:s0] =	ssyncadd.remote.s32 $0x1  }
0xbe: {  	_ =	sfence.sel $0xFFFF  }
0xbf: {  	[dreg:$0x0] =	wrdreg $0xFFFFFFFF;
	(pc) =	sbr.abs _section_cstart, $3  }
0xc0: {  	[dreg:$0x1] =	wrdreg $0xFFFFFFFF  }
0xc1: {  	_ =	task.clear_ibuf [dreg:s6], $0x2FFFF;
	_ =	strace $0x9FFFFFFF  }
0xc2: {  	(tm) =	ssettm $0x7FFFFFFF  }
0xc3: {  	_ =	shalt  }
tec
execute0_lowered:
.L_overlay_start_1:
0x0: {  	(tag) =	ssettag $0x1  }
0x1: {  	s0 =	rddreg [dreg:$0x0]  }
0x2: {  	s2 =	rddreg [dreg:$0x1];
	s10 =	stileid.u32  }
0x3: {  	s1 =	srdreg.scid;
	s6 =	smul.u32 $0x280, s10  }
0x4: {  	s3 =	simm.s32 $0x0;
	s1 =	sand.u32 $0x1, s1;
	s8 =	smul.u32 $0x50000, s10  }
0x5: {  	[smem:$0x7FF] =	sst s3;
	s4 =	sadd.s32 $0x136A00, s0;
	s5 =	sadd.s32 $0x75800, s0  }
0x6: {  	s9 =	sadd.s32 $0x13C00, s0;
	s7 =	smul.u32 $0x2800, s1;
	s8 =	sshrl.u32 s8, $0x2  }
0x7: {  	_ =	strace $0x8000004D;
	[dreg:$0x3] =	wrdreg s9;
	s26 =	sadd.s32 s8, s2  }
0x8: {  	s14 =	ssub.s32 $0x2, s1;
	s7 =	sadd.s32 s6, s7;
	s8 =	sadd.s32 $0xC000, s26  }
0x9: {  	s6 =	sadd.s32 $0x64000, s0;
	s28 =	sadd.s32 $0xE000, s26;
	[dreg:$0xf] =	wrdreg s8  }
0xa: {  	s7 =	sshll.u32 s7, $0x4;
	s29 =	sadd.s32 $0x10000, s26;
	[dreg:$0x10] =	wrdreg s28  }
0xb: {  	s30 =	sadd.s32 $0x12000, s26;
	s0 =	sadd.s32 s7, s0;
	[dreg:$0x11] =	wrdreg s29  }
0xc: {  	s1 =	smul.u32 $0x8C000, s1;
	[dreg:$0x12] =	wrdreg s30;
	s16 =	sadd.s32 $0x98800, s0  }
0xd: {  	s9 =	smul.u32 $0x8C00, s10;
	s17 =	sadd.s32 $0x98C00, s0;
	[dreg:$0x4] =	wrdreg s16  }
0xe: {  	s15 =	sshrl.u32 s14, $0x1;
	s18 =	sadd.s32 $0x99000, s0;
	[dreg:$0x5] =	wrdreg s17  }
0xf: {  	s11 =	sadd.s32 $0x2000, s26;
	s19 =	sadd.s32 $0x99400, s0;
	[dreg:$0x6] =	wrdreg s18  }
0x10: {  	s12 =	sadd.s32 $0x4000, s26;
	s20 =	sadd.s32 $0x99800, s0;
	[dreg:$0x7] =	wrdreg s19  }
0x11: {  	s13 =	sadd.s32 $0x6000, s26;
	s21 =	sadd.s32 $0x99C00, s0;
	[dreg:$0x8] =	wrdreg s20  }
0x12: {  	s24 =	sadd.s32 $0x8000, s26;
	s22 =	sadd.s32 $0x9A000, s0;
	[dreg:$0x9] =	wrdreg s21  }
0x13: {  	s7 =	ssub.s32 s14, s15;
	s23 =	sadd.s32 $0x9A400, s0;
	[dreg:$0xa] =	wrdreg s22  }
0x14: {  	s14 =	sadd.s32 s1, s9;
	s25 =	sadd.s32 $0x9A800, s0;
	[dreg:$0xb] =	wrdreg s23  }
0x15: {  	s1 =	simm.s32 $0x3;
	s0 =	sadd.s32 $0x9AC00, s0;
	[dreg:$0xc] =	wrdreg s25  }
0x16: {  	s15 =	simm.s32 $0x50;
	s31 =	smax.u32 s7, $0x1;
	[dreg:$0xd] =	wrdreg s0  }
0x17: {  	s7 =	simm.s32 $0x1C00;
	[dreg:$0xe] =	wrdreg s31;
	s25 =	sadd.s32 $0xA000, s26  }
0x18: {  	s0 =	simm.s32 $0x8800;
	s16 =	simm.s32 $0x3800;
	s17 =	simm.s32 $0x6000  }
0x19: {  	s18 =	simm.s32 $0x1;
	s19 =	simm.s32 $0x2;
	s20 =	simm.s32 $0x1880  }
0x1a: {  	s21 =	simm.s32 $0x3400;
	s22 =	simm.s32 $0x3480;
	s23 =	simm.s32 $0x0  }
.LBB2_1:
0x1b: {  	s10 =	rddreg [dreg:$0x3]  }
0x1c: {  	[tilespmem:s0], [sflag:$0x3] =	stream.linear.gather [hbm4b:s10+s3], $0x2000, $0x38;
	[tilespmem:$0x1E800] =	vst v63  }
0x1d: {  	_ =	swait.ge [sflag:s1], $0x2000  }
0x1e: {  	[sflag:s1] =	ssyncset.done $0x0  }
0x1f: {  	[sflag:s1] =	ssyncadd.s32 $0xFFFFE000  }
0x20: {  	[spmem:s26] =	stream.linear.scatter [tilespmem:s0], [sflag:$0x3], $0x2000, $0x38;
	[tilespmem:$0x1E800] =	vst v63  }
0x21: {  	_ =	swait.ge [sflag:s1], $0x2000  }
0x22: {  	[sflag:s1] =	ssyncset.done $0x0  }
0x23: {  	[sflag:s1] =	ssyncadd.s32 $0xFFFFE000  }
0x24: {  	[spmem:s11] =	stream.linear.scatter [tilespmem:s0], [sflag:$0x3], $0x2000, $0x38;
	[tilespmem:$0x1E800] =	vst v63  }
0x25: {  	_ =	swait.ge [sflag:s1], $0x2000  }
0x26: {  	[sflag:s1] =	ssyncset.done $0x0  }
0x27: {  	[sflag:s1] =	ssyncadd.s32 $0xFFFFE000  }
0x28: {  	[spmem:s12] =	stream.linear.scatter [tilespmem:s0], [sflag:$0x3], $0x2000, $0x38;
	[tilespmem:$0x1E800] =	vst v63  }
0x29: {  	_ =	swait.ge [sflag:s1], $0x2000  }
0x2a: {  	[sflag:s1] =	ssyncset.done $0x0  }
0x2b: {  	[sflag:s1] =	ssyncadd.s32 $0xFFFFE000  }
0x2c: {  	[spmem:s13] =	stream.linear.scatter [tilespmem:s0], [sflag:$0x3], $0x2000, $0x38;
	[tilespmem:$0x1E800] =	vst v63  }
0x2d: {  	_ =	swait.ge [sflag:s1], $0x2000  }
0x2e: {  	[sflag:s1] =	ssyncset.done $0x0  }
0x2f: {  	[sflag:s1] =	ssyncadd.s32 $0xFFFFE000  }
0x30: {  	[spmem:s24] =	stream.linear.scatter [tilespmem:s0], [sflag:$0x3], $0x2000, $0x38;
	[tilespmem:$0x1E800] =	vst v63  }
0x31: {  	_ =	swait.ge [sflag:s1], $0x2000  }
0x32: {  	[sflag:s1] =	ssyncset.done $0x0  }
0x33: {  	[sflag:s1] =	ssyncadd.s32 $0xFFFFE000  }
0x34: {  	[spmem:s25] =	stream.linear.scatter [tilespmem:s0], [sflag:$0x3], $0x2000, $0x38;
	[tilespmem:$0x1E800] =	vst v63  }
0x35: {  	_ =	swait.ge [sflag:s1], $0x2000  }
0x36: {  	[sflag:s1] =	ssyncset.done $0x0  }
0x37: {  	s10 =	smov.u32 s8;
	[sflag:s1] =	ssyncadd.s32 $0xFFFFE000  }
0x38: {  	[spmem:s10] =	stream.linear.scatter [tilespmem:s0], [sflag:$0x3], $0x2000, $0x38;
	[tilespmem:$0x1E800] =	vst v63  }
0x39: {  	_ =	swait.ge [sflag:s1], $0x2000  }
0x3a: {  	s31 =	smov.u32 s26;
	[sflag:s1] =	ssyncset.done $0x0  }
0x3b: {  	s26 =	smov.u32 s11;
	s11 =	smov.u32 s28;
	[sflag:s1] =	ssyncadd.s32 $0xFFFFE000  }
0x3c: {  	[spmem:s11] =	stream.linear.scatter [tilespmem:s0], [sflag:$0x3], $0x2000, $0x38;
	[tilespmem:$0x1E800] =	vst v63  }
0x3d: {  	_ =	swait.ge [sflag:s1], $0x2000  }
0x3e: {  	[sflag:s1] =	ssyncset.done $0x0  }
0x3f: {  	s28 =	smov.u32 s12;
	s12 =	smov.u32 s29;
	[sflag:s1] =	ssyncadd.s32 $0xFFFFE000  }
0x40: {  	[spmem:s12] =	stream.linear.scatter [tilespmem:s0], [sflag:$0x3], $0x2000, $0x38;
	[tilespmem:$0x1E800] =	vst v63  }
0x41: {  	_ =	swait.ge [sflag:s1], $0x2000  }
0x42: {  	[sflag:s1] =	ssyncset.done $0x0  }
0x43: {  	s29 =	smov.u32 s13;
	s13 =	smov.u32 s30;
	[sflag:s1] =	ssyncadd.s32 $0xFFFFE000  }
0x44: {  	[spmem:s13] =	stream.linear.scatter [tilespmem:s0], [sflag:$0x3], $0x2000, $0x38;
	[tilespmem:$0x1E800] =	vst v63  }
0x45: {  	_ =	swait.ge [sflag:s1], $0x2000  }
0x46: {  	[sflag:s1] =	ssyncset.done $0x0  }
0x47: {  	s8 =	smov.u32 s25;
	[sflag:s1] =	ssyncadd.s32 $0xFFFFE000  }
0x48: {  	s30 =	smov.u32 s24;
	s24 =	simm.s32 $0x0;
	[bflag:$0x0] =	sbarrier.arrive $0xFFFF  }
.LBB2_2:
0x49: {  	s10 =	smul.u32 $0x1C00, s24;
	_ =	sdelay $0x1  }
0x4a: {  	s25 =	sadd.s32 s14, s10  }
0x4b: {  	s25 =	sshrl.u32 s25, $0x3  }
0x4c: {  	s11 =	simm.s32 $0x0;
	s25 =	sadd.s32 s5, s25  }
0x4d: {  	[tilespmem:s11], [sflag:$0x3] =	stream.linear.gather [hbm4b:s25+s11], $0x1900, $0x38;
	[tilespmem:$0x1E800] =	vst v63  }
0x4e: {  	s10 =	sadd.s32 s9, s10;
	_ =	swait.ge [sflag:s1], $0x1900  }
0x4f: {  	s10 =	sshrl.u32 s10, $0x3;
	[sflag:s1] =	ssyncset.done $0x0  }
0x50: {  	s10 =	sadd.s32 s6, s10;
	[sflag:s1] =	ssyncadd.s32 $0xFFFFE700  }
0x51: {  	[tilespmem:s7], [sflag:$0x3] =	stream.linear.gather [hbm4b:s10+s11], $0x1900, $0x38;
	[tilespmem:$0x1E800] =	vst v63  }
0x52: {  	_ =	swait.ge [sflag:s1], $0x1900  }
0x53: {  	[sflag:s1] =	ssyncset.done $0x0  }
0x54: {  	[sflag:s1] =	ssyncadd.s32 $0xFFFFE700  }
0x55: {  	[tilespmem:s16], [sflag:$0x1] =	stream.indirect.gather [hbm4b:s4+s15], $0x80, s11, s15, $0xb8;
	[tilespmem:$0x1E800] =	vst v63  }
0x56: {  	s11 =	simm.s32 $0x80  }
0x57: {  	[tilespmem:s17], [sflag:$0x2] =	stream.indirect.gather [hbm4b:s4+s15], $0x80, s11, s15, $0xb8;
	[tilespmem:$0x1E800] =	vst v63  }
0x58: {  	_ =	swait.ge [sflag:s18], $0x2800  }
0x59: {  	[sflag:s18] =	ssyncset.done $0x0  }
0x5a: {  	s12 =	simm.s32 $0x1C00;
	[sflag:s18] =	ssyncadd.s32 $0xFFFFD800  }
0x5b: {  	[spmem:s2] =	stream.indirect.scatter.add.f32 [tilespmem:s16], [sflag:$0x3], $0x80, s12, s15, $0xb8;
	[tilespmem:$0x1E800] =	vst v63  }
0x5c: {  	_ =	swait.ge [sflag:s1], $0x2800  }
0x5d: {  	[sflag:s1] =	ssyncset.done $0x0  }
0x5e: {  	s13 =	simm.s32 $0x100;
	[sflag:s1] =	ssyncadd.s32 $0xFFFFD800  }
0x5f: {  	[tilespmem:s16], [sflag:$0x1] =	stream.indirect.gather [hbm4b:s4+s15], $0x80, s13, s15, $0xb8;
	[tilespmem:$0x1E800] =	vst v63  }
0x60: {  	_ =	swait.ge [sflag:s19], $0x2800  }
0x61: {  	[sflag:s19] =	ssyncset.done $0x0  }
0x62: {  	s25 =	simm.s32 $0x1C80;
	[sflag:s19] =	ssyncadd.s32 $0xFFFFD800  }
0x63: {  	[spmem:s2] =	stream.indirect.scatter.add.f32 [tilespmem:s17], [sflag:$0x3], $0x80, s25, s15, $0xb8;
	[tilespmem:$0x1E800] =	vst v63  }
0x64: {  	_ =	swait.ge [sflag:s1], $0x2800  }
0x65: {  	s10 =	simm.s32 $0x800;
	s25 =	simm.s32 $0x100;
	[sflag:s1] =	ssyncset.done $0x0  }
.LBB2_3:
0x66: {  	s11 =	sadd.s32 $0x80, s25  }
0x67: {  	[sflag:s1] =	ssyncadd.s32 $0xFFFFD800;
	s12 =	smov.u32 s10;
	s13 =	sadd.s32 $0x400, s10  }
0x68: {  	[tilespmem:s17], [sflag:$0x2] =	stream.indirect.gather [hbm4b:s4+s15], $0x80, s11, s15, $0xb8;
	[tilespmem:$0x1E800] =	vst v63  }
0x69: {  	p0 =	sne.s32 s10, $0x5C00;
	_ =	swait.ge [sflag:s18], $0x2800  }
0x6a: {  	[sflag:s18] =	ssyncset.done $0x0  }
0x6b: {  	s10 =	sadd.s32 $0x1C00, s25;
	[sflag:s18] =	ssyncadd.s32 $0xFFFFD800  }
0x6c: {  	[spmem:s2] =	stream.indirect.scatter.add.f32 [tilespmem:s16], [sflag:$0x3], $0x80, s10, s15, $0xb8;
	[tilespmem:$0x1E800] =	vst v63  }
0x6d: {  	_ =	swait.ge [sflag:s1], $0x2800  }
0x6e: {  	[sflag:s1] =	ssyncset.done $0x0  }
0x6f: {  	s10 =	sadd.s32 $0x100, s25;
	[sflag:s1] =	ssyncadd.s32 $0xFFFFD800  }
0x70: {  	[tilespmem:s16], [sflag:$0x1] =	stream.indirect.gather [hbm4b:s4+s15], $0x80, s10, s15, $0xb8;
	[tilespmem:$0x1E800] =	vst v63  }
0x71: {  	_ =	swait.ge [sflag:s19], $0x2800  }
.Ltmp0:
0x72: {  	[sflag:s19] =	ssyncset.done $0x0;
	(pc) =	sbr.rel @p0 .LBB2_3-.Ltmp0, $4  }
0x73: {  	s10 =	sadd.s32 $0x1C80, s25;
	[sflag:s19] =	ssyncadd.s32 $0xFFFFD800  }
0x74: {  	[spmem:s2] =	stream.indirect.scatter.add.f32 [tilespmem:s17], [sflag:$0x3], $0x80, s10, s15, $0xb8;
	[tilespmem:$0x1E800] =	vst v63  }
0x75: {  	_ =	swait.ge [sflag:s1], $0x2800  }
0x76: {  	s25 =	sshra.s32 s12, $0x2;
	s10 =	smov.u32 s13;
	[sflag:s1] =	ssyncset.done $0x0  }
0x77: {  	s10 =	sadd.s32 $0x80, s25;
	[sflag:s1] =	ssyncadd.s32 $0xFFFFD800  }
0x78: {  	[tilespmem:s17], [sflag:$0x2] =	stream.indirect.gather [hbm4b:s4+s15], $0x80, s10, s15, $0xb8;
	[tilespmem:$0x1E800] =	vst v63  }
0x79: {  	_ =	swait.ge [sflag:s18], $0x2800  }
0x7a: {  	[sflag:s18] =	ssyncset.done $0x0  }
0x7b: {  	s12 =	sadd.s32 $0x1C00, s25;
	[sflag:s18] =	ssyncadd.s32 $0xFFFFD800  }
0x7c: {  	[spmem:s2] =	stream.indirect.scatter.add.f32 [tilespmem:s16], [sflag:$0x3], $0x80, s12, s15, $0xb8;
	[tilespmem:$0x1E800] =	vst v63  }
0x7d: {  	_ =	swait.ge [sflag:s1], $0x2800  }
0x7e: {  	[sflag:s1] =	ssyncset.done $0x0  }
0x7f: {  	s13 =	sadd.s32 $0x100, s25;
	[sflag:s1] =	ssyncadd.s32 $0xFFFFD800  }
0x80: {  	[tilespmem:s16], [sflag:$0x1] =	stream.indirect.gather [hbm4b:s4+s15], $0x80, s13, s15, $0xb8;
	[tilespmem:$0x1E800] =	vst v63  }
0x81: {  	_ =	swait.ge [sflag:s19], $0x2800  }
0x82: {  	[sflag:s19] =	ssyncset.done $0x0  }
0x83: {  	s25 =	sadd.s32 $0x1C80, s25;
	[sflag:s19] =	ssyncadd.s32 $0xFFFFD800  }
0x84: {  	[spmem:s2] =	stream.indirect.scatter.add.f32 [tilespmem:s17], [sflag:$0x3], $0x80, s25, s15, $0xb8;
	[tilespmem:$0x1E800] =	vst v63  }
0x85: {  	_ =	swait.ge [sflag:s1], $0x2800  }
0x86: {  	[sflag:s1] =	ssyncset.done $0x0  }
0x87: {  	[sflag:s1] =	ssyncadd.s32 $0xFFFFD800  }
0x88: {  	[tilespmem:s17], [sflag:$0x2] =	stream.indirect.gather [hbm4b:s4+s15], $0x80, s20, s15, $0xb8;
	[tilespmem:$0x1E800] =	vst v63  }
0x89: {  	_ =	swait.ge [sflag:s18], $0x2800  }
0x8a: {  	[sflag:s18] =	ssyncset.done $0x0  }
0x8b: {  	[sflag:s18] =	ssyncadd.s32 $0xFFFFD800  }
0x8c: {  	[spmem:s2] =	stream.indirect.scatter.add.f32 [tilespmem:s16], [sflag:$0x3], $0x80, s21, s15, $0xb8;
	[tilespmem:$0x1E800] =	vst v63  }
0x8d: {  	_ =	swait.ge [sflag:s1], $0x2800  }
0x8e: {  	[sflag:s1] =	ssyncset.done $0x0  }
0x8f: {  	[sflag:s1] =	ssyncadd.s32 $0xFFFFD800  }
0x90: {  	s24 =	sadd.s32 $0x1, s24;
	_ =	swait.ge [sflag:s19], $0x2800  }
0x91: {  	p0 =	sne.s32 s24, $0x5;
	[sflag:s19] =	ssyncset.done $0x0  }
.Ltmp1:
0x92: {  	[sflag:s19] =	ssyncadd.s32 $0xFFFFD800;
	(pc) =	sbr.rel @p0 .LBB2_2-.Ltmp1, $4  }
0x93: {  	[spmem:s2] =	stream.indirect.scatter.add.f32 [tilespmem:s17], [sflag:$0x3], $0x80, s22, s15, $0xb8;
	[tilespmem:$0x1E800] =	vst v63  }
0x94: {  	_ =	swait.ge [sflag:s1], $0x2800  }
0x95: {  	[sflag:s1] =	ssyncset.done $0x0  }
0x96: {  	[sflag:s1] =	ssyncadd.s32 $0xFFFFD800  }
0x97: {  	[bflag:$0x0] =	sbarrier.arrive $0xFFFF  }
0x98: {  	[tilespmem:s0], [sflag:$0x3] =	stream.linear.gather [spmem:s31], $0x2000, $0x38;
	[tilespmem:$0x1E800] =	vst v63  }
0x99: {  	_ =	swait.ge [sflag:s1], $0x2000  }
0x9a: {  	[sflag:s1] =	ssyncset.done $0x0  }
0x9b: {  	s10 =	rddreg [dreg:$0x4];
	[sflag:s1] =	ssyncadd.s32 $0xFFFFE000  }
0x9c: {  	[hbm4b:s10+s3] =	stream.linear.scatter [tilespmem:s0], [sflag:$0x3], $0x2000, $0x38;
	[tilespmem:$0x1E800] =	vst v63  }
0x9d: {  	_ =	swait.ge [sflag:s1], $0x2000  }
0x9e: {  	[sflag:s1] =	ssyncset.done $0x0  }
0x9f: {  	s11 =	smov.u32 s26;
	[sflag:s1] =	ssyncadd.s32 $0xFFFFE000  }
0xa0: {  	[tilespmem:s0], [sflag:$0x3] =	stream.linear.gather [spmem:s11], $0x2000, $0x38;
	[tilespmem:$0x1E800] =	vst v63  }
0xa1: {  	_ =	swait.ge [sflag:s1], $0x2000  }
0xa2: {  	[sflag:s1] =	ssyncset.done $0x0  }
0xa3: {  	s13 =	rddreg [dreg:$0x5];
	[sflag:s1] =	ssyncadd.s32 $0xFFFFE000  }
0xa4: {  	[hbm4b:s13+s3] =	stream.linear.scatter [tilespmem:s0], [sflag:$0x3], $0x2000, $0x38;
	[tilespmem:$0x1E800] =	vst v63  }
0xa5: {  	_ =	swait.ge [sflag:s1], $0x2000  }
0xa6: {  	[sflag:s1] =	ssyncset.done $0x0  }
0xa7: {  	[sflag:s1] =	ssyncadd.s32 $0xFFFFE000  }
0xa8: {  	[tilespmem:s0], [sflag:$0x3] =	stream.linear.gather [spmem:s28], $0x2000, $0x38;
	[tilespmem:$0x1E800] =	vst v63  }
0xa9: {  	_ =	swait.ge [sflag:s1], $0x2000  }
0xaa: {  	[sflag:s1] =	ssyncset.done $0x0  }
0xab: {  	s24 =	rddreg [dreg:$0x6];
	[sflag:s1] =	ssyncadd.s32 $0xFFFFE000  }
0xac: {  	[hbm4b:s24+s3] =	stream.linear.scatter [tilespmem:s0], [sflag:$0x3], $0x2000, $0x38;
	[tilespmem:$0x1E800] =	vst v63  }
0xad: {  	_ =	swait.ge [sflag:s1], $0x2000  }
0xae: {  	[sflag:s1] =	ssyncset.done $0x0  }
0xaf: {  	[sflag:s1] =	ssyncadd.s32 $0xFFFFE000  }
0xb0: {  	[tilespmem:s0], [sflag:$0x3] =	stream.linear.gather [spmem:s29], $0x2000, $0x38;
	[tilespmem:$0x1E800] =	vst v63  }
0xb1: {  	_ =	swait.ge [sflag:s1], $0x2000  }
0xb2: {  	[sflag:s1] =	ssyncset.done $0x0  }
0xb3: {  	s25 =	rddreg [dreg:$0x7];
	[sflag:s1] =	ssyncadd.s32 $0xFFFFE000  }
0xb4: {  	[hbm4b:s25+s3] =	stream.linear.scatter [tilespmem:s0], [sflag:$0x3], $0x2000, $0x38;
	[tilespmem:$0x1E800] =	vst v63  }
0xb5: {  	_ =	swait.ge [sflag:s1], $0x2000  }
0xb6: {  	[sflag:s1] =	ssyncset.done $0x0  }
0xb7: {  	[sflag:s1] =	ssyncadd.s32 $0xFFFFE000  }
0xb8: {  	[tilespmem:s0], [sflag:$0x3] =	stream.linear.gather [spmem:s30], $0x2000, $0x38;
	[tilespmem:$0x1E800] =	vst v63  }
0xb9: {  	_ =	swait.ge [sflag:s1], $0x2000  }
0xba: {  	[sflag:s1] =	ssyncset.done $0x0  }
0xbb: {  	s26 =	smov.u32 s31;
	s31 =	rddreg [dreg:$0x8];
	[sflag:s1] =	ssyncadd.s32 $0xFFFFE000  }
0xbc: {  	[hbm4b:s31+s3] =	stream.linear.scatter [tilespmem:s0], [sflag:$0x3], $0x2000, $0x38;
	[tilespmem:$0x1E800] =	vst v63  }
0xbd: {  	_ =	swait.ge [sflag:s1], $0x2000  }
0xbe: {  	[sflag:s1] =	ssyncset.done $0x0  }
0xbf: {  	[sflag:s1] =	ssyncadd.s32 $0xFFFFE000  }
0xc0: {  	[tilespmem:s0], [sflag:$0x3] =	stream.linear.gather [spmem:s8], $0x2000, $0x38;
	[tilespmem:$0x1E800] =	vst v63  }
0xc1: {  	_ =	swait.ge [sflag:s1], $0x2000  }
0xc2: {  	[sflag:s1] =	ssyncset.done $0x0  }
0xc3: {  	s25 =	smov.u32 s8;
	s8 =	rddreg [dreg:$0x9];
	[sflag:s1] =	ssyncadd.s32 $0xFFFFE000  }
0xc4: {  	[hbm4b:s8+s3] =	stream.linear.scatter [tilespmem:s0], [sflag:$0x3], $0x2000, $0x38;
	[tilespmem:$0x1E800] =	vst v63  }
0xc5: {  	_ =	swait.ge [sflag:s1], $0x2000  }
0xc6: {  	[sflag:s1] =	ssyncset.done $0x0  }
0xc7: {  	s8 =	rddreg [dreg:$0xf];
	[sflag:s1] =	ssyncadd.s32 $0xFFFFE000  }
0xc8: {  	[tilespmem:s0], [sflag:$0x3] =	stream.linear.gather [spmem:s8], $0x2000, $0x38;
	[tilespmem:$0x1E800] =	vst v63  }
0xc9: {  	_ =	swait.ge [sflag:s1], $0x2000  }
0xca: {  	[sflag:s1] =	ssyncset.done $0x0  }
0xcb: {  	s31 =	rddreg [dreg:$0xa];
	[sflag:s1] =	ssyncadd.s32 $0xFFFFE000  }
0xcc: {  	[hbm4b:s31+s3] =	stream.linear.scatter [tilespmem:s0], [sflag:$0x3], $0x2000, $0x38;
	[tilespmem:$0x1E800] =	vst v63  }
0xcd: {  	_ =	swait.ge [sflag:s1], $0x2000  }
0xce: {  	[sflag:s1] =	ssyncset.done $0x0  }
0xcf: {  	s12 =	smov.u32 s28;
	s28 =	rddreg [dreg:$0x10];
	[sflag:s1] =	ssyncadd.s32 $0xFFFFE000  }
0xd0: {  	[tilespmem:s0], [sflag:$0x3] =	stream.linear.gather [spmem:s28], $0x2000, $0x38;
	[tilespmem:$0x1E800] =	vst v63  }
0xd1: {  	_ =	swait.ge [sflag:s1], $0x2000  }
0xd2: {  	[sflag:s1] =	ssyncset.done $0x0  }
0xd3: {  	s31 =	rddreg [dreg:$0xb];
	[sflag:s1] =	ssyncadd.s32 $0xFFFFE000  }
0xd4: {  	[hbm4b:s31+s3] =	stream.linear.scatter [tilespmem:s0], [sflag:$0x3], $0x2000, $0x38;
	[tilespmem:$0x1E800] =	vst v63  }
0xd5: {  	_ =	swait.ge [sflag:s1], $0x2000  }
0xd6: {  	[sflag:s1] =	ssyncset.done $0x0  }
0xd7: {  	s13 =	smov.u32 s29;
	s29 =	rddreg [dreg:$0x11];
	[sflag:s1] =	ssyncadd.s32 $0xFFFFE000  }
0xd8: {  	[tilespmem:s0], [sflag:$0x3] =	stream.linear.gather [spmem:s29], $0x2000, $0x38;
	[tilespmem:$0x1E800] =	vst v63  }
0xd9: {  	_ =	swait.ge [sflag:s1], $0x2000  }
0xda: {  	[sflag:s1] =	ssyncset.done $0x0  }
0xdb: {  	s31 =	rddreg [dreg:$0xc];
	[sflag:s1] =	ssyncadd.s32 $0xFFFFE000  }
0xdc: {  	[hbm4b:s31+s3] =	stream.linear.scatter [tilespmem:s0], [sflag:$0x3], $0x2000, $0x38;
	[tilespmem:$0x1E800] =	vst v63  }
0xdd: {  	_ =	swait.ge [sflag:s1], $0x2000  }
0xde: {  	[sflag:s1] =	ssyncset.done $0x0  }
0xdf: {  	s24 =	smov.u32 s30;
	s30 =	rddreg [dreg:$0x12];
	[sflag:s1] =	ssyncadd.s32 $0xFFFFE000  }
0xe0: {  	[tilespmem:s0], [sflag:$0x3] =	stream.linear.gather [spmem:s30], $0x2000, $0x38;
	[tilespmem:$0x1E800] =	vst v63  }
0xe1: {  	_ =	swait.ge [sflag:s1], $0x2000  }
0xe2: {  	[sflag:s1] =	ssyncset.done $0x0  }
0xe3: {  	s31 =	rddreg [dreg:$0xd];
	[sflag:s1] =	ssyncadd.s32 $0xFFFFE000  }
0xe4: {  	[hbm4b:s31+s3] =	stream.linear.scatter [tilespmem:s0], [sflag:$0x3], $0x2000, $0x38;
	[tilespmem:$0x1E800] =	vst v63  }
0xe5: {  	_ =	swait.ge [sflag:s1], $0x2000  }
0xe6: {  	s23 =	sadd.s32 $0x1, s23;
	s31 =	rddreg [dreg:$0xe]  }
0xe7: {  	p0 =	sne.s32 s23, s31  }
.Ltmp2:
0xe8: {  	_ = 	snop;
	(pc) =	sbr.rel @p0 .LBB2_1-.Ltmp2, $3  }
0xe9: {  	_ =	sdelay $0x1  }
0xea: {  	[sflag:s1] =	ssyncset.done $0x0  }
0xeb: {  	[sflag:s1] =	ssyncadd.s32 $0xFFFFE000  }
0xec: {  	_ =	sfence.sel $0x180000  }
0xed: {  	[bflag:$0x0] =	sbarrier.arrive $0xFFFF  }
0xee: {  	_ =	strace $0x9000004D  }
0xef: {  	s0 =	stileid.u32;
	[bflag:$0x2] =	sbarrier.arrive $0xFFFF  }
0xf0: {  	p0 =	sne.s32 s0, $0x0;
	s0 =	rddreg [dreg:$0x2]  }
0xf1: {  	s0 =	sadd.s32 @!p0 $0x100000, s0  }
0xf2: {  	[sflag:s0] =	ssyncadd.tile.s32 @!p0 $0x1;
	_ =	shalt  }
.Lfunc_end2:
_tile_overlayer_lowered:
.L_overlay_start_2:
0xf3: {  	(tag) =	ssettag $0x2  }
0xf4: {  	s0 =	rddreg [dreg:$0x0];
	s2 =	stileid.u32  }
0xf5: {  	s1 =	rddreg [dreg:$0x1];
	p0 =	sne.s32 s2, $0x0  }
0xf6: {  	s3 =	rddreg [dreg:$0x2];
	[bflag:$0x3] =	sbarrier.arrive $0xFFFF;
	s2 =	simm.s32 @!p0 $0x1C03  }
0xf7: {  	[timem:s3], [sflag:s2] =	dma.local @!p0 [hbm:s0], s1  }
0xf8: {  	s0 =	simm.s32 @!p0 $0x3  }
0xf9: {  	_ =	swait.ge @!p0 [sflag:s0], s1  }
0xfa: {  	s1 =	ssub.s32 @!p0 $0x0, s1;
	[sflag:s0] =	ssyncset.done @!p0 $0x0  }
0xfb: {  	[sflag:s0] =	ssyncadd.s32 @!p0 s1  }
0xfc: {  	[bflag:$0x3] =	sbarrier.arrive $0xFFFF  }
0xfd: {  	_ =	shalt  }

// kernel: kernel.9.cloned.1.call-start
scs
__scs_entry_jumppad:
0x0: {  	(pc) =	sbr.rel $0x88, $3  }
0x1: {  	(tag) =	ssettag $0x0;
	lr =	simm.s32 $0x1  }
0x2: {  	[smem:$0x3F8D] =	sst lr;
	_ =	strace $0xD0000000  }
0x3: {  	_ = 	snop  }
0x4: {  	_ = 	snop  }
0x5: {  	_ = 	snop  }
0x6: {  	_ = 	snop  }
0x7: {  	_ = 	snop  }
__scs_overlays_trampoline_lowered:
0x8: {  	[smem:$0x3F9C] =	sst s0  }
0x9: {  	[smem:$0x3F9D] =	sst s1  }
0xa: {  	[smem:$0x3F9E] =	sst s2  }
0xb: {  	[smem:$0x3F9F] =	sst s3  }
0xc: {  	[smem:$0x3FA0] =	sst s4  }
0xd: {  	[smem:$0x3FA1] =	sst s5  }
0xe: {  	[smem:$0x3FA2] =	sst s6  }
0xf: {  	[smem:$0x3FA3] =	sst s7  }
0x10: {  	[smem:$0x3FA4] =	sst s8  }
0x11: {  	[smem:$0x3FA5] =	sst s9;
	s0 =	simm.s32 @!p0 $0x0  }
0x12: {  	s1 =	sld [smem:$0x3F8B];
	s0 =	simm.s32 @p0 $0x1  }
0x13: {  	[smem:$0x3FA6] =	sst s0;
	s0 =	simm.s32 @!p1 $0x0  }
0x14: {  	s2 =	sld [smem:$0x3F8A];
	s0 =	simm.s32 @p1 $0x1  }
0x15: {  	[smem:$0x3FA7] =	sst s0;
	s0 =	simm.s32 @!p2 $0x0  }
0x16: {  	s3 =	sld [smem:$0x3FDB];
	s0 =	simm.s32 @p2 $0x1  }
0x17: {  	s4 =	simm.s32 $0x1BF5;
	[smem:$0x3FA9] =	sst s0  }
0x18: {  	s0 =	sld [smem:$0x3F8C];
	_ =	swait.ge [sflag:s4], $0x0  }
0x19: {  	s7 =	sld [smem:$0x3F8D]  }
0x1a: {  	s8 =	sadd.s32 $0xFFFFE003, lr  }
0x1b: {  	s9 =	sadd.s32 $0xFFFFFEF7, lr;
	s5 =	simm.s32 $0xFFFFFFFF;
	p2 =	slt.u32 s8, $0xFFFFF086  }
0x1c: {  	p1 =	slt.u32 s9, $0xF7A;
	s5 =	simm.s32 @!p2 $0x0  }
0x1d: {  	s5 =	simm.s32 @p1 $0x1;
	p0 =	seq.s32 s7, s2  }
0x1e: {  	s7 =	smul.u32 @!p0 $0xF7A, s2;
	p2 =	seq.s32 @!p0 s5, $0x0  }
0x1f: {  	s9 =	smul.u32 $0xF7A, s1;
	s8 =	simm.s32 @!p0 $0x1BF5;
	p2 =	por !p2, p0  }
0x20: {  	[sflag:s8] =	ssyncset.s32 @!p0 $0xFFFFF086;
	s6 =	sadd.s32 @!p0 s3, s7;
	s7 =	simm.s32 @!p0 $0x108  }
0x21: {  	s3 =	sadd.s32 s3, s9;
	s6 =	sadd.s32 @!p0 $0x88, s6;
	s7 =	simm.s32 @p2 $0x1082  }
0x22: {  	[simem:s7], [sflag:s8] =	dma.local @!p0 [hbm:s6], $0xF7A  }
0x23: {  	s9 =	sor.u32 $0xD0000000, s2;
	s6 =	simm.s32 $0x108;
	_ =	swait.ge @!p0 [sflag:s8], $0x0  }
0x24: {  	s3 =	sadd.s32 $0x88, s3;
	s6 =	simm.s32 @!p1 $0x1082;
	[sflag:s4] =	ssyncset.s32 $0xFFFFF086  }
0x25: {  	[simem:s6], [sflag:s4] =	dma.local [hbm:s3], $0xF7A  }
0x26: {  	[smem:$0x3F8D] =	sst s1;
	(tag) =	ssettag s2;
	_ =	strace s9  }
0x27: {  	s1 =	sld [smem:$0x3F9D]  }
0x28: {  	s2 =	sld [smem:$0x3F9E]  }
0x29: {  	s4 =	sld [smem:$0x3FA0]  }
0x2a: {  	p0 =	seq.s32 s5, $0x0;
	s5 =	sld [smem:$0x3FA1]  }
0x2b: {  	s6 =	sld [smem:$0x3FA2]  }
0x2c: {  	s7 =	sld [smem:$0x3FA3]  }
0x2d: {  	s3 =	simm.s32 $0x108;
	s8 =	sld [smem:$0x3FA4]  }
0x2e: {  	s3 =	simm.s32 @!p0 $0x1082;
	s9 =	sld [smem:$0x3FA5]  }
0x2f: {  	lr =	sadd.s32 s0, s3;
	s0 =	sld [smem:$0x3F9C]  }
0x30: {  	s3 =	sld [smem:$0x3F9F]  }
0x31: {  	[smem:$0x3FA8] =	sst s10  }
0x32: {  	s10 =	sld [smem:$0x3FA6];
	_ =	sdelay $0x3  }
0x33: {  	p0 =	seq.s32 s10, $0x1;
	s10 =	sld [smem:$0x3FA8];
	_ =	sdelay $0x3  }
0x34: {  	[smem:$0x3FA8] =	sst s10  }
0x35: {  	s10 =	sld [smem:$0x3FA7];
	_ =	sdelay $0x3  }
0x36: {  	p1 =	seq.s32 s10, $0x1;
	s10 =	sld [smem:$0x3FA8];
	_ =	sdelay $0x3  }
0x37: {  	[smem:$0x3FA8] =	sst s10  }
0x38: {  	s10 =	sld [smem:$0x3FA9]  }
0x39: {  	_ = 	snop;
	(pc) =	sbr.ind lr, $3  }
0x3a: {  	_ = 	snop  }
0x3b: {  	_ = 	snop  }
0x3c: {  	p2 =	seq.s32 s10, $0x1;
	s10 =	sld [smem:$0x3FA8]  }
0x3d: {  	_ =	shalt  }
0x3e: {  	_ =	shalt  }
0x3f: {  	_ =	shalt  }
0x40: {  	_ =	shalt  }
0x41: {  	_ =	shalt  }
0x42: {  	_ =	shalt  }
0x43: {  	_ =	shalt  }
0x44: {  	_ =	shalt  }
0x45: {  	_ =	shalt  }
0x46: {  	_ =	shalt  }
0x47: {  	_ =	shalt  }
0x48: {  	_ =	shalt  }
0x49: {  	_ =	shalt  }
0x4a: {  	_ =	shalt  }
0x4b: {  	_ =	shalt  }
0x4c: {  	_ =	shalt  }
0x4d: {  	_ =	shalt  }
0x4e: {  	_ =	shalt  }
0x4f: {  	_ =	shalt  }
0x50: {  	_ =	shalt  }
0x51: {  	_ =	shalt  }
0x52: {  	_ =	shalt  }
0x53: {  	_ =	shalt  }
0x54: {  	_ =	shalt  }
0x55: {  	_ =	shalt  }
0x56: {  	_ =	shalt  }
0x57: {  	_ =	shalt  }
0x58: {  	_ =	shalt  }
0x59: {  	_ =	shalt  }
0x5a: {  	_ =	shalt  }
0x5b: {  	_ =	shalt  }
0x5c: {  	_ =	shalt  }
0x5d: {  	_ =	shalt  }
0x5e: {  	_ =	shalt  }
0x5f: {  	_ =	shalt  }
0x60: {  	_ =	shalt  }
0x61: {  	_ =	shalt  }
0x62: {  	_ =	shalt  }
0x63: {  	_ =	shalt  }
0x64: {  	_ =	shalt  }
0x65: {  	_ =	shalt  }
0x66: {  	_ =	shalt  }
0x67: {  	_ =	shalt  }
0x68: {  	_ =	shalt  }
0x69: {  	_ =	shalt  }
0x6a: {  	_ =	shalt  }
0x6b: {  	_ =	shalt  }
0x6c: {  	_ =	shalt  }
0x6d: {  	_ =	shalt  }
0x6e: {  	_ =	shalt  }
0x6f: {  	_ =	shalt  }
0x70: {  	_ =	shalt  }
0x71: {  	_ =	shalt  }
0x72: {  	_ =	shalt  }
0x73: {  	_ =	shalt  }
0x74: {  	_ =	shalt  }
0x75: {  	_ =	shalt  }
0x76: {  	_ =	shalt  }
0x77: {  	_ =	shalt  }
0x78: {  	_ =	shalt  }
0x79: {  	_ =	shalt  }
0x7a: {  	_ =	shalt  }
0x7b: {  	_ =	shalt  }
0x7c: {  	_ =	shalt  }
0x7d: {  	_ =	shalt  }
0x7e: {  	_ =	shalt  }
0x7f: {  	_ =	shalt  }
0x80: {  	_ =	shalt  }
0x81: {  	_ =	shalt  }
0x82: {  	_ =	shalt  }
0x83: {  	_ =	shalt  }
0x84: {  	_ =	shalt  }
0x85: {  	_ =	shalt  }
0x86: {  	_ =	shalt  }
0x87: {  	_ =	shalt  }
.Lfunc_end0:
.L_simem_size_0:
called_computation_lowered:
.L_overlay_start_0:
0x88: {  	s2 =	sld [smem:$0x3FD9]  }
0x89: {  	s3 =	sld [smem:$0x3FFE];
	_ =	sdelay $0x1  }
0x8a: {  	s1 =	srdreg.scid  }
0x8b: {  	s0 =	sand.u32 $0x1, s1  }
0x8c: {  	s14 =	sshll.u32 s0, $0xA;
	s2 =	sadd.s32 s3, s2  }
0x8d: {  	s2 =	sadd.s32 s2, s14  }
0x8e: {  	[smem:$0x3FB4] =	sst s2  }
0x8f: {  	_ = 	snop  }
0x90: {  	s2 =	sld [smem:$0x3FD0];
	_ =	sdelay $0x2  }
0x91: {  	s15 =	simm.s32 $0xA;
	s4 =	simm.s32 $0x10  }
0x92: {  	[smem:s4], [sflag:s15] =	dma.local [hbm:s2], $0x1  }
0x93: {  	_ =	swait.eq [sflag:s15], $0x1  }
0x94: {  	[sflag:s15] =	ssyncset.done $0x0  }
0x95: {  	[sflag:s15] =	ssyncadd.s32 $0xFFFFFFFF  }
0x96: {  	s16 =	sld [smem:$0x11];
	(tm) =	ssettm $0x1  }
0x97: {  	s17 =	sld [smem:$0x3FFB];
	_ =	sdelay $0x3  }
0x98: {  	_ =	strace s17  }
0x99: {  	s3 =	sld [smem:$0x3FFC];
	_ =	sdelay $0x3  }
0x9a: {  	_ =	strace s3  }
0x9b: {  	s3 =	sld [smem:$0x3FFD];
	_ =	sdelay $0x3  }
0x9c: {  	_ =	strace s3  }
0x9d: {  	_ =	strace $0x8FFFFFFF  }
0x9e: {  	s18 =	sld [smem:$0x3FDB];
	_ =	sdelay $0x1  }
0x9f: {  	s19 =	simm.s32 $_scs_section_size  }
0xa0: {  	s5 =	simm.s32 $_size__tile_overlayer_lowered;
	s6 =	simm.s32 $_tile_overlayer_lowered  }
0xa1: {  	s22 =	simm.s32 $0x1BFF;
	s21 =	sshll.u32 s6, $0x1;
	s3 =	sadd.s32 s19, s18  }
0xa2: {  	s7 =	simm.s32 $0x0;
	s20 =	sshll.u32 s5, $0x1;
	s5 =	sadd.s32 s21, s3  }
0xa3: {  	[timem:s7], [sflag:s22] =	dma.local [hbm:s5], s20  }
0xa4: {  	_ =	swait.ge [sflag:s22], s20  }
0xa5: {  	s4 =	ssub.s32 $0x0, s20;
	[sflag:s22] =	ssyncset.done $0x0  }
0xa6: {  	[sflag:s22] =	ssyncadd.s32 s4;
	_ =	sdelay $0x1  }
0xa7: {  	s23 =	simm.s32 $0x1B8B  }
0xa8: {  	_ =	swait.ge [sflag:s23], $0x1  }
0xa9: {  	[sflag:s23] =	ssyncset.done $0x0  }
0xaa: {  	s25 =	simm.s32 $0x1B8E;
	s24 =	sld [smem:$0x3FFE];
	[sflag:s23] =	ssyncadd.s32 $0xFFFFFFFF  }
0xab: {  	s26 =	simm.s32 $execute0_lowered;
	[smem:$0x3FD2] =	sst s25  }
0xac: {  	s5 =	sshll.u32 s26, $0x1;
	_ =	strace $0x80000046;
	[dreg:$0x1] =	wrdreg $0xFFFFFFFF  }
0xad: {  	s28 =	simm.s32 $_size_execute0_lowered;
	s3 =	sadd.s32 s3, s5;
	[dreg:$0x0] =	wrdreg $0x0  }
0xae: {  	s5 =	sshll.u32 s28, $0x1;
	[dreg:$0x2] =	wrdreg s3  }
0xaf: {  	[dreg:$0x3] =	wrdreg s5  }
0xb0: {  	[dreg:$0x4] =	wrdreg $0xC0  }
0xb1: {  	_ =	task [dreg:s7], $0x5FFFF  }
0xb2: {  	[dreg:$0x1] =	wrdreg $0xFFFFFFFF  }
0xb3: {  	[dreg:$0x0] =	wrdreg $0x60  }
0xb4: {  	[dreg:$0x2] =	wrdreg s24  }
0xb5: {  	[dreg:$0x3] =	wrdreg s16  }
0xb6: {  	[dreg:$0x4] =	wrdreg $0x88000  }
0xb7: {  	[dreg:$0x5] =	wrdreg $0x9  }
0xb8: {  	_ =	task.clear_ibuf [dreg:s7], $0x6FFFF;
	_ =	strace $0x90000046  }
0xb9: {  	s29 =	simm.s32 $0x9;
	_ =	strace $0x80000048  }
0xba: {  	_ =	swait.ge [sflag:s29], $0x1  }
0xbb: {  	[sflag:s29] =	ssyncadd.s32 $0xFFFFFFFF  }
0xbc: {  	_ =	strace $0x90000048  }
0xbd: {  	_ =	sfence  }
0xbe: {  	s30 =	sld [smem:$0x0];
	_ =	sdelay $0x2  }
0xbf: {  	s31 =	sshll.u32 s1, $0xD;
	s1 =	sshrl.u32 s1, $0x2  }
0xc0: {  	s3 =	sand.u32 $0x4000, s31;
	s1 =	sadd.s32 s1, s30  }
0xc1: {  	s0 =	sor.u32 s3, s0;
	s1 =	sshll.u32 s1, $0x11  }
0xc2: {  	s0 =	sor.u32 s1, s0  }
0xc3: {  	s0 =	sadd.s32 $0x8F2B, s0  }
0xc4: {  	[sflag:s0] =	ssyncadd.remote.s32 $0x1  }
0xc5: {  	_ =	sfence.sel $0xFFFF  }
0xc6: {  	[dreg:$0x0] =	wrdreg $0xFFFFFFFF;
	(pc) =	sbr.abs _section_cstart, $3  }
0xc7: {  	[dreg:$0x1] =	wrdreg $0xFFFFFFFF  }
0xc8: {  	_ =	task.clear_ibuf [dreg:s7], $0x2FFFF;
	_ =	strace $0x9FFFFFFF  }
0xc9: {  	(tm) =	ssettm $0x7FFFFFFF  }
tec
execute0_lowered:
.L_overlay_start_1:
0x0: {  	(tag) =	ssettag $0x1  }
0x1: {  	s0 =	rddreg [dreg:$0x0]  }
0x2: {  	s6 =	stileid.u32;
	s1 =	srdreg.scid  }
0x3: {  	s3 =	rddreg [dreg:$0x2];
	s4 =	simm.s32 $0x0;
	s29 =	simm.s32 $0x1  }
0x4: {  	s30 =	simm.s32 $0x4000;
	s31 =	simm.s32 $0x6800;
	s2 =	smul.u32 $0x280, s6  }
0x5: {  	s1 =	sand.u32 $0x1, s1;
	s24 =	sshll.u32 s6, $0xB;
	s6 =	smul.u32 $0x50000, s6  }
0x6: {  	[smem:$0x7FF] =	sst s4;
	s25 =	sadd.s32 $0x13C00, s0;
	s5 =	smul.u32 $0x2800, s1  }
0x7: {  	_ =	strace $0x80000047;
	s7 =	sadd.s32 s24, s0;
	[dreg:$0x4] =	wrdreg s25  }
0x8: {  	s26 =	ssub.s32 $0x2, s1;
	s1 =	sshll.u32 s1, $0xF;
	s6 =	sshrl.u32 s6, $0x2  }
0x9: {  	s8 =	sshrl.u32 s26, $0x1;
	s1 =	sadd.s32 s1, s7;
	s2 =	sadd.s32 s2, s5  }
0xa: {  	s6 =	sadd.s32 s6, s3;
	s7 =	sadd.s32 $0x3C00, s1;
	s1 =	simm.s32 $0x50  }
0xb: {  	s2 =	sshll.u32 s2, $0x4;
	s9 =	sadd.s32 $0x4000, s6;
	s10 =	sadd.s32 $0x6000, s6  }
0xc: {  	s11 =	sadd.s32 $0x8000, s6;
	s12 =	sadd.s32 $0xA000, s6;
	s13 =	sadd.s32 $0xC000, s6  }
0xd: {  	s14 =	sadd.s32 $0xE000, s6;
	s28 =	sadd.s32 $0x12000, s6;
	s0 =	sadd.s32 s2, s0  }
0xe: {  	s2 =	ssub.s32 s26, s8;
	s8 =	sadd.s32 $0x2000, s6;
	s26 =	sadd.s32 $0x10000, s6  }
0xf: {  	s15 =	sadd.s32 $0x14000, s0;
	s16 =	sadd.s32 $0x14400, s0;
	s17 =	sadd.s32 $0x14800, s0  }
0x10: {  	s18 =	sadd.s32 $0x14C00, s0;
	s19 =	sadd.s32 $0x15000, s0;
	s20 =	sadd.s32 $0x15400, s0  }
0x11: {  	s21 =	sadd.s32 $0x15800, s0;
	s22 =	sadd.s32 $0x15C00, s0;
	s23 =	sadd.s32 $0x16000, s0  }
0x12: {  	s24 =	sadd.s32 $0x16400, s0;
	s25 =	smax.u32 s2, $0x1;
	s0 =	simm.s32 $0x0  }
.LBB2_1:
0x13: {  	[tilespmem:s4], [sflag:$0x1] =	stream.linear.gather [hbm4b:s7+s4], $0x3E80, $0x38;
	[tilespmem:$0x1C800] =	vst v63  }
0x14: {  	_ =	swait.ge [sflag:s29], $0x3E80  }
0x15: {  	[sflag:s29] =	ssyncset.done $0x0  }
0x16: {  	[sflag:s29] =	ssyncadd.s32 $0xFFFFC180  }
0x17: {  	s2 =	rddreg [dreg:$0x1]  }
0x18: {  	[tilespmem:s30], [sflag:$0x1] =	stream.linear.gather [hbm4b:s2+s4], $0x2800, $0x38;
	[tilespmem:$0x1C800] =	vst v63  }
0x19: {  	_ =	swait.ge [sflag:s29], $0x2800  }
0x1a: {  	[sflag:s29] =	ssyncset.done $0x0  }
0x1b: {  	s5 =	rddreg [dreg:$0x4];
	[sflag:s29] =	ssyncadd.s32 $0xFFFFD800  }
0x1c: {  	[tilespmem:s31], [sflag:$0x1] =	stream.linear.gather [hbm4b:s5+s4], $0x2000, $0x38;
	[tilespmem:$0x1C800] =	vst v63  }
0x1d: {  	_ =	swait.ge [sflag:s29], $0x2000  }
0x1e: {  	[sflag:s29] =	ssyncset.done $0x0  }
0x1f: {  	[sflag:s29] =	ssyncadd.s32 $0xFFFFE000  }
0x20: {  	[spmem:s6] =	stream.linear.scatter [tilespmem:s31], [sflag:$0x1], $0x2000, $0x38;
	[tilespmem:$0x1C800] =	vst v63  }
0x21: {  	_ =	swait.ge [sflag:s29], $0x2000  }
0x22: {  	[sflag:s29] =	ssyncset.done $0x0  }
0x23: {  	[sflag:s29] =	ssyncadd.s32 $0xFFFFE000  }
0x24: {  	[spmem:s8] =	stream.linear.scatter [tilespmem:s31], [sflag:$0x1], $0x2000, $0x38;
	[tilespmem:$0x1C800] =	vst v63  }
0x25: {  	_ =	swait.ge [sflag:s29], $0x2000  }
0x26: {  	[sflag:s29] =	ssyncset.done $0x0  }
0x27: {  	[sflag:s29] =	ssyncadd.s32 $0xFFFFE000  }
0x28: {  	[spmem:s9] =	stream.linear.scatter [tilespmem:s31], [sflag:$0x1], $0x2000, $0x38;
	[tilespmem:$0x1C800] =	vst v63  }
0x29: {  	_ =	swait.ge [sflag:s29], $0x2000  }
0x2a: {  	[sflag:s29] =	ssyncset.done $0x0  }
0x2b: {  	[sflag:s29] =	ssyncadd.s32 $0xFFFFE000  }
0x2c: {  	[spmem:s10] =	stream.linear.scatter [tilespmem:s31], [sflag:$0x1], $0x2000, $0x38;
	[tilespmem:$0x1C800] =	vst v63  }
0x2d: {  	_ =	swait.ge [sflag:s29], $0x2000  }
0x2e: {  	[sflag:s29] =	ssyncset.done $0x0  }
0x2f: {  	[sflag:s29] =	ssyncadd.s32 $0xFFFFE000  }
0x30: {  	[spmem:s11] =	stream.linear.scatter [tilespmem:s31], [sflag:$0x1], $0x2000, $0x38;
	[tilespmem:$0x1C800] =	vst v63  }
0x31: {  	_ =	swait.ge [sflag:s29], $0x2000  }
0x32: {  	[sflag:s29] =	ssyncset.done $0x0  }
0x33: {  	[sflag:s29] =	ssyncadd.s32 $0xFFFFE000  }
0x34: {  	[spmem:s12] =	stream.linear.scatter [tilespmem:s31], [sflag:$0x1], $0x2000, $0x38;
	[tilespmem:$0x1C800] =	vst v63  }
0x35: {  	_ =	swait.ge [sflag:s29], $0x2000  }
0x36: {  	[sflag:s29] =	ssyncset.done $0x0  }
0x37: {  	[sflag:s29] =	ssyncadd.s32 $0xFFFFE000  }
0x38: {  	[spmem:s13] =	stream.linear.scatter [tilespmem:s31], [sflag:$0x1], $0x2000, $0x38;
	[tilespmem:$0x1C800] =	vst v63  }
0x39: {  	_ =	swait.ge [sflag:s29], $0x2000  }
0x3a: {  	[sflag:s29] =	ssyncset.done $0x0  }
0x3b: {  	[sflag:s29] =	ssyncadd.s32 $0xFFFFE000  }
0x3c: {  	[spmem:s14] =	stream.linear.scatter [tilespmem:s31], [sflag:$0x1], $0x2000, $0x38;
	[tilespmem:$0x1C800] =	vst v63  }
0x3d: {  	_ =	swait.ge [sflag:s29], $0x2000  }
0x3e: {  	[sflag:s29] =	ssyncset.done $0x0  }
0x3f: {  	[sflag:s29] =	ssyncadd.s32 $0xFFFFE000  }
0x40: {  	[spmem:s26] =	stream.linear.scatter [tilespmem:s31], [sflag:$0x1], $0x2000, $0x38;
	[tilespmem:$0x1C800] =	vst v63  }
0x41: {  	_ =	swait.ge [sflag:s29], $0x2000  }
0x42: {  	[sflag:s29] =	ssyncset.done $0x0  }
0x43: {  	[sflag:s29] =	ssyncadd.s32 $0xFFFFE000  }
0x44: {  	[spmem:s28] =	stream.linear.scatter [tilespmem:s31], [sflag:$0x1], $0x2000, $0x38;
	[tilespmem:$0x1C800] =	vst v63  }
0x45: {  	_ =	swait.ge [sflag:s29], $0x2000  }
0x46: {  	[sflag:s29] =	ssyncset.done $0x0  }
0x47: {  	[sflag:s29] =	ssyncadd.s32 $0xFFFFE000  }
0x48: {  	s5 =	simm.s32 $0x0;
	[bflag:$0x0] =	sbarrier.arrive $0xFFFF  }
0x49: {  	[spmem:s3] =	stream.indirect.scatter.add.f32 [tilespmem:s30], [sflag:$0x1], $0x80, s5, s1, $0xb8;
	[tilespmem:$0x1C800] =	vst v63  }
0x4a: {  	_ =	swait.ge [sflag:s29], $0x2800  }
0x4b: {  	s2 =	simm.s32 $0x200;
	[sflag:s29] =	ssyncset.done $0x0  }
.LBB2_2:
0x4c: {  	s5 =	sshra.s32 s2, $0x2;
	[sflag:s29] =	ssyncadd.s32 $0xFFFFD800;
	p0 =	sne.s32 s2, $0xF800  }
0x4d: {  	[spmem:s3] =	stream.indirect.scatter.add.f32 [tilespmem:s30], [sflag:$0x1], $0x80, s5, s1, $0xb8;
	[tilespmem:$0x1C800] =	vst v63  }
.Ltmp0:
0x4e: {  	_ = 	snop;
	(pc) =	sbr.rel @p0 .LBB2_2-.Ltmp0, $4  }
0x4f: {  	_ = 	snop  }
0x50: {  	s2 =	sadd.s32 $0x200, s2  }
0x51: {  	_ =	swait.ge [sflag:s29], $0x2800  }
0x52: {  	[sflag:s29] =	ssyncset.done $0x0  }
0x53: {  	[sflag:s29] =	ssyncadd.s32 $0xFFFFD800  }
0x54: {  	[bflag:$0x0] =	sbarrier.arrive $0xFFFF  }
0x55: {  	[tilespmem:s31], [sflag:$0x1] =	stream.linear.gather [spmem:s6], $0x2000, $0x38;
	[tilespmem:$0x1C800] =	vst v63  }
0x56: {  	_ =	swait.ge [sflag:s29], $0x2000  }
0x57: {  	[sflag:s29] =	ssyncset.done $0x0  }
0x58: {  	[sflag:s29] =	ssyncadd.s32 $0xFFFFE000  }
0x59: {  	[hbm4b:s15+s4] =	stream.linear.scatter [tilespmem:s31], [sflag:$0x1], $0x2000, $0x38;
	[tilespmem:$0x1C800] =	vst v63  }
0x5a: {  	_ =	swait.ge [sflag:s29], $0x2000  }
0x5b: {  	[sflag:s29] =	ssyncset.done $0x0  }
0x5c: {  	[sflag:s29] =	ssyncadd.s32 $0xFFFFE000  }
0x5d: {  	[tilespmem:s31], [sflag:$0x1] =	stream.linear.gather [spmem:s8], $0x2000, $0x38;
	[tilespmem:$0x1C800] =	vst v63  }
0x5e: {  	_ =	swait.ge [sflag:s29], $0x2000  }
0x5f: {  	[sflag:s29] =	ssyncset.done $0x0  }
0x60: {  	[sflag:s29] =	ssyncadd.s32 $0xFFFFE000  }
0x61: {  	[hbm4b:s16+s4] =	stream.linear.scatter [tilespmem:s31], [sflag:$0x1], $0x2000, $0x38;
	[tilespmem:$0x1C800] =	vst v63  }
0x62: {  	_ =	swait.ge [sflag:s29], $0x2000  }
0x63: {  	[sflag:s29] =	ssyncset.done $0x0  }
0x64: {  	[sflag:s29] =	ssyncadd.s32 $0xFFFFE000  }
0x65: {  	[tilespmem:s31], [sflag:$0x1] =	stream.linear.gather [spmem:s9], $0x2000, $0x38;
	[tilespmem:$0x1C800] =	vst v63  }
0x66: {  	_ =	swait.ge [sflag:s29], $0x2000  }
0x67: {  	[sflag:s29] =	ssyncset.done $0x0  }
0x68: {  	[sflag:s29] =	ssyncadd.s32 $0xFFFFE000  }
0x69: {  	[hbm4b:s17+s4] =	stream.linear.scatter [tilespmem:s31], [sflag:$0x1], $0x2000, $0x38;
	[tilespmem:$0x1C800] =	vst v63  }
0x6a: {  	_ =	swait.ge [sflag:s29], $0x2000  }
0x6b: {  	[sflag:s29] =	ssyncset.done $0x0  }
0x6c: {  	[sflag:s29] =	ssyncadd.s32 $0xFFFFE000  }
0x6d: {  	[tilespmem:s31], [sflag:$0x1] =	stream.linear.gather [spmem:s10], $0x2000, $0x38;
	[tilespmem:$0x1C800] =	vst v63  }
0x6e: {  	_ =	swait.ge [sflag:s29], $0x2000  }
0x6f: {  	[sflag:s29] =	ssyncset.done $0x0  }
0x70: {  	[sflag:s29] =	ssyncadd.s32 $0xFFFFE000  }
0x71: {  	[hbm4b:s18+s4] =	stream.linear.scatter [tilespmem:s31], [sflag:$0x1], $0x2000, $0x38;
	[tilespmem:$0x1C800] =	vst v63  }
0x72: {  	_ =	swait.ge [sflag:s29], $0x2000  }
0x73: {  	[sflag:s29] =	ssyncset.done $0x0  }
0x74: {  	[sflag:s29] =	ssyncadd.s32 $0xFFFFE000  }
0x75: {  	[tilespmem:s31], [sflag:$0x1] =	stream.linear.gather [spmem:s11], $0x2000, $0x38;
	[tilespmem:$0x1C800] =	vst v63  }
0x76: {  	_ =	swait.ge [sflag:s29], $0x2000  }
0x77: {  	[sflag:s29] =	ssyncset.done $0x0  }
0x78: {  	[sflag:s29] =	ssyncadd.s32 $0xFFFFE000  }
0x79: {  	[hbm4b:s19+s4] =	stream.linear.scatter [tilespmem:s31], [sflag:$0x1], $0x2000, $0x38;
	[tilespmem:$0x1C800] =	vst v63  }
0x7a: {  	_ =	swait.ge [sflag:s29], $0x2000  }
0x7b: {  	[sflag:s29] =	ssyncset.done $0x0  }
0x7c: {  	[sflag:s29] =	ssyncadd.s32 $0xFFFFE000  }
0x7d: {  	[tilespmem:s31], [sflag:$0x1] =	stream.linear.gather [spmem:s12], $0x2000, $0x38;
	[tilespmem:$0x1C800] =	vst v63  }
0x7e: {  	_ =	swait.ge [sflag:s29], $0x2000  }
0x7f: {  	[sflag:s29] =	ssyncset.done $0x0  }
0x80: {  	[sflag:s29] =	ssyncadd.s32 $0xFFFFE000  }
0x81: {  	[hbm4b:s20+s4] =	stream.linear.scatter [tilespmem:s31], [sflag:$0x1], $0x2000, $0x38;
	[tilespmem:$0x1C800] =	vst v63  }
0x82: {  	_ =	swait.ge [sflag:s29], $0x2000  }
0x83: {  	[sflag:s29] =	ssyncset.done $0x0  }
0x84: {  	[sflag:s29] =	ssyncadd.s32 $0xFFFFE000  }
0x85: {  	[tilespmem:s31], [sflag:$0x1] =	stream.linear.gather [spmem:s13], $0x2000, $0x38;
	[tilespmem:$0x1C800] =	vst v63  }
0x86: {  	_ =	swait.ge [sflag:s29], $0x2000  }
0x87: {  	[sflag:s29] =	ssyncset.done $0x0  }
0x88: {  	[sflag:s29] =	ssyncadd.s32 $0xFFFFE000  }
0x89: {  	[hbm4b:s21+s4] =	stream.linear.scatter [tilespmem:s31], [sflag:$0x1], $0x2000, $0x38;
	[tilespmem:$0x1C800] =	vst v63  }
0x8a: {  	_ =	swait.ge [sflag:s29], $0x2000  }
0x8b: {  	[sflag:s29] =	ssyncset.done $0x0  }
0x8c: {  	[sflag:s29] =	ssyncadd.s32 $0xFFFFE000  }
0x8d: {  	[tilespmem:s31], [sflag:$0x1] =	stream.linear.gather [spmem:s14], $0x2000, $0x38;
	[tilespmem:$0x1C800] =	vst v63  }
0x8e: {  	_ =	swait.ge [sflag:s29], $0x2000  }
0x8f: {  	[sflag:s29] =	ssyncset.done $0x0  }
0x90: {  	[sflag:s29] =	ssyncadd.s32 $0xFFFFE000  }
0x91: {  	[hbm4b:s22+s4] =	stream.linear.scatter [tilespmem:s31], [sflag:$0x1], $0x2000, $0x38;
	[tilespmem:$0x1C800] =	vst v63  }
0x92: {  	_ =	swait.ge [sflag:s29], $0x2000  }
0x93: {  	[sflag:s29] =	ssyncset.done $0x0  }
0x94: {  	[sflag:s29] =	ssyncadd.s32 $0xFFFFE000  }
0x95: {  	[tilespmem:s31], [sflag:$0x1] =	stream.linear.gather [spmem:s26], $0x2000, $0x38;
	[tilespmem:$0x1C800] =	vst v63  }
0x96: {  	_ =	swait.ge [sflag:s29], $0x2000  }
0x97: {  	[sflag:s29] =	ssyncset.done $0x0  }
0x98: {  	[sflag:s29] =	ssyncadd.s32 $0xFFFFE000  }
0x99: {  	[hbm4b:s23+s4] =	stream.linear.scatter [tilespmem:s31], [sflag:$0x1], $0x2000, $0x38;
	[tilespmem:$0x1C800] =	vst v63  }
0x9a: {  	_ =	swait.ge [sflag:s29], $0x2000  }
0x9b: {  	[sflag:s29] =	ssyncset.done $0x0  }
0x9c: {  	[sflag:s29] =	ssyncadd.s32 $0xFFFFE000  }
0x9d: {  	[tilespmem:s31], [sflag:$0x1] =	stream.linear.gather [spmem:s28], $0x2000, $0x38;
	[tilespmem:$0x1C800] =	vst v63  }
0x9e: {  	s0 =	sadd.s32 $0x1, s0;
	_ =	swait.ge [sflag:s29], $0x2000  }
0x9f: {  	p0 =	sne.s32 s0, s25;
	[sflag:s29] =	ssyncset.done $0x0  }
.Ltmp1:
0xa0: {  	[sflag:s29] =	ssyncadd.s32 $0xFFFFE000;
	(pc) =	sbr.rel @p0 .LBB2_1-.Ltmp1, $4  }
0xa1: {  	[hbm4b:s24+s4] =	stream.linear.scatter [tilespmem:s31], [sflag:$0x1], $0x2000, $0x38;
	[tilespmem:$0x1C800] =	vst v63  }
0xa2: {  	_ =	swait.ge [sflag:s29], $0x2000  }
0xa3: {  	[sflag:s29] =	ssyncset.done $0x0  }
0xa4: {  	[sflag:s29] =	ssyncadd.s32 $0xFFFFE000  }
0xa5: {  	_ =	sfence.sel $0x180000  }
0xa6: {  	[bflag:$0x0] =	sbarrier.arrive $0xFFFF  }
0xa7: {  	_ =	strace $0x90000047  }
0xa8: {  	s0 =	stileid.u32;
	[bflag:$0x2] =	sbarrier.arrive $0xFFFF  }
0xa9: {  	p0 =	sne.s32 s0, $0x0;
	s0 =	rddreg [dreg:$0x3]  }
0xaa: {  	s0 =	sadd.s32 @!p0 $0x100000, s0  }
0xab: {  	[sflag:s0] =	ssyncadd.tile.s32 @!p0 $0x1;
	_ =	shalt  }
.Lfunc_end2:
_tile_overlayer_lowered:
.L_overlay_start_2:
0xac: {  	(tag) =	ssettag $0x2  }
0xad: {  	s0 =	rddreg [dreg:$0x0];
	s2 =	stileid.u32  }
0xae: {  	s1 =	rddreg [dreg:$0x1];
	p0 =	sne.s32 s2, $0x0  }
0xaf: {  	s3 =	rddreg [dreg:$0x2];
	[bflag:$0x3] =	sbarrier.arrive $0xFFFF;
	s2 =	simm.s32 @!p0 $0x1C01  }
0xb0: {  	[timem:s3], [sflag:s2] =	dma.local @!p0 [hbm:s0], s1  }
0xb1: {  	s0 =	simm.s32 @!p0 $0x1  }
0xb2: {  	_ =	swait.ge @!p0 [sflag:s0], s1  }
0xb3: {  	s1 =	ssub.s32 @!p0 $0x0, s1;
	[sflag:s0] =	ssyncset.done @!p0 $0x0  }
0xb4: {  	[sflag:s0] =	ssyncadd.s32 @!p0 s1  }
0xb5: {  	[bflag:$0x3] =	sbarrier.arrive $0xFFFF  }
0xb6: {  	_ =	shalt  }

</sc_bundles>
